<compile_context>
chip_gen: v7x
topology: tpu7x:2x2x1
jax: 0.10.2.dev20260603
libtpu: 0.0.44.dev20260713+nightly
codegen_flags: <defaults>
</compile_context>

<pallas_src>
import functools

import jax
import jax.numpy as jnp
from jax import lax
from jax.experimental import pallas as pl
from jax.experimental.pallas import tpu as pltpu
from jax.experimental.pallas import tpu_sc as plsc

SEQ = 2048
UNITS = 32
WIN = 32

_info = plsc.get_sparse_core_info()
_NC = _info.num_cores
_NS = _info.num_subcores
_NW = _NC * _NS
_RPW = SEQ // _NW

_mesh = plsc.VectorSubcoreMesh(core_axis_name="c", subcore_axis_name="s")


def _win_start(i):
    return jnp.clip(((i - 2) // 16) * 16, 0, SEQ - WIN)


@functools.partial(
    pl.kernel,
    mesh=_mesh,
    out_type=jax.ShapeDtypeStruct((SEQ, UNITS, SEQ), jnp.float32),
    scratch_types=[
        pltpu.VMEM((5 * UNITS,), jnp.float32),
        pltpu.VMEM((UNITS, SEQ), jnp.float32),
    ],
)
def _rel_pos_sc(emb_hbm, out_hbm, emb_v, slab_v):
    wid = lax.axis_index("s") * _NC + lax.axis_index("c")
    i0 = wid * _RPW

    pltpu.sync_copy(emb_hbm, emb_v)

    iota = lax.iota(jnp.int32, 16)

    a0 = _win_start(i0)
    k0_chunks = a0 // 16
    k4_start = a0 // 16 + WIN // 16
    e0 = (emb_v[pl.ds(0, 16)], emb_v[pl.ds(16, 16)])
    e4 = (emb_v[pl.ds(4 * UNITS, 16)], emb_v[pl.ds(4 * UNITS + 16, 16)])
    for u in range(UNITS):
        v0 = jnp.full((16,), e0[u // 16][u % 16], jnp.float32)
        v4 = jnp.full((16,), e4[u // 16][u % 16], jnp.float32)

        def fill0(c, _, u=u, v0=v0):
            slab_v[u, pl.ds(pl.multiple_of(c * 16, 16), 16)] = v0
            return 0

        def fill4(c, _, u=u, v4=v4):
            slab_v[u, pl.ds(pl.multiple_of(c * 16, 16), 16)] = v4
            return 0

        lax.fori_loop(0, k0_chunks, fill0, 0)
        lax.fori_loop(k4_start, SEQ // 16, fill4, 0)

    ev = tuple(
        (emb_v[pl.ds(k * UNITS, 16)], emb_v[pl.ds(k * UNITS + 16, 16)])
        for k in range(5)
    )

    def body(n, _):
        i = i0 + n
        a = _win_start(i)
        masks = []
        for c in range(WIN // 16):
            jv = a + c * 16 + iota
            masks.append((jv <= i - 2, jv == i - 1, jv == i, jv == i + 1))
        for u in range(UNITS):
            v = tuple(
                jnp.full((16,), ev[k][u // 16][u % 16], jnp.float32)
                for k in range(5)
            )
            for c in range(WIN // 16):
                m0, m1, m2, m3 = masks[c]
                vals = jnp.where(
                    m0,
                    v[0],
                    jnp.where(m1, v[1], jnp.where(m2, v[2], jnp.where(m3, v[3], v[4]))),
                )
                slab_v[u, pl.ds(pl.multiple_of(a + c * 16, 16), 16)] = vals
        pltpu.sync_copy(slab_v, out_hbm.at[i])
        return 0

    lax.fori_loop(0, _RPW, body, 0)


def kernel(embedding):
    out = _rel_pos_sc(embedding.reshape(5 * UNITS))
    return jnp.swapaxes(out, 1, 2)

# --- scband reference (transcript-rebuilt; emitter-appended) ---
"""Pipeline reference for scband-relative-position-25125558681899 (READ-ONLY COPY).

The authoritative reference and input builder live on the scoring server;
editing this copy changes nothing except your own understanding.
"""

import jax, jax.numpy as jnp
import numpy as np

SEQ_LENGTH = 2048
UNITS = 32
CLIP_VAL = 2

def setup_inputs(seed: int = 0) -> dict:
    key = jax.random.key(seed)
    # learned parameter: embedding table of shape (2*clip_val+1, units)
    embedding = jax.random.normal(key, (2 * CLIP_VAL + 1, UNITS), dtype=jnp.float32)
    return {"embedding": embedding}

def reference(embedding):
    # Recreate the constant relative-position index matrix built in __init__
    tau = jnp.arange(SEQ_LENGTH, dtype=jnp.float32)
    relative_mat = tau[None, :] - tau[:, None]
    relative_mat = jnp.clip(relative_mat, -CLIP_VAL, CLIP_VAL)
    relative_mat = (relative_mat + CLIP_VAL).astype(jnp.int32)
    reshaped_mat = relative_mat.reshape(-1)
    # gather_nd on a rank-2 table with index column -> row gather
    gathered = jnp.take(embedding, reshaped_mat, axis=0)
    out = gathered.reshape(SEQ_LENGTH, SEQ_LENGTH, UNITS)
    return out

if __name__ == "__main__":
    import jax
    _d = setup_inputs()
    print(jax.jit(kernel)(*tuple(_d.values())))

</pallas_src>

<mosaic_0001>
#map = affine_map<(d0, d1) -> (0)>
#map1 = affine_map<(d0, d1) -> (0, 0, 0)>
module attributes {stable_mosaic.version = 14 : i64} {
  func.func @_rel_pos_sc(%arg0: i32, %arg1: i32, %arg2: memref<160xf32, #tpu.memory_space<hbm>>, %arg3: memref<2048x32x2048xf32, #tpu.memory_space<hbm>>, %arg4: memref<160xf32, #tpu.memory_space<vmem>>, %arg5: memref<32x2048xf32, #tpu.memory_space<vmem>>) attributes {dimension_semantics = [#tpu.dimension_semantics<core_parallel>, #tpu.dimension_semantics<subcore_parallel>], iteration_bounds = array<i64: 2, 16>, scalar_prefetch = 0 : i64, scratch_operands = 2 : i64, tpu.core_type = #tpu.core_type<sc_vector_subcore>, window_params = [{transform_indices = #map}, {transform_indices = #map1}]} {
    %mul3A = arith.constant 2 : i32
    %mul3A_0 = arith.muli %arg1, %mul3A : i32
    %add3A = arith.addi %mul3A_0, %arg0 : i32
    %mul3A_1 = arith.constant 64 : i32
    %mul3A_2 = arith.muli %add3A, %mul3A_1 : i32
    "tpu.region"() ({
      %run_scoped3A = tpu.sem_alloc : memref<!tpu.dma_semaphore, #tpu.memory_space<semaphore_mem>>
      tpu.enqueue_dma source(%arg2 : memref<160xf32, #tpu.memory_space<hbm>>) target(%arg4 : memref<160xf32, #tpu.memory_space<vmem>>) target_semaphore(%run_scoped3A : memref<!tpu.dma_semaphore, #tpu.memory_space<semaphore_mem>>)
      tpu.wait_dma2 semaphore(%run_scoped3A : memref<!tpu.dma_semaphore, #tpu.memory_space<semaphore_mem>>) src(%arg2 : memref<160xf32, #tpu.memory_space<hbm>>) dst(%arg4 : memref<160xf32, #tpu.memory_space<vmem>>)
      tpu.yield
    }) : () -> ()
    %iota3A = tpu.iota {dimensions = array<i32: 0>} : vector<16xi32>
    %sub3A = arith.constant 2 : i32
    %sub3A_3 = arith.subi %mul3A_2, %sub3A : i32
    %jit3A = arith.constant 16 : i32
    %div3A = arith.divsi %sub3A_3, %jit3A : i32
    %sign3A = arith.constant 0 : i32
    %sign3A_4 = arith.cmpi sgt, %sub3A_3, %sign3A : i32
    %sign3A_5 = arith.extui %sign3A_4 : i1 to i32
    %sign3A_6 = arith.constant 0 : i32
    %sign3A_7 = arith.cmpi slt, %sub3A_3, %sign3A_6 : i32
    %sign3A_8 = arith.extui %sign3A_7 : i1 to i32
    %sign3A_9 = arith.subi %sign3A_5, %sign3A_8 : i32
    %sign3A_10 = arith.constant 0 : i32
    %sign3A_11 = arith.cmpi sgt, %jit3A, %sign3A_10 : i32
    %sign3A_12 = arith.extui %sign3A_11 : i1 to i32
    %sign3A_13 = arith.constant 0 : i32
    %sign3A_14 = arith.cmpi slt, %jit3A, %sign3A_13 : i32
    %sign3A_15 = arith.extui %sign3A_14 : i1 to i32
    %sign3A_16 = arith.subi %sign3A_12, %sign3A_15 : i32
    %ne3A = arith.cmpi ne, %sign3A_9, %sign3A_16 : i32
    %rem3A = arith.remsi %sub3A_3, %jit3A : i32
    %ne3A_17 = arith.constant 0 : i32
    %ne3A_18 = arith.cmpi ne, %rem3A, %ne3A_17 : i32
    %and3A = arith.andi %ne3A, %ne3A_18 : i1
    %sub3A_19 = arith.constant 1 : i32
    %sub3A_20 = arith.subi %div3A, %sub3A_19 : i32
    %select_n3A = arith.select %and3A, %sub3A_20, %div3A : i32
    %mul3A_21 = arith.constant 16 : i32
    %mul3A_22 = arith.muli %select_n3A, %mul3A_21 : i32
    %jit3A_23 = arith.constant 0 : i32
    %jit3A_24 = arith.constant 2016 : i32
    %max3A = arith.maxsi %jit3A_23, %mul3A_22 : i32
    %min3A = arith.minsi %jit3A_24, %max3A : i32
    %jit3A_25 = arith.constant 16 : i32
    %div3A_26 = arith.divsi %min3A, %jit3A_25 : i32
    %sign3A_27 = arith.constant 0 : i32
    %sign3A_28 = arith.cmpi sgt, %min3A, %sign3A_27 : i32
    %sign3A_29 = arith.extui %sign3A_28 : i1 to i32
    %sign3A_30 = arith.constant 0 : i32
    %sign3A_31 = arith.cmpi slt, %min3A, %sign3A_30 : i32
    %sign3A_32 = arith.extui %sign3A_31 : i1 to i32
    %sign3A_33 = arith.subi %sign3A_29, %sign3A_32 : i32
    %sign3A_34 = arith.constant 0 : i32
    %sign3A_35 = arith.cmpi sgt, %jit3A_25, %sign3A_34 : i32
    %sign3A_36 = arith.extui %sign3A_35 : i1 to i32
    %sign3A_37 = arith.constant 0 : i32
    %sign3A_38 = arith.cmpi slt, %jit3A_25, %sign3A_37 : i32
    %sign3A_39 = arith.extui %sign3A_38 : i1 to i32
    %sign3A_40 = arith.subi %sign3A_36, %sign3A_39 : i32
    %ne3A_41 = arith.cmpi ne, %sign3A_33, %sign3A_40 : i32
    %rem3A_42 = arith.remsi %min3A, %jit3A_25 : i32
    %ne3A_43 = arith.constant 0 : i32
    %ne3A_44 = arith.cmpi ne, %rem3A_42, %ne3A_43 : i32
    %and3A_45 = arith.andi %ne3A_41, %ne3A_44 : i1
    %sub3A_46 = arith.constant 1 : i32
    %sub3A_47 = arith.subi %div3A_26, %sub3A_46 : i32
    %select_n3A_48 = arith.select %and3A_45, %sub3A_47, %div3A_26 : i32
    %jit3A_49 = arith.constant 16 : i32
    %div3A_50 = arith.divsi %min3A, %jit3A_49 : i32
    %sign3A_51 = arith.constant 0 : i32
    %sign3A_52 = arith.cmpi sgt, %min3A, %sign3A_51 : i32
    %sign3A_53 = arith.extui %sign3A_52 : i1 to i32
    %sign3A_54 = arith.constant 0 : i32
    %sign3A_55 = arith.cmpi slt, %min3A, %sign3A_54 : i32
    %sign3A_56 = arith.extui %sign3A_55 : i1 to i32
    %sign3A_57 = arith.subi %sign3A_53, %sign3A_56 : i32
    %sign3A_58 = arith.constant 0 : i32
    %sign3A_59 = arith.cmpi sgt, %jit3A_49, %sign3A_58 : i32
    %sign3A_60 = arith.extui %sign3A_59 : i1 to i32
    %sign3A_61 = arith.constant 0 : i32
    %sign3A_62 = arith.cmpi slt, %jit3A_49, %sign3A_61 : i32
    %sign3A_63 = arith.extui %sign3A_62 : i1 to i32
    %sign3A_64 = arith.subi %sign3A_60, %sign3A_63 : i32
    %ne3A_65 = arith.cmpi ne, %sign3A_57, %sign3A_64 : i32
    %rem3A_66 = arith.remsi %min3A, %jit3A_49 : i32
    %ne3A_67 = arith.constant 0 : i32
    %ne3A_68 = arith.cmpi ne, %rem3A_66, %ne3A_67 : i32
    %and3A_69 = arith.andi %ne3A_65, %ne3A_68 : i1
    %sub3A_70 = arith.constant 1 : i32
    %sub3A_71 = arith.subi %div3A_50, %sub3A_70 : i32
    %select_n3A_72 = arith.select %and3A_69, %sub3A_71, %div3A_50 : i32
    %add3A_73 = arith.constant 2 : i32
    %add3A_74 = arith.addi %select_n3A_72, %add3A_73 : i32
    %get3A = arith.constant 0 : index
    %get3A_75 = tpu.vector_load %arg4[%get3A] {strides = array<i32>} : memref<160xf32, #tpu.memory_space<vmem>>, vector<16xf32>,
    %get3A_76 = vector.shape_cast %get3A_75 : vector<16xf32> to vector<16xf32>
    %get3A_77 = arith.constant 16 : index
    %get3A_78 = tpu.vector_load %arg4[%get3A_77] {strides = array<i32>} : memref<160xf32, #tpu.memory_space<vmem>>, vector<16xf32>,
    %get3A_79 = vector.shape_cast %get3A_78 : vector<16xf32> to vector<16xf32>
    %get3A_80 = arith.constant 128 : index
    %get3A_81 = tpu.vector_load %arg4[%get3A_80] {strides = array<i32>} : memref<160xf32, #tpu.memory_space<vmem>>, vector<16xf32>,
    %get3A_82 = vector.shape_cast %get3A_81 : vector<16xf32> to vector<16xf32>
    %get3A_83 = arith.constant 144 : index
    %get3A_84 = tpu.vector_load %arg4[%get3A_83] {strides = array<i32>} : memref<160xf32, #tpu.memory_space<vmem>>, vector<16xf32>,
    %get3A_85 = vector.shape_cast %get3A_84 : vector<16xf32> to vector<16xf32>
    %slice3A = vector.extract_strided_slice %get3A_76 {offsets = [0], sizes = [1], strides = [1]} : vector<16xf32> to vector<1xf32>
    %squeeze3A = vector.extract %slice3A[0] : f32 from vector<1xf32>
    %broadcast_in_dim3A = vector.broadcast %squeeze3A : f32 to vector<16xf32>
    %slice3A_86 = vector.extract_strided_slice %get3A_82 {offsets = [0], sizes = [1], strides = [1]} : vector<16xf32> to vector<1xf32>
    %squeeze3A_87 = vector.extract %slice3A_86[0] : f32 from vector<1xf32>
    %broadcast_in_dim3A_88 = vector.broadcast %squeeze3A_87 : f32 to vector<16xf32>
    %while3A = arith.constant 0 : i32
    %while3A_89 = arith.constant 0 : i32
    %while3A_90 = arith.subi %select_n3A_48, %while3A : i32
    %while3A_91 = arith.addi %while3A, %while3A_90 : i32
    %while3A_92 = arith.constant 1 : i32
    %while3A_93 = arith.divsi %while3A_90, %while3A_92 : i32
    %while3A_94 = arith.muli %while3A_93, %while3A_92 : i32
    %while3A_95 = arith.addi %while3A, %while3A_94 : i32
    %while3A_96 = arith.constant 1 : i32
    %while3A_97 = scf.for %while3A_1078 = %while3A to %while3A_95 step %while3A_96 iter_args(%while3A_1079 = %while3A_89) -> (i32)  : i32 {
      %mul3A_1080 = arith.constant 16 : i32
      %mul3A_1081 = arith.muli %while3A_1078, %mul3A_1080 : i32
      %multiple_of3A = tpu.assume_multiple %mul3A_1081, 16 : i32
      %swap3A = arith.constant 0 : i32
      %swap3A_1082 = arith.index_cast %swap3A : i32 to index
      %swap3A_1083 = arith.index_cast %multiple_of3A : i32 to index
      %swap3A_1084 = tpu.vector_load %arg5[%swap3A_1082, %swap3A_1083] {strides = array<i32>} : memref<32x2048xf32, #tpu.memory_space<vmem>>, vector<1x16xf32>,
      %swap3A_1085 = vector.shape_cast %swap3A_1084 : vector<1x16xf32> to vector<16xf32>
      %swap3A_1086 = vector.shape_cast %broadcast_in_dim3A : vector<16xf32> to vector<1x16xf32>
      tpu.vector_store %arg5[%swap3A_1082, %swap3A_1083], %swap3A_1086 {strides = array<i32>} : memref<32x2048xf32, #tpu.memory_space<vmem>>, vector<1x16xf32>,
      %while3A_1087 = arith.constant 0 : i32
      scf.yield %while3A_1087 : i32
    }
    %while3A_98 = arith.constant 1 : i32
    %while3A_99 = scf.for %while3A_1078 = %while3A_95 to %while3A_91 step %while3A_98 iter_args(%while3A_1079 = %while3A_97) -> (i32)  : i32 {
      %mul3A_1080 = arith.constant 16 : i32
      %mul3A_1081 = arith.muli %while3A_1078, %mul3A_1080 : i32
      %multiple_of3A = tpu.assume_multiple %mul3A_1081, 16 : i32
      %swap3A = arith.constant 0 : i32
      %swap3A_1082 = arith.index_cast %swap3A : i32 to index
      %swap3A_1083 = arith.index_cast %multiple_of3A : i32 to index
      %swap3A_1084 = tpu.vector_load %arg5[%swap3A_1082, %swap3A_1083] {strides = array<i32>} : memref<32x2048xf32, #tpu.memory_space<vmem>>, vector<1x16xf32>,
      %swap3A_1085 = vector.shape_cast %swap3A_1084 : vector<1x16xf32> to vector<16xf32>
      %swap3A_1086 = vector.shape_cast %broadcast_in_dim3A : vector<16xf32> to vector<1x16xf32>
      tpu.vector_store %arg5[%swap3A_1082, %swap3A_1083], %swap3A_1086 {strides = array<i32>} : memref<32x2048xf32, #tpu.memory_space<vmem>>, vector<1x16xf32>,
      %while3A_1087 = arith.constant 0 : i32
      scf.yield %while3A_1087 : i32
    }
    %while3A_100 = arith.constant 128 : i32
    %while3A_101 = arith.constant 0 : i32
    %while3A_102 = arith.subi %while3A_100, %add3A_74 : i32
    %while3A_103 = arith.addi %add3A_74, %while3A_102 : i32
    %while3A_104 = arith.constant 1 : i32
    %while3A_105 = arith.divsi %while3A_102, %while3A_104 : i32
    %while3A_106 = arith.muli %while3A_105, %while3A_104 : i32
    %while3A_107 = arith.addi %add3A_74, %while3A_106 : i32
    %while3A_108 = arith.constant 1 : i32
    %while3A_109 = scf.for %while3A_1078 = %add3A_74 to %while3A_107 step %while3A_108 iter_args(%while3A_1079 = %while3A_101) -> (i32)  : i32 {
      %mul3A_1080 = arith.constant 16 : i32
      %mul3A_1081 = arith.muli %while3A_1078, %mul3A_1080 : i32
      %multiple_of3A = tpu.assume_multiple %mul3A_1081, 16 : i32
      %swap3A = arith.constant 0 : i32
      %swap3A_1082 = arith.index_cast %swap3A : i32 to index
      %swap3A_1083 = arith.index_cast %multiple_of3A : i32 to index
      %swap3A_1084 = tpu.vector_load %arg5[%swap3A_1082, %swap3A_1083] {strides = array<i32>} : memref<32x2048xf32, #tpu.memory_space<vmem>>, vector<1x16xf32>,
      %swap3A_1085 = vector.shape_cast %swap3A_1084 : vector<1x16xf32> to vector<16xf32>
      %swap3A_1086 = vector.shape_cast %broadcast_in_dim3A_88 : vector<16xf32> to vector<1x16xf32>
      tpu.vector_store %arg5[%swap3A_1082, %swap3A_1083], %swap3A_1086 {strides = array<i32>} : memref<32x2048xf32, #tpu.memory_space<vmem>>, vector<1x16xf32>,
      %while3A_1087 = arith.constant 0 : i32
      scf.yield %while3A_1087 : i32
    }
    %while3A_110 = arith.constant 1 : i32
    %while3A_111 = scf.for %while3A_1078 = %while3A_107 to %while3A_103 step %while3A_110 iter_args(%while3A_1079 = %while3A_109) -> (i32)  : i32 {
      %mul3A_1080 = arith.constant 16 : i32
      %mul3A_1081 = arith.muli %while3A_1078, %mul3A_1080 : i32
      %multiple_of3A = tpu.assume_multiple %mul3A_1081, 16 : i32
      %swap3A = arith.constant 0 : i32
      %swap3A_1082 = arith.index_cast %swap3A : i32 to index
      %swap3A_1083 = arith.index_cast %multiple_of3A : i32 to index
      %swap3A_1084 = tpu.vector_load %arg5[%swap3A_1082, %swap3A_1083] {strides = array<i32>} : memref<32x2048xf32, #tpu.memory_space<vmem>>, vector<1x16xf32>,
      %swap3A_1085 = vector.shape_cast %swap3A_1084 : vector<1x16xf32> to vector<16xf32>
      %swap3A_1086 = vector.shape_cast %broadcast_in_dim3A_88 : vector<16xf32> to vector<1x16xf32>
      tpu.vector_store %arg5[%swap3A_1082, %swap3A_1083], %swap3A_1086 {strides = array<i32>} : memref<32x2048xf32, #tpu.memory_space<vmem>>, vector<1x16xf32>,
      %while3A_1087 = arith.constant 0 : i32
      scf.yield %while3A_1087 : i32
    }
    %slice3A_112 = vector.extract_strided_slice %get3A_76 {offsets = [1], sizes = [1], strides = [1]} : vector<16xf32> to vector<1xf32>
    %squeeze3A_113 = vector.extract %slice3A_112[0] : f32 from vector<1xf32>
    %broadcast_in_dim3A_114 = vector.broadcast %squeeze3A_113 : f32 to vector<16xf32>
    %slice3A_115 = vector.extract_strided_slice %get3A_82 {offsets = [1], sizes = [1], strides = [1]} : vector<16xf32> to vector<1xf32>
    %squeeze3A_116 = vector.extract %slice3A_115[0] : f32 from vector<1xf32>
    %broadcast_in_dim3A_117 = vector.broadcast %squeeze3A_116 : f32 to vector<16xf32>
    %while3A_118 = arith.constant 0 : i32
    %while3A_119 = arith.constant 0 : i32
    %while3A_120 = arith.subi %select_n3A_48, %while3A_118 : i32
    %while3A_121 = arith.addi %while3A_118, %while3A_120 : i32
    %while3A_122 = arith.constant 1 : i32
    %while3A_123 = arith.divsi %while3A_120, %while3A_122 : i32
    %while3A_124 = arith.muli %while3A_123, %while3A_122 : i32
    %while3A_125 = arith.addi %while3A_118, %while3A_124 : i32
    %while3A_126 = arith.constant 1 : i32
    %while3A_127 = scf.for %while3A_1078 = %while3A_118 to %while3A_125 step %while3A_126 iter_args(%while3A_1079 = %while3A_119) -> (i32)  : i32 {
      %mul3A_1080 = arith.constant 16 : i32
      %mul3A_1081 = arith.muli %while3A_1078, %mul3A_1080 : i32
      %multiple_of3A = tpu.assume_multiple %mul3A_1081, 16 : i32
      %swap3A = arith.constant 1 : i32
      %swap3A_1082 = arith.index_cast %swap3A : i32 to index
      %swap3A_1083 = arith.index_cast %multiple_of3A : i32 to index
      %swap3A_1084 = tpu.vector_load %arg5[%swap3A_1082, %swap3A_1083] {strides = array<i32>} : memref<32x2048xf32, #tpu.memory_space<vmem>>, vector<1x16xf32>,
      %swap3A_1085 = vector.shape_cast %swap3A_1084 : vector<1x16xf32> to vector<16xf32>
      %swap3A_1086 = vector.shape_cast %broadcast_in_dim3A_114 : vector<16xf32> to vector<1x16xf32>
      tpu.vector_store %arg5[%swap3A_1082, %swap3A_1083], %swap3A_1086 {strides = array<i32>} : memref<32x2048xf32, #tpu.memory_space<vmem>>, vector<1x16xf32>,
      %while3A_1087 = arith.constant 0 : i32
      scf.yield %while3A_1087 : i32
    }
    %while3A_128 = arith.constant 1 : i32
    %while3A_129 = scf.for %while3A_1078 = %while3A_125 to %while3A_121 step %while3A_128 iter_args(%while3A_1079 = %while3A_127) -> (i32)  : i32 {
      %mul3A_1080 = arith.constant 16 : i32
      %mul3A_1081 = arith.muli %while3A_1078, %mul3A_1080 : i32
      %multiple_of3A = tpu.assume_multiple %mul3A_1081, 16 : i32
      %swap3A = arith.constant 1 : i32
      %swap3A_1082 = arith.index_cast %swap3A : i32 to index
      %swap3A_1083 = arith.index_cast %multiple_of3A : i32 to index
      %swap3A_1084 = tpu.vector_load %arg5[%swap3A_1082, %swap3A_1083] {strides = array<i32>} : memref<32x2048xf32, #tpu.memory_space<vmem>>, vector<1x16xf32>,
      %swap3A_1085 = vector.shape_cast %swap3A_1084 : vector<1x16xf32> to vector<16xf32>
      %swap3A_1086 = vector.shape_cast %broadcast_in_dim3A_114 : vector<16xf32> to vector<1x16xf32>
      tpu.vector_store %arg5[%swap3A_1082, %swap3A_1083], %swap3A_1086 {strides = array<i32>} : memref<32x2048xf32, #tpu.memory_space<vmem>>, vector<1x16xf32>,
      %while3A_1087 = arith.constant 0 : i32
      scf.yield %while3A_1087 : i32
    }
    %while3A_130 = arith.constant 128 : i32
    %while3A_131 = arith.constant 0 : i32
    %while3A_132 = arith.subi %while3A_130, %add3A_74 : i32
    %while3A_133 = arith.addi %add3A_74, %while3A_132 : i32
    %while3A_134 = arith.constant 1 : i32
    %while3A_135 = arith.divsi %while3A_132, %while3A_134 : i32
    %while3A_136 = arith.muli %while3A_135, %while3A_134 : i32
    %while3A_137 = arith.addi %add3A_74, %while3A_136 : i32
    %while3A_138 = arith.constant 1 : i32
    %while3A_139 = scf.for %while3A_1078 = %add3A_74 to %while3A_137 step %while3A_138 iter_args(%while3A_1079 = %while3A_131) -> (i32)  : i32 {
      %mul3A_1080 = arith.constant 16 : i32
      %mul3A_1081 = arith.muli %while3A_1078, %mul3A_1080 : i32
      %multiple_of3A = tpu.assume_multiple %mul3A_1081, 16 : i32
      %swap3A = arith.constant 1 : i32
      %swap3A_1082 = arith.index_cast %swap3A : i32 to index
      %swap3A_1083 = arith.index_cast %multiple_of3A : i32 to index
      %swap3A_1084 = tpu.vector_load %arg5[%swap3A_1082, %swap3A_1083] {strides = array<i32>} : memref<32x2048xf32, #tpu.memory_space<vmem>>, vector<1x16xf32>,
      %swap3A_1085 = vector.shape_cast %swap3A_1084 : vector<1x16xf32> to vector<16xf32>
      %swap3A_1086 = vector.shape_cast %broadcast_in_dim3A_117 : vector<16xf32> to vector<1x16xf32>
      tpu.vector_store %arg5[%swap3A_1082, %swap3A_1083], %swap3A_1086 {strides = array<i32>} : memref<32x2048xf32, #tpu.memory_space<vmem>>, vector<1x16xf32>,
      %while3A_1087 = arith.constant 0 : i32
      scf.yield %while3A_1087 : i32
    }
    %while3A_140 = arith.constant 1 : i32
    %while3A_141 = scf.for %while3A_1078 = %while3A_137 to %while3A_133 step %while3A_140 iter_args(%while3A_1079 = %while3A_139) -> (i32)  : i32 {
      %mul3A_1080 = arith.constant 16 : i32
      %mul3A_1081 = arith.muli %while3A_1078, %mul3A_1080 : i32
      %multiple_of3A = tpu.assume_multiple %mul3A_1081, 16 : i32
      %swap3A = arith.constant 1 : i32
      %swap3A_1082 = arith.index_cast %swap3A : i32 to index
      %swap3A_1083 = arith.index_cast %multiple_of3A : i32 to index
      %swap3A_1084 = tpu.vector_load %arg5[%swap3A_1082, %swap3A_1083] {strides = array<i32>} : memref<32x2048xf32, #tpu.memory_space<vmem>>, vector<1x16xf32>,
      %swap3A_1085 = vector.shape_cast %swap3A_1084 : vector<1x16xf32> to vector<16xf32>
      %swap3A_1086 = vector.shape_cast %broadcast_in_dim3A_117 : vector<16xf32> to vector<1x16xf32>
      tpu.vector_store %arg5[%swap3A_1082, %swap3A_1083], %swap3A_1086 {strides = array<i32>} : memref<32x2048xf32, #tpu.memory_space<vmem>>, vector<1x16xf32>,
      %while3A_1087 = arith.constant 0 : i32
      scf.yield %while3A_1087 : i32
    }
    %slice3A_142 = vector.extract_strided_slice %get3A_76 {offsets = [2], sizes = [1], strides = [1]} : vector<16xf32> to vector<1xf32>
    %squeeze3A_143 = vector.extract %slice3A_142[0] : f32 from vector<1xf32>
    %broadcast_in_dim3A_144 = vector.broadcast %squeeze3A_143 : f32 to vector<16xf32>
    %slice3A_145 = vector.extract_strided_slice %get3A_82 {offsets = [2], sizes = [1], strides = [1]} : vector<16xf32> to vector<1xf32>
    %squeeze3A_146 = vector.extract %slice3A_145[0] : f32 from vector<1xf32>
    %broadcast_in_dim3A_147 = vector.broadcast %squeeze3A_146 : f32 to vector<16xf32>
    %while3A_148 = arith.constant 0 : i32
    %while3A_149 = arith.constant 0 : i32
    %while3A_150 = arith.subi %select_n3A_48, %while3A_148 : i32
    %while3A_151 = arith.addi %while3A_148, %while3A_150 : i32
    %while3A_152 = arith.constant 1 : i32
    %while3A_153 = arith.divsi %while3A_150, %while3A_152 : i32
    %while3A_154 = arith.muli %while3A_153, %while3A_152 : i32
    %while3A_155 = arith.addi %while3A_148, %while3A_154 : i32
    %while3A_156 = arith.constant 1 : i32
    %while3A_157 = scf.for %while3A_1078 = %while3A_148 to %while3A_155 step %while3A_156 iter_args(%while3A_1079 = %while3A_149) -> (i32)  : i32 {
      %mul3A_1080 = arith.constant 16 : i32
      %mul3A_1081 = arith.muli %while3A_1078, %mul3A_1080 : i32
      %multiple_of3A = tpu.assume_multiple %mul3A_1081, 16 : i32
      %swap3A = arith.constant 2 : i32
      %swap3A_1082 = arith.index_cast %swap3A : i32 to index
      %swap3A_1083 = arith.index_cast %multiple_of3A : i32 to index
      %swap3A_1084 = tpu.vector_load %arg5[%swap3A_1082, %swap3A_1083] {strides = array<i32>} : memref<32x2048xf32, #tpu.memory_space<vmem>>, vector<1x16xf32>,
      %swap3A_1085 = vector.shape_cast %swap3A_1084 : vector<1x16xf32> to vector<16xf32>
      %swap3A_1086 = vector.shape_cast %broadcast_in_dim3A_144 : vector<16xf32> to vector<1x16xf32>
      tpu.vector_store %arg5[%swap3A_1082, %swap3A_1083], %swap3A_1086 {strides = array<i32>} : memref<32x2048xf32, #tpu.memory_space<vmem>>, vector<1x16xf32>,
      %while3A_1087 = arith.constant 0 : i32
      scf.yield %while3A_1087 : i32
    }
    %while3A_158 = arith.constant 1 : i32
    %while3A_159 = scf.for %while3A_1078 = %while3A_155 to %while3A_151 step %while3A_158 iter_args(%while3A_1079 = %while3A_157) -> (i32)  : i32 {
      %mul3A_1080 = arith.constant 16 : i32
      %mul3A_1081 = arith.muli %while3A_1078, %mul3A_1080 : i32
      %multiple_of3A = tpu.assume_multiple %mul3A_1081, 16 : i32
      %swap3A = arith.constant 2 : i32
      %swap3A_1082 = arith.index_cast %swap3A : i32 to index
      %swap3A_1083 = arith.index_cast %multiple_of3A : i32 to index
      %swap3A_1084 = tpu.vector_load %arg5[%swap3A_1082, %swap3A_1083] {strides = array<i32>} : memref<32x2048xf32, #tpu.memory_space<vmem>>, vector<1x16xf32>,
      %swap3A_1085 = vector.shape_cast %swap3A_1084 : vector<1x16xf32> to vector<16xf32>
      %swap3A_1086 = vector.shape_cast %broadcast_in_dim3A_144 : vector<16xf32> to vector<1x16xf32>
      tpu.vector_store %arg5[%swap3A_1082, %swap3A_1083], %swap3A_1086 {strides = array<i32>} : memref<32x2048xf32, #tpu.memory_space<vmem>>, vector<1x16xf32>,
      %while3A_1087 = arith.constant 0 : i32
      scf.yield %while3A_1087 : i32
    }
    %while3A_160 = arith.constant 128 : i32
    %while3A_161 = arith.constant 0 : i32
    %while3A_162 = arith.subi %while3A_160, %add3A_74 : i32
    %while3A_163 = arith.addi %add3A_74, %while3A_162 : i32
    %while3A_164 = arith.constant 1 : i32
    %while3A_165 = arith.divsi %while3A_162, %while3A_164 : i32
    %while3A_166 = arith.muli %while3A_165, %while3A_164 : i32
    %while3A_167 = arith.addi %add3A_74, %while3A_166 : i32
    %while3A_168 = arith.constant 1 : i32
    %while3A_169 = scf.for %while3A_1078 = %add3A_74 to %while3A_167 step %while3A_168 iter_args(%while3A_1079 = %while3A_161) -> (i32)  : i32 {
      %mul3A_1080 = arith.constant 16 : i32
      %mul3A_1081 = arith.muli %while3A_1078, %mul3A_1080 : i32
      %multiple_of3A = tpu.assume_multiple %mul3A_1081, 16 : i32
      %swap3A = arith.constant 2 : i32
      %swap3A_1082 = arith.index_cast %swap3A : i32 to index
      %swap3A_1083 = arith.index_cast %multiple_of3A : i32 to index
      %swap3A_1084 = tpu.vector_load %arg5[%swap3A_1082, %swap3A_1083] {strides = array<i32>} : memref<32x2048xf32, #tpu.memory_space<vmem>>, vector<1x16xf32>,
      %swap3A_1085 = vector.shape_cast %swap3A_1084 : vector<1x16xf32> to vector<16xf32>
      %swap3A_1086 = vector.shape_cast %broadcast_in_dim3A_147 : vector<16xf32> to vector<1x16xf32>
      tpu.vector_store %arg5[%swap3A_1082, %swap3A_1083], %swap3A_1086 {strides = array<i32>} : memref<32x2048xf32, #tpu.memory_space<vmem>>, vector<1x16xf32>,
      %while3A_1087 = arith.constant 0 : i32
      scf.yield %while3A_1087 : i32
    }
    %while3A_170 = arith.constant 1 : i32
    %while3A_171 = scf.for %while3A_1078 = %while3A_167 to %while3A_163 step %while3A_170 iter_args(%while3A_1079 = %while3A_169) -> (i32)  : i32 {
      %mul3A_1080 = arith.constant 16 : i32
      %mul3A_1081 = arith.muli %while3A_1078, %mul3A_1080 : i32
      %multiple_of3A = tpu.assume_multiple %mul3A_1081, 16 : i32
      %swap3A = arith.constant 2 : i32
      %swap3A_1082 = arith.index_cast %swap3A : i32 to index
      %swap3A_1083 = arith.index_cast %multiple_of3A : i32 to index
      %swap3A_1084 = tpu.vector_load %arg5[%swap3A_1082, %swap3A_1083] {strides = array<i32>} : memref<32x2048xf32, #tpu.memory_space<vmem>>, vector<1x16xf32>,
      %swap3A_1085 = vector.shape_cast %swap3A_1084 : vector<1x16xf32> to vector<16xf32>
      %swap3A_1086 = vector.shape_cast %broadcast_in_dim3A_147 : vector<16xf32> to vector<1x16xf32>
      tpu.vector_store %arg5[%swap3A_1082, %swap3A_1083], %swap3A_1086 {strides = array<i32>} : memref<32x2048xf32, #tpu.memory_space<vmem>>, vector<1x16xf32>,
      %while3A_1087 = arith.constant 0 : i32
      scf.yield %while3A_1087 : i32
    }
    %slice3A_172 = vector.extract_strided_slice %get3A_76 {offsets = [3], sizes = [1], strides = [1]} : vector<16xf32> to vector<1xf32>
    %squeeze3A_173 = vector.extract %slice3A_172[0] : f32 from vector<1xf32>
    %broadcast_in_dim3A_174 = vector.broadcast %squeeze3A_173 : f32 to vector<16xf32>
    %slice3A_175 = vector.extract_strided_slice %get3A_82 {offsets = [3], sizes = [1], strides = [1]} : vector<16xf32> to vector<1xf32>
    %squeeze3A_176 = vector.extract %slice3A_175[0] : f32 from vector<1xf32>
    %broadcast_in_dim3A_177 = vector.broadcast %squeeze3A_176 : f32 to vector<16xf32>
    %while3A_178 = arith.constant 0 : i32
    %while3A_179 = arith.constant 0 : i32
    %while3A_180 = arith.subi %select_n3A_48, %while3A_178 : i32
    %while3A_181 = arith.addi %while3A_178, %while3A_180 : i32
    %while3A_182 = arith.constant 1 : i32
    %while3A_183 = arith.divsi %while3A_180, %while3A_182 : i32
    %while3A_184 = arith.muli %while3A_183, %while3A_182 : i32
    %while3A_185 = arith.addi %while3A_178, %while3A_184 : i32
    %while3A_186 = arith.constant 1 : i32
    %while3A_187 = scf.for %while3A_1078 = %while3A_178 to %while3A_185 step %while3A_186 iter_args(%while3A_1079 = %while3A_179) -> (i32)  : i32 {
      %mul3A_1080 = arith.constant 16 : i32
      %mul3A_1081 = arith.muli %while3A_1078, %mul3A_1080 : i32
      %multiple_of3A = tpu.assume_multiple %mul3A_1081, 16 : i32
      %swap3A = arith.constant 3 : i32
      %swap3A_1082 = arith.index_cast %swap3A : i32 to index
      %swap3A_1083 = arith.index_cast %multiple_of3A : i32 to index
      %swap3A_1084 = tpu.vector_load %arg5[%swap3A_1082, %swap3A_1083] {strides = array<i32>} : memref<32x2048xf32, #tpu.memory_space<vmem>>, vector<1x16xf32>,
      %swap3A_1085 = vector.shape_cast %swap3A_1084 : vector<1x16xf32> to vector<16xf32>
      %swap3A_1086 = vector.shape_cast %broadcast_in_dim3A_174 : vector<16xf32> to vector<1x16xf32>
      tpu.vector_store %arg5[%swap3A_1082, %swap3A_1083], %swap3A_1086 {strides = array<i32>} : memref<32x2048xf32, #tpu.memory_space<vmem>>, vector<1x16xf32>,
      %while3A_1087 = arith.constant 0 : i32
      scf.yield %while3A_1087 : i32
    }
    %while3A_188 = arith.constant 1 : i32
    %while3A_189 = scf.for %while3A_1078 = %while3A_185 to %while3A_181 step %while3A_188 iter_args(%while3A_1079 = %while3A_187) -> (i32)  : i32 {
      %mul3A_1080 = arith.constant 16 : i32
      %mul3A_1081 = arith.muli %while3A_1078, %mul3A_1080 : i32
      %multiple_of3A = tpu.assume_multiple %mul3A_1081, 16 : i32
      %swap3A = arith.constant 3 : i32
      %swap3A_1082 = arith.index_cast %swap3A : i32 to index
      %swap3A_1083 = arith.index_cast %multiple_of3A : i32 to index
      %swap3A_1084 = tpu.vector_load %arg5[%swap3A_1082, %swap3A_1083] {strides = array<i32>} : memref<32x2048xf32, #tpu.memory_space<vmem>>, vector<1x16xf32>,
      %swap3A_1085 = vector.shape_cast %swap3A_1084 : vector<1x16xf32> to vector<16xf32>
      %swap3A_1086 = vector.shape_cast %broadcast_in_dim3A_174 : vector<16xf32> to vector<1x16xf32>
      tpu.vector_store %arg5[%swap3A_1082, %swap3A_1083], %swap3A_1086 {strides = array<i32>} : memref<32x2048xf32, #tpu.memory_space<vmem>>, vector<1x16xf32>,
      %while3A_1087 = arith.constant 0 : i32
      scf.yield %while3A_1087 : i32
    }
    %while3A_190 = arith.constant 128 : i32
    %while3A_191 = arith.constant 0 : i32
    %while3A_192 = arith.subi %while3A_190, %add3A_74 : i32
    %while3A_193 = arith.addi %add3A_74, %while3A_192 : i32
    %while3A_194 = arith.constant 1 : i32
    %while3A_195 = arith.divsi %while3A_192, %while3A_194 : i32
    %while3A_196 = arith.muli %while3A_195, %while3A_194 : i32
    %while3A_197 = arith.addi %add3A_74, %while3A_196 : i32
    %while3A_198 = arith.constant 1 : i32
    %while3A_199 = scf.for %while3A_1078 = %add3A_74 to %while3A_197 step %while3A_198 iter_args(%while3A_1079 = %while3A_191) -> (i32)  : i32 {
      %mul3A_1080 = arith.constant 16 : i32
      %mul3A_1081 = arith.muli %while3A_1078, %mul3A_1080 : i32
      %multiple_of3A = tpu.assume_multiple %mul3A_1081, 16 : i32
      %swap3A = arith.constant 3 : i32
      %swap3A_1082 = arith.index_cast %swap3A : i32 to index
      %swap3A_1083 = arith.index_cast %multiple_of3A : i32 to index
      %swap3A_1084 = tpu.vector_load %arg5[%swap3A_1082, %swap3A_1083] {strides = array<i32>} : memref<32x2048xf32, #tpu.memory_space<vmem>>, vector<1x16xf32>,
      %swap3A_1085 = vector.shape_cast %swap3A_1084 : vector<1x16xf32> to vector<16xf32>
      %swap3A_1086 = vector.shape_cast %broadcast_in_dim3A_177 : vector<16xf32> to vector<1x16xf32>
      tpu.vector_store %arg5[%swap3A_1082, %swap3A_1083], %swap3A_1086 {strides = array<i32>} : memref<32x2048xf32, #tpu.memory_space<vmem>>, vector<1x16xf32>,
      %while3A_1087 = arith.constant 0 : i32
      scf.yield %while3A_1087 : i32
    }
    %while3A_200 = arith.constant 1 : i32
    %while3A_201 = scf.for %while3A_1078 = %while3A_197 to %while3A_193 step %while3A_200 iter_args(%while3A_1079 = %while3A_199) -> (i32)  : i32 {
      %mul3A_1080 = arith.constant 16 : i32
      %mul3A_1081 = arith.muli %while3A_1078, %mul3A_1080 : i32
      %multiple_of3A = tpu.assume_multiple %mul3A_1081, 16 : i32
      %swap3A = arith.constant 3 : i32
      %swap3A_1082 = arith.index_cast %swap3A : i32 to index
      %swap3A_1083 = arith.index_cast %multiple_of3A : i32 to index
      %swap3A_1084 = tpu.vector_load %arg5[%swap3A_1082, %swap3A_1083] {strides = array<i32>} : memref<32x2048xf32, #tpu.memory_space<vmem>>, vector<1x16xf32>,
      %swap3A_1085 = vector.shape_cast %swap3A_1084 : vector<1x16xf32> to vector<16xf32>
      %swap3A_1086 = vector.shape_cast %broadcast_in_dim3A_177 : vector<16xf32> to vector<1x16xf32>
      tpu.vector_store %arg5[%swap3A_1082, %swap3A_1083], %swap3A_1086 {strides = array<i32>} : memref<32x2048xf32, #tpu.memory_space<vmem>>, vector<1x16xf32>,
      %while3A_1087 = arith.constant 0 : i32
      scf.yield %while3A_1087 : i32
    }
    %slice3A_202 = vector.extract_strided_slice %get3A_76 {offsets = [4], sizes = [1], strides = [1]} : vector<16xf32> to vector<1xf32>
    %squeeze3A_203 = vector.extract %slice3A_202[0] : f32 from vector<1xf32>
    %broadcast_in_dim3A_204 = vector.broadcast %squeeze3A_203 : f32 to vector<16xf32>
    %slice3A_205 = vector.extract_strided_slice %get3A_82 {offsets = [4], sizes = [1], strides = [1]} : vector<16xf32> to vector<1xf32>
    %squeeze3A_206 = vector.extract %slice3A_205[0] : f32 from vector<1xf32>
    %broadcast_in_dim3A_207 = vector.broadcast %squeeze3A_206 : f32 to vector<16xf32>
    %while3A_208 = arith.constant 0 : i32
    %while3A_209 = arith.constant 0 : i32
    %while3A_210 = arith.subi %select_n3A_48, %while3A_208 : i32
    %while3A_211 = arith.addi %while3A_208, %while3A_210 : i32
    %while3A_212 = arith.constant 1 : i32
    %while3A_213 = arith.divsi %while3A_210, %while3A_212 : i32
    %while3A_214 = arith.muli %while3A_213, %while3A_212 : i32
    %while3A_215 = arith.addi %while3A_208, %while3A_214 : i32
    %while3A_216 = arith.constant 1 : i32
    %while3A_217 = scf.for %while3A_1078 = %while3A_208 to %while3A_215 step %while3A_216 iter_args(%while3A_1079 = %while3A_209) -> (i32)  : i32 {
      %mul3A_1080 = arith.constant 16 : i32
      %mul3A_1081 = arith.muli %while3A_1078, %mul3A_1080 : i32
      %multiple_of3A = tpu.assume_multiple %mul3A_1081, 16 : i32
      %swap3A = arith.constant 4 : i32
      %swap3A_1082 = arith.index_cast %swap3A : i32 to index
      %swap3A_1083 = arith.index_cast %multiple_of3A : i32 to index
      %swap3A_1084 = tpu.vector_load %arg5[%swap3A_1082, %swap3A_1083] {strides = array<i32>} : memref<32x2048xf32, #tpu.memory_space<vmem>>, vector<1x16xf32>,
      %swap3A_1085 = vector.shape_cast %swap3A_1084 : vector<1x16xf32> to vector<16xf32>
      %swap3A_1086 = vector.shape_cast %broadcast_in_dim3A_204 : vector<16xf32> to vector<1x16xf32>
      tpu.vector_store %arg5[%swap3A_1082, %swap3A_1083], %swap3A_1086 {strides = array<i32>} : memref<32x2048xf32, #tpu.memory_space<vmem>>, vector<1x16xf32>,
      %while3A_1087 = arith.constant 0 : i32
      scf.yield %while3A_1087 : i32
    }
    %while3A_218 = arith.constant 1 : i32
    %while3A_219 = scf.for %while3A_1078 = %while3A_215 to %while3A_211 step %while3A_218 iter_args(%while3A_1079 = %while3A_217) -> (i32)  : i32 {
      %mul3A_1080 = arith.constant 16 : i32
      %mul3A_1081 = arith.muli %while3A_1078, %mul3A_1080 : i32
      %multiple_of3A = tpu.assume_multiple %mul3A_1081, 16 : i32
      %swap3A = arith.constant 4 : i32
      %swap3A_1082 = arith.index_cast %swap3A : i32 to index
      %swap3A_1083 = arith.index_cast %multiple_of3A : i32 to index
      %swap3A_1084 = tpu.vector_load %arg5[%swap3A_1082, %swap3A_1083] {strides = array<i32>} : memref<32x2048xf32, #tpu.memory_space<vmem>>, vector<1x16xf32>,
      %swap3A_1085 = vector.shape_cast %swap3A_1084 : vector<1x16xf32> to vector<16xf32>
      %swap3A_1086 = vector.shape_cast %broadcast_in_dim3A_204 : vector<16xf32> to vector<1x16xf32>
      tpu.vector_store %arg5[%swap3A_1082, %swap3A_1083], %swap3A_1086 {strides = array<i32>} : memref<32x2048xf32, #tpu.memory_space<vmem>>, vector<1x16xf32>,
      %while3A_1087 = arith.constant 0 : i32
      scf.yield %while3A_1087 : i32
    }
    %while3A_220 = arith.constant 128 : i32
    %while3A_221 = arith.constant 0 : i32
    %while3A_222 = arith.subi %while3A_220, %add3A_74 : i32
    %while3A_223 = arith.addi %add3A_74, %while3A_222 : i32
    %while3A_224 = arith.constant 1 : i32
    %while3A_225 = arith.divsi %while3A_222, %while3A_224 : i32
    %while3A_226 = arith.muli %while3A_225, %while3A_224 : i32
    %while3A_227 = arith.addi %add3A_74, %while3A_226 : i32
    %while3A_228 = arith.constant 1 : i32
    %while3A_229 = scf.for %while3A_1078 = %add3A_74 to %while3A_227 step %while3A_228 iter_args(%while3A_1079 = %while3A_221) -> (i32)  : i32 {
      %mul3A_1080 = arith.constant 16 : i32
      %mul3A_1081 = arith.muli %while3A_1078, %mul3A_1080 : i32
      %multiple_of3A = tpu.assume_multiple %mul3A_1081, 16 : i32
      %swap3A = arith.constant 4 : i32
      %swap3A_1082 = arith.index_cast %swap3A : i32 to index
      %swap3A_1083 = arith.index_cast %multiple_of3A : i32 to index
      %swap3A_1084 = tpu.vector_load %arg5[%swap3A_1082, %swap3A_1083] {strides = array<i32>} : memref<32x2048xf32, #tpu.memory_space<vmem>>, vector<1x16xf32>,
      %swap3A_1085 = vector.shape_cast %swap3A_1084 : vector<1x16xf32> to vector<16xf32>
      %swap3A_1086 = vector.shape_cast %broadcast_in_dim3A_207 : vector<16xf32> to vector<1x16xf32>
      tpu.vector_store %arg5[%swap3A_1082, %swap3A_1083], %swap3A_1086 {strides = array<i32>} : memref<32x2048xf32, #tpu.memory_space<vmem>>, vector<1x16xf32>,
      %while3A_1087 = arith.constant 0 : i32
      scf.yield %while3A_1087 : i32
    }
    %while3A_230 = arith.constant 1 : i32
    %while3A_231 = scf.for %while3A_1078 = %while3A_227 to %while3A_223 step %while3A_230 iter_args(%while3A_1079 = %while3A_229) -> (i32)  : i32 {
      %mul3A_1080 = arith.constant 16 : i32
      %mul3A_1081 = arith.muli %while3A_1078, %mul3A_1080 : i32
      %multiple_of3A = tpu.assume_multiple %mul3A_1081, 16 : i32
      %swap3A = arith.constant 4 : i32
      %swap3A_1082 = arith.index_cast %swap3A : i32 to index
      %swap3A_1083 = arith.index_cast %multiple_of3A : i32 to index
      %swap3A_1084 = tpu.vector_load %arg5[%swap3A_1082, %swap3A_1083] {strides = array<i32>} : memref<32x2048xf32, #tpu.memory_space<vmem>>, vector<1x16xf32>,
      %swap3A_1085 = vector.shape_cast %swap3A_1084 : vector<1x16xf32> to vector<16xf32>
      %swap3A_1086 = vector.shape_cast %broadcast_in_dim3A_207 : vector<16xf32> to vector<1x16xf32>
      tpu.vector_store %arg5[%swap3A_1082, %swap3A_1083], %swap3A_1086 {strides = array<i32>} : memref<32x2048xf32, #tpu.memory_space<vmem>>, vector<1x16xf32>,
      %while3A_1087 = arith.constant 0 : i32
      scf.yield %while3A_1087 : i32
    }
    %slice3A_232 = vector.extract_strided_slice %get3A_76 {offsets = [5], sizes = [1], strides = [1]} : vector<16xf32> to vector<1xf32>
    %squeeze3A_233 = vector.extract %slice3A_232[0] : f32 from vector<1xf32>
    %broadcast_in_dim3A_234 = vector.broadcast %squeeze3A_233 : f32 to vector<16xf32>
    %slice3A_235 = vector.extract_strided_slice %get3A_82 {offsets = [5], sizes = [1], strides = [1]} : vector<16xf32> to vector<1xf32>
    %squeeze3A_236 = vector.extract %slice3A_235[0] : f32 from vector<1xf32>
    %broadcast_in_dim3A_237 = vector.broadcast %squeeze3A_236 : f32 to vector<16xf32>
    %while3A_238 = arith.constant 0 : i32
    %while3A_239 = arith.constant 0 : i32
    %while3A_240 = arith.subi %select_n3A_48, %while3A_238 : i32
    %while3A_241 = arith.addi %while3A_238, %while3A_240 : i32
    %while3A_242 = arith.constant 1 : i32
    %while3A_243 = arith.divsi %while3A_240, %while3A_242 : i32
    %while3A_244 = arith.muli %while3A_243, %while3A_242 : i32
    %while3A_245 = arith.addi %while3A_238, %while3A_244 : i32
    %while3A_246 = arith.constant 1 : i32
    %while3A_247 = scf.for %while3A_1078 = %while3A_238 to %while3A_245 step %while3A_246 iter_args(%while3A_1079 = %while3A_239) -> (i32)  : i32 {
      %mul3A_1080 = arith.constant 16 : i32
      %mul3A_1081 = arith.muli %while3A_1078, %mul3A_1080 : i32
      %multiple_of3A = tpu.assume_multiple %mul3A_1081, 16 : i32
      %swap3A = arith.constant 5 : i32
      %swap3A_1082 = arith.index_cast %swap3A : i32 to index
      %swap3A_1083 = arith.index_cast %multiple_of3A : i32 to index
      %swap3A_1084 = tpu.vector_load %arg5[%swap3A_1082, %swap3A_1083] {strides = array<i32>} : memref<32x2048xf32, #tpu.memory_space<vmem>>, vector<1x16xf32>,
      %swap3A_1085 = vector.shape_cast %swap3A_1084 : vector<1x16xf32> to vector<16xf32>
      %swap3A_1086 = vector.shape_cast %broadcast_in_dim3A_234 : vector<16xf32> to vector<1x16xf32>
      tpu.vector_store %arg5[%swap3A_1082, %swap3A_1083], %swap3A_1086 {strides = array<i32>} : memref<32x2048xf32, #tpu.memory_space<vmem>>, vector<1x16xf32>,
      %while3A_1087 = arith.constant 0 : i32
      scf.yield %while3A_1087 : i32
    }
    %while3A_248 = arith.constant 1 : i32
    %while3A_249 = scf.for %while3A_1078 = %while3A_245 to %while3A_241 step %while3A_248 iter_args(%while3A_1079 = %while3A_247) -> (i32)  : i32 {
      %mul3A_1080 = arith.constant 16 : i32
      %mul3A_1081 = arith.muli %while3A_1078, %mul3A_1080 : i32
      %multiple_of3A = tpu.assume_multiple %mul3A_1081, 16 : i32
      %swap3A = arith.constant 5 : i32
      %swap3A_1082 = arith.index_cast %swap3A : i32 to index
      %swap3A_1083 = arith.index_cast %multiple_of3A : i32 to index
      %swap3A_1084 = tpu.vector_load %arg5[%swap3A_1082, %swap3A_1083] {strides = array<i32>} : memref<32x2048xf32, #tpu.memory_space<vmem>>, vector<1x16xf32>,
      %swap3A_1085 = vector.shape_cast %swap3A_1084 : vector<1x16xf32> to vector<16xf32>
      %swap3A_1086 = vector.shape_cast %broadcast_in_dim3A_234 : vector<16xf32> to vector<1x16xf32>
      tpu.vector_store %arg5[%swap3A_1082, %swap3A_1083], %swap3A_1086 {strides = array<i32>} : memref<32x2048xf32, #tpu.memory_space<vmem>>, vector<1x16xf32>,
      %while3A_1087 = arith.constant 0 : i32
      scf.yield %while3A_1087 : i32
    }
    %while3A_250 = arith.constant 128 : i32
    %while3A_251 = arith.constant 0 : i32
    %while3A_252 = arith.subi %while3A_250, %add3A_74 : i32
    %while3A_253 = arith.addi %add3A_74, %while3A_252 : i32
    %while3A_254 = arith.constant 1 : i32
    %while3A_255 = arith.divsi %while3A_252, %while3A_254 : i32
    %while3A_256 = arith.muli %while3A_255, %while3A_254 : i32
    %while3A_257 = arith.addi %add3A_74, %while3A_256 : i32
    %while3A_258 = arith.constant 1 : i32
    %while3A_259 = scf.for %while3A_1078 = %add3A_74 to %while3A_257 step %while3A_258 iter_args(%while3A_1079 = %while3A_251) -> (i32)  : i32 {
      %mul3A_1080 = arith.constant 16 : i32
      %mul3A_1081 = arith.muli %while3A_1078, %mul3A_1080 : i32
      %multiple_of3A = tpu.assume_multiple %mul3A_1081, 16 : i32
      %swap3A = arith.constant 5 : i32
      %swap3A_1082 = arith.index_cast %swap3A : i32 to index
      %swap3A_1083 = arith.index_cast %multiple_of3A : i32 to index
      %swap3A_1084 = tpu.vector_load %arg5[%swap3A_1082, %swap3A_1083] {strides = array<i32>} : memref<32x2048xf32, #tpu.memory_space<vmem>>, vector<1x16xf32>,
      %swap3A_1085 = vector.shape_cast %swap3A_1084 : vector<1x16xf32> to vector<16xf32>
      %swap3A_1086 = vector.shape_cast %broadcast_in_dim3A_237 : vector<16xf32> to vector<1x16xf32>
      tpu.vector_store %arg5[%swap3A_1082, %swap3A_1083], %swap3A_1086 {strides = array<i32>} : memref<32x2048xf32, #tpu.memory_space<vmem>>, vector<1x16xf32>,
      %while3A_1087 = arith.constant 0 : i32
      scf.yield %while3A_1087 : i32
    }
    %while3A_260 = arith.constant 1 : i32
    %while3A_261 = scf.for %while3A_1078 = %while3A_257 to %while3A_253 step %while3A_260 iter_args(%while3A_1079 = %while3A_259) -> (i32)  : i32 {
      %mul3A_1080 = arith.constant 16 : i32
      %mul3A_1081 = arith.muli %while3A_1078, %mul3A_1080 : i32
      %multiple_of3A = tpu.assume_multiple %mul3A_1081, 16 : i32
      %swap3A = arith.constant 5 : i32
      %swap3A_1082 = arith.index_cast %swap3A : i32 to index
      %swap3A_1083 = arith.index_cast %multiple_of3A : i32 to index
      %swap3A_1084 = tpu.vector_load %arg5[%swap3A_1082, %swap3A_1083] {strides = array<i32>} : memref<32x2048xf32, #tpu.memory_space<vmem>>, vector<1x16xf32>,
      %swap3A_1085 = vector.shape_cast %swap3A_1084 : vector<1x16xf32> to vector<16xf32>
      %swap3A_1086 = vector.shape_cast %broadcast_in_dim3A_237 : vector<16xf32> to vector<1x16xf32>
      tpu.vector_store %arg5[%swap3A_1082, %swap3A_1083], %swap3A_1086 {strides = array<i32>} : memref<32x2048xf32, #tpu.memory_space<vmem>>, vector<1x16xf32>,
      %while3A_1087 = arith.constant 0 : i32
      scf.yield %while3A_1087 : i32
    }
    %slice3A_262 = vector.extract_strided_slice %get3A_76 {offsets = [6], sizes = [1], strides = [1]} : vector<16xf32> to vector<1xf32>
    %squeeze3A_263 = vector.extract %slice3A_262[0] : f32 from vector<1xf32>
    %broadcast_in_dim3A_264 = vector.broadcast %squeeze3A_263 : f32 to vector<16xf32>
    %slice3A_265 = vector.extract_strided_slice %get3A_82 {offsets = [6], sizes = [1], strides = [1]} : vector<16xf32> to vector<1xf32>
    %squeeze3A_266 = vector.extract %slice3A_265[0] : f32 from vector<1xf32>
    %broadcast_in_dim3A_267 = vector.broadcast %squeeze3A_266 : f32 to vector<16xf32>
    %while3A_268 = arith.constant 0 : i32
    %while3A_269 = arith.constant 0 : i32
    %while3A_270 = arith.subi %select_n3A_48, %while3A_268 : i32
    %while3A_271 = arith.addi %while3A_268, %while3A_270 : i32
    %while3A_272 = arith.constant 1 : i32
    %while3A_273 = arith.divsi %while3A_270, %while3A_272 : i32
    %while3A_274 = arith.muli %while3A_273, %while3A_272 : i32
    %while3A_275 = arith.addi %while3A_268, %while3A_274 : i32
    %while3A_276 = arith.constant 1 : i32
    %while3A_277 = scf.for %while3A_1078 = %while3A_268 to %while3A_275 step %while3A_276 iter_args(%while3A_1079 = %while3A_269) -> (i32)  : i32 {
      %mul3A_1080 = arith.constant 16 : i32
      %mul3A_1081 = arith.muli %while3A_1078, %mul3A_1080 : i32
      %multiple_of3A = tpu.assume_multiple %mul3A_1081, 16 : i32
      %swap3A = arith.constant 6 : i32
      %swap3A_1082 = arith.index_cast %swap3A : i32 to index
      %swap3A_1083 = arith.index_cast %multiple_of3A : i32 to index
      %swap3A_1084 = tpu.vector_load %arg5[%swap3A_1082, %swap3A_1083] {strides = array<i32>} : memref<32x2048xf32, #tpu.memory_space<vmem>>, vector<1x16xf32>,
      %swap3A_1085 = vector.shape_cast %swap3A_1084 : vector<1x16xf32> to vector<16xf32>
      %swap3A_1086 = vector.shape_cast %broadcast_in_dim3A_264 : vector<16xf32> to vector<1x16xf32>
      tpu.vector_store %arg5[%swap3A_1082, %swap3A_1083], %swap3A_1086 {strides = array<i32>} : memref<32x2048xf32, #tpu.memory_space<vmem>>, vector<1x16xf32>,
      %while3A_1087 = arith.constant 0 : i32
      scf.yield %while3A_1087 : i32
    }
    %while3A_278 = arith.constant 1 : i32
    %while3A_279 = scf.for %while3A_1078 = %while3A_275 to %while3A_271 step %while3A_278 iter_args(%while3A_1079 = %while3A_277) -> (i32)  : i32 {
      %mul3A_1080 = arith.constant 16 : i32
      %mul3A_1081 = arith.muli %while3A_1078, %mul3A_1080 : i32
      %multiple_of3A = tpu.assume_multiple %mul3A_1081, 16 : i32
      %swap3A = arith.constant 6 : i32
      %swap3A_1082 = arith.index_cast %swap3A : i32 to index
      %swap3A_1083 = arith.index_cast %multiple_of3A : i32 to index
      %swap3A_1084 = tpu.vector_load %arg5[%swap3A_1082, %swap3A_1083] {strides = array<i32>} : memref<32x2048xf32, #tpu.memory_space<vmem>>, vector<1x16xf32>,
      %swap3A_1085 = vector.shape_cast %swap3A_1084 : vector<1x16xf32> to vector<16xf32>
      %swap3A_1086 = vector.shape_cast %broadcast_in_dim3A_264 : vector<16xf32> to vector<1x16xf32>
      tpu.vector_store %arg5[%swap3A_1082, %swap3A_1083], %swap3A_1086 {strides = array<i32>} : memref<32x2048xf32, #tpu.memory_space<vmem>>, vector<1x16xf32>,
      %while3A_1087 = arith.constant 0 : i32
      scf.yield %while3A_1087 : i32
    }
    %while3A_280 = arith.constant 128 : i32
    %while3A_281 = arith.constant 0 : i32
    %while3A_282 = arith.subi %while3A_280, %add3A_74 : i32
    %while3A_283 = arith.addi %add3A_74, %while3A_282 : i32
    %while3A_284 = arith.constant 1 : i32
    %while3A_285 = arith.divsi %while3A_282, %while3A_284 : i32
    %while3A_286 = arith.muli %while3A_285, %while3A_284 : i32
    %while3A_287 = arith.addi %add3A_74, %while3A_286 : i32
    %while3A_288 = arith.constant 1 : i32
    %while3A_289 = scf.for %while3A_1078 = %add3A_74 to %while3A_287 step %while3A_288 iter_args(%while3A_1079 = %while3A_281) -> (i32)  : i32 {
      %mul3A_1080 = arith.constant 16 : i32
      %mul3A_1081 = arith.muli %while3A_1078, %mul3A_1080 : i32
      %multiple_of3A = tpu.assume_multiple %mul3A_1081, 16 : i32
      %swap3A = arith.constant 6 : i32
      %swap3A_1082 = arith.index_cast %swap3A : i32 to index
      %swap3A_1083 = arith.index_cast %multiple_of3A : i32 to index
      %swap3A_1084 = tpu.vector_load %arg5[%swap3A_1082, %swap3A_1083] {strides = array<i32>} : memref<32x2048xf32, #tpu.memory_space<vmem>>, vector<1x16xf32>,
      %swap3A_1085 = vector.shape_cast %swap3A_1084 : vector<1x16xf32> to vector<16xf32>
      %swap3A_1086 = vector.shape_cast %broadcast_in_dim3A_267 : vector<16xf32> to vector<1x16xf32>
      tpu.vector_store %arg5[%swap3A_1082, %swap3A_1083], %swap3A_1086 {strides = array<i32>} : memref<32x2048xf32, #tpu.memory_space<vmem>>, vector<1x16xf32>,
      %while3A_1087 = arith.constant 0 : i32
      scf.yield %while3A_1087 : i32
    }
    %while3A_290 = arith.constant 1 : i32
    %while3A_291 = scf.for %while3A_1078 = %while3A_287 to %while3A_283 step %while3A_290 iter_args(%while3A_1079 = %while3A_289) -> (i32)  : i32 {
      %mul3A_1080 = arith.constant 16 : i32
      %mul3A_1081 = arith.muli %while3A_1078, %mul3A_1080 : i32
      %multiple_of3A = tpu.assume_multiple %mul3A_1081, 16 : i32
      %swap3A = arith.constant 6 : i32
      %swap3A_1082 = arith.index_cast %swap3A : i32 to index
      %swap3A_1083 = arith.index_cast %multiple_of3A : i32 to index
      %swap3A_1084 = tpu.vector_load %arg5[%swap3A_1082, %swap3A_1083] {strides = array<i32>} : memref<32x2048xf32, #tpu.memory_space<vmem>>, vector<1x16xf32>,
      %swap3A_1085 = vector.shape_cast %swap3A_1084 : vector<1x16xf32> to vector<16xf32>
      %swap3A_1086 = vector.shape_cast %broadcast_in_dim3A_267 : vector<16xf32> to vector<1x16xf32>
      tpu.vector_store %arg5[%swap3A_1082, %swap3A_1083], %swap3A_1086 {strides = array<i32>} : memref<32x2048xf32, #tpu.memory_space<vmem>>, vector<1x16xf32>,
      %while3A_1087 = arith.constant 0 : i32
      scf.yield %while3A_1087 : i32
    }
    %slice3A_292 = vector.extract_strided_slice %get3A_76 {offsets = [7], sizes = [1], strides = [1]} : vector<16xf32> to vector<1xf32>
    %squeeze3A_293 = vector.extract %slice3A_292[0] : f32 from vector<1xf32>
    %broadcast_in_dim3A_294 = vector.broadcast %squeeze3A_293 : f32 to vector<16xf32>
    %slice3A_295 = vector.extract_strided_slice %get3A_82 {offsets = [7], sizes = [1], strides = [1]} : vector<16xf32> to vector<1xf32>
    %squeeze3A_296 = vector.extract %slice3A_295[0] : f32 from vector<1xf32>
    %broadcast_in_dim3A_297 = vector.broadcast %squeeze3A_296 : f32 to vector<16xf32>
    %while3A_298 = arith.constant 0 : i32
    %while3A_299 = arith.constant 0 : i32
    %while3A_300 = arith.subi %select_n3A_48, %while3A_298 : i32
    %while3A_301 = arith.addi %while3A_298, %while3A_300 : i32
    %while3A_302 = arith.constant 1 : i32
    %while3A_303 = arith.divsi %while3A_300, %while3A_302 : i32
    %while3A_304 = arith.muli %while3A_303, %while3A_302 : i32
    %while3A_305 = arith.addi %while3A_298, %while3A_304 : i32
    %while3A_306 = arith.constant 1 : i32
    %while3A_307 = scf.for %while3A_1078 = %while3A_298 to %while3A_305 step %while3A_306 iter_args(%while3A_1079 = %while3A_299) -> (i32)  : i32 {
      %mul3A_1080 = arith.constant 16 : i32
      %mul3A_1081 = arith.muli %while3A_1078, %mul3A_1080 : i32
      %multiple_of3A = tpu.assume_multiple %mul3A_1081, 16 : i32
      %swap3A = arith.constant 7 : i32
      %swap3A_1082 = arith.index_cast %swap3A : i32 to index
      %swap3A_1083 = arith.index_cast %multiple_of3A : i32 to index
      %swap3A_1084 = tpu.vector_load %arg5[%swap3A_1082, %swap3A_1083] {strides = array<i32>} : memref<32x2048xf32, #tpu.memory_space<vmem>>, vector<1x16xf32>,
      %swap3A_1085 = vector.shape_cast %swap3A_1084 : vector<1x16xf32> to vector<16xf32>
      %swap3A_1086 = vector.shape_cast %broadcast_in_dim3A_294 : vector<16xf32> to vector<1x16xf32>
      tpu.vector_store %arg5[%swap3A_1082, %swap3A_1083], %swap3A_1086 {strides = array<i32>} : memref<32x2048xf32, #tpu.memory_space<vmem>>, vector<1x16xf32>,
      %while3A_1087 = arith.constant 0 : i32
      scf.yield %while3A_1087 : i32
    }
    %while3A_308 = arith.constant 1 : i32
    %while3A_309 = scf.for %while3A_1078 = %while3A_305 to %while3A_301 step %while3A_308 iter_args(%while3A_1079 = %while3A_307) -> (i32)  : i32 {
      %mul3A_1080 = arith.constant 16 : i32
      %mul3A_1081 = arith.muli %while3A_1078, %mul3A_1080 : i32
      %multiple_of3A = tpu.assume_multiple %mul3A_1081, 16 : i32
      %swap3A = arith.constant 7 : i32
      %swap3A_1082 = arith.index_cast %swap3A : i32 to index
      %swap3A_1083 = arith.index_cast %multiple_of3A : i32 to index
      %swap3A_1084 = tpu.vector_load %arg5[%swap3A_1082, %swap3A_1083] {strides = array<i32>} : memref<32x2048xf32, #tpu.memory_space<vmem>>, vector<1x16xf32>,
      %swap3A_1085 = vector.shape_cast %swap3A_1084 : vector<1x16xf32> to vector<16xf32>
      %swap3A_1086 = vector.shape_cast %broadcast_in_dim3A_294 : vector<16xf32> to vector<1x16xf32>
      tpu.vector_store %arg5[%swap3A_1082, %swap3A_1083], %swap3A_1086 {strides = array<i32>} : memref<32x2048xf32, #tpu.memory_space<vmem>>, vector<1x16xf32>,
      %while3A_1087 = arith.constant 0 : i32
      scf.yield %while3A_1087 : i32
    }
    %while3A_310 = arith.constant 128 : i32
    %while3A_311 = arith.constant 0 : i32
    %while3A_312 = arith.subi %while3A_310, %add3A_74 : i32
    %while3A_313 = arith.addi %add3A_74, %while3A_312 : i32
    %while3A_314 = arith.constant 1 : i32
    %while3A_315 = arith.divsi %while3A_312, %while3A_314 : i32
    %while3A_316 = arith.muli %while3A_315, %while3A_314 : i32
    %while3A_317 = arith.addi %add3A_74, %while3A_316 : i32
    %while3A_318 = arith.constant 1 : i32
    %while3A_319 = scf.for %while3A_1078 = %add3A_74 to %while3A_317 step %while3A_318 iter_args(%while3A_1079 = %while3A_311) -> (i32)  : i32 {
      %mul3A_1080 = arith.constant 16 : i32
      %mul3A_1081 = arith.muli %while3A_1078, %mul3A_1080 : i32
      %multiple_of3A = tpu.assume_multiple %mul3A_1081, 16 : i32
      %swap3A = arith.constant 7 : i32
      %swap3A_1082 = arith.index_cast %swap3A : i32 to index
      %swap3A_1083 = arith.index_cast %multiple_of3A : i32 to index
      %swap3A_1084 = tpu.vector_load %arg5[%swap3A_1082, %swap3A_1083] {strides = array<i32>} : memref<32x2048xf32, #tpu.memory_space<vmem>>, vector<1x16xf32>,
      %swap3A_1085 = vector.shape_cast %swap3A_1084 : vector<1x16xf32> to vector<16xf32>
      %swap3A_1086 = vector.shape_cast %broadcast_in_dim3A_297 : vector<16xf32> to vector<1x16xf32>
      tpu.vector_store %arg5[%swap3A_1082, %swap3A_1083], %swap3A_1086 {strides = array<i32>} : memref<32x2048xf32, #tpu.memory_space<vmem>>, vector<1x16xf32>,
      %while3A_1087 = arith.constant 0 : i32
      scf.yield %while3A_1087 : i32
    }
    %while3A_320 = arith.constant 1 : i32
    %while3A_321 = scf.for %while3A_1078 = %while3A_317 to %while3A_313 step %while3A_320 iter_args(%while3A_1079 = %while3A_319) -> (i32)  : i32 {
      %mul3A_1080 = arith.constant 16 : i32
      %mul3A_1081 = arith.muli %while3A_1078, %mul3A_1080 : i32
      %multiple_of3A = tpu.assume_multiple %mul3A_1081, 16 : i32
      %swap3A = arith.constant 7 : i32
      %swap3A_1082 = arith.index_cast %swap3A : i32 to index
      %swap3A_1083 = arith.index_cast %multiple_of3A : i32 to index
      %swap3A_1084 = tpu.vector_load %arg5[%swap3A_1082, %swap3A_1083] {strides = array<i32>} : memref<32x2048xf32, #tpu.memory_space<vmem>>, vector<1x16xf32>,
      %swap3A_1085 = vector.shape_cast %swap3A_1084 : vector<1x16xf32> to vector<16xf32>
      %swap3A_1086 = vector.shape_cast %broadcast_in_dim3A_297 : vector<16xf32> to vector<1x16xf32>
      tpu.vector_store %arg5[%swap3A_1082, %swap3A_1083], %swap3A_1086 {strides = array<i32>} : memref<32x2048xf32, #tpu.memory_space<vmem>>, vector<1x16xf32>,
      %while3A_1087 = arith.constant 0 : i32
      scf.yield %while3A_1087 : i32
    }
    %slice3A_322 = vector.extract_strided_slice %get3A_76 {offsets = [8], sizes = [1], strides = [1]} : vector<16xf32> to vector<1xf32>
    %squeeze3A_323 = vector.extract %slice3A_322[0] : f32 from vector<1xf32>
    %broadcast_in_dim3A_324 = vector.broadcast %squeeze3A_323 : f32 to vector<16xf32>
    %slice3A_325 = vector.extract_strided_slice %get3A_82 {offsets = [8], sizes = [1], strides = [1]} : vector<16xf32> to vector<1xf32>
    %squeeze3A_326 = vector.extract %slice3A_325[0] : f32 from vector<1xf32>
    %broadcast_in_dim3A_327 = vector.broadcast %squeeze3A_326 : f32 to vector<16xf32>
    %while3A_328 = arith.constant 0 : i32
    %while3A_329 = arith.constant 0 : i32
    %while3A_330 = arith.subi %select_n3A_48, %while3A_328 : i32
    %while3A_331 = arith.addi %while3A_328, %while3A_330 : i32
    %while3A_332 = arith.constant 1 : i32
    %while3A_333 = arith.divsi %while3A_330, %while3A_332 : i32
    %while3A_334 = arith.muli %while3A_333, %while3A_332 : i32
    %while3A_335 = arith.addi %while3A_328, %while3A_334 : i32
    %while3A_336 = arith.constant 1 : i32
    %while3A_337 = scf.for %while3A_1078 = %while3A_328 to %while3A_335 step %while3A_336 iter_args(%while3A_1079 = %while3A_329) -> (i32)  : i32 {
      %mul3A_1080 = arith.constant 16 : i32
      %mul3A_1081 = arith.muli %while3A_1078, %mul3A_1080 : i32
      %multiple_of3A = tpu.assume_multiple %mul3A_1081, 16 : i32
      %swap3A = arith.constant 8 : i32
      %swap3A_1082 = arith.index_cast %swap3A : i32 to index
      %swap3A_1083 = arith.index_cast %multiple_of3A : i32 to index
      %swap3A_1084 = tpu.vector_load %arg5[%swap3A_1082, %swap3A_1083] {strides = array<i32>} : memref<32x2048xf32, #tpu.memory_space<vmem>>, vector<1x16xf32>,
      %swap3A_1085 = vector.shape_cast %swap3A_1084 : vector<1x16xf32> to vector<16xf32>
      %swap3A_1086 = vector.shape_cast %broadcast_in_dim3A_324 : vector<16xf32> to vector<1x16xf32>
      tpu.vector_store %arg5[%swap3A_1082, %swap3A_1083], %swap3A_1086 {strides = array<i32>} : memref<32x2048xf32, #tpu.memory_space<vmem>>, vector<1x16xf32>,
      %while3A_1087 = arith.constant 0 : i32
      scf.yield %while3A_1087 : i32
    }
    %while3A_338 = arith.constant 1 : i32
    %while3A_339 = scf.for %while3A_1078 = %while3A_335 to %while3A_331 step %while3A_338 iter_args(%while3A_1079 = %while3A_337) -> (i32)  : i32 {
      %mul3A_1080 = arith.constant 16 : i32
      %mul3A_1081 = arith.muli %while3A_1078, %mul3A_1080 : i32
      %multiple_of3A = tpu.assume_multiple %mul3A_1081, 16 : i32
      %swap3A = arith.constant 8 : i32
      %swap3A_1082 = arith.index_cast %swap3A : i32 to index
      %swap3A_1083 = arith.index_cast %multiple_of3A : i32 to index
      %swap3A_1084 = tpu.vector_load %arg5[%swap3A_1082, %swap3A_1083] {strides = array<i32>} : memref<32x2048xf32, #tpu.memory_space<vmem>>, vector<1x16xf32>,
      %swap3A_1085 = vector.shape_cast %swap3A_1084 : vector<1x16xf32> to vector<16xf32>
      %swap3A_1086 = vector.shape_cast %broadcast_in_dim3A_324 : vector<16xf32> to vector<1x16xf32>
      tpu.vector_store %arg5[%swap3A_1082, %swap3A_1083], %swap3A_1086 {strides = array<i32>} : memref<32x2048xf32, #tpu.memory_space<vmem>>, vector<1x16xf32>,
      %while3A_1087 = arith.constant 0 : i32
      scf.yield %while3A_1087 : i32
    }
    %while3A_340 = arith.constant 128 : i32
    %while3A_341 = arith.constant 0 : i32
    %while3A_342 = arith.subi %while3A_340, %add3A_74 : i32
    %while3A_343 = arith.addi %add3A_74, %while3A_342 : i32
    %while3A_344 = arith.constant 1 : i32
    %while3A_345 = arith.divsi %while3A_342, %while3A_344 : i32
    %while3A_346 = arith.muli %while3A_345, %while3A_344 : i32
    %while3A_347 = arith.addi %add3A_74, %while3A_346 : i32
    %while3A_348 = arith.constant 1 : i32
    %while3A_349 = scf.for %while3A_1078 = %add3A_74 to %while3A_347 step %while3A_348 iter_args(%while3A_1079 = %while3A_341) -> (i32)  : i32 {
      %mul3A_1080 = arith.constant 16 : i32
      %mul3A_1081 = arith.muli %while3A_1078, %mul3A_1080 : i32
      %multiple_of3A = tpu.assume_multiple %mul3A_1081, 16 : i32
      %swap3A = arith.constant 8 : i32
      %swap3A_1082 = arith.index_cast %swap3A : i32 to index
      %swap3A_1083 = arith.index_cast %multiple_of3A : i32 to index
      %swap3A_1084 = tpu.vector_load %arg5[%swap3A_1082, %swap3A_1083] {strides = array<i32>} : memref<32x2048xf32, #tpu.memory_space<vmem>>, vector<1x16xf32>,
      %swap3A_1085 = vector.shape_cast %swap3A_1084 : vector<1x16xf32> to vector<16xf32>
      %swap3A_1086 = vector.shape_cast %broadcast_in_dim3A_327 : vector<16xf32> to vector<1x16xf32>
      tpu.vector_store %arg5[%swap3A_1082, %swap3A_1083], %swap3A_1086 {strides = array<i32>} : memref<32x2048xf32, #tpu.memory_space<vmem>>, vector<1x16xf32>,
      %while3A_1087 = arith.constant 0 : i32
      scf.yield %while3A_1087 : i32
    }
    %while3A_350 = arith.constant 1 : i32
    %while3A_351 = scf.for %while3A_1078 = %while3A_347 to %while3A_343 step %while3A_350 iter_args(%while3A_1079 = %while3A_349) -> (i32)  : i32 {
      %mul3A_1080 = arith.constant 16 : i32
      %mul3A_1081 = arith.muli %while3A_1078, %mul3A_1080 : i32
      %multiple_of3A = tpu.assume_multiple %mul3A_1081, 16 : i32
      %swap3A = arith.constant 8 : i32
      %swap3A_1082 = arith.index_cast %swap3A : i32 to index
      %swap3A_1083 = arith.index_cast %multiple_of3A : i32 to index
      %swap3A_1084 = tpu.vector_load %arg5[%swap3A_1082, %swap3A_1083] {strides = array<i32>} : memref<32x2048xf32, #tpu.memory_space<vmem>>, vector<1x16xf32>,
      %swap3A_1085 = vector.shape_cast %swap3A_1084 : vector<1x16xf32> to vector<16xf32>
      %swap3A_1086 = vector.shape_cast %broadcast_in_dim3A_327 : vector<16xf32> to vector<1x16xf32>
      tpu.vector_store %arg5[%swap3A_1082, %swap3A_1083], %swap3A_1086 {strides = array<i32>} : memref<32x2048xf32, #tpu.memory_space<vmem>>, vector<1x16xf32>,
      %while3A_1087 = arith.constant 0 : i32
      scf.yield %while3A_1087 : i32
    }
    %slice3A_352 = vector.extract_strided_slice %get3A_76 {offsets = [9], sizes = [1], strides = [1]} : vector<16xf32> to vector<1xf32>
    %squeeze3A_353 = vector.extract %slice3A_352[0] : f32 from vector<1xf32>
    %broadcast_in_dim3A_354 = vector.broadcast %squeeze3A_353 : f32 to vector<16xf32>
    %slice3A_355 = vector.extract_strided_slice %get3A_82 {offsets = [9], sizes = [1], strides = [1]} : vector<16xf32> to vector<1xf32>
    %squeeze3A_356 = vector.extract %slice3A_355[0] : f32 from vector<1xf32>
    %broadcast_in_dim3A_357 = vector.broadcast %squeeze3A_356 : f32 to vector<16xf32>
    %while3A_358 = arith.constant 0 : i32
    %while3A_359 = arith.constant 0 : i32
    %while3A_360 = arith.subi %select_n3A_48, %while3A_358 : i32
    %while3A_361 = arith.addi %while3A_358, %while3A_360 : i32
    %while3A_362 = arith.constant 1 : i32
    %while3A_363 = arith.divsi %while3A_360, %while3A_362 : i32
    %while3A_364 = arith.muli %while3A_363, %while3A_362 : i32
    %while3A_365 = arith.addi %while3A_358, %while3A_364 : i32
    %while3A_366 = arith.constant 1 : i32
    %while3A_367 = scf.for %while3A_1078 = %while3A_358 to %while3A_365 step %while3A_366 iter_args(%while3A_1079 = %while3A_359) -> (i32)  : i32 {
      %mul3A_1080 = arith.constant 16 : i32
      %mul3A_1081 = arith.muli %while3A_1078, %mul3A_1080 : i32
      %multiple_of3A = tpu.assume_multiple %mul3A_1081, 16 : i32
      %swap3A = arith.constant 9 : i32
      %swap3A_1082 = arith.index_cast %swap3A : i32 to index
      %swap3A_1083 = arith.index_cast %multiple_of3A : i32 to index
      %swap3A_1084 = tpu.vector_load %arg5[%swap3A_1082, %swap3A_1083] {strides = array<i32>} : memref<32x2048xf32, #tpu.memory_space<vmem>>, vector<1x16xf32>,
      %swap3A_1085 = vector.shape_cast %swap3A_1084 : vector<1x16xf32> to vector<16xf32>
      %swap3A_1086 = vector.shape_cast %broadcast_in_dim3A_354 : vector<16xf32> to vector<1x16xf32>
      tpu.vector_store %arg5[%swap3A_1082, %swap3A_1083], %swap3A_1086 {strides = array<i32>} : memref<32x2048xf32, #tpu.memory_space<vmem>>, vector<1x16xf32>,
      %while3A_1087 = arith.constant 0 : i32
      scf.yield %while3A_1087 : i32
    }
    %while3A_368 = arith.constant 1 : i32
    %while3A_369 = scf.for %while3A_1078 = %while3A_365 to %while3A_361 step %while3A_368 iter_args(%while3A_1079 = %while3A_367) -> (i32)  : i32 {
      %mul3A_1080 = arith.constant 16 : i32
      %mul3A_1081 = arith.muli %while3A_1078, %mul3A_1080 : i32
      %multiple_of3A = tpu.assume_multiple %mul3A_1081, 16 : i32
      %swap3A = arith.constant 9 : i32
      %swap3A_1082 = arith.index_cast %swap3A : i32 to index
      %swap3A_1083 = arith.index_cast %multiple_of3A : i32 to index
      %swap3A_1084 = tpu.vector_load %arg5[%swap3A_1082, %swap3A_1083] {strides = array<i32>} : memref<32x2048xf32, #tpu.memory_space<vmem>>, vector<1x16xf32>,
      %swap3A_1085 = vector.shape_cast %swap3A_1084 : vector<1x16xf32> to vector<16xf32>
      %swap3A_1086 = vector.shape_cast %broadcast_in_dim3A_354 : vector<16xf32> to vector<1x16xf32>
      tpu.vector_store %arg5[%swap3A_1082, %swap3A_1083], %swap3A_1086 {strides = array<i32>} : memref<32x2048xf32, #tpu.memory_space<vmem>>, vector<1x16xf32>,
      %while3A_1087 = arith.constant 0 : i32
      scf.yield %while3A_1087 : i32
    }
    %while3A_370 = arith.constant 128 : i32
    %while3A_371 = arith.constant 0 : i32
    %while3A_372 = arith.subi %while3A_370, %add3A_74 : i32
    %while3A_373 = arith.addi %add3A_74, %while3A_372 : i32
    %while3A_374 = arith.constant 1 : i32
    %while3A_375 = arith.divsi %while3A_372, %while3A_374 : i32
    %while3A_376 = arith.muli %while3A_375, %while3A_374 : i32
    %while3A_377 = arith.addi %add3A_74, %while3A_376 : i32
    %while3A_378 = arith.constant 1 : i32
    %while3A_379 = scf.for %while3A_1078 = %add3A_74 to %while3A_377 step %while3A_378 iter_args(%while3A_1079 = %while3A_371) -> (i32)  : i32 {
      %mul3A_1080 = arith.constant 16 : i32
      %mul3A_1081 = arith.muli %while3A_1078, %mul3A_1080 : i32
      %multiple_of3A = tpu.assume_multiple %mul3A_1081, 16 : i32
      %swap3A = arith.constant 9 : i32
      %swap3A_1082 = arith.index_cast %swap3A : i32 to index
      %swap3A_1083 = arith.index_cast %multiple_of3A : i32 to index
      %swap3A_1084 = tpu.vector_load %arg5[%swap3A_1082, %swap3A_1083] {strides = array<i32>} : memref<32x2048xf32, #tpu.memory_space<vmem>>, vector<1x16xf32>,
      %swap3A_1085 = vector.shape_cast %swap3A_1084 : vector<1x16xf32> to vector<16xf32>
      %swap3A_1086 = vector.shape_cast %broadcast_in_dim3A_357 : vector<16xf32> to vector<1x16xf32>
      tpu.vector_store %arg5[%swap3A_1082, %swap3A_1083], %swap3A_1086 {strides = array<i32>} : memref<32x2048xf32, #tpu.memory_space<vmem>>, vector<1x16xf32>,
      %while3A_1087 = arith.constant 0 : i32
      scf.yield %while3A_1087 : i32
    }
    %while3A_380 = arith.constant 1 : i32
    %while3A_381 = scf.for %while3A_1078 = %while3A_377 to %while3A_373 step %while3A_380 iter_args(%while3A_1079 = %while3A_379) -> (i32)  : i32 {
      %mul3A_1080 = arith.constant 16 : i32
      %mul3A_1081 = arith.muli %while3A_1078, %mul3A_1080 : i32
      %multiple_of3A = tpu.assume_multiple %mul3A_1081, 16 : i32
      %swap3A = arith.constant 9 : i32
      %swap3A_1082 = arith.index_cast %swap3A : i32 to index
      %swap3A_1083 = arith.index_cast %multiple_of3A : i32 to index
      %swap3A_1084 = tpu.vector_load %arg5[%swap3A_1082, %swap3A_1083] {strides = array<i32>} : memref<32x2048xf32, #tpu.memory_space<vmem>>, vector<1x16xf32>,
      %swap3A_1085 = vector.shape_cast %swap3A_1084 : vector<1x16xf32> to vector<16xf32>
      %swap3A_1086 = vector.shape_cast %broadcast_in_dim3A_357 : vector<16xf32> to vector<1x16xf32>
      tpu.vector_store %arg5[%swap3A_1082, %swap3A_1083], %swap3A_1086 {strides = array<i32>} : memref<32x2048xf32, #tpu.memory_space<vmem>>, vector<1x16xf32>,
      %while3A_1087 = arith.constant 0 : i32
      scf.yield %while3A_1087 : i32
    }
    %slice3A_382 = vector.extract_strided_slice %get3A_76 {offsets = [10], sizes = [1], strides = [1]} : vector<16xf32> to vector<1xf32>
    %squeeze3A_383 = vector.extract %slice3A_382[0] : f32 from vector<1xf32>
    %broadcast_in_dim3A_384 = vector.broadcast %squeeze3A_383 : f32 to vector<16xf32>
    %slice3A_385 = vector.extract_strided_slice %get3A_82 {offsets = [10], sizes = [1], strides = [1]} : vector<16xf32> to vector<1xf32>
    %squeeze3A_386 = vector.extract %slice3A_385[0] : f32 from vector<1xf32>
    %broadcast_in_dim3A_387 = vector.broadcast %squeeze3A_386 : f32 to vector<16xf32>
    %while3A_388 = arith.constant 0 : i32
    %while3A_389 = arith.constant 0 : i32
    %while3A_390 = arith.subi %select_n3A_48, %while3A_388 : i32
    %while3A_391 = arith.addi %while3A_388, %while3A_390 : i32
    %while3A_392 = arith.constant 1 : i32
    %while3A_393 = arith.divsi %while3A_390, %while3A_392 : i32
    %while3A_394 = arith.muli %while3A_393, %while3A_392 : i32
    %while3A_395 = arith.addi %while3A_388, %while3A_394 : i32
    %while3A_396 = arith.constant 1 : i32
    %while3A_397 = scf.for %while3A_1078 = %while3A_388 to %while3A_395 step %while3A_396 iter_args(%while3A_1079 = %while3A_389) -> (i32)  : i32 {
      %mul3A_1080 = arith.constant 16 : i32
      %mul3A_1081 = arith.muli %while3A_1078, %mul3A_1080 : i32
      %multiple_of3A = tpu.assume_multiple %mul3A_1081, 16 : i32
      %swap3A = arith.constant 10 : i32
      %swap3A_1082 = arith.index_cast %swap3A : i32 to index
      %swap3A_1083 = arith.index_cast %multiple_of3A : i32 to index
      %swap3A_1084 = tpu.vector_load %arg5[%swap3A_1082, %swap3A_1083] {strides = array<i32>} : memref<32x2048xf32, #tpu.memory_space<vmem>>, vector<1x16xf32>,
      %swap3A_1085 = vector.shape_cast %swap3A_1084 : vector<1x16xf32> to vector<16xf32>
      %swap3A_1086 = vector.shape_cast %broadcast_in_dim3A_384 : vector<16xf32> to vector<1x16xf32>
      tpu.vector_store %arg5[%swap3A_1082, %swap3A_1083], %swap3A_1086 {strides = array<i32>} : memref<32x2048xf32, #tpu.memory_space<vmem>>, vector<1x16xf32>,
      %while3A_1087 = arith.constant 0 : i32
      scf.yield %while3A_1087 : i32
    }
    %while3A_398 = arith.constant 1 : i32
    %while3A_399 = scf.for %while3A_1078 = %while3A_395 to %while3A_391 step %while3A_398 iter_args(%while3A_1079 = %while3A_397) -> (i32)  : i32 {
      %mul3A_1080 = arith.constant 16 : i32
      %mul3A_1081 = arith.muli %while3A_1078, %mul3A_1080 : i32
      %multiple_of3A = tpu.assume_multiple %mul3A_1081, 16 : i32
      %swap3A = arith.constant 10 : i32
      %swap3A_1082 = arith.index_cast %swap3A : i32 to index
      %swap3A_1083 = arith.index_cast %multiple_of3A : i32 to index
      %swap3A_1084 = tpu.vector_load %arg5[%swap3A_1082, %swap3A_1083] {strides = array<i32>} : memref<32x2048xf32, #tpu.memory_space<vmem>>, vector<1x16xf32>,
      %swap3A_1085 = vector.shape_cast %swap3A_1084 : vector<1x16xf32> to vector<16xf32>
      %swap3A_1086 = vector.shape_cast %broadcast_in_dim3A_384 : vector<16xf32> to vector<1x16xf32>
      tpu.vector_store %arg5[%swap3A_1082, %swap3A_1083], %swap3A_1086 {strides = array<i32>} : memref<32x2048xf32, #tpu.memory_space<vmem>>, vector<1x16xf32>,
      %while3A_1087 = arith.constant 0 : i32
      scf.yield %while3A_1087 : i32
    }
    %while3A_400 = arith.constant 128 : i32
    %while3A_401 = arith.constant 0 : i32
    %while3A_402 = arith.subi %while3A_400, %add3A_74 : i32
    %while3A_403 = arith.addi %add3A_74, %while3A_402 : i32
    %while3A_404 = arith.constant 1 : i32
    %while3A_405 = arith.divsi %while3A_402, %while3A_404 : i32
    %while3A_406 = arith.muli %while3A_405, %while3A_404 : i32
    %while3A_407 = arith.addi %add3A_74, %while3A_406 : i32
    %while3A_408 = arith.constant 1 : i32
    %while3A_409 = scf.for %while3A_1078 = %add3A_74 to %while3A_407 step %while3A_408 iter_args(%while3A_1079 = %while3A_401) -> (i32)  : i32 {
      %mul3A_1080 = arith.constant 16 : i32
      %mul3A_1081 = arith.muli %while3A_1078, %mul3A_1080 : i32
      %multiple_of3A = tpu.assume_multiple %mul3A_1081, 16 : i32
      %swap3A = arith.constant 10 : i32
      %swap3A_1082 = arith.index_cast %swap3A : i32 to index
      %swap3A_1083 = arith.index_cast %multiple_of3A : i32 to index
      %swap3A_1084 = tpu.vector_load %arg5[%swap3A_1082, %swap3A_1083] {strides = array<i32>} : memref<32x2048xf32, #tpu.memory_space<vmem>>, vector<1x16xf32>,
      %swap3A_1085 = vector.shape_cast %swap3A_1084 : vector<1x16xf32> to vector<16xf32>
      %swap3A_1086 = vector.shape_cast %broadcast_in_dim3A_387 : vector<16xf32> to vector<1x16xf32>
      tpu.vector_store %arg5[%swap3A_1082, %swap3A_1083], %swap3A_1086 {strides = array<i32>} : memref<32x2048xf32, #tpu.memory_space<vmem>>, vector<1x16xf32>,
      %while3A_1087 = arith.constant 0 : i32
      scf.yield %while3A_1087 : i32
    }
    %while3A_410 = arith.constant 1 : i32
    %while3A_411 = scf.for %while3A_1078 = %while3A_407 to %while3A_403 step %while3A_410 iter_args(%while3A_1079 = %while3A_409) -> (i32)  : i32 {
      %mul3A_1080 = arith.constant 16 : i32
      %mul3A_1081 = arith.muli %while3A_1078, %mul3A_1080 : i32
      %multiple_of3A = tpu.assume_multiple %mul3A_1081, 16 : i32
      %swap3A = arith.constant 10 : i32
      %swap3A_1082 = arith.index_cast %swap3A : i32 to index
      %swap3A_1083 = arith.index_cast %multiple_of3A : i32 to index
      %swap3A_1084 = tpu.vector_load %arg5[%swap3A_1082, %swap3A_1083] {strides = array<i32>} : memref<32x2048xf32, #tpu.memory_space<vmem>>, vector<1x16xf32>,
      %swap3A_1085 = vector.shape_cast %swap3A_1084 : vector<1x16xf32> to vector<16xf32>
      %swap3A_1086 = vector.shape_cast %broadcast_in_dim3A_387 : vector<16xf32> to vector<1x16xf32>
      tpu.vector_store %arg5[%swap3A_1082, %swap3A_1083], %swap3A_1086 {strides = array<i32>} : memref<32x2048xf32, #tpu.memory_space<vmem>>, vector<1x16xf32>,
      %while3A_1087 = arith.constant 0 : i32
      scf.yield %while3A_1087 : i32
    }
    %slice3A_412 = vector.extract_strided_slice %get3A_76 {offsets = [11], sizes = [1], strides = [1]} : vector<16xf32> to vector<1xf32>
    %squeeze3A_413 = vector.extract %slice3A_412[0] : f32 from vector<1xf32>
    %broadcast_in_dim3A_414 = vector.broadcast %squeeze3A_413 : f32 to vector<16xf32>
    %slice3A_415 = vector.extract_strided_slice %get3A_82 {offsets = [11], sizes = [1], strides = [1]} : vector<16xf32> to vector<1xf32>
    %squeeze3A_416 = vector.extract %slice3A_415[0] : f32 from vector<1xf32>
    %broadcast_in_dim3A_417 = vector.broadcast %squeeze3A_416 : f32 to vector<16xf32>
    %while3A_418 = arith.constant 0 : i32
    %while3A_419 = arith.constant 0 : i32
    %while3A_420 = arith.subi %select_n3A_48, %while3A_418 : i32
    %while3A_421 = arith.addi %while3A_418, %while3A_420 : i32
    %while3A_422 = arith.constant 1 : i32
    %while3A_423 = arith.divsi %while3A_420, %while3A_422 : i32
    %while3A_424 = arith.muli %while3A_423, %while3A_422 : i32
    %while3A_425 = arith.addi %while3A_418, %while3A_424 : i32
    %while3A_426 = arith.constant 1 : i32
    %while3A_427 = scf.for %while3A_1078 = %while3A_418 to %while3A_425 step %while3A_426 iter_args(%while3A_1079 = %while3A_419) -> (i32)  : i32 {
      %mul3A_1080 = arith.constant 16 : i32
      %mul3A_1081 = arith.muli %while3A_1078, %mul3A_1080 : i32
      %multiple_of3A = tpu.assume_multiple %mul3A_1081, 16 : i32
      %swap3A = arith.constant 11 : i32
      %swap3A_1082 = arith.index_cast %swap3A : i32 to index
      %swap3A_1083 = arith.index_cast %multiple_of3A : i32 to index
      %swap3A_1084 = tpu.vector_load %arg5[%swap3A_1082, %swap3A_1083] {strides = array<i32>} : memref<32x2048xf32, #tpu.memory_space<vmem>>, vector<1x16xf32>,
      %swap3A_1085 = vector.shape_cast %swap3A_1084 : vector<1x16xf32> to vector<16xf32>
      %swap3A_1086 = vector.shape_cast %broadcast_in_dim3A_414 : vector<16xf32> to vector<1x16xf32>
      tpu.vector_store %arg5[%swap3A_1082, %swap3A_1083], %swap3A_1086 {strides = array<i32>} : memref<32x2048xf32, #tpu.memory_space<vmem>>, vector<1x16xf32>,
      %while3A_1087 = arith.constant 0 : i32
      scf.yield %while3A_1087 : i32
    }
    %while3A_428 = arith.constant 1 : i32
    %while3A_429 = scf.for %while3A_1078 = %while3A_425 to %while3A_421 step %while3A_428 iter_args(%while3A_1079 = %while3A_427) -> (i32)  : i32 {
      %mul3A_1080 = arith.constant 16 : i32
      %mul3A_1081 = arith.muli %while3A_1078, %mul3A_1080 : i32
      %multiple_of3A = tpu.assume_multiple %mul3A_1081, 16 : i32
      %swap3A = arith.constant 11 : i32
      %swap3A_1082 = arith.index_cast %swap3A : i32 to index
      %swap3A_1083 = arith.index_cast %multiple_of3A : i32 to index
      %swap3A_1084 = tpu.vector_load %arg5[%swap3A_1082, %swap3A_1083] {strides = array<i32>} : memref<32x2048xf32, #tpu.memory_space<vmem>>, vector<1x16xf32>,
      %swap3A_1085 = vector.shape_cast %swap3A_1084 : vector<1x16xf32> to vector<16xf32>
      %swap3A_1086 = vector.shape_cast %broadcast_in_dim3A_414 : vector<16xf32> to vector<1x16xf32>
      tpu.vector_store %arg5[%swap3A_1082, %swap3A_1083], %swap3A_1086 {strides = array<i32>} : memref<32x2048xf32, #tpu.memory_space<vmem>>, vector<1x16xf32>,
      %while3A_1087 = arith.constant 0 : i32
      scf.yield %while3A_1087 : i32
    }
    %while3A_430 = arith.constant 128 : i32
    %while3A_431 = arith.constant 0 : i32
    %while3A_432 = arith.subi %while3A_430, %add3A_74 : i32
    %while3A_433 = arith.addi %add3A_74, %while3A_432 : i32
    %while3A_434 = arith.constant 1 : i32
    %while3A_435 = arith.divsi %while3A_432, %while3A_434 : i32
    %while3A_436 = arith.muli %while3A_435, %while3A_434 : i32
    %while3A_437 = arith.addi %add3A_74, %while3A_436 : i32
    %while3A_438 = arith.constant 1 : i32
    %while3A_439 = scf.for %while3A_1078 = %add3A_74 to %while3A_437 step %while3A_438 iter_args(%while3A_1079 = %while3A_431) -> (i32)  : i32 {
      %mul3A_1080 = arith.constant 16 : i32
      %mul3A_1081 = arith.muli %while3A_1078, %mul3A_1080 : i32
      %multiple_of3A = tpu.assume_multiple %mul3A_1081, 16 : i32
      %swap3A = arith.constant 11 : i32
      %swap3A_1082 = arith.index_cast %swap3A : i32 to index
      %swap3A_1083 = arith.index_cast %multiple_of3A : i32 to index
      %swap3A_1084 = tpu.vector_load %arg5[%swap3A_1082, %swap3A_1083] {strides = array<i32>} : memref<32x2048xf32, #tpu.memory_space<vmem>>, vector<1x16xf32>,
      %swap3A_1085 = vector.shape_cast %swap3A_1084 : vector<1x16xf32> to vector<16xf32>
      %swap3A_1086 = vector.shape_cast %broadcast_in_dim3A_417 : vector<16xf32> to vector<1x16xf32>
      tpu.vector_store %arg5[%swap3A_1082, %swap3A_1083], %swap3A_1086 {strides = array<i32>} : memref<32x2048xf32, #tpu.memory_space<vmem>>, vector<1x16xf32>,
      %while3A_1087 = arith.constant 0 : i32
      scf.yield %while3A_1087 : i32
    }
    %while3A_440 = arith.constant 1 : i32
    %while3A_441 = scf.for %while3A_1078 = %while3A_437 to %while3A_433 step %while3A_440 iter_args(%while3A_1079 = %while3A_439) -> (i32)  : i32 {
      %mul3A_1080 = arith.constant 16 : i32
      %mul3A_1081 = arith.muli %while3A_1078, %mul3A_1080 : i32
      %multiple_of3A = tpu.assume_multiple %mul3A_1081, 16 : i32
      %swap3A = arith.constant 11 : i32
      %swap3A_1082 = arith.index_cast %swap3A : i32 to index
      %swap3A_1083 = arith.index_cast %multiple_of3A : i32 to index
      %swap3A_1084 = tpu.vector_load %arg5[%swap3A_1082, %swap3A_1083] {strides = array<i32>} : memref<32x2048xf32, #tpu.memory_space<vmem>>, vector<1x16xf32>,
      %swap3A_1085 = vector.shape_cast %swap3A_1084 : vector<1x16xf32> to vector<16xf32>
      %swap3A_1086 = vector.shape_cast %broadcast_in_dim3A_417 : vector<16xf32> to vector<1x16xf32>
      tpu.vector_store %arg5[%swap3A_1082, %swap3A_1083], %swap3A_1086 {strides = array<i32>} : memref<32x2048xf32, #tpu.memory_space<vmem>>, vector<1x16xf32>,
      %while3A_1087 = arith.constant 0 : i32
      scf.yield %while3A_1087 : i32
    }
    %slice3A_442 = vector.extract_strided_slice %get3A_76 {offsets = [12], sizes = [1], strides = [1]} : vector<16xf32> to vector<1xf32>
    %squeeze3A_443 = vector.extract %slice3A_442[0] : f32 from vector<1xf32>
    %broadcast_in_dim3A_444 = vector.broadcast %squeeze3A_443 : f32 to vector<16xf32>
    %slice3A_445 = vector.extract_strided_slice %get3A_82 {offsets = [12], sizes = [1], strides = [1]} : vector<16xf32> to vector<1xf32>
    %squeeze3A_446 = vector.extract %slice3A_445[0] : f32 from vector<1xf32>
    %broadcast_in_dim3A_447 = vector.broadcast %squeeze3A_446 : f32 to vector<16xf32>
    %while3A_448 = arith.constant 0 : i32
    %while3A_449 = arith.constant 0 : i32
    %while3A_450 = arith.subi %select_n3A_48, %while3A_448 : i32
    %while3A_451 = arith.addi %while3A_448, %while3A_450 : i32
    %while3A_452 = arith.constant 1 : i32
    %while3A_453 = arith.divsi %while3A_450, %while3A_452 : i32
    %while3A_454 = arith.muli %while3A_453, %while3A_452 : i32
    %while3A_455 = arith.addi %while3A_448, %while3A_454 : i32
    %while3A_456 = arith.constant 1 : i32
    %while3A_457 = scf.for %while3A_1078 = %while3A_448 to %while3A_455 step %while3A_456 iter_args(%while3A_1079 = %while3A_449) -> (i32)  : i32 {
      %mul3A_1080 = arith.constant 16 : i32
      %mul3A_1081 = arith.muli %while3A_1078, %mul3A_1080 : i32
      %multiple_of3A = tpu.assume_multiple %mul3A_1081, 16 : i32
      %swap3A = arith.constant 12 : i32
      %swap3A_1082 = arith.index_cast %swap3A : i32 to index
      %swap3A_1083 = arith.index_cast %multiple_of3A : i32 to index
      %swap3A_1084 = tpu.vector_load %arg5[%swap3A_1082, %swap3A_1083] {strides = array<i32>} : memref<32x2048xf32, #tpu.memory_space<vmem>>, vector<1x16xf32>,
      %swap3A_1085 = vector.shape_cast %swap3A_1084 : vector<1x16xf32> to vector<16xf32>
      %swap3A_1086 = vector.shape_cast %broadcast_in_dim3A_444 : vector<16xf32> to vector<1x16xf32>
      tpu.vector_store %arg5[%swap3A_1082, %swap3A_1083], %swap3A_1086 {strides = array<i32>} : memref<32x2048xf32, #tpu.memory_space<vmem>>, vector<1x16xf32>,
      %while3A_1087 = arith.constant 0 : i32
      scf.yield %while3A_1087 : i32
    }
    %while3A_458 = arith.constant 1 : i32
    %while3A_459 = scf.for %while3A_1078 = %while3A_455 to %while3A_451 step %while3A_458 iter_args(%while3A_1079 = %while3A_457) -> (i32)  : i32 {
      %mul3A_1080 = arith.constant 16 : i32
      %mul3A_1081 = arith.muli %while3A_1078, %mul3A_1080 : i32
      %multiple_of3A = tpu.assume_multiple %mul3A_1081, 16 : i32
      %swap3A = arith.constant 12 : i32
      %swap3A_1082 = arith.index_cast %swap3A : i32 to index
      %swap3A_1083 = arith.index_cast %multiple_of3A : i32 to index
      %swap3A_1084 = tpu.vector_load %arg5[%swap3A_1082, %swap3A_1083] {strides = array<i32>} : memref<32x2048xf32, #tpu.memory_space<vmem>>, vector<1x16xf32>,
      %swap3A_1085 = vector.shape_cast %swap3A_1084 : vector<1x16xf32> to vector<16xf32>
      %swap3A_1086 = vector.shape_cast %broadcast_in_dim3A_444 : vector<16xf32> to vector<1x16xf32>
      tpu.vector_store %arg5[%swap3A_1082, %swap3A_1083], %swap3A_1086 {strides = array<i32>} : memref<32x2048xf32, #tpu.memory_space<vmem>>, vector<1x16xf32>,
      %while3A_1087 = arith.constant 0 : i32
      scf.yield %while3A_1087 : i32
    }
    %while3A_460 = arith.constant 128 : i32
    %while3A_461 = arith.constant 0 : i32
    %while3A_462 = arith.subi %while3A_460, %add3A_74 : i32
    %while3A_463 = arith.addi %add3A_74, %while3A_462 : i32
    %while3A_464 = arith.constant 1 : i32
    %while3A_465 = arith.divsi %while3A_462, %while3A_464 : i32
    %while3A_466 = arith.muli %while3A_465, %while3A_464 : i32
    %while3A_467 = arith.addi %add3A_74, %while3A_466 : i32
    %while3A_468 = arith.constant 1 : i32
    %while3A_469 = scf.for %while3A_1078 = %add3A_74 to %while3A_467 step %while3A_468 iter_args(%while3A_1079 = %while3A_461) -> (i32)  : i32 {
      %mul3A_1080 = arith.constant 16 : i32
      %mul3A_1081 = arith.muli %while3A_1078, %mul3A_1080 : i32
      %multiple_of3A = tpu.assume_multiple %mul3A_1081, 16 : i32
      %swap3A = arith.constant 12 : i32
      %swap3A_1082 = arith.index_cast %swap3A : i32 to index
      %swap3A_1083 = arith.index_cast %multiple_of3A : i32 to index
      %swap3A_1084 = tpu.vector_load %arg5[%swap3A_1082, %swap3A_1083] {strides = array<i32>} : memref<32x2048xf32, #tpu.memory_space<vmem>>, vector<1x16xf32>,
      %swap3A_1085 = vector.shape_cast %swap3A_1084 : vector<1x16xf32> to vector<16xf32>
      %swap3A_1086 = vector.shape_cast %broadcast_in_dim3A_447 : vector<16xf32> to vector<1x16xf32>
      tpu.vector_store %arg5[%swap3A_1082, %swap3A_1083], %swap3A_1086 {strides = array<i32>} : memref<32x2048xf32, #tpu.memory_space<vmem>>, vector<1x16xf32>,
      %while3A_1087 = arith.constant 0 : i32
      scf.yield %while3A_1087 : i32
    }
    %while3A_470 = arith.constant 1 : i32
    %while3A_471 = scf.for %while3A_1078 = %while3A_467 to %while3A_463 step %while3A_470 iter_args(%while3A_1079 = %while3A_469) -> (i32)  : i32 {
      %mul3A_1080 = arith.constant 16 : i32
      %mul3A_1081 = arith.muli %while3A_1078, %mul3A_1080 : i32
      %multiple_of3A = tpu.assume_multiple %mul3A_1081, 16 : i32
      %swap3A = arith.constant 12 : i32
      %swap3A_1082 = arith.index_cast %swap3A : i32 to index
      %swap3A_1083 = arith.index_cast %multiple_of3A : i32 to index
      %swap3A_1084 = tpu.vector_load %arg5[%swap3A_1082, %swap3A_1083] {strides = array<i32>} : memref<32x2048xf32, #tpu.memory_space<vmem>>, vector<1x16xf32>,
      %swap3A_1085 = vector.shape_cast %swap3A_1084 : vector<1x16xf32> to vector<16xf32>
      %swap3A_1086 = vector.shape_cast %broadcast_in_dim3A_447 : vector<16xf32> to vector<1x16xf32>
      tpu.vector_store %arg5[%swap3A_1082, %swap3A_1083], %swap3A_1086 {strides = array<i32>} : memref<32x2048xf32, #tpu.memory_space<vmem>>, vector<1x16xf32>,
      %while3A_1087 = arith.constant 0 : i32
      scf.yield %while3A_1087 : i32
    }
    %slice3A_472 = vector.extract_strided_slice %get3A_76 {offsets = [13], sizes = [1], strides = [1]} : vector<16xf32> to vector<1xf32>
    %squeeze3A_473 = vector.extract %slice3A_472[0] : f32 from vector<1xf32>
    %broadcast_in_dim3A_474 = vector.broadcast %squeeze3A_473 : f32 to vector<16xf32>
    %slice3A_475 = vector.extract_strided_slice %get3A_82 {offsets = [13], sizes = [1], strides = [1]} : vector<16xf32> to vector<1xf32>
    %squeeze3A_476 = vector.extract %slice3A_475[0] : f32 from vector<1xf32>
    %broadcast_in_dim3A_477 = vector.broadcast %squeeze3A_476 : f32 to vector<16xf32>
    %while3A_478 = arith.constant 0 : i32
    %while3A_479 = arith.constant 0 : i32
    %while3A_480 = arith.subi %select_n3A_48, %while3A_478 : i32
    %while3A_481 = arith.addi %while3A_478, %while3A_480 : i32
    %while3A_482 = arith.constant 1 : i32
    %while3A_483 = arith.divsi %while3A_480, %while3A_482 : i32
    %while3A_484 = arith.muli %while3A_483, %while3A_482 : i32
    %while3A_485 = arith.addi %while3A_478, %while3A_484 : i32
    %while3A_486 = arith.constant 1 : i32
    %while3A_487 = scf.for %while3A_1078 = %while3A_478 to %while3A_485 step %while3A_486 iter_args(%while3A_1079 = %while3A_479) -> (i32)  : i32 {
      %mul3A_1080 = arith.constant 16 : i32
      %mul3A_1081 = arith.muli %while3A_1078, %mul3A_1080 : i32
      %multiple_of3A = tpu.assume_multiple %mul3A_1081, 16 : i32
      %swap3A = arith.constant 13 : i32
      %swap3A_1082 = arith.index_cast %swap3A : i32 to index
      %swap3A_1083 = arith.index_cast %multiple_of3A : i32 to index
      %swap3A_1084 = tpu.vector_load %arg5[%swap3A_1082, %swap3A_1083] {strides = array<i32>} : memref<32x2048xf32, #tpu.memory_space<vmem>>, vector<1x16xf32>,
      %swap3A_1085 = vector.shape_cast %swap3A_1084 : vector<1x16xf32> to vector<16xf32>
      %swap3A_1086 = vector.shape_cast %broadcast_in_dim3A_474 : vector<16xf32> to vector<1x16xf32>
      tpu.vector_store %arg5[%swap3A_1082, %swap3A_1083], %swap3A_1086 {strides = array<i32>} : memref<32x2048xf32, #tpu.memory_space<vmem>>, vector<1x16xf32>,
      %while3A_1087 = arith.constant 0 : i32
      scf.yield %while3A_1087 : i32
    }
    %while3A_488 = arith.constant 1 : i32
    %while3A_489 = scf.for %while3A_1078 = %while3A_485 to %while3A_481 step %while3A_488 iter_args(%while3A_1079 = %while3A_487) -> (i32)  : i32 {
      %mul3A_1080 = arith.constant 16 : i32
      %mul3A_1081 = arith.muli %while3A_1078, %mul3A_1080 : i32
      %multiple_of3A = tpu.assume_multiple %mul3A_1081, 16 : i32
      %swap3A = arith.constant 13 : i32
      %swap3A_1082 = arith.index_cast %swap3A : i32 to index
      %swap3A_1083 = arith.index_cast %multiple_of3A : i32 to index
      %swap3A_1084 = tpu.vector_load %arg5[%swap3A_1082, %swap3A_1083] {strides = array<i32>} : memref<32x2048xf32, #tpu.memory_space<vmem>>, vector<1x16xf32>,
      %swap3A_1085 = vector.shape_cast %swap3A_1084 : vector<1x16xf32> to vector<16xf32>
      %swap3A_1086 = vector.shape_cast %broadcast_in_dim3A_474 : vector<16xf32> to vector<1x16xf32>
      tpu.vector_store %arg5[%swap3A_1082, %swap3A_1083], %swap3A_1086 {strides = array<i32>} : memref<32x2048xf32, #tpu.memory_space<vmem>>, vector<1x16xf32>,
      %while3A_1087 = arith.constant 0 : i32
      scf.yield %while3A_1087 : i32
    }
    %while3A_490 = arith.constant 128 : i32
    %while3A_491 = arith.constant 0 : i32
    %while3A_492 = arith.subi %while3A_490, %add3A_74 : i32
    %while3A_493 = arith.addi %add3A_74, %while3A_492 : i32
    %while3A_494 = arith.constant 1 : i32
    %while3A_495 = arith.divsi %while3A_492, %while3A_494 : i32
    %while3A_496 = arith.muli %while3A_495, %while3A_494 : i32
    %while3A_497 = arith.addi %add3A_74, %while3A_496 : i32
    %while3A_498 = arith.constant 1 : i32
    %while3A_499 = scf.for %while3A_1078 = %add3A_74 to %while3A_497 step %while3A_498 iter_args(%while3A_1079 = %while3A_491) -> (i32)  : i32 {
      %mul3A_1080 = arith.constant 16 : i32
      %mul3A_1081 = arith.muli %while3A_1078, %mul3A_1080 : i32
      %multiple_of3A = tpu.assume_multiple %mul3A_1081, 16 : i32
      %swap3A = arith.constant 13 : i32
      %swap3A_1082 = arith.index_cast %swap3A : i32 to index
      %swap3A_1083 = arith.index_cast %multiple_of3A : i32 to index
      %swap3A_1084 = tpu.vector_load %arg5[%swap3A_1082, %swap3A_1083] {strides = array<i32>} : memref<32x2048xf32, #tpu.memory_space<vmem>>, vector<1x16xf32>,
      %swap3A_1085 = vector.shape_cast %swap3A_1084 : vector<1x16xf32> to vector<16xf32>
      %swap3A_1086 = vector.shape_cast %broadcast_in_dim3A_477 : vector<16xf32> to vector<1x16xf32>
      tpu.vector_store %arg5[%swap3A_1082, %swap3A_1083], %swap3A_1086 {strides = array<i32>} : memref<32x2048xf32, #tpu.memory_space<vmem>>, vector<1x16xf32>,
      %while3A_1087 = arith.constant 0 : i32
      scf.yield %while3A_1087 : i32
    }
    %while3A_500 = arith.constant 1 : i32
    %while3A_501 = scf.for %while3A_1078 = %while3A_497 to %while3A_493 step %while3A_500 iter_args(%while3A_1079 = %while3A_499) -> (i32)  : i32 {
      %mul3A_1080 = arith.constant 16 : i32
      %mul3A_1081 = arith.muli %while3A_1078, %mul3A_1080 : i32
      %multiple_of3A = tpu.assume_multiple %mul3A_1081, 16 : i32
      %swap3A = arith.constant 13 : i32
      %swap3A_1082 = arith.index_cast %swap3A : i32 to index
      %swap3A_1083 = arith.index_cast %multiple_of3A : i32 to index
      %swap3A_1084 = tpu.vector_load %arg5[%swap3A_1082, %swap3A_1083] {strides = array<i32>} : memref<32x2048xf32, #tpu.memory_space<vmem>>, vector<1x16xf32>,
      %swap3A_1085 = vector.shape_cast %swap3A_1084 : vector<1x16xf32> to vector<16xf32>
      %swap3A_1086 = vector.shape_cast %broadcast_in_dim3A_477 : vector<16xf32> to vector<1x16xf32>
      tpu.vector_store %arg5[%swap3A_1082, %swap3A_1083], %swap3A_1086 {strides = array<i32>} : memref<32x2048xf32, #tpu.memory_space<vmem>>, vector<1x16xf32>,
      %while3A_1087 = arith.constant 0 : i32
      scf.yield %while3A_1087 : i32
    }
    %slice3A_502 = vector.extract_strided_slice %get3A_76 {offsets = [14], sizes = [1], strides = [1]} : vector<16xf32> to vector<1xf32>
    %squeeze3A_503 = vector.extract %slice3A_502[0] : f32 from vector<1xf32>
    %broadcast_in_dim3A_504 = vector.broadcast %squeeze3A_503 : f32 to vector<16xf32>
    %slice3A_505 = vector.extract_strided_slice %get3A_82 {offsets = [14], sizes = [1], strides = [1]} : vector<16xf32> to vector<1xf32>
    %squeeze3A_506 = vector.extract %slice3A_505[0] : f32 from vector<1xf32>
    %broadcast_in_dim3A_507 = vector.broadcast %squeeze3A_506 : f32 to vector<16xf32>
    %while3A_508 = arith.constant 0 : i32
    %while3A_509 = arith.constant 0 : i32
    %while3A_510 = arith.subi %select_n3A_48, %while3A_508 : i32
    %while3A_511 = arith.addi %while3A_508, %while3A_510 : i32
    %while3A_512 = arith.constant 1 : i32
    %while3A_513 = arith.divsi %while3A_510, %while3A_512 : i32
    %while3A_514 = arith.muli %while3A_513, %while3A_512 : i32
    %while3A_515 = arith.addi %while3A_508, %while3A_514 : i32
    %while3A_516 = arith.constant 1 : i32
    %while3A_517 = scf.for %while3A_1078 = %while3A_508 to %while3A_515 step %while3A_516 iter_args(%while3A_1079 = %while3A_509) -> (i32)  : i32 {
      %mul3A_1080 = arith.constant 16 : i32
      %mul3A_1081 = arith.muli %while3A_1078, %mul3A_1080 : i32
      %multiple_of3A = tpu.assume_multiple %mul3A_1081, 16 : i32
      %swap3A = arith.constant 14 : i32
      %swap3A_1082 = arith.index_cast %swap3A : i32 to index
      %swap3A_1083 = arith.index_cast %multiple_of3A : i32 to index
      %swap3A_1084 = tpu.vector_load %arg5[%swap3A_1082, %swap3A_1083] {strides = array<i32>} : memref<32x2048xf32, #tpu.memory_space<vmem>>, vector<1x16xf32>,
      %swap3A_1085 = vector.shape_cast %swap3A_1084 : vector<1x16xf32> to vector<16xf32>
      %swap3A_1086 = vector.shape_cast %broadcast_in_dim3A_504 : vector<16xf32> to vector<1x16xf32>
      tpu.vector_store %arg5[%swap3A_1082, %swap3A_1083], %swap3A_1086 {strides = array<i32>} : memref<32x2048xf32, #tpu.memory_space<vmem>>, vector<1x16xf32>,
      %while3A_1087 = arith.constant 0 : i32
      scf.yield %while3A_1087 : i32
    }
    %while3A_518 = arith.constant 1 : i32
    %while3A_519 = scf.for %while3A_1078 = %while3A_515 to %while3A_511 step %while3A_518 iter_args(%while3A_1079 = %while3A_517) -> (i32)  : i32 {
      %mul3A_1080 = arith.constant 16 : i32
      %mul3A_1081 = arith.muli %while3A_1078, %mul3A_1080 : i32
      %multiple_of3A = tpu.assume_multiple %mul3A_1081, 16 : i32
      %swap3A = arith.constant 14 : i32
      %swap3A_1082 = arith.index_cast %swap3A : i32 to index
      %swap3A_1083 = arith.index_cast %multiple_of3A : i32 to index
      %swap3A_1084 = tpu.vector_load %arg5[%swap3A_1082, %swap3A_1083] {strides = array<i32>} : memref<32x2048xf32, #tpu.memory_space<vmem>>, vector<1x16xf32>,
      %swap3A_1085 = vector.shape_cast %swap3A_1084 : vector<1x16xf32> to vector<16xf32>
      %swap3A_1086 = vector.shape_cast %broadcast_in_dim3A_504 : vector<16xf32> to vector<1x16xf32>
      tpu.vector_store %arg5[%swap3A_1082, %swap3A_1083], %swap3A_1086 {strides = array<i32>} : memref<32x2048xf32, #tpu.memory_space<vmem>>, vector<1x16xf32>,
      %while3A_1087 = arith.constant 0 : i32
      scf.yield %while3A_1087 : i32
    }
    %while3A_520 = arith.constant 128 : i32
    %while3A_521 = arith.constant 0 : i32
    %while3A_522 = arith.subi %while3A_520, %add3A_74 : i32
    %while3A_523 = arith.addi %add3A_74, %while3A_522 : i32
    %while3A_524 = arith.constant 1 : i32
    %while3A_525 = arith.divsi %while3A_522, %while3A_524 : i32
    %while3A_526 = arith.muli %while3A_525, %while3A_524 : i32
    %while3A_527 = arith.addi %add3A_74, %while3A_526 : i32
    %while3A_528 = arith.constant 1 : i32
    %while3A_529 = scf.for %while3A_1078 = %add3A_74 to %while3A_527 step %while3A_528 iter_args(%while3A_1079 = %while3A_521) -> (i32)  : i32 {
      %mul3A_1080 = arith.constant 16 : i32
      %mul3A_1081 = arith.muli %while3A_1078, %mul3A_1080 : i32
      %multiple_of3A = tpu.assume_multiple %mul3A_1081, 16 : i32
      %swap3A = arith.constant 14 : i32
      %swap3A_1082 = arith.index_cast %swap3A : i32 to index
      %swap3A_1083 = arith.index_cast %multiple_of3A : i32 to index
      %swap3A_1084 = tpu.vector_load %arg5[%swap3A_1082, %swap3A_1083] {strides = array<i32>} : memref<32x2048xf32, #tpu.memory_space<vmem>>, vector<1x16xf32>,
      %swap3A_1085 = vector.shape_cast %swap3A_1084 : vector<1x16xf32> to vector<16xf32>
      %swap3A_1086 = vector.shape_cast %broadcast_in_dim3A_507 : vector<16xf32> to vector<1x16xf32>
      tpu.vector_store %arg5[%swap3A_1082, %swap3A_1083], %swap3A_1086 {strides = array<i32>} : memref<32x2048xf32, #tpu.memory_space<vmem>>, vector<1x16xf32>,
      %while3A_1087 = arith.constant 0 : i32
      scf.yield %while3A_1087 : i32
    }
    %while3A_530 = arith.constant 1 : i32
    %while3A_531 = scf.for %while3A_1078 = %while3A_527 to %while3A_523 step %while3A_530 iter_args(%while3A_1079 = %while3A_529) -> (i32)  : i32 {
      %mul3A_1080 = arith.constant 16 : i32
      %mul3A_1081 = arith.muli %while3A_1078, %mul3A_1080 : i32
      %multiple_of3A = tpu.assume_multiple %mul3A_1081, 16 : i32
      %swap3A = arith.constant 14 : i32
      %swap3A_1082 = arith.index_cast %swap3A : i32 to index
      %swap3A_1083 = arith.index_cast %multiple_of3A : i32 to index
      %swap3A_1084 = tpu.vector_load %arg5[%swap3A_1082, %swap3A_1083] {strides = array<i32>} : memref<32x2048xf32, #tpu.memory_space<vmem>>, vector<1x16xf32>,
      %swap3A_1085 = vector.shape_cast %swap3A_1084 : vector<1x16xf32> to vector<16xf32>
      %swap3A_1086 = vector.shape_cast %broadcast_in_dim3A_507 : vector<16xf32> to vector<1x16xf32>
      tpu.vector_store %arg5[%swap3A_1082, %swap3A_1083], %swap3A_1086 {strides = array<i32>} : memref<32x2048xf32, #tpu.memory_space<vmem>>, vector<1x16xf32>,
      %while3A_1087 = arith.constant 0 : i32
      scf.yield %while3A_1087 : i32
    }
    %slice3A_532 = vector.extract_strided_slice %get3A_76 {offsets = [15], sizes = [1], strides = [1]} : vector<16xf32> to vector<1xf32>
    %squeeze3A_533 = vector.extract %slice3A_532[0] : f32 from vector<1xf32>
    %broadcast_in_dim3A_534 = vector.broadcast %squeeze3A_533 : f32 to vector<16xf32>
    %slice3A_535 = vector.extract_strided_slice %get3A_82 {offsets = [15], sizes = [1], strides = [1]} : vector<16xf32> to vector<1xf32>
    %squeeze3A_536 = vector.extract %slice3A_535[0] : f32 from vector<1xf32>
    %broadcast_in_dim3A_537 = vector.broadcast %squeeze3A_536 : f32 to vector<16xf32>
    %while3A_538 = arith.constant 0 : i32
    %while3A_539 = arith.constant 0 : i32
    %while3A_540 = arith.subi %select_n3A_48, %while3A_538 : i32
    %while3A_541 = arith.addi %while3A_538, %while3A_540 : i32
    %while3A_542 = arith.constant 1 : i32
    %while3A_543 = arith.divsi %while3A_540, %while3A_542 : i32
    %while3A_544 = arith.muli %while3A_543, %while3A_542 : i32
    %while3A_545 = arith.addi %while3A_538, %while3A_544 : i32
    %while3A_546 = arith.constant 1 : i32
    %while3A_547 = scf.for %while3A_1078 = %while3A_538 to %while3A_545 step %while3A_546 iter_args(%while3A_1079 = %while3A_539) -> (i32)  : i32 {
      %mul3A_1080 = arith.constant 16 : i32
      %mul3A_1081 = arith.muli %while3A_1078, %mul3A_1080 : i32
      %multiple_of3A = tpu.assume_multiple %mul3A_1081, 16 : i32
      %swap3A = arith.constant 15 : i32
      %swap3A_1082 = arith.index_cast %swap3A : i32 to index
      %swap3A_1083 = arith.index_cast %multiple_of3A : i32 to index
      %swap3A_1084 = tpu.vector_load %arg5[%swap3A_1082, %swap3A_1083] {strides = array<i32>} : memref<32x2048xf32, #tpu.memory_space<vmem>>, vector<1x16xf32>,
      %swap3A_1085 = vector.shape_cast %swap3A_1084 : vector<1x16xf32> to vector<16xf32>
      %swap3A_1086 = vector.shape_cast %broadcast_in_dim3A_534 : vector<16xf32> to vector<1x16xf32>
      tpu.vector_store %arg5[%swap3A_1082, %swap3A_1083], %swap3A_1086 {strides = array<i32>} : memref<32x2048xf32, #tpu.memory_space<vmem>>, vector<1x16xf32>,
      %while3A_1087 = arith.constant 0 : i32
      scf.yield %while3A_1087 : i32
    }
    %while3A_548 = arith.constant 1 : i32
    %while3A_549 = scf.for %while3A_1078 = %while3A_545 to %while3A_541 step %while3A_548 iter_args(%while3A_1079 = %while3A_547) -> (i32)  : i32 {
      %mul3A_1080 = arith.constant 16 : i32
      %mul3A_1081 = arith.muli %while3A_1078, %mul3A_1080 : i32
      %multiple_of3A = tpu.assume_multiple %mul3A_1081, 16 : i32
      %swap3A = arith.constant 15 : i32
      %swap3A_1082 = arith.index_cast %swap3A : i32 to index
      %swap3A_1083 = arith.index_cast %multiple_of3A : i32 to index
      %swap3A_1084 = tpu.vector_load %arg5[%swap3A_1082, %swap3A_1083] {strides = array<i32>} : memref<32x2048xf32, #tpu.memory_space<vmem>>, vector<1x16xf32>,
      %swap3A_1085 = vector.shape_cast %swap3A_1084 : vector<1x16xf32> to vector<16xf32>
      %swap3A_1086 = vector.shape_cast %broadcast_in_dim3A_534 : vector<16xf32> to vector<1x16xf32>
      tpu.vector_store %arg5[%swap3A_1082, %swap3A_1083], %swap3A_1086 {strides = array<i32>} : memref<32x2048xf32, #tpu.memory_space<vmem>>, vector<1x16xf32>,
      %while3A_1087 = arith.constant 0 : i32
      scf.yield %while3A_1087 : i32
    }
    %while3A_550 = arith.constant 128 : i32
    %while3A_551 = arith.constant 0 : i32
    %while3A_552 = arith.subi %while3A_550, %add3A_74 : i32
    %while3A_553 = arith.addi %add3A_74, %while3A_552 : i32
    %while3A_554 = arith.constant 1 : i32
    %while3A_555 = arith.divsi %while3A_552, %while3A_554 : i32
    %while3A_556 = arith.muli %while3A_555, %while3A_554 : i32
    %while3A_557 = arith.addi %add3A_74, %while3A_556 : i32
    %while3A_558 = arith.constant 1 : i32
    %while3A_559 = scf.for %while3A_1078 = %add3A_74 to %while3A_557 step %while3A_558 iter_args(%while3A_1079 = %while3A_551) -> (i32)  : i32 {
      %mul3A_1080 = arith.constant 16 : i32
      %mul3A_1081 = arith.muli %while3A_1078, %mul3A_1080 : i32
      %multiple_of3A = tpu.assume_multiple %mul3A_1081, 16 : i32
      %swap3A = arith.constant 15 : i32
      %swap3A_1082 = arith.index_cast %swap3A : i32 to index
      %swap3A_1083 = arith.index_cast %multiple_of3A : i32 to index
      %swap3A_1084 = tpu.vector_load %arg5[%swap3A_1082, %swap3A_1083] {strides = array<i32>} : memref<32x2048xf32, #tpu.memory_space<vmem>>, vector<1x16xf32>,
      %swap3A_1085 = vector.shape_cast %swap3A_1084 : vector<1x16xf32> to vector<16xf32>
      %swap3A_1086 = vector.shape_cast %broadcast_in_dim3A_537 : vector<16xf32> to vector<1x16xf32>
      tpu.vector_store %arg5[%swap3A_1082, %swap3A_1083], %swap3A_1086 {strides = array<i32>} : memref<32x2048xf32, #tpu.memory_space<vmem>>, vector<1x16xf32>,
      %while3A_1087 = arith.constant 0 : i32
      scf.yield %while3A_1087 : i32
    }
    %while3A_560 = arith.constant 1 : i32
    %while3A_561 = scf.for %while3A_1078 = %while3A_557 to %while3A_553 step %while3A_560 iter_args(%while3A_1079 = %while3A_559) -> (i32)  : i32 {
      %mul3A_1080 = arith.constant 16 : i32
      %mul3A_1081 = arith.muli %while3A_1078, %mul3A_1080 : i32
      %multiple_of3A = tpu.assume_multiple %mul3A_1081, 16 : i32
      %swap3A = arith.constant 15 : i32
      %swap3A_1082 = arith.index_cast %swap3A : i32 to index
      %swap3A_1083 = arith.index_cast %multiple_of3A : i32 to index
      %swap3A_1084 = tpu.vector_load %arg5[%swap3A_1082, %swap3A_1083] {strides = array<i32>} : memref<32x2048xf32, #tpu.memory_space<vmem>>, vector<1x16xf32>,
      %swap3A_1085 = vector.shape_cast %swap3A_1084 : vector<1x16xf32> to vector<16xf32>
      %swap3A_1086 = vector.shape_cast %broadcast_in_dim3A_537 : vector<16xf32> to vector<1x16xf32>
      tpu.vector_store %arg5[%swap3A_1082, %swap3A_1083], %swap3A_1086 {strides = array<i32>} : memref<32x2048xf32, #tpu.memory_space<vmem>>, vector<1x16xf32>,
      %while3A_1087 = arith.constant 0 : i32
      scf.yield %while3A_1087 : i32
    }
    %slice3A_562 = vector.extract_strided_slice %get3A_79 {offsets = [0], sizes = [1], strides = [1]} : vector<16xf32> to vector<1xf32>
    %squeeze3A_563 = vector.extract %slice3A_562[0] : f32 from vector<1xf32>
    %broadcast_in_dim3A_564 = vector.broadcast %squeeze3A_563 : f32 to vector<16xf32>
    %slice3A_565 = vector.extract_strided_slice %get3A_85 {offsets = [0], sizes = [1], strides = [1]} : vector<16xf32> to vector<1xf32>
    %squeeze3A_566 = vector.extract %slice3A_565[0] : f32 from vector<1xf32>
    %broadcast_in_dim3A_567 = vector.broadcast %squeeze3A_566 : f32 to vector<16xf32>
    %while3A_568 = arith.constant 0 : i32
    %while3A_569 = arith.constant 0 : i32
    %while3A_570 = arith.subi %select_n3A_48, %while3A_568 : i32
    %while3A_571 = arith.addi %while3A_568, %while3A_570 : i32
    %while3A_572 = arith.constant 1 : i32
    %while3A_573 = arith.divsi %while3A_570, %while3A_572 : i32
    %while3A_574 = arith.muli %while3A_573, %while3A_572 : i32
    %while3A_575 = arith.addi %while3A_568, %while3A_574 : i32
    %while3A_576 = arith.constant 1 : i32
    %while3A_577 = scf.for %while3A_1078 = %while3A_568 to %while3A_575 step %while3A_576 iter_args(%while3A_1079 = %while3A_569) -> (i32)  : i32 {
      %mul3A_1080 = arith.constant 16 : i32
      %mul3A_1081 = arith.muli %while3A_1078, %mul3A_1080 : i32
      %multiple_of3A = tpu.assume_multiple %mul3A_1081, 16 : i32
      %swap3A = arith.constant 16 : i32
      %swap3A_1082 = arith.index_cast %swap3A : i32 to index
      %swap3A_1083 = arith.index_cast %multiple_of3A : i32 to index
      %swap3A_1084 = tpu.vector_load %arg5[%swap3A_1082, %swap3A_1083] {strides = array<i32>} : memref<32x2048xf32, #tpu.memory_space<vmem>>, vector<1x16xf32>,
      %swap3A_1085 = vector.shape_cast %swap3A_1084 : vector<1x16xf32> to vector<16xf32>
      %swap3A_1086 = vector.shape_cast %broadcast_in_dim3A_564 : vector<16xf32> to vector<1x16xf32>
      tpu.vector_store %arg5[%swap3A_1082, %swap3A_1083], %swap3A_1086 {strides = array<i32>} : memref<32x2048xf32, #tpu.memory_space<vmem>>, vector<1x16xf32>,
      %while3A_1087 = arith.constant 0 : i32
      scf.yield %while3A_1087 : i32
    }
    %while3A_578 = arith.constant 1 : i32
    %while3A_579 = scf.for %while3A_1078 = %while3A_575 to %while3A_571 step %while3A_578 iter_args(%while3A_1079 = %while3A_577) -> (i32)  : i32 {
      %mul3A_1080 = arith.constant 16 : i32
      %mul3A_1081 = arith.muli %while3A_1078, %mul3A_1080 : i32
      %multiple_of3A = tpu.assume_multiple %mul3A_1081, 16 : i32
      %swap3A = arith.constant 16 : i32
      %swap3A_1082 = arith.index_cast %swap3A : i32 to index
      %swap3A_1083 = arith.index_cast %multiple_of3A : i32 to index
      %swap3A_1084 = tpu.vector_load %arg5[%swap3A_1082, %swap3A_1083] {strides = array<i32>} : memref<32x2048xf32, #tpu.memory_space<vmem>>, vector<1x16xf32>,
      %swap3A_1085 = vector.shape_cast %swap3A_1084 : vector<1x16xf32> to vector<16xf32>
      %swap3A_1086 = vector.shape_cast %broadcast_in_dim3A_564 : vector<16xf32> to vector<1x16xf32>
      tpu.vector_store %arg5[%swap3A_1082, %swap3A_1083], %swap3A_1086 {strides = array<i32>} : memref<32x2048xf32, #tpu.memory_space<vmem>>, vector<1x16xf32>,
      %while3A_1087 = arith.constant 0 : i32
      scf.yield %while3A_1087 : i32
    }
    %while3A_580 = arith.constant 128 : i32
    %while3A_581 = arith.constant 0 : i32
    %while3A_582 = arith.subi %while3A_580, %add3A_74 : i32
    %while3A_583 = arith.addi %add3A_74, %while3A_582 : i32
    %while3A_584 = arith.constant 1 : i32
    %while3A_585 = arith.divsi %while3A_582, %while3A_584 : i32
    %while3A_586 = arith.muli %while3A_585, %while3A_584 : i32
    %while3A_587 = arith.addi %add3A_74, %while3A_586 : i32
    %while3A_588 = arith.constant 1 : i32
    %while3A_589 = scf.for %while3A_1078 = %add3A_74 to %while3A_587 step %while3A_588 iter_args(%while3A_1079 = %while3A_581) -> (i32)  : i32 {
      %mul3A_1080 = arith.constant 16 : i32
      %mul3A_1081 = arith.muli %while3A_1078, %mul3A_1080 : i32
      %multiple_of3A = tpu.assume_multiple %mul3A_1081, 16 : i32
      %swap3A = arith.constant 16 : i32
      %swap3A_1082 = arith.index_cast %swap3A : i32 to index
      %swap3A_1083 = arith.index_cast %multiple_of3A : i32 to index
      %swap3A_1084 = tpu.vector_load %arg5[%swap3A_1082, %swap3A_1083] {strides = array<i32>} : memref<32x2048xf32, #tpu.memory_space<vmem>>, vector<1x16xf32>,
      %swap3A_1085 = vector.shape_cast %swap3A_1084 : vector<1x16xf32> to vector<16xf32>
      %swap3A_1086 = vector.shape_cast %broadcast_in_dim3A_567 : vector<16xf32> to vector<1x16xf32>
      tpu.vector_store %arg5[%swap3A_1082, %swap3A_1083], %swap3A_1086 {strides = array<i32>} : memref<32x2048xf32, #tpu.memory_space<vmem>>, vector<1x16xf32>,
      %while3A_1087 = arith.constant 0 : i32
      scf.yield %while3A_1087 : i32
    }
    %while3A_590 = arith.constant 1 : i32
    %while3A_591 = scf.for %while3A_1078 = %while3A_587 to %while3A_583 step %while3A_590 iter_args(%while3A_1079 = %while3A_589) -> (i32)  : i32 {
      %mul3A_1080 = arith.constant 16 : i32
      %mul3A_1081 = arith.muli %while3A_1078, %mul3A_1080 : i32
      %multiple_of3A = tpu.assume_multiple %mul3A_1081, 16 : i32
      %swap3A = arith.constant 16 : i32
      %swap3A_1082 = arith.index_cast %swap3A : i32 to index
      %swap3A_1083 = arith.index_cast %multiple_of3A : i32 to index
      %swap3A_1084 = tpu.vector_load %arg5[%swap3A_1082, %swap3A_1083] {strides = array<i32>} : memref<32x2048xf32, #tpu.memory_space<vmem>>, vector<1x16xf32>,
      %swap3A_1085 = vector.shape_cast %swap3A_1084 : vector<1x16xf32> to vector<16xf32>
      %swap3A_1086 = vector.shape_cast %broadcast_in_dim3A_567 : vector<16xf32> to vector<1x16xf32>
      tpu.vector_store %arg5[%swap3A_1082, %swap3A_1083], %swap3A_1086 {strides = array<i32>} : memref<32x2048xf32, #tpu.memory_space<vmem>>, vector<1x16xf32>,
      %while3A_1087 = arith.constant 0 : i32
      scf.yield %while3A_1087 : i32
    }
    %slice3A_592 = vector.extract_strided_slice %get3A_79 {offsets = [1], sizes = [1], strides = [1]} : vector<16xf32> to vector<1xf32>
    %squeeze3A_593 = vector.extract %slice3A_592[0] : f32 from vector<1xf32>
    %broadcast_in_dim3A_594 = vector.broadcast %squeeze3A_593 : f32 to vector<16xf32>
    %slice3A_595 = vector.extract_strided_slice %get3A_85 {offsets = [1], sizes = [1], strides = [1]} : vector<16xf32> to vector<1xf32>
    %squeeze3A_596 = vector.extract %slice3A_595[0] : f32 from vector<1xf32>
    %broadcast_in_dim3A_597 = vector.broadcast %squeeze3A_596 : f32 to vector<16xf32>
    %while3A_598 = arith.constant 0 : i32
    %while3A_599 = arith.constant 0 : i32
    %while3A_600 = arith.subi %select_n3A_48, %while3A_598 : i32
    %while3A_601 = arith.addi %while3A_598, %while3A_600 : i32
    %while3A_602 = arith.constant 1 : i32
    %while3A_603 = arith.divsi %while3A_600, %while3A_602 : i32
    %while3A_604 = arith.muli %while3A_603, %while3A_602 : i32
    %while3A_605 = arith.addi %while3A_598, %while3A_604 : i32
    %while3A_606 = arith.constant 1 : i32
    %while3A_607 = scf.for %while3A_1078 = %while3A_598 to %while3A_605 step %while3A_606 iter_args(%while3A_1079 = %while3A_599) -> (i32)  : i32 {
      %mul3A_1080 = arith.constant 16 : i32
      %mul3A_1081 = arith.muli %while3A_1078, %mul3A_1080 : i32
      %multiple_of3A = tpu.assume_multiple %mul3A_1081, 16 : i32
      %swap3A = arith.constant 17 : i32
      %swap3A_1082 = arith.index_cast %swap3A : i32 to index
      %swap3A_1083 = arith.index_cast %multiple_of3A : i32 to index
      %swap3A_1084 = tpu.vector_load %arg5[%swap3A_1082, %swap3A_1083] {strides = array<i32>} : memref<32x2048xf32, #tpu.memory_space<vmem>>, vector<1x16xf32>,
      %swap3A_1085 = vector.shape_cast %swap3A_1084 : vector<1x16xf32> to vector<16xf32>
      %swap3A_1086 = vector.shape_cast %broadcast_in_dim3A_594 : vector<16xf32> to vector<1x16xf32>
      tpu.vector_store %arg5[%swap3A_1082, %swap3A_1083], %swap3A_1086 {strides = array<i32>} : memref<32x2048xf32, #tpu.memory_space<vmem>>, vector<1x16xf32>,
      %while3A_1087 = arith.constant 0 : i32
      scf.yield %while3A_1087 : i32
    }
    %while3A_608 = arith.constant 1 : i32
    %while3A_609 = scf.for %while3A_1078 = %while3A_605 to %while3A_601 step %while3A_608 iter_args(%while3A_1079 = %while3A_607) -> (i32)  : i32 {
      %mul3A_1080 = arith.constant 16 : i32
      %mul3A_1081 = arith.muli %while3A_1078, %mul3A_1080 : i32
      %multiple_of3A = tpu.assume_multiple %mul3A_1081, 16 : i32
      %swap3A = arith.constant 17 : i32
      %swap3A_1082 = arith.index_cast %swap3A : i32 to index
      %swap3A_1083 = arith.index_cast %multiple_of3A : i32 to index
      %swap3A_1084 = tpu.vector_load %arg5[%swap3A_1082, %swap3A_1083] {strides = array<i32>} : memref<32x2048xf32, #tpu.memory_space<vmem>>, vector<1x16xf32>,
      %swap3A_1085 = vector.shape_cast %swap3A_1084 : vector<1x16xf32> to vector<16xf32>
      %swap3A_1086 = vector.shape_cast %broadcast_in_dim3A_594 : vector<16xf32> to vector<1x16xf32>
      tpu.vector_store %arg5[%swap3A_1082, %swap3A_1083], %swap3A_1086 {strides = array<i32>} : memref<32x2048xf32, #tpu.memory_space<vmem>>, vector<1x16xf32>,
      %while3A_1087 = arith.constant 0 : i32
      scf.yield %while3A_1087 : i32
    }
    %while3A_610 = arith.constant 128 : i32
    %while3A_611 = arith.constant 0 : i32
    %while3A_612 = arith.subi %while3A_610, %add3A_74 : i32
    %while3A_613 = arith.addi %add3A_74, %while3A_612 : i32
    %while3A_614 = arith.constant 1 : i32
    %while3A_615 = arith.divsi %while3A_612, %while3A_614 : i32
    %while3A_616 = arith.muli %while3A_615, %while3A_614 : i32
    %while3A_617 = arith.addi %add3A_74, %while3A_616 : i32
    %while3A_618 = arith.constant 1 : i32
    %while3A_619 = scf.for %while3A_1078 = %add3A_74 to %while3A_617 step %while3A_618 iter_args(%while3A_1079 = %while3A_611) -> (i32)  : i32 {
      %mul3A_1080 = arith.constant 16 : i32
      %mul3A_1081 = arith.muli %while3A_1078, %mul3A_1080 : i32
      %multiple_of3A = tpu.assume_multiple %mul3A_1081, 16 : i32
      %swap3A = arith.constant 17 : i32
      %swap3A_1082 = arith.index_cast %swap3A : i32 to index
      %swap3A_1083 = arith.index_cast %multiple_of3A : i32 to index
      %swap3A_1084 = tpu.vector_load %arg5[%swap3A_1082, %swap3A_1083] {strides = array<i32>} : memref<32x2048xf32, #tpu.memory_space<vmem>>, vector<1x16xf32>,
      %swap3A_1085 = vector.shape_cast %swap3A_1084 : vector<1x16xf32> to vector<16xf32>
      %swap3A_1086 = vector.shape_cast %broadcast_in_dim3A_597 : vector<16xf32> to vector<1x16xf32>
      tpu.vector_store %arg5[%swap3A_1082, %swap3A_1083], %swap3A_1086 {strides = array<i32>} : memref<32x2048xf32, #tpu.memory_space<vmem>>, vector<1x16xf32>,
      %while3A_1087 = arith.constant 0 : i32
      scf.yield %while3A_1087 : i32
    }
    %while3A_620 = arith.constant 1 : i32
    %while3A_621 = scf.for %while3A_1078 = %while3A_617 to %while3A_613 step %while3A_620 iter_args(%while3A_1079 = %while3A_619) -> (i32)  : i32 {
      %mul3A_1080 = arith.constant 16 : i32
      %mul3A_1081 = arith.muli %while3A_1078, %mul3A_1080 : i32
      %multiple_of3A = tpu.assume_multiple %mul3A_1081, 16 : i32
      %swap3A = arith.constant 17 : i32
      %swap3A_1082 = arith.index_cast %swap3A : i32 to index
      %swap3A_1083 = arith.index_cast %multiple_of3A : i32 to index
      %swap3A_1084 = tpu.vector_load %arg5[%swap3A_1082, %swap3A_1083] {strides = array<i32>} : memref<32x2048xf32, #tpu.memory_space<vmem>>, vector<1x16xf32>,
      %swap3A_1085 = vector.shape_cast %swap3A_1084 : vector<1x16xf32> to vector<16xf32>
      %swap3A_1086 = vector.shape_cast %broadcast_in_dim3A_597 : vector<16xf32> to vector<1x16xf32>
      tpu.vector_store %arg5[%swap3A_1082, %swap3A_1083], %swap3A_1086 {strides = array<i32>} : memref<32x2048xf32, #tpu.memory_space<vmem>>, vector<1x16xf32>,
      %while3A_1087 = arith.constant 0 : i32
      scf.yield %while3A_1087 : i32
    }
    %slice3A_622 = vector.extract_strided_slice %get3A_79 {offsets = [2], sizes = [1], strides = [1]} : vector<16xf32> to vector<1xf32>
    %squeeze3A_623 = vector.extract %slice3A_622[0] : f32 from vector<1xf32>
    %broadcast_in_dim3A_624 = vector.broadcast %squeeze3A_623 : f32 to vector<16xf32>
    %slice3A_625 = vector.extract_strided_slice %get3A_85 {offsets = [2], sizes = [1], strides = [1]} : vector<16xf32> to vector<1xf32>
    %squeeze3A_626 = vector.extract %slice3A_625[0] : f32 from vector<1xf32>
    %broadcast_in_dim3A_627 = vector.broadcast %squeeze3A_626 : f32 to vector<16xf32>
    %while3A_628 = arith.constant 0 : i32
    %while3A_629 = arith.constant 0 : i32
    %while3A_630 = arith.subi %select_n3A_48, %while3A_628 : i32
    %while3A_631 = arith.addi %while3A_628, %while3A_630 : i32
    %while3A_632 = arith.constant 1 : i32
    %while3A_633 = arith.divsi %while3A_630, %while3A_632 : i32
    %while3A_634 = arith.muli %while3A_633, %while3A_632 : i32
    %while3A_635 = arith.addi %while3A_628, %while3A_634 : i32
    %while3A_636 = arith.constant 1 : i32
    %while3A_637 = scf.for %while3A_1078 = %while3A_628 to %while3A_635 step %while3A_636 iter_args(%while3A_1079 = %while3A_629) -> (i32)  : i32 {
      %mul3A_1080 = arith.constant 16 : i32
      %mul3A_1081 = arith.muli %while3A_1078, %mul3A_1080 : i32
      %multiple_of3A = tpu.assume_multiple %mul3A_1081, 16 : i32
      %swap3A = arith.constant 18 : i32
      %swap3A_1082 = arith.index_cast %swap3A : i32 to index
      %swap3A_1083 = arith.index_cast %multiple_of3A : i32 to index
      %swap3A_1084 = tpu.vector_load %arg5[%swap3A_1082, %swap3A_1083] {strides = array<i32>} : memref<32x2048xf32, #tpu.memory_space<vmem>>, vector<1x16xf32>,
      %swap3A_1085 = vector.shape_cast %swap3A_1084 : vector<1x16xf32> to vector<16xf32>
      %swap3A_1086 = vector.shape_cast %broadcast_in_dim3A_624 : vector<16xf32> to vector<1x16xf32>
      tpu.vector_store %arg5[%swap3A_1082, %swap3A_1083], %swap3A_1086 {strides = array<i32>} : memref<32x2048xf32, #tpu.memory_space<vmem>>, vector<1x16xf32>,
      %while3A_1087 = arith.constant 0 : i32
      scf.yield %while3A_1087 : i32
    }
    %while3A_638 = arith.constant 1 : i32
    %while3A_639 = scf.for %while3A_1078 = %while3A_635 to %while3A_631 step %while3A_638 iter_args(%while3A_1079 = %while3A_637) -> (i32)  : i32 {
      %mul3A_1080 = arith.constant 16 : i32
      %mul3A_1081 = arith.muli %while3A_1078, %mul3A_1080 : i32
      %multiple_of3A = tpu.assume_multiple %mul3A_1081, 16 : i32
      %swap3A = arith.constant 18 : i32
      %swap3A_1082 = arith.index_cast %swap3A : i32 to index
      %swap3A_1083 = arith.index_cast %multiple_of3A : i32 to index
      %swap3A_1084 = tpu.vector_load %arg5[%swap3A_1082, %swap3A_1083] {strides = array<i32>} : memref<32x2048xf32, #tpu.memory_space<vmem>>, vector<1x16xf32>,
      %swap3A_1085 = vector.shape_cast %swap3A_1084 : vector<1x16xf32> to vector<16xf32>
      %swap3A_1086 = vector.shape_cast %broadcast_in_dim3A_624 : vector<16xf32> to vector<1x16xf32>
      tpu.vector_store %arg5[%swap3A_1082, %swap3A_1083], %swap3A_1086 {strides = array<i32>} : memref<32x2048xf32, #tpu.memory_space<vmem>>, vector<1x16xf32>,
      %while3A_1087 = arith.constant 0 : i32
      scf.yield %while3A_1087 : i32
    }
    %while3A_640 = arith.constant 128 : i32
    %while3A_641 = arith.constant 0 : i32
    %while3A_642 = arith.subi %while3A_640, %add3A_74 : i32
    %while3A_643 = arith.addi %add3A_74, %while3A_642 : i32
    %while3A_644 = arith.constant 1 : i32
    %while3A_645 = arith.divsi %while3A_642, %while3A_644 : i32
    %while3A_646 = arith.muli %while3A_645, %while3A_644 : i32
    %while3A_647 = arith.addi %add3A_74, %while3A_646 : i32
    %while3A_648 = arith.constant 1 : i32
    %while3A_649 = scf.for %while3A_1078 = %add3A_74 to %while3A_647 step %while3A_648 iter_args(%while3A_1079 = %while3A_641) -> (i32)  : i32 {
      %mul3A_1080 = arith.constant 16 : i32
      %mul3A_1081 = arith.muli %while3A_1078, %mul3A_1080 : i32
      %multiple_of3A = tpu.assume_multiple %mul3A_1081, 16 : i32
      %swap3A = arith.constant 18 : i32
      %swap3A_1082 = arith.index_cast %swap3A : i32 to index
      %swap3A_1083 = arith.index_cast %multiple_of3A : i32 to index
      %swap3A_1084 = tpu.vector_load %arg5[%swap3A_1082, %swap3A_1083] {strides = array<i32>} : memref<32x2048xf32, #tpu.memory_space<vmem>>, vector<1x16xf32>,
      %swap3A_1085 = vector.shape_cast %swap3A_1084 : vector<1x16xf32> to vector<16xf32>
      %swap3A_1086 = vector.shape_cast %broadcast_in_dim3A_627 : vector<16xf32> to vector<1x16xf32>
      tpu.vector_store %arg5[%swap3A_1082, %swap3A_1083], %swap3A_1086 {strides = array<i32>} : memref<32x2048xf32, #tpu.memory_space<vmem>>, vector<1x16xf32>,
      %while3A_1087 = arith.constant 0 : i32
      scf.yield %while3A_1087 : i32
    }
    %while3A_650 = arith.constant 1 : i32
    %while3A_651 = scf.for %while3A_1078 = %while3A_647 to %while3A_643 step %while3A_650 iter_args(%while3A_1079 = %while3A_649) -> (i32)  : i32 {
      %mul3A_1080 = arith.constant 16 : i32
      %mul3A_1081 = arith.muli %while3A_1078, %mul3A_1080 : i32
      %multiple_of3A = tpu.assume_multiple %mul3A_1081, 16 : i32
      %swap3A = arith.constant 18 : i32
      %swap3A_1082 = arith.index_cast %swap3A : i32 to index
      %swap3A_1083 = arith.index_cast %multiple_of3A : i32 to index
      %swap3A_1084 = tpu.vector_load %arg5[%swap3A_1082, %swap3A_1083] {strides = array<i32>} : memref<32x2048xf32, #tpu.memory_space<vmem>>, vector<1x16xf32>,
      %swap3A_1085 = vector.shape_cast %swap3A_1084 : vector<1x16xf32> to vector<16xf32>
      %swap3A_1086 = vector.shape_cast %broadcast_in_dim3A_627 : vector<16xf32> to vector<1x16xf32>
      tpu.vector_store %arg5[%swap3A_1082, %swap3A_1083], %swap3A_1086 {strides = array<i32>} : memref<32x2048xf32, #tpu.memory_space<vmem>>, vector<1x16xf32>,
      %while3A_1087 = arith.constant 0 : i32
      scf.yield %while3A_1087 : i32
    }
    %slice3A_652 = vector.extract_strided_slice %get3A_79 {offsets = [3], sizes = [1], strides = [1]} : vector<16xf32> to vector<1xf32>
    %squeeze3A_653 = vector.extract %slice3A_652[0] : f32 from vector<1xf32>
    %broadcast_in_dim3A_654 = vector.broadcast %squeeze3A_653 : f32 to vector<16xf32>
    %slice3A_655 = vector.extract_strided_slice %get3A_85 {offsets = [3], sizes = [1], strides = [1]} : vector<16xf32> to vector<1xf32>
    %squeeze3A_656 = vector.extract %slice3A_655[0] : f32 from vector<1xf32>
    %broadcast_in_dim3A_657 = vector.broadcast %squeeze3A_656 : f32 to vector<16xf32>
    %while3A_658 = arith.constant 0 : i32
    %while3A_659 = arith.constant 0 : i32
    %while3A_660 = arith.subi %select_n3A_48, %while3A_658 : i32
    %while3A_661 = arith.addi %while3A_658, %while3A_660 : i32
    %while3A_662 = arith.constant 1 : i32
    %while3A_663 = arith.divsi %while3A_660, %while3A_662 : i32
    %while3A_664 = arith.muli %while3A_663, %while3A_662 : i32
    %while3A_665 = arith.addi %while3A_658, %while3A_664 : i32
    %while3A_666 = arith.constant 1 : i32
    %while3A_667 = scf.for %while3A_1078 = %while3A_658 to %while3A_665 step %while3A_666 iter_args(%while3A_1079 = %while3A_659) -> (i32)  : i32 {
      %mul3A_1080 = arith.constant 16 : i32
      %mul3A_1081 = arith.muli %while3A_1078, %mul3A_1080 : i32
      %multiple_of3A = tpu.assume_multiple %mul3A_1081, 16 : i32
      %swap3A = arith.constant 19 : i32
      %swap3A_1082 = arith.index_cast %swap3A : i32 to index
      %swap3A_1083 = arith.index_cast %multiple_of3A : i32 to index
      %swap3A_1084 = tpu.vector_load %arg5[%swap3A_1082, %swap3A_1083] {strides = array<i32>} : memref<32x2048xf32, #tpu.memory_space<vmem>>, vector<1x16xf32>,
      %swap3A_1085 = vector.shape_cast %swap3A_1084 : vector<1x16xf32> to vector<16xf32>
      %swap3A_1086 = vector.shape_cast %broadcast_in_dim3A_654 : vector<16xf32> to vector<1x16xf32>
      tpu.vector_store %arg5[%swap3A_1082, %swap3A_1083], %swap3A_1086 {strides = array<i32>} : memref<32x2048xf32, #tpu.memory_space<vmem>>, vector<1x16xf32>,
      %while3A_1087 = arith.constant 0 : i32
      scf.yield %while3A_1087 : i32
    }
    %while3A_668 = arith.constant 1 : i32
    %while3A_669 = scf.for %while3A_1078 = %while3A_665 to %while3A_661 step %while3A_668 iter_args(%while3A_1079 = %while3A_667) -> (i32)  : i32 {
      %mul3A_1080 = arith.constant 16 : i32
      %mul3A_1081 = arith.muli %while3A_1078, %mul3A_1080 : i32
      %multiple_of3A = tpu.assume_multiple %mul3A_1081, 16 : i32
      %swap3A = arith.constant 19 : i32
      %swap3A_1082 = arith.index_cast %swap3A : i32 to index
      %swap3A_1083 = arith.index_cast %multiple_of3A : i32 to index
      %swap3A_1084 = tpu.vector_load %arg5[%swap3A_1082, %swap3A_1083] {strides = array<i32>} : memref<32x2048xf32, #tpu.memory_space<vmem>>, vector<1x16xf32>,
      %swap3A_1085 = vector.shape_cast %swap3A_1084 : vector<1x16xf32> to vector<16xf32>
      %swap3A_1086 = vector.shape_cast %broadcast_in_dim3A_654 : vector<16xf32> to vector<1x16xf32>
      tpu.vector_store %arg5[%swap3A_1082, %swap3A_1083], %swap3A_1086 {strides = array<i32>} : memref<32x2048xf32, #tpu.memory_space<vmem>>, vector<1x16xf32>,
      %while3A_1087 = arith.constant 0 : i32
      scf.yield %while3A_1087 : i32
    }
    %while3A_670 = arith.constant 128 : i32
    %while3A_671 = arith.constant 0 : i32
    %while3A_672 = arith.subi %while3A_670, %add3A_74 : i32
    %while3A_673 = arith.addi %add3A_74, %while3A_672 : i32
    %while3A_674 = arith.constant 1 : i32
    %while3A_675 = arith.divsi %while3A_672, %while3A_674 : i32
    %while3A_676 = arith.muli %while3A_675, %while3A_674 : i32
    %while3A_677 = arith.addi %add3A_74, %while3A_676 : i32
    %while3A_678 = arith.constant 1 : i32
    %while3A_679 = scf.for %while3A_1078 = %add3A_74 to %while3A_677 step %while3A_678 iter_args(%while3A_1079 = %while3A_671) -> (i32)  : i32 {
      %mul3A_1080 = arith.constant 16 : i32
      %mul3A_1081 = arith.muli %while3A_1078, %mul3A_1080 : i32
      %multiple_of3A = tpu.assume_multiple %mul3A_1081, 16 : i32
      %swap3A = arith.constant 19 : i32
      %swap3A_1082 = arith.index_cast %swap3A : i32 to index
      %swap3A_1083 = arith.index_cast %multiple_of3A : i32 to index
      %swap3A_1084 = tpu.vector_load %arg5[%swap3A_1082, %swap3A_1083] {strides = array<i32>} : memref<32x2048xf32, #tpu.memory_space<vmem>>, vector<1x16xf32>,
      %swap3A_1085 = vector.shape_cast %swap3A_1084 : vector<1x16xf32> to vector<16xf32>
      %swap3A_1086 = vector.shape_cast %broadcast_in_dim3A_657 : vector<16xf32> to vector<1x16xf32>
      tpu.vector_store %arg5[%swap3A_1082, %swap3A_1083], %swap3A_1086 {strides = array<i32>} : memref<32x2048xf32, #tpu.memory_space<vmem>>, vector<1x16xf32>,
      %while3A_1087 = arith.constant 0 : i32
      scf.yield %while3A_1087 : i32
    }
    %while3A_680 = arith.constant 1 : i32
    %while3A_681 = scf.for %while3A_1078 = %while3A_677 to %while3A_673 step %while3A_680 iter_args(%while3A_1079 = %while3A_679) -> (i32)  : i32 {
      %mul3A_1080 = arith.constant 16 : i32
      %mul3A_1081 = arith.muli %while3A_1078, %mul3A_1080 : i32
      %multiple_of3A = tpu.assume_multiple %mul3A_1081, 16 : i32
      %swap3A = arith.constant 19 : i32
      %swap3A_1082 = arith.index_cast %swap3A : i32 to index
      %swap3A_1083 = arith.index_cast %multiple_of3A : i32 to index
      %swap3A_1084 = tpu.vector_load %arg5[%swap3A_1082, %swap3A_1083] {strides = array<i32>} : memref<32x2048xf32, #tpu.memory_space<vmem>>, vector<1x16xf32>,
      %swap3A_1085 = vector.shape_cast %swap3A_1084 : vector<1x16xf32> to vector<16xf32>
      %swap3A_1086 = vector.shape_cast %broadcast_in_dim3A_657 : vector<16xf32> to vector<1x16xf32>
      tpu.vector_store %arg5[%swap3A_1082, %swap3A_1083], %swap3A_1086 {strides = array<i32>} : memref<32x2048xf32, #tpu.memory_space<vmem>>, vector<1x16xf32>,
      %while3A_1087 = arith.constant 0 : i32
      scf.yield %while3A_1087 : i32
    }
    %slice3A_682 = vector.extract_strided_slice %get3A_79 {offsets = [4], sizes = [1], strides = [1]} : vector<16xf32> to vector<1xf32>
    %squeeze3A_683 = vector.extract %slice3A_682[0] : f32 from vector<1xf32>
    %broadcast_in_dim3A_684 = vector.broadcast %squeeze3A_683 : f32 to vector<16xf32>
    %slice3A_685 = vector.extract_strided_slice %get3A_85 {offsets = [4], sizes = [1], strides = [1]} : vector<16xf32> to vector<1xf32>
    %squeeze3A_686 = vector.extract %slice3A_685[0] : f32 from vector<1xf32>
    %broadcast_in_dim3A_687 = vector.broadcast %squeeze3A_686 : f32 to vector<16xf32>
    %while3A_688 = arith.constant 0 : i32
    %while3A_689 = arith.constant 0 : i32
    %while3A_690 = arith.subi %select_n3A_48, %while3A_688 : i32
    %while3A_691 = arith.addi %while3A_688, %while3A_690 : i32
    %while3A_692 = arith.constant 1 : i32
    %while3A_693 = arith.divsi %while3A_690, %while3A_692 : i32
    %while3A_694 = arith.muli %while3A_693, %while3A_692 : i32
    %while3A_695 = arith.addi %while3A_688, %while3A_694 : i32
    %while3A_696 = arith.constant 1 : i32
    %while3A_697 = scf.for %while3A_1078 = %while3A_688 to %while3A_695 step %while3A_696 iter_args(%while3A_1079 = %while3A_689) -> (i32)  : i32 {
      %mul3A_1080 = arith.constant 16 : i32
      %mul3A_1081 = arith.muli %while3A_1078, %mul3A_1080 : i32
      %multiple_of3A = tpu.assume_multiple %mul3A_1081, 16 : i32
      %swap3A = arith.constant 20 : i32
      %swap3A_1082 = arith.index_cast %swap3A : i32 to index
      %swap3A_1083 = arith.index_cast %multiple_of3A : i32 to index
      %swap3A_1084 = tpu.vector_load %arg5[%swap3A_1082, %swap3A_1083] {strides = array<i32>} : memref<32x2048xf32, #tpu.memory_space<vmem>>, vector<1x16xf32>,
      %swap3A_1085 = vector.shape_cast %swap3A_1084 : vector<1x16xf32> to vector<16xf32>
      %swap3A_1086 = vector.shape_cast %broadcast_in_dim3A_684 : vector<16xf32> to vector<1x16xf32>
      tpu.vector_store %arg5[%swap3A_1082, %swap3A_1083], %swap3A_1086 {strides = array<i32>} : memref<32x2048xf32, #tpu.memory_space<vmem>>, vector<1x16xf32>,
      %while3A_1087 = arith.constant 0 : i32
      scf.yield %while3A_1087 : i32
    }
    %while3A_698 = arith.constant 1 : i32
    %while3A_699 = scf.for %while3A_1078 = %while3A_695 to %while3A_691 step %while3A_698 iter_args(%while3A_1079 = %while3A_697) -> (i32)  : i32 {
      %mul3A_1080 = arith.constant 16 : i32
      %mul3A_1081 = arith.muli %while3A_1078, %mul3A_1080 : i32
      %multiple_of3A = tpu.assume_multiple %mul3A_1081, 16 : i32
      %swap3A = arith.constant 20 : i32
      %swap3A_1082 = arith.index_cast %swap3A : i32 to index
      %swap3A_1083 = arith.index_cast %multiple_of3A : i32 to index
      %swap3A_1084 = tpu.vector_load %arg5[%swap3A_1082, %swap3A_1083] {strides = array<i32>} : memref<32x2048xf32, #tpu.memory_space<vmem>>, vector<1x16xf32>,
      %swap3A_1085 = vector.shape_cast %swap3A_1084 : vector<1x16xf32> to vector<16xf32>
      %swap3A_1086 = vector.shape_cast %broadcast_in_dim3A_684 : vector<16xf32> to vector<1x16xf32>
      tpu.vector_store %arg5[%swap3A_1082, %swap3A_1083], %swap3A_1086 {strides = array<i32>} : memref<32x2048xf32, #tpu.memory_space<vmem>>, vector<1x16xf32>,
      %while3A_1087 = arith.constant 0 : i32
      scf.yield %while3A_1087 : i32
    }
    %while3A_700 = arith.constant 128 : i32
    %while3A_701 = arith.constant 0 : i32
    %while3A_702 = arith.subi %while3A_700, %add3A_74 : i32
    %while3A_703 = arith.addi %add3A_74, %while3A_702 : i32
    %while3A_704 = arith.constant 1 : i32
    %while3A_705 = arith.divsi %while3A_702, %while3A_704 : i32
    %while3A_706 = arith.muli %while3A_705, %while3A_704 : i32
    %while3A_707 = arith.addi %add3A_74, %while3A_706 : i32
    %while3A_708 = arith.constant 1 : i32
    %while3A_709 = scf.for %while3A_1078 = %add3A_74 to %while3A_707 step %while3A_708 iter_args(%while3A_1079 = %while3A_701) -> (i32)  : i32 {
      %mul3A_1080 = arith.constant 16 : i32
      %mul3A_1081 = arith.muli %while3A_1078, %mul3A_1080 : i32
      %multiple_of3A = tpu.assume_multiple %mul3A_1081, 16 : i32
      %swap3A = arith.constant 20 : i32
      %swap3A_1082 = arith.index_cast %swap3A : i32 to index
      %swap3A_1083 = arith.index_cast %multiple_of3A : i32 to index
      %swap3A_1084 = tpu.vector_load %arg5[%swap3A_1082, %swap3A_1083] {strides = array<i32>} : memref<32x2048xf32, #tpu.memory_space<vmem>>, vector<1x16xf32>,
      %swap3A_1085 = vector.shape_cast %swap3A_1084 : vector<1x16xf32> to vector<16xf32>
      %swap3A_1086 = vector.shape_cast %broadcast_in_dim3A_687 : vector<16xf32> to vector<1x16xf32>
      tpu.vector_store %arg5[%swap3A_1082, %swap3A_1083], %swap3A_1086 {strides = array<i32>} : memref<32x2048xf32, #tpu.memory_space<vmem>>, vector<1x16xf32>,
      %while3A_1087 = arith.constant 0 : i32
      scf.yield %while3A_1087 : i32
    }
    %while3A_710 = arith.constant 1 : i32
    %while3A_711 = scf.for %while3A_1078 = %while3A_707 to %while3A_703 step %while3A_710 iter_args(%while3A_1079 = %while3A_709) -> (i32)  : i32 {
      %mul3A_1080 = arith.constant 16 : i32
      %mul3A_1081 = arith.muli %while3A_1078, %mul3A_1080 : i32
      %multiple_of3A = tpu.assume_multiple %mul3A_1081, 16 : i32
      %swap3A = arith.constant 20 : i32
      %swap3A_1082 = arith.index_cast %swap3A : i32 to index
      %swap3A_1083 = arith.index_cast %multiple_of3A : i32 to index
      %swap3A_1084 = tpu.vector_load %arg5[%swap3A_1082, %swap3A_1083] {strides = array<i32>} : memref<32x2048xf32, #tpu.memory_space<vmem>>, vector<1x16xf32>,
      %swap3A_1085 = vector.shape_cast %swap3A_1084 : vector<1x16xf32> to vector<16xf32>
      %swap3A_1086 = vector.shape_cast %broadcast_in_dim3A_687 : vector<16xf32> to vector<1x16xf32>
      tpu.vector_store %arg5[%swap3A_1082, %swap3A_1083], %swap3A_1086 {strides = array<i32>} : memref<32x2048xf32, #tpu.memory_space<vmem>>, vector<1x16xf32>,
      %while3A_1087 = arith.constant 0 : i32
      scf.yield %while3A_1087 : i32
    }
    %slice3A_712 = vector.extract_strided_slice %get3A_79 {offsets = [5], sizes = [1], strides = [1]} : vector<16xf32> to vector<1xf32>
    %squeeze3A_713 = vector.extract %slice3A_712[0] : f32 from vector<1xf32>
    %broadcast_in_dim3A_714 = vector.broadcast %squeeze3A_713 : f32 to vector<16xf32>
    %slice3A_715 = vector.extract_strided_slice %get3A_85 {offsets = [5], sizes = [1], strides = [1]} : vector<16xf32> to vector<1xf32>
    %squeeze3A_716 = vector.extract %slice3A_715[0] : f32 from vector<1xf32>
    %broadcast_in_dim3A_717 = vector.broadcast %squeeze3A_716 : f32 to vector<16xf32>
    %while3A_718 = arith.constant 0 : i32
    %while3A_719 = arith.constant 0 : i32
    %while3A_720 = arith.subi %select_n3A_48, %while3A_718 : i32
    %while3A_721 = arith.addi %while3A_718, %while3A_720 : i32
    %while3A_722 = arith.constant 1 : i32
    %while3A_723 = arith.divsi %while3A_720, %while3A_722 : i32
    %while3A_724 = arith.muli %while3A_723, %while3A_722 : i32
    %while3A_725 = arith.addi %while3A_718, %while3A_724 : i32
    %while3A_726 = arith.constant 1 : i32
    %while3A_727 = scf.for %while3A_1078 = %while3A_718 to %while3A_725 step %while3A_726 iter_args(%while3A_1079 = %while3A_719) -> (i32)  : i32 {
      %mul3A_1080 = arith.constant 16 : i32
      %mul3A_1081 = arith.muli %while3A_1078, %mul3A_1080 : i32
      %multiple_of3A = tpu.assume_multiple %mul3A_1081, 16 : i32
      %swap3A = arith.constant 21 : i32
      %swap3A_1082 = arith.index_cast %swap3A : i32 to index
      %swap3A_1083 = arith.index_cast %multiple_of3A : i32 to index
      %swap3A_1084 = tpu.vector_load %arg5[%swap3A_1082, %swap3A_1083] {strides = array<i32>} : memref<32x2048xf32, #tpu.memory_space<vmem>>, vector<1x16xf32>,
      %swap3A_1085 = vector.shape_cast %swap3A_1084 : vector<1x16xf32> to vector<16xf32>
      %swap3A_1086 = vector.shape_cast %broadcast_in_dim3A_714 : vector<16xf32> to vector<1x16xf32>
      tpu.vector_store %arg5[%swap3A_1082, %swap3A_1083], %swap3A_1086 {strides = array<i32>} : memref<32x2048xf32, #tpu.memory_space<vmem>>, vector<1x16xf32>,
      %while3A_1087 = arith.constant 0 : i32
      scf.yield %while3A_1087 : i32
    }
    %while3A_728 = arith.constant 1 : i32
    %while3A_729 = scf.for %while3A_1078 = %while3A_725 to %while3A_721 step %while3A_728 iter_args(%while3A_1079 = %while3A_727) -> (i32)  : i32 {
      %mul3A_1080 = arith.constant 16 : i32
      %mul3A_1081 = arith.muli %while3A_1078, %mul3A_1080 : i32
      %multiple_of3A = tpu.assume_multiple %mul3A_1081, 16 : i32
      %swap3A = arith.constant 21 : i32
      %swap3A_1082 = arith.index_cast %swap3A : i32 to index
      %swap3A_1083 = arith.index_cast %multiple_of3A : i32 to index
      %swap3A_1084 = tpu.vector_load %arg5[%swap3A_1082, %swap3A_1083] {strides = array<i32>} : memref<32x2048xf32, #tpu.memory_space<vmem>>, vector<1x16xf32>,
      %swap3A_1085 = vector.shape_cast %swap3A_1084 : vector<1x16xf32> to vector<16xf32>
      %swap3A_1086 = vector.shape_cast %broadcast_in_dim3A_714 : vector<16xf32> to vector<1x16xf32>
      tpu.vector_store %arg5[%swap3A_1082, %swap3A_1083], %swap3A_1086 {strides = array<i32>} : memref<32x2048xf32, #tpu.memory_space<vmem>>, vector<1x16xf32>,
      %while3A_1087 = arith.constant 0 : i32
      scf.yield %while3A_1087 : i32
    }
    %while3A_730 = arith.constant 128 : i32
    %while3A_731 = arith.constant 0 : i32
    %while3A_732 = arith.subi %while3A_730, %add3A_74 : i32
    %while3A_733 = arith.addi %add3A_74, %while3A_732 : i32
    %while3A_734 = arith.constant 1 : i32
    %while3A_735 = arith.divsi %while3A_732, %while3A_734 : i32
    %while3A_736 = arith.muli %while3A_735, %while3A_734 : i32
    %while3A_737 = arith.addi %add3A_74, %while3A_736 : i32
    %while3A_738 = arith.constant 1 : i32
    %while3A_739 = scf.for %while3A_1078 = %add3A_74 to %while3A_737 step %while3A_738 iter_args(%while3A_1079 = %while3A_731) -> (i32)  : i32 {
      %mul3A_1080 = arith.constant 16 : i32
      %mul3A_1081 = arith.muli %while3A_1078, %mul3A_1080 : i32
      %multiple_of3A = tpu.assume_multiple %mul3A_1081, 16 : i32
      %swap3A = arith.constant 21 : i32
      %swap3A_1082 = arith.index_cast %swap3A : i32 to index
      %swap3A_1083 = arith.index_cast %multiple_of3A : i32 to index
      %swap3A_1084 = tpu.vector_load %arg5[%swap3A_1082, %swap3A_1083] {strides = array<i32>} : memref<32x2048xf32, #tpu.memory_space<vmem>>, vector<1x16xf32>,
      %swap3A_1085 = vector.shape_cast %swap3A_1084 : vector<1x16xf32> to vector<16xf32>
      %swap3A_1086 = vector.shape_cast %broadcast_in_dim3A_717 : vector<16xf32> to vector<1x16xf32>
      tpu.vector_store %arg5[%swap3A_1082, %swap3A_1083], %swap3A_1086 {strides = array<i32>} : memref<32x2048xf32, #tpu.memory_space<vmem>>, vector<1x16xf32>,
      %while3A_1087 = arith.constant 0 : i32
      scf.yield %while3A_1087 : i32
    }
    %while3A_740 = arith.constant 1 : i32
    %while3A_741 = scf.for %while3A_1078 = %while3A_737 to %while3A_733 step %while3A_740 iter_args(%while3A_1079 = %while3A_739) -> (i32)  : i32 {
      %mul3A_1080 = arith.constant 16 : i32
      %mul3A_1081 = arith.muli %while3A_1078, %mul3A_1080 : i32
      %multiple_of3A = tpu.assume_multiple %mul3A_1081, 16 : i32
      %swap3A = arith.constant 21 : i32
      %swap3A_1082 = arith.index_cast %swap3A : i32 to index
      %swap3A_1083 = arith.index_cast %multiple_of3A : i32 to index
      %swap3A_1084 = tpu.vector_load %arg5[%swap3A_1082, %swap3A_1083] {strides = array<i32>} : memref<32x2048xf32, #tpu.memory_space<vmem>>, vector<1x16xf32>,
      %swap3A_1085 = vector.shape_cast %swap3A_1084 : vector<1x16xf32> to vector<16xf32>
      %swap3A_1086 = vector.shape_cast %broadcast_in_dim3A_717 : vector<16xf32> to vector<1x16xf32>
      tpu.vector_store %arg5[%swap3A_1082, %swap3A_1083], %swap3A_1086 {strides = array<i32>} : memref<32x2048xf32, #tpu.memory_space<vmem>>, vector<1x16xf32>,
      %while3A_1087 = arith.constant 0 : i32
      scf.yield %while3A_1087 : i32
    }
    %slice3A_742 = vector.extract_strided_slice %get3A_79 {offsets = [6], sizes = [1], strides = [1]} : vector<16xf32> to vector<1xf32>
    %squeeze3A_743 = vector.extract %slice3A_742[0] : f32 from vector<1xf32>
    %broadcast_in_dim3A_744 = vector.broadcast %squeeze3A_743 : f32 to vector<16xf32>
    %slice3A_745 = vector.extract_strided_slice %get3A_85 {offsets = [6], sizes = [1], strides = [1]} : vector<16xf32> to vector<1xf32>
    %squeeze3A_746 = vector.extract %slice3A_745[0] : f32 from vector<1xf32>
    %broadcast_in_dim3A_747 = vector.broadcast %squeeze3A_746 : f32 to vector<16xf32>
    %while3A_748 = arith.constant 0 : i32
    %while3A_749 = arith.constant 0 : i32
    %while3A_750 = arith.subi %select_n3A_48, %while3A_748 : i32
    %while3A_751 = arith.addi %while3A_748, %while3A_750 : i32
    %while3A_752 = arith.constant 1 : i32
    %while3A_753 = arith.divsi %while3A_750, %while3A_752 : i32
    %while3A_754 = arith.muli %while3A_753, %while3A_752 : i32
    %while3A_755 = arith.addi %while3A_748, %while3A_754 : i32
    %while3A_756 = arith.constant 1 : i32
    %while3A_757 = scf.for %while3A_1078 = %while3A_748 to %while3A_755 step %while3A_756 iter_args(%while3A_1079 = %while3A_749) -> (i32)  : i32 {
      %mul3A_1080 = arith.constant 16 : i32
      %mul3A_1081 = arith.muli %while3A_1078, %mul3A_1080 : i32
      %multiple_of3A = tpu.assume_multiple %mul3A_1081, 16 : i32
      %swap3A = arith.constant 22 : i32
      %swap3A_1082 = arith.index_cast %swap3A : i32 to index
      %swap3A_1083 = arith.index_cast %multiple_of3A : i32 to index
      %swap3A_1084 = tpu.vector_load %arg5[%swap3A_1082, %swap3A_1083] {strides = array<i32>} : memref<32x2048xf32, #tpu.memory_space<vmem>>, vector<1x16xf32>,
      %swap3A_1085 = vector.shape_cast %swap3A_1084 : vector<1x16xf32> to vector<16xf32>
      %swap3A_1086 = vector.shape_cast %broadcast_in_dim3A_744 : vector<16xf32> to vector<1x16xf32>
      tpu.vector_store %arg5[%swap3A_1082, %swap3A_1083], %swap3A_1086 {strides = array<i32>} : memref<32x2048xf32, #tpu.memory_space<vmem>>, vector<1x16xf32>,
      %while3A_1087 = arith.constant 0 : i32
      scf.yield %while3A_1087 : i32
    }
    %while3A_758 = arith.constant 1 : i32
    %while3A_759 = scf.for %while3A_1078 = %while3A_755 to %while3A_751 step %while3A_758 iter_args(%while3A_1079 = %while3A_757) -> (i32)  : i32 {
      %mul3A_1080 = arith.constant 16 : i32
      %mul3A_1081 = arith.muli %while3A_1078, %mul3A_1080 : i32
      %multiple_of3A = tpu.assume_multiple %mul3A_1081, 16 : i32
      %swap3A = arith.constant 22 : i32
      %swap3A_1082 = arith.index_cast %swap3A : i32 to index
      %swap3A_1083 = arith.index_cast %multiple_of3A : i32 to index
      %swap3A_1084 = tpu.vector_load %arg5[%swap3A_1082, %swap3A_1083] {strides = array<i32>} : memref<32x2048xf32, #tpu.memory_space<vmem>>, vector<1x16xf32>,
      %swap3A_1085 = vector.shape_cast %swap3A_1084 : vector<1x16xf32> to vector<16xf32>
      %swap3A_1086 = vector.shape_cast %broadcast_in_dim3A_744 : vector<16xf32> to vector<1x16xf32>
      tpu.vector_store %arg5[%swap3A_1082, %swap3A_1083], %swap3A_1086 {strides = array<i32>} : memref<32x2048xf32, #tpu.memory_space<vmem>>, vector<1x16xf32>,
      %while3A_1087 = arith.constant 0 : i32
      scf.yield %while3A_1087 : i32
    }
    %while3A_760 = arith.constant 128 : i32
    %while3A_761 = arith.constant 0 : i32
    %while3A_762 = arith.subi %while3A_760, %add3A_74 : i32
    %while3A_763 = arith.addi %add3A_74, %while3A_762 : i32
    %while3A_764 = arith.constant 1 : i32
    %while3A_765 = arith.divsi %while3A_762, %while3A_764 : i32
    %while3A_766 = arith.muli %while3A_765, %while3A_764 : i32
    %while3A_767 = arith.addi %add3A_74, %while3A_766 : i32
    %while3A_768 = arith.constant 1 : i32
    %while3A_769 = scf.for %while3A_1078 = %add3A_74 to %while3A_767 step %while3A_768 iter_args(%while3A_1079 = %while3A_761) -> (i32)  : i32 {
      %mul3A_1080 = arith.constant 16 : i32
      %mul3A_1081 = arith.muli %while3A_1078, %mul3A_1080 : i32
      %multiple_of3A = tpu.assume_multiple %mul3A_1081, 16 : i32
      %swap3A = arith.constant 22 : i32
      %swap3A_1082 = arith.index_cast %swap3A : i32 to index
      %swap3A_1083 = arith.index_cast %multiple_of3A : i32 to index
      %swap3A_1084 = tpu.vector_load %arg5[%swap3A_1082, %swap3A_1083] {strides = array<i32>} : memref<32x2048xf32, #tpu.memory_space<vmem>>, vector<1x16xf32>,
      %swap3A_1085 = vector.shape_cast %swap3A_1084 : vector<1x16xf32> to vector<16xf32>
      %swap3A_1086 = vector.shape_cast %broadcast_in_dim3A_747 : vector<16xf32> to vector<1x16xf32>
      tpu.vector_store %arg5[%swap3A_1082, %swap3A_1083], %swap3A_1086 {strides = array<i32>} : memref<32x2048xf32, #tpu.memory_space<vmem>>, vector<1x16xf32>,
      %while3A_1087 = arith.constant 0 : i32
      scf.yield %while3A_1087 : i32
    }
    %while3A_770 = arith.constant 1 : i32
    %while3A_771 = scf.for %while3A_1078 = %while3A_767 to %while3A_763 step %while3A_770 iter_args(%while3A_1079 = %while3A_769) -> (i32)  : i32 {
      %mul3A_1080 = arith.constant 16 : i32
      %mul3A_1081 = arith.muli %while3A_1078, %mul3A_1080 : i32
      %multiple_of3A = tpu.assume_multiple %mul3A_1081, 16 : i32
      %swap3A = arith.constant 22 : i32
      %swap3A_1082 = arith.index_cast %swap3A : i32 to index
      %swap3A_1083 = arith.index_cast %multiple_of3A : i32 to index
      %swap3A_1084 = tpu.vector_load %arg5[%swap3A_1082, %swap3A_1083] {strides = array<i32>} : memref<32x2048xf32, #tpu.memory_space<vmem>>, vector<1x16xf32>,
      %swap3A_1085 = vector.shape_cast %swap3A_1084 : vector<1x16xf32> to vector<16xf32>
      %swap3A_1086 = vector.shape_cast %broadcast_in_dim3A_747 : vector<16xf32> to vector<1x16xf32>
      tpu.vector_store %arg5[%swap3A_1082, %swap3A_1083], %swap3A_1086 {strides = array<i32>} : memref<32x2048xf32, #tpu.memory_space<vmem>>, vector<1x16xf32>,
      %while3A_1087 = arith.constant 0 : i32
      scf.yield %while3A_1087 : i32
    }
    %slice3A_772 = vector.extract_strided_slice %get3A_79 {offsets = [7], sizes = [1], strides = [1]} : vector<16xf32> to vector<1xf32>
    %squeeze3A_773 = vector.extract %slice3A_772[0] : f32 from vector<1xf32>
    %broadcast_in_dim3A_774 = vector.broadcast %squeeze3A_773 : f32 to vector<16xf32>
    %slice3A_775 = vector.extract_strided_slice %get3A_85 {offsets = [7], sizes = [1], strides = [1]} : vector<16xf32> to vector<1xf32>
    %squeeze3A_776 = vector.extract %slice3A_775[0] : f32 from vector<1xf32>
    %broadcast_in_dim3A_777 = vector.broadcast %squeeze3A_776 : f32 to vector<16xf32>
    %while3A_778 = arith.constant 0 : i32
    %while3A_779 = arith.constant 0 : i32
    %while3A_780 = arith.subi %select_n3A_48, %while3A_778 : i32
    %while3A_781 = arith.addi %while3A_778, %while3A_780 : i32
    %while3A_782 = arith.constant 1 : i32
    %while3A_783 = arith.divsi %while3A_780, %while3A_782 : i32
    %while3A_784 = arith.muli %while3A_783, %while3A_782 : i32
    %while3A_785 = arith.addi %while3A_778, %while3A_784 : i32
    %while3A_786 = arith.constant 1 : i32
    %while3A_787 = scf.for %while3A_1078 = %while3A_778 to %while3A_785 step %while3A_786 iter_args(%while3A_1079 = %while3A_779) -> (i32)  : i32 {
      %mul3A_1080 = arith.constant 16 : i32
      %mul3A_1081 = arith.muli %while3A_1078, %mul3A_1080 : i32
      %multiple_of3A = tpu.assume_multiple %mul3A_1081, 16 : i32
      %swap3A = arith.constant 23 : i32
      %swap3A_1082 = arith.index_cast %swap3A : i32 to index
      %swap3A_1083 = arith.index_cast %multiple_of3A : i32 to index
      %swap3A_1084 = tpu.vector_load %arg5[%swap3A_1082, %swap3A_1083] {strides = array<i32>} : memref<32x2048xf32, #tpu.memory_space<vmem>>, vector<1x16xf32>,
      %swap3A_1085 = vector.shape_cast %swap3A_1084 : vector<1x16xf32> to vector<16xf32>
      %swap3A_1086 = vector.shape_cast %broadcast_in_dim3A_774 : vector<16xf32> to vector<1x16xf32>
      tpu.vector_store %arg5[%swap3A_1082, %swap3A_1083], %swap3A_1086 {strides = array<i32>} : memref<32x2048xf32, #tpu.memory_space<vmem>>, vector<1x16xf32>,
      %while3A_1087 = arith.constant 0 : i32
      scf.yield %while3A_1087 : i32
    }
    %while3A_788 = arith.constant 1 : i32
    %while3A_789 = scf.for %while3A_1078 = %while3A_785 to %while3A_781 step %while3A_788 iter_args(%while3A_1079 = %while3A_787) -> (i32)  : i32 {
      %mul3A_1080 = arith.constant 16 : i32
      %mul3A_1081 = arith.muli %while3A_1078, %mul3A_1080 : i32
      %multiple_of3A = tpu.assume_multiple %mul3A_1081, 16 : i32
      %swap3A = arith.constant 23 : i32
      %swap3A_1082 = arith.index_cast %swap3A : i32 to index
      %swap3A_1083 = arith.index_cast %multiple_of3A : i32 to index
      %swap3A_1084 = tpu.vector_load %arg5[%swap3A_1082, %swap3A_1083] {strides = array<i32>} : memref<32x2048xf32, #tpu.memory_space<vmem>>, vector<1x16xf32>,
      %swap3A_1085 = vector.shape_cast %swap3A_1084 : vector<1x16xf32> to vector<16xf32>
      %swap3A_1086 = vector.shape_cast %broadcast_in_dim3A_774 : vector<16xf32> to vector<1x16xf32>
      tpu.vector_store %arg5[%swap3A_1082, %swap3A_1083], %swap3A_1086 {strides = array<i32>} : memref<32x2048xf32, #tpu.memory_space<vmem>>, vector<1x16xf32>,
      %while3A_1087 = arith.constant 0 : i32
      scf.yield %while3A_1087 : i32
    }
    %while3A_790 = arith.constant 128 : i32
    %while3A_791 = arith.constant 0 : i32
    %while3A_792 = arith.subi %while3A_790, %add3A_74 : i32
    %while3A_793 = arith.addi %add3A_74, %while3A_792 : i32
    %while3A_794 = arith.constant 1 : i32
    %while3A_795 = arith.divsi %while3A_792, %while3A_794 : i32
    %while3A_796 = arith.muli %while3A_795, %while3A_794 : i32
    %while3A_797 = arith.addi %add3A_74, %while3A_796 : i32
    %while3A_798 = arith.constant 1 : i32
    %while3A_799 = scf.for %while3A_1078 = %add3A_74 to %while3A_797 step %while3A_798 iter_args(%while3A_1079 = %while3A_791) -> (i32)  : i32 {
      %mul3A_1080 = arith.constant 16 : i32
      %mul3A_1081 = arith.muli %while3A_1078, %mul3A_1080 : i32
      %multiple_of3A = tpu.assume_multiple %mul3A_1081, 16 : i32
      %swap3A = arith.constant 23 : i32
      %swap3A_1082 = arith.index_cast %swap3A : i32 to index
      %swap3A_1083 = arith.index_cast %multiple_of3A : i32 to index
      %swap3A_1084 = tpu.vector_load %arg5[%swap3A_1082, %swap3A_1083] {strides = array<i32>} : memref<32x2048xf32, #tpu.memory_space<vmem>>, vector<1x16xf32>,
      %swap3A_1085 = vector.shape_cast %swap3A_1084 : vector<1x16xf32> to vector<16xf32>
      %swap3A_1086 = vector.shape_cast %broadcast_in_dim3A_777 : vector<16xf32> to vector<1x16xf32>
      tpu.vector_store %arg5[%swap3A_1082, %swap3A_1083], %swap3A_1086 {strides = array<i32>} : memref<32x2048xf32, #tpu.memory_space<vmem>>, vector<1x16xf32>,
      %while3A_1087 = arith.constant 0 : i32
      scf.yield %while3A_1087 : i32
    }
    %while3A_800 = arith.constant 1 : i32
    %while3A_801 = scf.for %while3A_1078 = %while3A_797 to %while3A_793 step %while3A_800 iter_args(%while3A_1079 = %while3A_799) -> (i32)  : i32 {
      %mul3A_1080 = arith.constant 16 : i32
      %mul3A_1081 = arith.muli %while3A_1078, %mul3A_1080 : i32
      %multiple_of3A = tpu.assume_multiple %mul3A_1081, 16 : i32
      %swap3A = arith.constant 23 : i32
      %swap3A_1082 = arith.index_cast %swap3A : i32 to index
      %swap3A_1083 = arith.index_cast %multiple_of3A : i32 to index
      %swap3A_1084 = tpu.vector_load %arg5[%swap3A_1082, %swap3A_1083] {strides = array<i32>} : memref<32x2048xf32, #tpu.memory_space<vmem>>, vector<1x16xf32>,
      %swap3A_1085 = vector.shape_cast %swap3A_1084 : vector<1x16xf32> to vector<16xf32>
      %swap3A_1086 = vector.shape_cast %broadcast_in_dim3A_777 : vector<16xf32> to vector<1x16xf32>
      tpu.vector_store %arg5[%swap3A_1082, %swap3A_1083], %swap3A_1086 {strides = array<i32>} : memref<32x2048xf32, #tpu.memory_space<vmem>>, vector<1x16xf32>,
      %while3A_1087 = arith.constant 0 : i32
      scf.yield %while3A_1087 : i32
    }
    %slice3A_802 = vector.extract_strided_slice %get3A_79 {offsets = [8], sizes = [1], strides = [1]} : vector<16xf32> to vector<1xf32>
    %squeeze3A_803 = vector.extract %slice3A_802[0] : f32 from vector<1xf32>
    %broadcast_in_dim3A_804 = vector.broadcast %squeeze3A_803 : f32 to vector<16xf32>
    %slice3A_805 = vector.extract_strided_slice %get3A_85 {offsets = [8], sizes = [1], strides = [1]} : vector<16xf32> to vector<1xf32>
    %squeeze3A_806 = vector.extract %slice3A_805[0] : f32 from vector<1xf32>
    %broadcast_in_dim3A_807 = vector.broadcast %squeeze3A_806 : f32 to vector<16xf32>
    %while3A_808 = arith.constant 0 : i32
    %while3A_809 = arith.constant 0 : i32
    %while3A_810 = arith.subi %select_n3A_48, %while3A_808 : i32
    %while3A_811 = arith.addi %while3A_808, %while3A_810 : i32
    %while3A_812 = arith.constant 1 : i32
    %while3A_813 = arith.divsi %while3A_810, %while3A_812 : i32
    %while3A_814 = arith.muli %while3A_813, %while3A_812 : i32
    %while3A_815 = arith.addi %while3A_808, %while3A_814 : i32
    %while3A_816 = arith.constant 1 : i32
    %while3A_817 = scf.for %while3A_1078 = %while3A_808 to %while3A_815 step %while3A_816 iter_args(%while3A_1079 = %while3A_809) -> (i32)  : i32 {
      %mul3A_1080 = arith.constant 16 : i32
      %mul3A_1081 = arith.muli %while3A_1078, %mul3A_1080 : i32
      %multiple_of3A = tpu.assume_multiple %mul3A_1081, 16 : i32
      %swap3A = arith.constant 24 : i32
      %swap3A_1082 = arith.index_cast %swap3A : i32 to index
      %swap3A_1083 = arith.index_cast %multiple_of3A : i32 to index
      %swap3A_1084 = tpu.vector_load %arg5[%swap3A_1082, %swap3A_1083] {strides = array<i32>} : memref<32x2048xf32, #tpu.memory_space<vmem>>, vector<1x16xf32>,
      %swap3A_1085 = vector.shape_cast %swap3A_1084 : vector<1x16xf32> to vector<16xf32>
      %swap3A_1086 = vector.shape_cast %broadcast_in_dim3A_804 : vector<16xf32> to vector<1x16xf32>
      tpu.vector_store %arg5[%swap3A_1082, %swap3A_1083], %swap3A_1086 {strides = array<i32>} : memref<32x2048xf32, #tpu.memory_space<vmem>>, vector<1x16xf32>,
      %while3A_1087 = arith.constant 0 : i32
      scf.yield %while3A_1087 : i32
    }
    %while3A_818 = arith.constant 1 : i32
    %while3A_819 = scf.for %while3A_1078 = %while3A_815 to %while3A_811 step %while3A_818 iter_args(%while3A_1079 = %while3A_817) -> (i32)  : i32 {
      %mul3A_1080 = arith.constant 16 : i32
      %mul3A_1081 = arith.muli %while3A_1078, %mul3A_1080 : i32
      %multiple_of3A = tpu.assume_multiple %mul3A_1081, 16 : i32
      %swap3A = arith.constant 24 : i32
      %swap3A_1082 = arith.index_cast %swap3A : i32 to index
      %swap3A_1083 = arith.index_cast %multiple_of3A : i32 to index
      %swap3A_1084 = tpu.vector_load %arg5[%swap3A_1082, %swap3A_1083] {strides = array<i32>} : memref<32x2048xf32, #tpu.memory_space<vmem>>, vector<1x16xf32>,
      %swap3A_1085 = vector.shape_cast %swap3A_1084 : vector<1x16xf32> to vector<16xf32>
      %swap3A_1086 = vector.shape_cast %broadcast_in_dim3A_804 : vector<16xf32> to vector<1x16xf32>
      tpu.vector_store %arg5[%swap3A_1082, %swap3A_1083], %swap3A_1086 {strides = array<i32>} : memref<32x2048xf32, #tpu.memory_space<vmem>>, vector<1x16xf32>,
      %while3A_1087 = arith.constant 0 : i32
      scf.yield %while3A_1087 : i32
    }
    %while3A_820 = arith.constant 128 : i32
    %while3A_821 = arith.constant 0 : i32
    %while3A_822 = arith.subi %while3A_820, %add3A_74 : i32
    %while3A_823 = arith.addi %add3A_74, %while3A_822 : i32
    %while3A_824 = arith.constant 1 : i32
    %while3A_825 = arith.divsi %while3A_822, %while3A_824 : i32
    %while3A_826 = arith.muli %while3A_825, %while3A_824 : i32
    %while3A_827 = arith.addi %add3A_74, %while3A_826 : i32
    %while3A_828 = arith.constant 1 : i32
    %while3A_829 = scf.for %while3A_1078 = %add3A_74 to %while3A_827 step %while3A_828 iter_args(%while3A_1079 = %while3A_821) -> (i32)  : i32 {
      %mul3A_1080 = arith.constant 16 : i32
      %mul3A_1081 = arith.muli %while3A_1078, %mul3A_1080 : i32
      %multiple_of3A = tpu.assume_multiple %mul3A_1081, 16 : i32
      %swap3A = arith.constant 24 : i32
      %swap3A_1082 = arith.index_cast %swap3A : i32 to index
      %swap3A_1083 = arith.index_cast %multiple_of3A : i32 to index
      %swap3A_1084 = tpu.vector_load %arg5[%swap3A_1082, %swap3A_1083] {strides = array<i32>} : memref<32x2048xf32, #tpu.memory_space<vmem>>, vector<1x16xf32>,
      %swap3A_1085 = vector.shape_cast %swap3A_1084 : vector<1x16xf32> to vector<16xf32>
      %swap3A_1086 = vector.shape_cast %broadcast_in_dim3A_807 : vector<16xf32> to vector<1x16xf32>
      tpu.vector_store %arg5[%swap3A_1082, %swap3A_1083], %swap3A_1086 {strides = array<i32>} : memref<32x2048xf32, #tpu.memory_space<vmem>>, vector<1x16xf32>,
      %while3A_1087 = arith.constant 0 : i32
      scf.yield %while3A_1087 : i32
    }
    %while3A_830 = arith.constant 1 : i32
    %while3A_831 = scf.for %while3A_1078 = %while3A_827 to %while3A_823 step %while3A_830 iter_args(%while3A_1079 = %while3A_829) -> (i32)  : i32 {
      %mul3A_1080 = arith.constant 16 : i32
      %mul3A_1081 = arith.muli %while3A_1078, %mul3A_1080 : i32
      %multiple_of3A = tpu.assume_multiple %mul3A_1081, 16 : i32
      %swap3A = arith.constant 24 : i32
      %swap3A_1082 = arith.index_cast %swap3A : i32 to index
      %swap3A_1083 = arith.index_cast %multiple_of3A : i32 to index
      %swap3A_1084 = tpu.vector_load %arg5[%swap3A_1082, %swap3A_1083] {strides = array<i32>} : memref<32x2048xf32, #tpu.memory_space<vmem>>, vector<1x16xf32>,
      %swap3A_1085 = vector.shape_cast %swap3A_1084 : vector<1x16xf32> to vector<16xf32>
      %swap3A_1086 = vector.shape_cast %broadcast_in_dim3A_807 : vector<16xf32> to vector<1x16xf32>
      tpu.vector_store %arg5[%swap3A_1082, %swap3A_1083], %swap3A_1086 {strides = array<i32>} : memref<32x2048xf32, #tpu.memory_space<vmem>>, vector<1x16xf32>,
      %while3A_1087 = arith.constant 0 : i32
      scf.yield %while3A_1087 : i32
    }
    %slice3A_832 = vector.extract_strided_slice %get3A_79 {offsets = [9], sizes = [1], strides = [1]} : vector<16xf32> to vector<1xf32>
    %squeeze3A_833 = vector.extract %slice3A_832[0] : f32 from vector<1xf32>
    %broadcast_in_dim3A_834 = vector.broadcast %squeeze3A_833 : f32 to vector<16xf32>
    %slice3A_835 = vector.extract_strided_slice %get3A_85 {offsets = [9], sizes = [1], strides = [1]} : vector<16xf32> to vector<1xf32>
    %squeeze3A_836 = vector.extract %slice3A_835[0] : f32 from vector<1xf32>
    %broadcast_in_dim3A_837 = vector.broadcast %squeeze3A_836 : f32 to vector<16xf32>
    %while3A_838 = arith.constant 0 : i32
    %while3A_839 = arith.constant 0 : i32
    %while3A_840 = arith.subi %select_n3A_48, %while3A_838 : i32
    %while3A_841 = arith.addi %while3A_838, %while3A_840 : i32
    %while3A_842 = arith.constant 1 : i32
    %while3A_843 = arith.divsi %while3A_840, %while3A_842 : i32
    %while3A_844 = arith.muli %while3A_843, %while3A_842 : i32
    %while3A_845 = arith.addi %while3A_838, %while3A_844 : i32
    %while3A_846 = arith.constant 1 : i32
    %while3A_847 = scf.for %while3A_1078 = %while3A_838 to %while3A_845 step %while3A_846 iter_args(%while3A_1079 = %while3A_839) -> (i32)  : i32 {
      %mul3A_1080 = arith.constant 16 : i32
      %mul3A_1081 = arith.muli %while3A_1078, %mul3A_1080 : i32
      %multiple_of3A = tpu.assume_multiple %mul3A_1081, 16 : i32
      %swap3A = arith.constant 25 : i32
      %swap3A_1082 = arith.index_cast %swap3A : i32 to index
      %swap3A_1083 = arith.index_cast %multiple_of3A : i32 to index
      %swap3A_1084 = tpu.vector_load %arg5[%swap3A_1082, %swap3A_1083] {strides = array<i32>} : memref<32x2048xf32, #tpu.memory_space<vmem>>, vector<1x16xf32>,
      %swap3A_1085 = vector.shape_cast %swap3A_1084 : vector<1x16xf32> to vector<16xf32>
      %swap3A_1086 = vector.shape_cast %broadcast_in_dim3A_834 : vector<16xf32> to vector<1x16xf32>
      tpu.vector_store %arg5[%swap3A_1082, %swap3A_1083], %swap3A_1086 {strides = array<i32>} : memref<32x2048xf32, #tpu.memory_space<vmem>>, vector<1x16xf32>,
      %while3A_1087 = arith.constant 0 : i32
      scf.yield %while3A_1087 : i32
    }
    %while3A_848 = arith.constant 1 : i32
    %while3A_849 = scf.for %while3A_1078 = %while3A_845 to %while3A_841 step %while3A_848 iter_args(%while3A_1079 = %while3A_847) -> (i32)  : i32 {
      %mul3A_1080 = arith.constant 16 : i32
      %mul3A_1081 = arith.muli %while3A_1078, %mul3A_1080 : i32
      %multiple_of3A = tpu.assume_multiple %mul3A_1081, 16 : i32
      %swap3A = arith.constant 25 : i32
      %swap3A_1082 = arith.index_cast %swap3A : i32 to index
      %swap3A_1083 = arith.index_cast %multiple_of3A : i32 to index
      %swap3A_1084 = tpu.vector_load %arg5[%swap3A_1082, %swap3A_1083] {strides = array<i32>} : memref<32x2048xf32, #tpu.memory_space<vmem>>, vector<1x16xf32>,
      %swap3A_1085 = vector.shape_cast %swap3A_1084 : vector<1x16xf32> to vector<16xf32>
      %swap3A_1086 = vector.shape_cast %broadcast_in_dim3A_834 : vector<16xf32> to vector<1x16xf32>
      tpu.vector_store %arg5[%swap3A_1082, %swap3A_1083], %swap3A_1086 {strides = array<i32>} : memref<32x2048xf32, #tpu.memory_space<vmem>>, vector<1x16xf32>,
      %while3A_1087 = arith.constant 0 : i32
      scf.yield %while3A_1087 : i32
    }
    %while3A_850 = arith.constant 128 : i32
    %while3A_851 = arith.constant 0 : i32
    %while3A_852 = arith.subi %while3A_850, %add3A_74 : i32
    %while3A_853 = arith.addi %add3A_74, %while3A_852 : i32
    %while3A_854 = arith.constant 1 : i32
    %while3A_855 = arith.divsi %while3A_852, %while3A_854 : i32
    %while3A_856 = arith.muli %while3A_855, %while3A_854 : i32
    %while3A_857 = arith.addi %add3A_74, %while3A_856 : i32
    %while3A_858 = arith.constant 1 : i32
    %while3A_859 = scf.for %while3A_1078 = %add3A_74 to %while3A_857 step %while3A_858 iter_args(%while3A_1079 = %while3A_851) -> (i32)  : i32 {
      %mul3A_1080 = arith.constant 16 : i32
      %mul3A_1081 = arith.muli %while3A_1078, %mul3A_1080 : i32
      %multiple_of3A = tpu.assume_multiple %mul3A_1081, 16 : i32
      %swap3A = arith.constant 25 : i32
      %swap3A_1082 = arith.index_cast %swap3A : i32 to index
      %swap3A_1083 = arith.index_cast %multiple_of3A : i32 to index
      %swap3A_1084 = tpu.vector_load %arg5[%swap3A_1082, %swap3A_1083] {strides = array<i32>} : memref<32x2048xf32, #tpu.memory_space<vmem>>, vector<1x16xf32>,
      %swap3A_1085 = vector.shape_cast %swap3A_1084 : vector<1x16xf32> to vector<16xf32>
      %swap3A_1086 = vector.shape_cast %broadcast_in_dim3A_837 : vector<16xf32> to vector<1x16xf32>
      tpu.vector_store %arg5[%swap3A_1082, %swap3A_1083], %swap3A_1086 {strides = array<i32>} : memref<32x2048xf32, #tpu.memory_space<vmem>>, vector<1x16xf32>,
      %while3A_1087 = arith.constant 0 : i32
      scf.yield %while3A_1087 : i32
    }
    %while3A_860 = arith.constant 1 : i32
    %while3A_861 = scf.for %while3A_1078 = %while3A_857 to %while3A_853 step %while3A_860 iter_args(%while3A_1079 = %while3A_859) -> (i32)  : i32 {
      %mul3A_1080 = arith.constant 16 : i32
      %mul3A_1081 = arith.muli %while3A_1078, %mul3A_1080 : i32
      %multiple_of3A = tpu.assume_multiple %mul3A_1081, 16 : i32
      %swap3A = arith.constant 25 : i32
      %swap3A_1082 = arith.index_cast %swap3A : i32 to index
      %swap3A_1083 = arith.index_cast %multiple_of3A : i32 to index
      %swap3A_1084 = tpu.vector_load %arg5[%swap3A_1082, %swap3A_1083] {strides = array<i32>} : memref<32x2048xf32, #tpu.memory_space<vmem>>, vector<1x16xf32>,
      %swap3A_1085 = vector.shape_cast %swap3A_1084 : vector<1x16xf32> to vector<16xf32>
      %swap3A_1086 = vector.shape_cast %broadcast_in_dim3A_837 : vector<16xf32> to vector<1x16xf32>
      tpu.vector_store %arg5[%swap3A_1082, %swap3A_1083], %swap3A_1086 {strides = array<i32>} : memref<32x2048xf32, #tpu.memory_space<vmem>>, vector<1x16xf32>,
      %while3A_1087 = arith.constant 0 : i32
      scf.yield %while3A_1087 : i32
    }
    %slice3A_862 = vector.extract_strided_slice %get3A_79 {offsets = [10], sizes = [1], strides = [1]} : vector<16xf32> to vector<1xf32>
    %squeeze3A_863 = vector.extract %slice3A_862[0] : f32 from vector<1xf32>
    %broadcast_in_dim3A_864 = vector.broadcast %squeeze3A_863 : f32 to vector<16xf32>
    %slice3A_865 = vector.extract_strided_slice %get3A_85 {offsets = [10], sizes = [1], strides = [1]} : vector<16xf32> to vector<1xf32>
    %squeeze3A_866 = vector.extract %slice3A_865[0] : f32 from vector<1xf32>
    %broadcast_in_dim3A_867 = vector.broadcast %squeeze3A_866 : f32 to vector<16xf32>
    %while3A_868 = arith.constant 0 : i32
    %while3A_869 = arith.constant 0 : i32
    %while3A_870 = arith.subi %select_n3A_48, %while3A_868 : i32
    %while3A_871 = arith.addi %while3A_868, %while3A_870 : i32
    %while3A_872 = arith.constant 1 : i32
    %while3A_873 = arith.divsi %while3A_870, %while3A_872 : i32
    %while3A_874 = arith.muli %while3A_873, %while3A_872 : i32
    %while3A_875 = arith.addi %while3A_868, %while3A_874 : i32
    %while3A_876 = arith.constant 1 : i32
    %while3A_877 = scf.for %while3A_1078 = %while3A_868 to %while3A_875 step %while3A_876 iter_args(%while3A_1079 = %while3A_869) -> (i32)  : i32 {
      %mul3A_1080 = arith.constant 16 : i32
      %mul3A_1081 = arith.muli %while3A_1078, %mul3A_1080 : i32
      %multiple_of3A = tpu.assume_multiple %mul3A_1081, 16 : i32
      %swap3A = arith.constant 26 : i32
      %swap3A_1082 = arith.index_cast %swap3A : i32 to index
      %swap3A_1083 = arith.index_cast %multiple_of3A : i32 to index
      %swap3A_1084 = tpu.vector_load %arg5[%swap3A_1082, %swap3A_1083] {strides = array<i32>} : memref<32x2048xf32, #tpu.memory_space<vmem>>, vector<1x16xf32>,
      %swap3A_1085 = vector.shape_cast %swap3A_1084 : vector<1x16xf32> to vector<16xf32>
      %swap3A_1086 = vector.shape_cast %broadcast_in_dim3A_864 : vector<16xf32> to vector<1x16xf32>
      tpu.vector_store %arg5[%swap3A_1082, %swap3A_1083], %swap3A_1086 {strides = array<i32>} : memref<32x2048xf32, #tpu.memory_space<vmem>>, vector<1x16xf32>,
      %while3A_1087 = arith.constant 0 : i32
      scf.yield %while3A_1087 : i32
    }
    %while3A_878 = arith.constant 1 : i32
    %while3A_879 = scf.for %while3A_1078 = %while3A_875 to %while3A_871 step %while3A_878 iter_args(%while3A_1079 = %while3A_877) -> (i32)  : i32 {
      %mul3A_1080 = arith.constant 16 : i32
      %mul3A_1081 = arith.muli %while3A_1078, %mul3A_1080 : i32
      %multiple_of3A = tpu.assume_multiple %mul3A_1081, 16 : i32
      %swap3A = arith.constant 26 : i32
      %swap3A_1082 = arith.index_cast %swap3A : i32 to index
      %swap3A_1083 = arith.index_cast %multiple_of3A : i32 to index
      %swap3A_1084 = tpu.vector_load %arg5[%swap3A_1082, %swap3A_1083] {strides = array<i32>} : memref<32x2048xf32, #tpu.memory_space<vmem>>, vector<1x16xf32>,
      %swap3A_1085 = vector.shape_cast %swap3A_1084 : vector<1x16xf32> to vector<16xf32>
      %swap3A_1086 = vector.shape_cast %broadcast_in_dim3A_864 : vector<16xf32> to vector<1x16xf32>
      tpu.vector_store %arg5[%swap3A_1082, %swap3A_1083], %swap3A_1086 {strides = array<i32>} : memref<32x2048xf32, #tpu.memory_space<vmem>>, vector<1x16xf32>,
      %while3A_1087 = arith.constant 0 : i32
      scf.yield %while3A_1087 : i32
    }
    %while3A_880 = arith.constant 128 : i32
    %while3A_881 = arith.constant 0 : i32
    %while3A_882 = arith.subi %while3A_880, %add3A_74 : i32
    %while3A_883 = arith.addi %add3A_74, %while3A_882 : i32
    %while3A_884 = arith.constant 1 : i32
    %while3A_885 = arith.divsi %while3A_882, %while3A_884 : i32
    %while3A_886 = arith.muli %while3A_885, %while3A_884 : i32
    %while3A_887 = arith.addi %add3A_74, %while3A_886 : i32
    %while3A_888 = arith.constant 1 : i32
    %while3A_889 = scf.for %while3A_1078 = %add3A_74 to %while3A_887 step %while3A_888 iter_args(%while3A_1079 = %while3A_881) -> (i32)  : i32 {
      %mul3A_1080 = arith.constant 16 : i32
      %mul3A_1081 = arith.muli %while3A_1078, %mul3A_1080 : i32
      %multiple_of3A = tpu.assume_multiple %mul3A_1081, 16 : i32
      %swap3A = arith.constant 26 : i32
      %swap3A_1082 = arith.index_cast %swap3A : i32 to index
      %swap3A_1083 = arith.index_cast %multiple_of3A : i32 to index
      %swap3A_1084 = tpu.vector_load %arg5[%swap3A_1082, %swap3A_1083] {strides = array<i32>} : memref<32x2048xf32, #tpu.memory_space<vmem>>, vector<1x16xf32>,
      %swap3A_1085 = vector.shape_cast %swap3A_1084 : vector<1x16xf32> to vector<16xf32>
      %swap3A_1086 = vector.shape_cast %broadcast_in_dim3A_867 : vector<16xf32> to vector<1x16xf32>
      tpu.vector_store %arg5[%swap3A_1082, %swap3A_1083], %swap3A_1086 {strides = array<i32>} : memref<32x2048xf32, #tpu.memory_space<vmem>>, vector<1x16xf32>,
      %while3A_1087 = arith.constant 0 : i32
      scf.yield %while3A_1087 : i32
    }
    %while3A_890 = arith.constant 1 : i32
    %while3A_891 = scf.for %while3A_1078 = %while3A_887 to %while3A_883 step %while3A_890 iter_args(%while3A_1079 = %while3A_889) -> (i32)  : i32 {
      %mul3A_1080 = arith.constant 16 : i32
      %mul3A_1081 = arith.muli %while3A_1078, %mul3A_1080 : i32
      %multiple_of3A = tpu.assume_multiple %mul3A_1081, 16 : i32
      %swap3A = arith.constant 26 : i32
      %swap3A_1082 = arith.index_cast %swap3A : i32 to index
      %swap3A_1083 = arith.index_cast %multiple_of3A : i32 to index
      %swap3A_1084 = tpu.vector_load %arg5[%swap3A_1082, %swap3A_1083] {strides = array<i32>} : memref<32x2048xf32, #tpu.memory_space<vmem>>, vector<1x16xf32>,
      %swap3A_1085 = vector.shape_cast %swap3A_1084 : vector<1x16xf32> to vector<16xf32>
      %swap3A_1086 = vector.shape_cast %broadcast_in_dim3A_867 : vector<16xf32> to vector<1x16xf32>
      tpu.vector_store %arg5[%swap3A_1082, %swap3A_1083], %swap3A_1086 {strides = array<i32>} : memref<32x2048xf32, #tpu.memory_space<vmem>>, vector<1x16xf32>,
      %while3A_1087 = arith.constant 0 : i32
      scf.yield %while3A_1087 : i32
    }
    %slice3A_892 = vector.extract_strided_slice %get3A_79 {offsets = [11], sizes = [1], strides = [1]} : vector<16xf32> to vector<1xf32>
    %squeeze3A_893 = vector.extract %slice3A_892[0] : f32 from vector<1xf32>
    %broadcast_in_dim3A_894 = vector.broadcast %squeeze3A_893 : f32 to vector<16xf32>
    %slice3A_895 = vector.extract_strided_slice %get3A_85 {offsets = [11], sizes = [1], strides = [1]} : vector<16xf32> to vector<1xf32>
    %squeeze3A_896 = vector.extract %slice3A_895[0] : f32 from vector<1xf32>
    %broadcast_in_dim3A_897 = vector.broadcast %squeeze3A_896 : f32 to vector<16xf32>
    %while3A_898 = arith.constant 0 : i32
    %while3A_899 = arith.constant 0 : i32
    %while3A_900 = arith.subi %select_n3A_48, %while3A_898 : i32
    %while3A_901 = arith.addi %while3A_898, %while3A_900 : i32
    %while3A_902 = arith.constant 1 : i32
    %while3A_903 = arith.divsi %while3A_900, %while3A_902 : i32
    %while3A_904 = arith.muli %while3A_903, %while3A_902 : i32
    %while3A_905 = arith.addi %while3A_898, %while3A_904 : i32
    %while3A_906 = arith.constant 1 : i32
    %while3A_907 = scf.for %while3A_1078 = %while3A_898 to %while3A_905 step %while3A_906 iter_args(%while3A_1079 = %while3A_899) -> (i32)  : i32 {
      %mul3A_1080 = arith.constant 16 : i32
      %mul3A_1081 = arith.muli %while3A_1078, %mul3A_1080 : i32
      %multiple_of3A = tpu.assume_multiple %mul3A_1081, 16 : i32
      %swap3A = arith.constant 27 : i32
      %swap3A_1082 = arith.index_cast %swap3A : i32 to index
      %swap3A_1083 = arith.index_cast %multiple_of3A : i32 to index
      %swap3A_1084 = tpu.vector_load %arg5[%swap3A_1082, %swap3A_1083] {strides = array<i32>} : memref<32x2048xf32, #tpu.memory_space<vmem>>, vector<1x16xf32>,
      %swap3A_1085 = vector.shape_cast %swap3A_1084 : vector<1x16xf32> to vector<16xf32>
      %swap3A_1086 = vector.shape_cast %broadcast_in_dim3A_894 : vector<16xf32> to vector<1x16xf32>
      tpu.vector_store %arg5[%swap3A_1082, %swap3A_1083], %swap3A_1086 {strides = array<i32>} : memref<32x2048xf32, #tpu.memory_space<vmem>>, vector<1x16xf32>,
      %while3A_1087 = arith.constant 0 : i32
      scf.yield %while3A_1087 : i32
    }
    %while3A_908 = arith.constant 1 : i32
    %while3A_909 = scf.for %while3A_1078 = %while3A_905 to %while3A_901 step %while3A_908 iter_args(%while3A_1079 = %while3A_907) -> (i32)  : i32 {
      %mul3A_1080 = arith.constant 16 : i32
      %mul3A_1081 = arith.muli %while3A_1078, %mul3A_1080 : i32
      %multiple_of3A = tpu.assume_multiple %mul3A_1081, 16 : i32
      %swap3A = arith.constant 27 : i32
      %swap3A_1082 = arith.index_cast %swap3A : i32 to index
      %swap3A_1083 = arith.index_cast %multiple_of3A : i32 to index
      %swap3A_1084 = tpu.vector_load %arg5[%swap3A_1082, %swap3A_1083] {strides = array<i32>} : memref<32x2048xf32, #tpu.memory_space<vmem>>, vector<1x16xf32>,
      %swap3A_1085 = vector.shape_cast %swap3A_1084 : vector<1x16xf32> to vector<16xf32>
      %swap3A_1086 = vector.shape_cast %broadcast_in_dim3A_894 : vector<16xf32> to vector<1x16xf32>
      tpu.vector_store %arg5[%swap3A_1082, %swap3A_1083], %swap3A_1086 {strides = array<i32>} : memref<32x2048xf32, #tpu.memory_space<vmem>>, vector<1x16xf32>,
      %while3A_1087 = arith.constant 0 : i32
      scf.yield %while3A_1087 : i32
    }
    %while3A_910 = arith.constant 128 : i32
    %while3A_911 = arith.constant 0 : i32
    %while3A_912 = arith.subi %while3A_910, %add3A_74 : i32
    %while3A_913 = arith.addi %add3A_74, %while3A_912 : i32
    %while3A_914 = arith.constant 1 : i32
    %while3A_915 = arith.divsi %while3A_912, %while3A_914 : i32
    %while3A_916 = arith.muli %while3A_915, %while3A_914 : i32
    %while3A_917 = arith.addi %add3A_74, %while3A_916 : i32
    %while3A_918 = arith.constant 1 : i32
    %while3A_919 = scf.for %while3A_1078 = %add3A_74 to %while3A_917 step %while3A_918 iter_args(%while3A_1079 = %while3A_911) -> (i32)  : i32 {
      %mul3A_1080 = arith.constant 16 : i32
      %mul3A_1081 = arith.muli %while3A_1078, %mul3A_1080 : i32
      %multiple_of3A = tpu.assume_multiple %mul3A_1081, 16 : i32
      %swap3A = arith.constant 27 : i32
      %swap3A_1082 = arith.index_cast %swap3A : i32 to index
      %swap3A_1083 = arith.index_cast %multiple_of3A : i32 to index
      %swap3A_1084 = tpu.vector_load %arg5[%swap3A_1082, %swap3A_1083] {strides = array<i32>} : memref<32x2048xf32, #tpu.memory_space<vmem>>, vector<1x16xf32>,
      %swap3A_1085 = vector.shape_cast %swap3A_1084 : vector<1x16xf32> to vector<16xf32>
      %swap3A_1086 = vector.shape_cast %broadcast_in_dim3A_897 : vector<16xf32> to vector<1x16xf32>
      tpu.vector_store %arg5[%swap3A_1082, %swap3A_1083], %swap3A_1086 {strides = array<i32>} : memref<32x2048xf32, #tpu.memory_space<vmem>>, vector<1x16xf32>,
      %while3A_1087 = arith.constant 0 : i32
      scf.yield %while3A_1087 : i32
    }
    %while3A_920 = arith.constant 1 : i32
    %while3A_921 = scf.for %while3A_1078 = %while3A_917 to %while3A_913 step %while3A_920 iter_args(%while3A_1079 = %while3A_919) -> (i32)  : i32 {
      %mul3A_1080 = arith.constant 16 : i32
      %mul3A_1081 = arith.muli %while3A_1078, %mul3A_1080 : i32
      %multiple_of3A = tpu.assume_multiple %mul3A_1081, 16 : i32
      %swap3A = arith.constant 27 : i32
      %swap3A_1082 = arith.index_cast %swap3A : i32 to index
      %swap3A_1083 = arith.index_cast %multiple_of3A : i32 to index
      %swap3A_1084 = tpu.vector_load %arg5[%swap3A_1082, %swap3A_1083] {strides = array<i32>} : memref<32x2048xf32, #tpu.memory_space<vmem>>, vector<1x16xf32>,
      %swap3A_1085 = vector.shape_cast %swap3A_1084 : vector<1x16xf32> to vector<16xf32>
      %swap3A_1086 = vector.shape_cast %broadcast_in_dim3A_897 : vector<16xf32> to vector<1x16xf32>
      tpu.vector_store %arg5[%swap3A_1082, %swap3A_1083], %swap3A_1086 {strides = array<i32>} : memref<32x2048xf32, #tpu.memory_space<vmem>>, vector<1x16xf32>,
      %while3A_1087 = arith.constant 0 : i32
      scf.yield %while3A_1087 : i32
    }
    %slice3A_922 = vector.extract_strided_slice %get3A_79 {offsets = [12], sizes = [1], strides = [1]} : vector<16xf32> to vector<1xf32>
    %squeeze3A_923 = vector.extract %slice3A_922[0] : f32 from vector<1xf32>
    %broadcast_in_dim3A_924 = vector.broadcast %squeeze3A_923 : f32 to vector<16xf32>
    %slice3A_925 = vector.extract_strided_slice %get3A_85 {offsets = [12], sizes = [1], strides = [1]} : vector<16xf32> to vector<1xf32>
    %squeeze3A_926 = vector.extract %slice3A_925[0] : f32 from vector<1xf32>
    %broadcast_in_dim3A_927 = vector.broadcast %squeeze3A_926 : f32 to vector<16xf32>
    %while3A_928 = arith.constant 0 : i32
    %while3A_929 = arith.constant 0 : i32
    %while3A_930 = arith.subi %select_n3A_48, %while3A_928 : i32
    %while3A_931 = arith.addi %while3A_928, %while3A_930 : i32
    %while3A_932 = arith.constant 1 : i32
    %while3A_933 = arith.divsi %while3A_930, %while3A_932 : i32
    %while3A_934 = arith.muli %while3A_933, %while3A_932 : i32
    %while3A_935 = arith.addi %while3A_928, %while3A_934 : i32
    %while3A_936 = arith.constant 1 : i32
    %while3A_937 = scf.for %while3A_1078 = %while3A_928 to %while3A_935 step %while3A_936 iter_args(%while3A_1079 = %while3A_929) -> (i32)  : i32 {
      %mul3A_1080 = arith.constant 16 : i32
      %mul3A_1081 = arith.muli %while3A_1078, %mul3A_1080 : i32
      %multiple_of3A = tpu.assume_multiple %mul3A_1081, 16 : i32
      %swap3A = arith.constant 28 : i32
      %swap3A_1082 = arith.index_cast %swap3A : i32 to index
      %swap3A_1083 = arith.index_cast %multiple_of3A : i32 to index
      %swap3A_1084 = tpu.vector_load %arg5[%swap3A_1082, %swap3A_1083] {strides = array<i32>} : memref<32x2048xf32, #tpu.memory_space<vmem>>, vector<1x16xf32>,
      %swap3A_1085 = vector.shape_cast %swap3A_1084 : vector<1x16xf32> to vector<16xf32>
      %swap3A_1086 = vector.shape_cast %broadcast_in_dim3A_924 : vector<16xf32> to vector<1x16xf32>
      tpu.vector_store %arg5[%swap3A_1082, %swap3A_1083], %swap3A_1086 {strides = array<i32>} : memref<32x2048xf32, #tpu.memory_space<vmem>>, vector<1x16xf32>,
      %while3A_1087 = arith.constant 0 : i32
      scf.yield %while3A_1087 : i32
    }
    %while3A_938 = arith.constant 1 : i32
    %while3A_939 = scf.for %while3A_1078 = %while3A_935 to %while3A_931 step %while3A_938 iter_args(%while3A_1079 = %while3A_937) -> (i32)  : i32 {
      %mul3A_1080 = arith.constant 16 : i32
      %mul3A_1081 = arith.muli %while3A_1078, %mul3A_1080 : i32
      %multiple_of3A = tpu.assume_multiple %mul3A_1081, 16 : i32
      %swap3A = arith.constant 28 : i32
      %swap3A_1082 = arith.index_cast %swap3A : i32 to index
      %swap3A_1083 = arith.index_cast %multiple_of3A : i32 to index
      %swap3A_1084 = tpu.vector_load %arg5[%swap3A_1082, %swap3A_1083] {strides = array<i32>} : memref<32x2048xf32, #tpu.memory_space<vmem>>, vector<1x16xf32>,
      %swap3A_1085 = vector.shape_cast %swap3A_1084 : vector<1x16xf32> to vector<16xf32>
      %swap3A_1086 = vector.shape_cast %broadcast_in_dim3A_924 : vector<16xf32> to vector<1x16xf32>
      tpu.vector_store %arg5[%swap3A_1082, %swap3A_1083], %swap3A_1086 {strides = array<i32>} : memref<32x2048xf32, #tpu.memory_space<vmem>>, vector<1x16xf32>,
      %while3A_1087 = arith.constant 0 : i32
      scf.yield %while3A_1087 : i32
    }
    %while3A_940 = arith.constant 128 : i32
    %while3A_941 = arith.constant 0 : i32
    %while3A_942 = arith.subi %while3A_940, %add3A_74 : i32
    %while3A_943 = arith.addi %add3A_74, %while3A_942 : i32
    %while3A_944 = arith.constant 1 : i32
    %while3A_945 = arith.divsi %while3A_942, %while3A_944 : i32
    %while3A_946 = arith.muli %while3A_945, %while3A_944 : i32
    %while3A_947 = arith.addi %add3A_74, %while3A_946 : i32
    %while3A_948 = arith.constant 1 : i32
    %while3A_949 = scf.for %while3A_1078 = %add3A_74 to %while3A_947 step %while3A_948 iter_args(%while3A_1079 = %while3A_941) -> (i32)  : i32 {
      %mul3A_1080 = arith.constant 16 : i32
      %mul3A_1081 = arith.muli %while3A_1078, %mul3A_1080 : i32
      %multiple_of3A = tpu.assume_multiple %mul3A_1081, 16 : i32
      %swap3A = arith.constant 28 : i32
      %swap3A_1082 = arith.index_cast %swap3A : i32 to index
      %swap3A_1083 = arith.index_cast %multiple_of3A : i32 to index
      %swap3A_1084 = tpu.vector_load %arg5[%swap3A_1082, %swap3A_1083] {strides = array<i32>} : memref<32x2048xf32, #tpu.memory_space<vmem>>, vector<1x16xf32>,
      %swap3A_1085 = vector.shape_cast %swap3A_1084 : vector<1x16xf32> to vector<16xf32>
      %swap3A_1086 = vector.shape_cast %broadcast_in_dim3A_927 : vector<16xf32> to vector<1x16xf32>
      tpu.vector_store %arg5[%swap3A_1082, %swap3A_1083], %swap3A_1086 {strides = array<i32>} : memref<32x2048xf32, #tpu.memory_space<vmem>>, vector<1x16xf32>,
      %while3A_1087 = arith.constant 0 : i32
      scf.yield %while3A_1087 : i32
    }
    %while3A_950 = arith.constant 1 : i32
    %while3A_951 = scf.for %while3A_1078 = %while3A_947 to %while3A_943 step %while3A_950 iter_args(%while3A_1079 = %while3A_949) -> (i32)  : i32 {
      %mul3A_1080 = arith.constant 16 : i32
      %mul3A_1081 = arith.muli %while3A_1078, %mul3A_1080 : i32
      %multiple_of3A = tpu.assume_multiple %mul3A_1081, 16 : i32
      %swap3A = arith.constant 28 : i32
      %swap3A_1082 = arith.index_cast %swap3A : i32 to index
      %swap3A_1083 = arith.index_cast %multiple_of3A : i32 to index
      %swap3A_1084 = tpu.vector_load %arg5[%swap3A_1082, %swap3A_1083] {strides = array<i32>} : memref<32x2048xf32, #tpu.memory_space<vmem>>, vector<1x16xf32>,
      %swap3A_1085 = vector.shape_cast %swap3A_1084 : vector<1x16xf32> to vector<16xf32>
      %swap3A_1086 = vector.shape_cast %broadcast_in_dim3A_927 : vector<16xf32> to vector<1x16xf32>
      tpu.vector_store %arg5[%swap3A_1082, %swap3A_1083], %swap3A_1086 {strides = array<i32>} : memref<32x2048xf32, #tpu.memory_space<vmem>>, vector<1x16xf32>,
      %while3A_1087 = arith.constant 0 : i32
      scf.yield %while3A_1087 : i32
    }
    %slice3A_952 = vector.extract_strided_slice %get3A_79 {offsets = [13], sizes = [1], strides = [1]} : vector<16xf32> to vector<1xf32>
    %squeeze3A_953 = vector.extract %slice3A_952[0] : f32 from vector<1xf32>
    %broadcast_in_dim3A_954 = vector.broadcast %squeeze3A_953 : f32 to vector<16xf32>
    %slice3A_955 = vector.extract_strided_slice %get3A_85 {offsets = [13], sizes = [1], strides = [1]} : vector<16xf32> to vector<1xf32>
    %squeeze3A_956 = vector.extract %slice3A_955[0] : f32 from vector<1xf32>
    %broadcast_in_dim3A_957 = vector.broadcast %squeeze3A_956 : f32 to vector<16xf32>
    %while3A_958 = arith.constant 0 : i32
    %while3A_959 = arith.constant 0 : i32
    %while3A_960 = arith.subi %select_n3A_48, %while3A_958 : i32
    %while3A_961 = arith.addi %while3A_958, %while3A_960 : i32
    %while3A_962 = arith.constant 1 : i32
    %while3A_963 = arith.divsi %while3A_960, %while3A_962 : i32
    %while3A_964 = arith.muli %while3A_963, %while3A_962 : i32
    %while3A_965 = arith.addi %while3A_958, %while3A_964 : i32
    %while3A_966 = arith.constant 1 : i32
    %while3A_967 = scf.for %while3A_1078 = %while3A_958 to %while3A_965 step %while3A_966 iter_args(%while3A_1079 = %while3A_959) -> (i32)  : i32 {
      %mul3A_1080 = arith.constant 16 : i32
      %mul3A_1081 = arith.muli %while3A_1078, %mul3A_1080 : i32
      %multiple_of3A = tpu.assume_multiple %mul3A_1081, 16 : i32
      %swap3A = arith.constant 29 : i32
      %swap3A_1082 = arith.index_cast %swap3A : i32 to index
      %swap3A_1083 = arith.index_cast %multiple_of3A : i32 to index
      %swap3A_1084 = tpu.vector_load %arg5[%swap3A_1082, %swap3A_1083] {strides = array<i32>} : memref<32x2048xf32, #tpu.memory_space<vmem>>, vector<1x16xf32>,
      %swap3A_1085 = vector.shape_cast %swap3A_1084 : vector<1x16xf32> to vector<16xf32>
      %swap3A_1086 = vector.shape_cast %broadcast_in_dim3A_954 : vector<16xf32> to vector<1x16xf32>
      tpu.vector_store %arg5[%swap3A_1082, %swap3A_1083], %swap3A_1086 {strides = array<i32>} : memref<32x2048xf32, #tpu.memory_space<vmem>>, vector<1x16xf32>,
      %while3A_1087 = arith.constant 0 : i32
      scf.yield %while3A_1087 : i32
    }
    %while3A_968 = arith.constant 1 : i32
    %while3A_969 = scf.for %while3A_1078 = %while3A_965 to %while3A_961 step %while3A_968 iter_args(%while3A_1079 = %while3A_967) -> (i32)  : i32 {
      %mul3A_1080 = arith.constant 16 : i32
      %mul3A_1081 = arith.muli %while3A_1078, %mul3A_1080 : i32
      %multiple_of3A = tpu.assume_multiple %mul3A_1081, 16 : i32
      %swap3A = arith.constant 29 : i32
      %swap3A_1082 = arith.index_cast %swap3A : i32 to index
      %swap3A_1083 = arith.index_cast %multiple_of3A : i32 to index
      %swap3A_1084 = tpu.vector_load %arg5[%swap3A_1082, %swap3A_1083] {strides = array<i32>} : memref<32x2048xf32, #tpu.memory_space<vmem>>, vector<1x16xf32>,
      %swap3A_1085 = vector.shape_cast %swap3A_1084 : vector<1x16xf32> to vector<16xf32>
      %swap3A_1086 = vector.shape_cast %broadcast_in_dim3A_954 : vector<16xf32> to vector<1x16xf32>
      tpu.vector_store %arg5[%swap3A_1082, %swap3A_1083], %swap3A_1086 {strides = array<i32>} : memref<32x2048xf32, #tpu.memory_space<vmem>>, vector<1x16xf32>,
      %while3A_1087 = arith.constant 0 : i32
      scf.yield %while3A_1087 : i32
    }
    %while3A_970 = arith.constant 128 : i32
    %while3A_971 = arith.constant 0 : i32
    %while3A_972 = arith.subi %while3A_970, %add3A_74 : i32
    %while3A_973 = arith.addi %add3A_74, %while3A_972 : i32
    %while3A_974 = arith.constant 1 : i32
    %while3A_975 = arith.divsi %while3A_972, %while3A_974 : i32
    %while3A_976 = arith.muli %while3A_975, %while3A_974 : i32
    %while3A_977 = arith.addi %add3A_74, %while3A_976 : i32
    %while3A_978 = arith.constant 1 : i32
    %while3A_979 = scf.for %while3A_1078 = %add3A_74 to %while3A_977 step %while3A_978 iter_args(%while3A_1079 = %while3A_971) -> (i32)  : i32 {
      %mul3A_1080 = arith.constant 16 : i32
      %mul3A_1081 = arith.muli %while3A_1078, %mul3A_1080 : i32
      %multiple_of3A = tpu.assume_multiple %mul3A_1081, 16 : i32
      %swap3A = arith.constant 29 : i32
      %swap3A_1082 = arith.index_cast %swap3A : i32 to index
      %swap3A_1083 = arith.index_cast %multiple_of3A : i32 to index
      %swap3A_1084 = tpu.vector_load %arg5[%swap3A_1082, %swap3A_1083] {strides = array<i32>} : memref<32x2048xf32, #tpu.memory_space<vmem>>, vector<1x16xf32>,
      %swap3A_1085 = vector.shape_cast %swap3A_1084 : vector<1x16xf32> to vector<16xf32>
      %swap3A_1086 = vector.shape_cast %broadcast_in_dim3A_957 : vector<16xf32> to vector<1x16xf32>
      tpu.vector_store %arg5[%swap3A_1082, %swap3A_1083], %swap3A_1086 {strides = array<i32>} : memref<32x2048xf32, #tpu.memory_space<vmem>>, vector<1x16xf32>,
      %while3A_1087 = arith.constant 0 : i32
      scf.yield %while3A_1087 : i32
    }
    %while3A_980 = arith.constant 1 : i32
    %while3A_981 = scf.for %while3A_1078 = %while3A_977 to %while3A_973 step %while3A_980 iter_args(%while3A_1079 = %while3A_979) -> (i32)  : i32 {
      %mul3A_1080 = arith.constant 16 : i32
      %mul3A_1081 = arith.muli %while3A_1078, %mul3A_1080 : i32
      %multiple_of3A = tpu.assume_multiple %mul3A_1081, 16 : i32
      %swap3A = arith.constant 29 : i32
      %swap3A_1082 = arith.index_cast %swap3A : i32 to index
      %swap3A_1083 = arith.index_cast %multiple_of3A : i32 to index
      %swap3A_1084 = tpu.vector_load %arg5[%swap3A_1082, %swap3A_1083] {strides = array<i32>} : memref<32x2048xf32, #tpu.memory_space<vmem>>, vector<1x16xf32>,
      %swap3A_1085 = vector.shape_cast %swap3A_1084 : vector<1x16xf32> to vector<16xf32>
      %swap3A_1086 = vector.shape_cast %broadcast_in_dim3A_957 : vector<16xf32> to vector<1x16xf32>
      tpu.vector_store %arg5[%swap3A_1082, %swap3A_1083], %swap3A_1086 {strides = array<i32>} : memref<32x2048xf32, #tpu.memory_space<vmem>>, vector<1x16xf32>,
      %while3A_1087 = arith.constant 0 : i32
      scf.yield %while3A_1087 : i32
    }
    %slice3A_982 = vector.extract_strided_slice %get3A_79 {offsets = [14], sizes = [1], strides = [1]} : vector<16xf32> to vector<1xf32>
    %squeeze3A_983 = vector.extract %slice3A_982[0] : f32 from vector<1xf32>
    %broadcast_in_dim3A_984 = vector.broadcast %squeeze3A_983 : f32 to vector<16xf32>
    %slice3A_985 = vector.extract_strided_slice %get3A_85 {offsets = [14], sizes = [1], strides = [1]} : vector<16xf32> to vector<1xf32>
    %squeeze3A_986 = vector.extract %slice3A_985[0] : f32 from vector<1xf32>
    %broadcast_in_dim3A_987 = vector.broadcast %squeeze3A_986 : f32 to vector<16xf32>
    %while3A_988 = arith.constant 0 : i32
    %while3A_989 = arith.constant 0 : i32
    %while3A_990 = arith.subi %select_n3A_48, %while3A_988 : i32
    %while3A_991 = arith.addi %while3A_988, %while3A_990 : i32
    %while3A_992 = arith.constant 1 : i32
    %while3A_993 = arith.divsi %while3A_990, %while3A_992 : i32
    %while3A_994 = arith.muli %while3A_993, %while3A_992 : i32
    %while3A_995 = arith.addi %while3A_988, %while3A_994 : i32
    %while3A_996 = arith.constant 1 : i32
    %while3A_997 = scf.for %while3A_1078 = %while3A_988 to %while3A_995 step %while3A_996 iter_args(%while3A_1079 = %while3A_989) -> (i32)  : i32 {
      %mul3A_1080 = arith.constant 16 : i32
      %mul3A_1081 = arith.muli %while3A_1078, %mul3A_1080 : i32
      %multiple_of3A = tpu.assume_multiple %mul3A_1081, 16 : i32
      %swap3A = arith.constant 30 : i32
      %swap3A_1082 = arith.index_cast %swap3A : i32 to index
      %swap3A_1083 = arith.index_cast %multiple_of3A : i32 to index
      %swap3A_1084 = tpu.vector_load %arg5[%swap3A_1082, %swap3A_1083] {strides = array<i32>} : memref<32x2048xf32, #tpu.memory_space<vmem>>, vector<1x16xf32>,
      %swap3A_1085 = vector.shape_cast %swap3A_1084 : vector<1x16xf32> to vector<16xf32>
      %swap3A_1086 = vector.shape_cast %broadcast_in_dim3A_984 : vector<16xf32> to vector<1x16xf32>
      tpu.vector_store %arg5[%swap3A_1082, %swap3A_1083], %swap3A_1086 {strides = array<i32>} : memref<32x2048xf32, #tpu.memory_space<vmem>>, vector<1x16xf32>,
      %while3A_1087 = arith.constant 0 : i32
      scf.yield %while3A_1087 : i32
    }
    %while3A_998 = arith.constant 1 : i32
    %while3A_999 = scf.for %while3A_1078 = %while3A_995 to %while3A_991 step %while3A_998 iter_args(%while3A_1079 = %while3A_997) -> (i32)  : i32 {
      %mul3A_1080 = arith.constant 16 : i32
      %mul3A_1081 = arith.muli %while3A_1078, %mul3A_1080 : i32
      %multiple_of3A = tpu.assume_multiple %mul3A_1081, 16 : i32
      %swap3A = arith.constant 30 : i32
      %swap3A_1082 = arith.index_cast %swap3A : i32 to index
      %swap3A_1083 = arith.index_cast %multiple_of3A : i32 to index
      %swap3A_1084 = tpu.vector_load %arg5[%swap3A_1082, %swap3A_1083] {strides = array<i32>} : memref<32x2048xf32, #tpu.memory_space<vmem>>, vector<1x16xf32>,
      %swap3A_1085 = vector.shape_cast %swap3A_1084 : vector<1x16xf32> to vector<16xf32>
      %swap3A_1086 = vector.shape_cast %broadcast_in_dim3A_984 : vector<16xf32> to vector<1x16xf32>
      tpu.vector_store %arg5[%swap3A_1082, %swap3A_1083], %swap3A_1086 {strides = array<i32>} : memref<32x2048xf32, #tpu.memory_space<vmem>>, vector<1x16xf32>,
      %while3A_1087 = arith.constant 0 : i32
      scf.yield %while3A_1087 : i32
    }
    %while3A_1000 = arith.constant 128 : i32
    %while3A_1001 = arith.constant 0 : i32
    %while3A_1002 = arith.subi %while3A_1000, %add3A_74 : i32
    %while3A_1003 = arith.addi %add3A_74, %while3A_1002 : i32
    %while3A_1004 = arith.constant 1 : i32
    %while3A_1005 = arith.divsi %while3A_1002, %while3A_1004 : i32
    %while3A_1006 = arith.muli %while3A_1005, %while3A_1004 : i32
    %while3A_1007 = arith.addi %add3A_74, %while3A_1006 : i32
    %while3A_1008 = arith.constant 1 : i32
    %while3A_1009 = scf.for %while3A_1078 = %add3A_74 to %while3A_1007 step %while3A_1008 iter_args(%while3A_1079 = %while3A_1001) -> (i32)  : i32 {
      %mul3A_1080 = arith.constant 16 : i32
      %mul3A_1081 = arith.muli %while3A_1078, %mul3A_1080 : i32
      %multiple_of3A = tpu.assume_multiple %mul3A_1081, 16 : i32
      %swap3A = arith.constant 30 : i32
      %swap3A_1082 = arith.index_cast %swap3A : i32 to index
      %swap3A_1083 = arith.index_cast %multiple_of3A : i32 to index
      %swap3A_1084 = tpu.vector_load %arg5[%swap3A_1082, %swap3A_1083] {strides = array<i32>} : memref<32x2048xf32, #tpu.memory_space<vmem>>, vector<1x16xf32>,
      %swap3A_1085 = vector.shape_cast %swap3A_1084 : vector<1x16xf32> to vector<16xf32>
      %swap3A_1086 = vector.shape_cast %broadcast_in_dim3A_987 : vector<16xf32> to vector<1x16xf32>
      tpu.vector_store %arg5[%swap3A_1082, %swap3A_1083], %swap3A_1086 {strides = array<i32>} : memref<32x2048xf32, #tpu.memory_space<vmem>>, vector<1x16xf32>,
      %while3A_1087 = arith.constant 0 : i32
      scf.yield %while3A_1087 : i32
    }
    %while3A_1010 = arith.constant 1 : i32
    %while3A_1011 = scf.for %while3A_1078 = %while3A_1007 to %while3A_1003 step %while3A_1010 iter_args(%while3A_1079 = %while3A_1009) -> (i32)  : i32 {
      %mul3A_1080 = arith.constant 16 : i32
      %mul3A_1081 = arith.muli %while3A_1078, %mul3A_1080 : i32
      %multiple_of3A = tpu.assume_multiple %mul3A_1081, 16 : i32
      %swap3A = arith.constant 30 : i32
      %swap3A_1082 = arith.index_cast %swap3A : i32 to index
      %swap3A_1083 = arith.index_cast %multiple_of3A : i32 to index
      %swap3A_1084 = tpu.vector_load %arg5[%swap3A_1082, %swap3A_1083] {strides = array<i32>} : memref<32x2048xf32, #tpu.memory_space<vmem>>, vector<1x16xf32>,
      %swap3A_1085 = vector.shape_cast %swap3A_1084 : vector<1x16xf32> to vector<16xf32>
      %swap3A_1086 = vector.shape_cast %broadcast_in_dim3A_987 : vector<16xf32> to vector<1x16xf32>
      tpu.vector_store %arg5[%swap3A_1082, %swap3A_1083], %swap3A_1086 {strides = array<i32>} : memref<32x2048xf32, #tpu.memory_space<vmem>>, vector<1x16xf32>,
      %while3A_1087 = arith.constant 0 : i32
      scf.yield %while3A_1087 : i32
    }
    %slice3A_1012 = vector.extract_strided_slice %get3A_79 {offsets = [15], sizes = [1], strides = [1]} : vector<16xf32> to vector<1xf32>
    %squeeze3A_1013 = vector.extract %slice3A_1012[0] : f32 from vector<1xf32>
    %broadcast_in_dim3A_1014 = vector.broadcast %squeeze3A_1013 : f32 to vector<16xf32>
    %slice3A_1015 = vector.extract_strided_slice %get3A_85 {offsets = [15], sizes = [1], strides = [1]} : vector<16xf32> to vector<1xf32>
    %squeeze3A_1016 = vector.extract %slice3A_1015[0] : f32 from vector<1xf32>
    %broadcast_in_dim3A_1017 = vector.broadcast %squeeze3A_1016 : f32 to vector<16xf32>
    %while3A_1018 = arith.constant 0 : i32
    %while3A_1019 = arith.constant 0 : i32
    %while3A_1020 = arith.subi %select_n3A_48, %while3A_1018 : i32
    %while3A_1021 = arith.addi %while3A_1018, %while3A_1020 : i32
    %while3A_1022 = arith.constant 1 : i32
    %while3A_1023 = arith.divsi %while3A_1020, %while3A_1022 : i32
    %while3A_1024 = arith.muli %while3A_1023, %while3A_1022 : i32
    %while3A_1025 = arith.addi %while3A_1018, %while3A_1024 : i32
    %while3A_1026 = arith.constant 1 : i32
    %while3A_1027 = scf.for %while3A_1078 = %while3A_1018 to %while3A_1025 step %while3A_1026 iter_args(%while3A_1079 = %while3A_1019) -> (i32)  : i32 {
      %mul3A_1080 = arith.constant 16 : i32
      %mul3A_1081 = arith.muli %while3A_1078, %mul3A_1080 : i32
      %multiple_of3A = tpu.assume_multiple %mul3A_1081, 16 : i32
      %swap3A = arith.constant 31 : i32
      %swap3A_1082 = arith.index_cast %swap3A : i32 to index
      %swap3A_1083 = arith.index_cast %multiple_of3A : i32 to index
      %swap3A_1084 = tpu.vector_load %arg5[%swap3A_1082, %swap3A_1083] {strides = array<i32>} : memref<32x2048xf32, #tpu.memory_space<vmem>>, vector<1x16xf32>,
      %swap3A_1085 = vector.shape_cast %swap3A_1084 : vector<1x16xf32> to vector<16xf32>
      %swap3A_1086 = vector.shape_cast %broadcast_in_dim3A_1014 : vector<16xf32> to vector<1x16xf32>
      tpu.vector_store %arg5[%swap3A_1082, %swap3A_1083], %swap3A_1086 {strides = array<i32>} : memref<32x2048xf32, #tpu.memory_space<vmem>>, vector<1x16xf32>,
      %while3A_1087 = arith.constant 0 : i32
      scf.yield %while3A_1087 : i32
    }
    %while3A_1028 = arith.constant 1 : i32
    %while3A_1029 = scf.for %while3A_1078 = %while3A_1025 to %while3A_1021 step %while3A_1028 iter_args(%while3A_1079 = %while3A_1027) -> (i32)  : i32 {
      %mul3A_1080 = arith.constant 16 : i32
      %mul3A_1081 = arith.muli %while3A_1078, %mul3A_1080 : i32
      %multiple_of3A = tpu.assume_multiple %mul3A_1081, 16 : i32
      %swap3A = arith.constant 31 : i32
      %swap3A_1082 = arith.index_cast %swap3A : i32 to index
      %swap3A_1083 = arith.index_cast %multiple_of3A : i32 to index
      %swap3A_1084 = tpu.vector_load %arg5[%swap3A_1082, %swap3A_1083] {strides = array<i32>} : memref<32x2048xf32, #tpu.memory_space<vmem>>, vector<1x16xf32>,
      %swap3A_1085 = vector.shape_cast %swap3A_1084 : vector<1x16xf32> to vector<16xf32>
      %swap3A_1086 = vector.shape_cast %broadcast_in_dim3A_1014 : vector<16xf32> to vector<1x16xf32>
      tpu.vector_store %arg5[%swap3A_1082, %swap3A_1083], %swap3A_1086 {strides = array<i32>} : memref<32x2048xf32, #tpu.memory_space<vmem>>, vector<1x16xf32>,
      %while3A_1087 = arith.constant 0 : i32
      scf.yield %while3A_1087 : i32
    }
    %while3A_1030 = arith.constant 128 : i32
    %while3A_1031 = arith.constant 0 : i32
    %while3A_1032 = arith.subi %while3A_1030, %add3A_74 : i32
    %while3A_1033 = arith.addi %add3A_74, %while3A_1032 : i32
    %while3A_1034 = arith.constant 1 : i32
    %while3A_1035 = arith.divsi %while3A_1032, %while3A_1034 : i32
    %while3A_1036 = arith.muli %while3A_1035, %while3A_1034 : i32
    %while3A_1037 = arith.addi %add3A_74, %while3A_1036 : i32
    %while3A_1038 = arith.constant 1 : i32
    %while3A_1039 = scf.for %while3A_1078 = %add3A_74 to %while3A_1037 step %while3A_1038 iter_args(%while3A_1079 = %while3A_1031) -> (i32)  : i32 {
      %mul3A_1080 = arith.constant 16 : i32
      %mul3A_1081 = arith.muli %while3A_1078, %mul3A_1080 : i32
      %multiple_of3A = tpu.assume_multiple %mul3A_1081, 16 : i32
      %swap3A = arith.constant 31 : i32
      %swap3A_1082 = arith.index_cast %swap3A : i32 to index
      %swap3A_1083 = arith.index_cast %multiple_of3A : i32 to index
      %swap3A_1084 = tpu.vector_load %arg5[%swap3A_1082, %swap3A_1083] {strides = array<i32>} : memref<32x2048xf32, #tpu.memory_space<vmem>>, vector<1x16xf32>,
      %swap3A_1085 = vector.shape_cast %swap3A_1084 : vector<1x16xf32> to vector<16xf32>
      %swap3A_1086 = vector.shape_cast %broadcast_in_dim3A_1017 : vector<16xf32> to vector<1x16xf32>
      tpu.vector_store %arg5[%swap3A_1082, %swap3A_1083], %swap3A_1086 {strides = array<i32>} : memref<32x2048xf32, #tpu.memory_space<vmem>>, vector<1x16xf32>,
      %while3A_1087 = arith.constant 0 : i32
      scf.yield %while3A_1087 : i32
    }
    %while3A_1040 = arith.constant 1 : i32
    %while3A_1041 = scf.for %while3A_1078 = %while3A_1037 to %while3A_1033 step %while3A_1040 iter_args(%while3A_1079 = %while3A_1039) -> (i32)  : i32 {
      %mul3A_1080 = arith.constant 16 : i32
      %mul3A_1081 = arith.muli %while3A_1078, %mul3A_1080 : i32
      %multiple_of3A = tpu.assume_multiple %mul3A_1081, 16 : i32
      %swap3A = arith.constant 31 : i32
      %swap3A_1082 = arith.index_cast %swap3A : i32 to index
      %swap3A_1083 = arith.index_cast %multiple_of3A : i32 to index
      %swap3A_1084 = tpu.vector_load %arg5[%swap3A_1082, %swap3A_1083] {strides = array<i32>} : memref<32x2048xf32, #tpu.memory_space<vmem>>, vector<1x16xf32>,
      %swap3A_1085 = vector.shape_cast %swap3A_1084 : vector<1x16xf32> to vector<16xf32>
      %swap3A_1086 = vector.shape_cast %broadcast_in_dim3A_1017 : vector<16xf32> to vector<1x16xf32>
      tpu.vector_store %arg5[%swap3A_1082, %swap3A_1083], %swap3A_1086 {strides = array<i32>} : memref<32x2048xf32, #tpu.memory_space<vmem>>, vector<1x16xf32>,
      %while3A_1087 = arith.constant 0 : i32
      scf.yield %while3A_1087 : i32
    }
    %get3A_1042 = arith.constant 0 : index
    %get3A_1043 = tpu.vector_load %arg4[%get3A_1042] {strides = array<i32>} : memref<160xf32, #tpu.memory_space<vmem>>, vector<16xf32>,
    %get3A_1044 = vector.shape_cast %get3A_1043 : vector<16xf32> to vector<16xf32>
    %get3A_1045 = arith.constant 16 : index
    %get3A_1046 = tpu.vector_load %arg4[%get3A_1045] {strides = array<i32>} : memref<160xf32, #tpu.memory_space<vmem>>, vector<16xf32>,
    %get3A_1047 = vector.shape_cast %get3A_1046 : vector<16xf32> to vector<16xf32>
    %get3A_1048 = arith.constant 32 : index
    %get3A_1049 = tpu.vector_load %arg4[%get3A_1048] {strides = array<i32>} : memref<160xf32, #tpu.memory_space<vmem>>, vector<16xf32>,
    %get3A_1050 = vector.shape_cast %get3A_1049 : vector<16xf32> to vector<16xf32>
    %get3A_1051 = arith.constant 48 : index
    %get3A_1052 = tpu.vector_load %arg4[%get3A_1051] {strides = array<i32>} : memref<160xf32, #tpu.memory_space<vmem>>, vector<16xf32>,
    %get3A_1053 = vector.shape_cast %get3A_1052 : vector<16xf32> to vector<16xf32>
    %get3A_1054 = arith.constant 64 : index
    %get3A_1055 = tpu.vector_load %arg4[%get3A_1054] {strides = array<i32>} : memref<160xf32, #tpu.memory_space<vmem>>, vector<16xf32>,
    %get3A_1056 = vector.shape_cast %get3A_1055 : vector<16xf32> to vector<16xf32>
    %get3A_1057 = arith.constant 80 : index
    %get3A_1058 = tpu.vector_load %arg4[%get3A_1057] {strides = array<i32>} : memref<160xf32, #tpu.memory_space<vmem>>, vector<16xf32>,
    %get3A_1059 = vector.shape_cast %get3A_1058 : vector<16xf32> to vector<16xf32>
    %get3A_1060 = arith.constant 96 : index
    %get3A_1061 = tpu.vector_load %arg4[%get3A_1060] {strides = array<i32>} : memref<160xf32, #tpu.memory_space<vmem>>, vector<16xf32>,
    %get3A_1062 = vector.shape_cast %get3A_1061 : vector<16xf32> to vector<16xf32>
    %get3A_1063 = arith.constant 112 : index
    %get3A_1064 = tpu.vector_load %arg4[%get3A_1063] {strides = array<i32>} : memref<160xf32, #tpu.memory_space<vmem>>, vector<16xf32>,
    %get3A_1065 = vector.shape_cast %get3A_1064 : vector<16xf32> to vector<16xf32>
    %get3A_1066 = arith.constant 128 : index
    %get3A_1067 = tpu.vector_load %arg4[%get3A_1066] {strides = array<i32>} : memref<160xf32, #tpu.memory_space<vmem>>, vector<16xf32>,
    %get3A_1068 = vector.shape_cast %get3A_1067 : vector<16xf32> to vector<16xf32>
    %get3A_1069 = arith.constant 144 : index
    %get3A_1070 = tpu.vector_load %arg4[%get3A_1069] {strides = array<i32>} : memref<160xf32, #tpu.memory_space<vmem>>, vector<16xf32>,
    %get3A_1071 = vector.shape_cast %get3A_1070 : vector<16xf32> to vector<16xf32>
    %scan3A = arith.constant 0 : i32
    %scan3A_1072 = arith.constant 0 : i32
    %scan3A_1073 = arith.constant 64 : i32
    %scan3A_1074 = arith.addi %scan3A_1072, %scan3A_1073 : i32
    %scan3A_1075 = arith.constant 1 : i32
    %scan3A_1076 = scf.for %scan3A_1078 = %scan3A_1072 to %scan3A_1074 step %scan3A_1075 iter_args(%scan3A_1079 = %scan3A) -> (i32)  : i32 {
      %add3A_1080 = arith.addi %mul3A_2, %scan3A_1078 : i32
      %sub3A_1081 = arith.constant 2 : i32
      %sub3A_1082 = arith.subi %add3A_1080, %sub3A_1081 : i32
      %jit3A_1083 = arith.constant 16 : i32
      %div3A_1084 = arith.divsi %sub3A_1082, %jit3A_1083 : i32
      %sign3A_1085 = arith.constant 0 : i32
      %sign3A_1086 = arith.cmpi sgt, %sub3A_1082, %sign3A_1085 : i32
      %sign3A_1087 = arith.extui %sign3A_1086 : i1 to i32
      %sign3A_1088 = arith.constant 0 : i32
      %sign3A_1089 = arith.cmpi slt, %sub3A_1082, %sign3A_1088 : i32
      %sign3A_1090 = arith.extui %sign3A_1089 : i1 to i32
      %sign3A_1091 = arith.subi %sign3A_1087, %sign3A_1090 : i32
      %sign3A_1092 = arith.constant 0 : i32
      %sign3A_1093 = arith.cmpi sgt, %jit3A_1083, %sign3A_1092 : i32
      %sign3A_1094 = arith.extui %sign3A_1093 : i1 to i32
      %sign3A_1095 = arith.constant 0 : i32
      %sign3A_1096 = arith.cmpi slt, %jit3A_1083, %sign3A_1095 : i32
      %sign3A_1097 = arith.extui %sign3A_1096 : i1 to i32
      %sign3A_1098 = arith.subi %sign3A_1094, %sign3A_1097 : i32
      %ne3A_1099 = arith.cmpi ne, %sign3A_1091, %sign3A_1098 : i32
      %rem3A_1100 = arith.remsi %sub3A_1082, %jit3A_1083 : i32
      %ne3A_1101 = arith.constant 0 : i32
      %ne3A_1102 = arith.cmpi ne, %rem3A_1100, %ne3A_1101 : i32
      %and3A_1103 = arith.andi %ne3A_1099, %ne3A_1102 : i1
      %sub3A_1104 = arith.constant 1 : i32
      %sub3A_1105 = arith.subi %div3A_1084, %sub3A_1104 : i32
      %select_n3A_1106 = arith.select %and3A_1103, %sub3A_1105, %div3A_1084 : i32
      %mul3A_1107 = arith.constant 16 : i32
      %mul3A_1108 = arith.muli %select_n3A_1106, %mul3A_1107 : i32
      %jit3A_1109 = arith.constant 0 : i32
      %jit3A_1110 = arith.constant 2016 : i32
      %max3A_1111 = arith.maxsi %jit3A_1109, %mul3A_1108 : i32
      %min3A_1112 = arith.minsi %jit3A_1110, %max3A_1111 : i32
      %add3A_1113 = arith.constant 0 : i32
      %add3A_1114 = arith.addi %min3A_1112, %add3A_1113 : i32
      %add3A_1115 = vector.broadcast %add3A_1114 : i32 to vector<16xi32>
      %add3A_1116 = arith.addi %add3A_1115, %iota3A : vector<16xi32>
      %sub3A_1117 = arith.constant 2 : i32
      %sub3A_1118 = arith.subi %add3A_1080, %sub3A_1117 : i32
      %le3A = vector.broadcast %sub3A_1118 : i32 to vector<16xi32>
      %le3A_1119 = arith.cmpi sle, %add3A_1116, %le3A : vector<16xi32>
      %sub3A_1120 = arith.constant 1 : i32
      %sub3A_1121 = arith.subi %add3A_1080, %sub3A_1120 : i32
      %eq3A = vector.broadcast %sub3A_1121 : i32 to vector<16xi32>
      %eq3A_1122 = arith.cmpi eq, %add3A_1116, %eq3A : vector<16xi32>
      %eq3A_1123 = vector.broadcast %add3A_1080 : i32 to vector<16xi32>
      %eq3A_1124 = arith.cmpi eq, %add3A_1116, %eq3A_1123 : vector<16xi32>
      %add3A_1125 = arith.constant 1 : i32
      %add3A_1126 = arith.addi %add3A_1080, %add3A_1125 : i32
      %eq3A_1127 = vector.broadcast %add3A_1126 : i32 to vector<16xi32>
      %eq3A_1128 = arith.cmpi eq, %add3A_1116, %eq3A_1127 : vector<16xi32>
      %add3A_1129 = arith.constant 16 : i32
      %add3A_1130 = arith.addi %min3A_1112, %add3A_1129 : i32
      %add3A_1131 = vector.broadcast %add3A_1130 : i32 to vector<16xi32>
      %add3A_1132 = arith.addi %add3A_1131, %iota3A : vector<16xi32>
      %sub3A_1133 = arith.constant 2 : i32
      %sub3A_1134 = arith.subi %add3A_1080, %sub3A_1133 : i32
      %le3A_1135 = vector.broadcast %sub3A_1134 : i32 to vector<16xi32>
      %le3A_1136 = arith.cmpi sle, %add3A_1132, %le3A_1135 : vector<16xi32>
      %sub3A_1137 = arith.constant 1 : i32
      %sub3A_1138 = arith.subi %add3A_1080, %sub3A_1137 : i32
      %eq3A_1139 = vector.broadcast %sub3A_1138 : i32 to vector<16xi32>
      %eq3A_1140 = arith.cmpi eq, %add3A_1132, %eq3A_1139 : vector<16xi32>
      %eq3A_1141 = vector.broadcast %add3A_1080 : i32 to vector<16xi32>
      %eq3A_1142 = arith.cmpi eq, %add3A_1132, %eq3A_1141 : vector<16xi32>
      %add3A_1143 = arith.constant 1 : i32
      %add3A_1144 = arith.addi %add3A_1080, %add3A_1143 : i32
      %eq3A_1145 = vector.broadcast %add3A_1144 : i32 to vector<16xi32>
      %eq3A_1146 = arith.cmpi eq, %add3A_1132, %eq3A_1145 : vector<16xi32>
      %slice3A_1147 = vector.extract_strided_slice %get3A_1044 {offsets = [0], sizes = [1], strides = [1]} : vector<16xf32> to vector<1xf32>
      %squeeze3A_1148 = vector.extract %slice3A_1147[0] : f32 from vector<1xf32>
      %broadcast_in_dim3A_1149 = vector.broadcast %squeeze3A_1148 : f32 to vector<16xf32>
      %slice3A_1150 = vector.extract_strided_slice %get3A_1050 {offsets = [0], sizes = [1], strides = [1]} : vector<16xf32> to vector<1xf32>
      %squeeze3A_1151 = vector.extract %slice3A_1150[0] : f32 from vector<1xf32>
      %broadcast_in_dim3A_1152 = vector.broadcast %squeeze3A_1151 : f32 to vector<16xf32>
      %slice3A_1153 = vector.extract_strided_slice %get3A_1056 {offsets = [0], sizes = [1], strides = [1]} : vector<16xf32> to vector<1xf32>
      %squeeze3A_1154 = vector.extract %slice3A_1153[0] : f32 from vector<1xf32>
      %broadcast_in_dim3A_1155 = vector.broadcast %squeeze3A_1154 : f32 to vector<16xf32>
      %slice3A_1156 = vector.extract_strided_slice %get3A_1062 {offsets = [0], sizes = [1], strides = [1]} : vector<16xf32> to vector<1xf32>
      %squeeze3A_1157 = vector.extract %slice3A_1156[0] : f32 from vector<1xf32>
      %broadcast_in_dim3A_1158 = vector.broadcast %squeeze3A_1157 : f32 to vector<16xf32>
      %slice3A_1159 = vector.extract_strided_slice %get3A_1068 {offsets = [0], sizes = [1], strides = [1]} : vector<16xf32> to vector<1xf32>
      %squeeze3A_1160 = vector.extract %slice3A_1159[0] : f32 from vector<1xf32>
      %broadcast_in_dim3A_1161 = vector.broadcast %squeeze3A_1160 : f32 to vector<16xf32>
      %select_n3A_1162 = arith.select %eq3A_1128, %broadcast_in_dim3A_1158, %broadcast_in_dim3A_1161 : vector<16xi1>, vector<16xf32>
      %select_n3A_1163 = arith.select %eq3A_1124, %broadcast_in_dim3A_1155, %select_n3A_1162 : vector<16xi1>, vector<16xf32>
      %select_n3A_1164 = arith.select %eq3A_1122, %broadcast_in_dim3A_1152, %select_n3A_1163 : vector<16xi1>, vector<16xf32>
      %select_n3A_1165 = arith.select %le3A_1119, %broadcast_in_dim3A_1149, %select_n3A_1164 : vector<16xi1>, vector<16xf32>
      %add3A_1166 = arith.constant 0 : i32
      %add3A_1167 = arith.addi %min3A_1112, %add3A_1166 : i32
      %multiple_of3A = tpu.assume_multiple %add3A_1167, 16 : i32
      %swap3A = arith.constant 0 : i32
      %swap3A_1168 = arith.index_cast %swap3A : i32 to index
      %swap3A_1169 = arith.index_cast %multiple_of3A : i32 to index
      %swap3A_1170 = tpu.vector_load %arg5[%swap3A_1168, %swap3A_1169] {strides = array<i32>} : memref<32x2048xf32, #tpu.memory_space<vmem>>, vector<1x16xf32>,
      %swap3A_1171 = vector.shape_cast %swap3A_1170 : vector<1x16xf32> to vector<16xf32>
      %swap3A_1172 = vector.shape_cast %select_n3A_1165 : vector<16xf32> to vector<1x16xf32>
      tpu.vector_store %arg5[%swap3A_1168, %swap3A_1169], %swap3A_1172 {strides = array<i32>} : memref<32x2048xf32, #tpu.memory_space<vmem>>, vector<1x16xf32>,
      %select_n3A_1173 = arith.select %eq3A_1146, %broadcast_in_dim3A_1158, %broadcast_in_dim3A_1161 : vector<16xi1>, vector<16xf32>
      %select_n3A_1174 = arith.select %eq3A_1142, %broadcast_in_dim3A_1155, %select_n3A_1173 : vector<16xi1>, vector<16xf32>
      %select_n3A_1175 = arith.select %eq3A_1140, %broadcast_in_dim3A_1152, %select_n3A_1174 : vector<16xi1>, vector<16xf32>
      %select_n3A_1176 = arith.select %le3A_1136, %broadcast_in_dim3A_1149, %select_n3A_1175 : vector<16xi1>, vector<16xf32>
      %add3A_1177 = arith.constant 16 : i32
      %add3A_1178 = arith.addi %min3A_1112, %add3A_1177 : i32
      %multiple_of3A_1179 = tpu.assume_multiple %add3A_1178, 16 : i32
      %swap3A_1180 = arith.constant 0 : i32
      %swap3A_1181 = arith.index_cast %swap3A_1180 : i32 to index
      %swap3A_1182 = arith.index_cast %multiple_of3A_1179 : i32 to index
      %swap3A_1183 = tpu.vector_load %arg5[%swap3A_1181, %swap3A_1182] {strides = array<i32>} : memref<32x2048xf32, #tpu.memory_space<vmem>>, vector<1x16xf32>,
      %swap3A_1184 = vector.shape_cast %swap3A_1183 : vector<1x16xf32> to vector<16xf32>
      %swap3A_1185 = vector.shape_cast %select_n3A_1176 : vector<16xf32> to vector<1x16xf32>
      tpu.vector_store %arg5[%swap3A_1181, %swap3A_1182], %swap3A_1185 {strides = array<i32>} : memref<32x2048xf32, #tpu.memory_space<vmem>>, vector<1x16xf32>,
      %slice3A_1186 = vector.extract_strided_slice %get3A_1044 {offsets = [1], sizes = [1], strides = [1]} : vector<16xf32> to vector<1xf32>
      %squeeze3A_1187 = vector.extract %slice3A_1186[0] : f32 from vector<1xf32>
      %broadcast_in_dim3A_1188 = vector.broadcast %squeeze3A_1187 : f32 to vector<16xf32>
      %slice3A_1189 = vector.extract_strided_slice %get3A_1050 {offsets = [1], sizes = [1], strides = [1]} : vector<16xf32> to vector<1xf32>
      %squeeze3A_1190 = vector.extract %slice3A_1189[0] : f32 from vector<1xf32>
      %broadcast_in_dim3A_1191 = vector.broadcast %squeeze3A_1190 : f32 to vector<16xf32>
      %slice3A_1192 = vector.extract_strided_slice %get3A_1056 {offsets = [1], sizes = [1], strides = [1]} : vector<16xf32> to vector<1xf32>
      %squeeze3A_1193 = vector.extract %slice3A_1192[0] : f32 from vector<1xf32>
      %broadcast_in_dim3A_1194 = vector.broadcast %squeeze3A_1193 : f32 to vector<16xf32>
      %slice3A_1195 = vector.extract_strided_slice %get3A_1062 {offsets = [1], sizes = [1], strides = [1]} : vector<16xf32> to vector<1xf32>
      %squeeze3A_1196 = vector.extract %slice3A_1195[0] : f32 from vector<1xf32>
      %broadcast_in_dim3A_1197 = vector.broadcast %squeeze3A_1196 : f32 to vector<16xf32>
      %slice3A_1198 = vector.extract_strided_slice %get3A_1068 {offsets = [1], sizes = [1], strides = [1]} : vector<16xf32> to vector<1xf32>
      %squeeze3A_1199 = vector.extract %slice3A_1198[0] : f32 from vector<1xf32>
      %broadcast_in_dim3A_1200 = vector.broadcast %squeeze3A_1199 : f32 to vector<16xf32>
      %select_n3A_1201 = arith.select %eq3A_1128, %broadcast_in_dim3A_1197, %broadcast_in_dim3A_1200 : vector<16xi1>, vector<16xf32>
      %select_n3A_1202 = arith.select %eq3A_1124, %broadcast_in_dim3A_1194, %select_n3A_1201 : vector<16xi1>, vector<16xf32>
      %select_n3A_1203 = arith.select %eq3A_1122, %broadcast_in_dim3A_1191, %select_n3A_1202 : vector<16xi1>, vector<16xf32>
      %select_n3A_1204 = arith.select %le3A_1119, %broadcast_in_dim3A_1188, %select_n3A_1203 : vector<16xi1>, vector<16xf32>
      %add3A_1205 = arith.constant 0 : i32
      %add3A_1206 = arith.addi %min3A_1112, %add3A_1205 : i32
      %multiple_of3A_1207 = tpu.assume_multiple %add3A_1206, 16 : i32
      %swap3A_1208 = arith.constant 1 : i32
      %swap3A_1209 = arith.index_cast %swap3A_1208 : i32 to index
      %swap3A_1210 = arith.index_cast %multiple_of3A_1207 : i32 to index
      %swap3A_1211 = tpu.vector_load %arg5[%swap3A_1209, %swap3A_1210] {strides = array<i32>} : memref<32x2048xf32, #tpu.memory_space<vmem>>, vector<1x16xf32>,
      %swap3A_1212 = vector.shape_cast %swap3A_1211 : vector<1x16xf32> to vector<16xf32>
      %swap3A_1213 = vector.shape_cast %select_n3A_1204 : vector<16xf32> to vector<1x16xf32>
      tpu.vector_store %arg5[%swap3A_1209, %swap3A_1210], %swap3A_1213 {strides = array<i32>} : memref<32x2048xf32, #tpu.memory_space<vmem>>, vector<1x16xf32>,
      %select_n3A_1214 = arith.select %eq3A_1146, %broadcast_in_dim3A_1197, %broadcast_in_dim3A_1200 : vector<16xi1>, vector<16xf32>
      %select_n3A_1215 = arith.select %eq3A_1142, %broadcast_in_dim3A_1194, %select_n3A_1214 : vector<16xi1>, vector<16xf32>
      %select_n3A_1216 = arith.select %eq3A_1140, %broadcast_in_dim3A_1191, %select_n3A_1215 : vector<16xi1>, vector<16xf32>
      %select_n3A_1217 = arith.select %le3A_1136, %broadcast_in_dim3A_1188, %select_n3A_1216 : vector<16xi1>, vector<16xf32>
      %add3A_1218 = arith.constant 16 : i32
      %add3A_1219 = arith.addi %min3A_1112, %add3A_1218 : i32
      %multiple_of3A_1220 = tpu.assume_multiple %add3A_1219, 16 : i32
      %swap3A_1221 = arith.constant 1 : i32
      %swap3A_1222 = arith.index_cast %swap3A_1221 : i32 to index
      %swap3A_1223 = arith.index_cast %multiple_of3A_1220 : i32 to index
      %swap3A_1224 = tpu.vector_load %arg5[%swap3A_1222, %swap3A_1223] {strides = array<i32>} : memref<32x2048xf32, #tpu.memory_space<vmem>>, vector<1x16xf32>,
      %swap3A_1225 = vector.shape_cast %swap3A_1224 : vector<1x16xf32> to vector<16xf32>
      %swap3A_1226 = vector.shape_cast %select_n3A_1217 : vector<16xf32> to vector<1x16xf32>
      tpu.vector_store %arg5[%swap3A_1222, %swap3A_1223], %swap3A_1226 {strides = array<i32>} : memref<32x2048xf32, #tpu.memory_space<vmem>>, vector<1x16xf32>,
      %slice3A_1227 = vector.extract_strided_slice %get3A_1044 {offsets = [2], sizes = [1], strides = [1]} : vector<16xf32> to vector<1xf32>
      %squeeze3A_1228 = vector.extract %slice3A_1227[0] : f32 from vector<1xf32>
      %broadcast_in_dim3A_1229 = vector.broadcast %squeeze3A_1228 : f32 to vector<16xf32>
      %slice3A_1230 = vector.extract_strided_slice %get3A_1050 {offsets = [2], sizes = [1], strides = [1]} : vector<16xf32> to vector<1xf32>
      %squeeze3A_1231 = vector.extract %slice3A_1230[0] : f32 from vector<1xf32>
      %broadcast_in_dim3A_1232 = vector.broadcast %squeeze3A_1231 : f32 to vector<16xf32>
      %slice3A_1233 = vector.extract_strided_slice %get3A_1056 {offsets = [2], sizes = [1], strides = [1]} : vector<16xf32> to vector<1xf32>
      %squeeze3A_1234 = vector.extract %slice3A_1233[0] : f32 from vector<1xf32>
      %broadcast_in_dim3A_1235 = vector.broadcast %squeeze3A_1234 : f32 to vector<16xf32>
      %slice3A_1236 = vector.extract_strided_slice %get3A_1062 {offsets = [2], sizes = [1], strides = [1]} : vector<16xf32> to vector<1xf32>
      %squeeze3A_1237 = vector.extract %slice3A_1236[0] : f32 from vector<1xf32>
      %broadcast_in_dim3A_1238 = vector.broadcast %squeeze3A_1237 : f32 to vector<16xf32>
      %slice3A_1239 = vector.extract_strided_slice %get3A_1068 {offsets = [2], sizes = [1], strides = [1]} : vector<16xf32> to vector<1xf32>
      %squeeze3A_1240 = vector.extract %slice3A_1239[0] : f32 from vector<1xf32>
      %broadcast_in_dim3A_1241 = vector.broadcast %squeeze3A_1240 : f32 to vector<16xf32>
      %select_n3A_1242 = arith.select %eq3A_1128, %broadcast_in_dim3A_1238, %broadcast_in_dim3A_1241 : vector<16xi1>, vector<16xf32>
      %select_n3A_1243 = arith.select %eq3A_1124, %broadcast_in_dim3A_1235, %select_n3A_1242 : vector<16xi1>, vector<16xf32>
      %select_n3A_1244 = arith.select %eq3A_1122, %broadcast_in_dim3A_1232, %select_n3A_1243 : vector<16xi1>, vector<16xf32>
      %select_n3A_1245 = arith.select %le3A_1119, %broadcast_in_dim3A_1229, %select_n3A_1244 : vector<16xi1>, vector<16xf32>
      %add3A_1246 = arith.constant 0 : i32
      %add3A_1247 = arith.addi %min3A_1112, %add3A_1246 : i32
      %multiple_of3A_1248 = tpu.assume_multiple %add3A_1247, 16 : i32
      %swap3A_1249 = arith.constant 2 : i32
      %swap3A_1250 = arith.index_cast %swap3A_1249 : i32 to index
      %swap3A_1251 = arith.index_cast %multiple_of3A_1248 : i32 to index
      %swap3A_1252 = tpu.vector_load %arg5[%swap3A_1250, %swap3A_1251] {strides = array<i32>} : memref<32x2048xf32, #tpu.memory_space<vmem>>, vector<1x16xf32>,
      %swap3A_1253 = vector.shape_cast %swap3A_1252 : vector<1x16xf32> to vector<16xf32>
      %swap3A_1254 = vector.shape_cast %select_n3A_1245 : vector<16xf32> to vector<1x16xf32>
      tpu.vector_store %arg5[%swap3A_1250, %swap3A_1251], %swap3A_1254 {strides = array<i32>} : memref<32x2048xf32, #tpu.memory_space<vmem>>, vector<1x16xf32>,
      %select_n3A_1255 = arith.select %eq3A_1146, %broadcast_in_dim3A_1238, %broadcast_in_dim3A_1241 : vector<16xi1>, vector<16xf32>
      %select_n3A_1256 = arith.select %eq3A_1142, %broadcast_in_dim3A_1235, %select_n3A_1255 : vector<16xi1>, vector<16xf32>
      %select_n3A_1257 = arith.select %eq3A_1140, %broadcast_in_dim3A_1232, %select_n3A_1256 : vector<16xi1>, vector<16xf32>
      %select_n3A_1258 = arith.select %le3A_1136, %broadcast_in_dim3A_1229, %select_n3A_1257 : vector<16xi1>, vector<16xf32>
      %add3A_1259 = arith.constant 16 : i32
      %add3A_1260 = arith.addi %min3A_1112, %add3A_1259 : i32
      %multiple_of3A_1261 = tpu.assume_multiple %add3A_1260, 16 : i32
      %swap3A_1262 = arith.constant 2 : i32
      %swap3A_1263 = arith.index_cast %swap3A_1262 : i32 to index
      %swap3A_1264 = arith.index_cast %multiple_of3A_1261 : i32 to index
      %swap3A_1265 = tpu.vector_load %arg5[%swap3A_1263, %swap3A_1264] {strides = array<i32>} : memref<32x2048xf32, #tpu.memory_space<vmem>>, vector<1x16xf32>,
      %swap3A_1266 = vector.shape_cast %swap3A_1265 : vector<1x16xf32> to vector<16xf32>
      %swap3A_1267 = vector.shape_cast %select_n3A_1258 : vector<16xf32> to vector<1x16xf32>
      tpu.vector_store %arg5[%swap3A_1263, %swap3A_1264], %swap3A_1267 {strides = array<i32>} : memref<32x2048xf32, #tpu.memory_space<vmem>>, vector<1x16xf32>,
      %slice3A_1268 = vector.extract_strided_slice %get3A_1044 {offsets = [3], sizes = [1], strides = [1]} : vector<16xf32> to vector<1xf32>
      %squeeze3A_1269 = vector.extract %slice3A_1268[0] : f32 from vector<1xf32>
      %broadcast_in_dim3A_1270 = vector.broadcast %squeeze3A_1269 : f32 to vector<16xf32>
      %slice3A_1271 = vector.extract_strided_slice %get3A_1050 {offsets = [3], sizes = [1], strides = [1]} : vector<16xf32> to vector<1xf32>
      %squeeze3A_1272 = vector.extract %slice3A_1271[0] : f32 from vector<1xf32>
      %broadcast_in_dim3A_1273 = vector.broadcast %squeeze3A_1272 : f32 to vector<16xf32>
      %slice3A_1274 = vector.extract_strided_slice %get3A_1056 {offsets = [3], sizes = [1], strides = [1]} : vector<16xf32> to vector<1xf32>
      %squeeze3A_1275 = vector.extract %slice3A_1274[0] : f32 from vector<1xf32>
      %broadcast_in_dim3A_1276 = vector.broadcast %squeeze3A_1275 : f32 to vector<16xf32>
      %slice3A_1277 = vector.extract_strided_slice %get3A_1062 {offsets = [3], sizes = [1], strides = [1]} : vector<16xf32> to vector<1xf32>
      %squeeze3A_1278 = vector.extract %slice3A_1277[0] : f32 from vector<1xf32>
      %broadcast_in_dim3A_1279 = vector.broadcast %squeeze3A_1278 : f32 to vector<16xf32>
      %slice3A_1280 = vector.extract_strided_slice %get3A_1068 {offsets = [3], sizes = [1], strides = [1]} : vector<16xf32> to vector<1xf32>
      %squeeze3A_1281 = vector.extract %slice3A_1280[0] : f32 from vector<1xf32>
      %broadcast_in_dim3A_1282 = vector.broadcast %squeeze3A_1281 : f32 to vector<16xf32>
      %select_n3A_1283 = arith.select %eq3A_1128, %broadcast_in_dim3A_1279, %broadcast_in_dim3A_1282 : vector<16xi1>, vector<16xf32>
      %select_n3A_1284 = arith.select %eq3A_1124, %broadcast_in_dim3A_1276, %select_n3A_1283 : vector<16xi1>, vector<16xf32>
      %select_n3A_1285 = arith.select %eq3A_1122, %broadcast_in_dim3A_1273, %select_n3A_1284 : vector<16xi1>, vector<16xf32>
      %select_n3A_1286 = arith.select %le3A_1119, %broadcast_in_dim3A_1270, %select_n3A_1285 : vector<16xi1>, vector<16xf32>
      %add3A_1287 = arith.constant 0 : i32
      %add3A_1288 = arith.addi %min3A_1112, %add3A_1287 : i32
      %multiple_of3A_1289 = tpu.assume_multiple %add3A_1288, 16 : i32
      %swap3A_1290 = arith.constant 3 : i32
      %swap3A_1291 = arith.index_cast %swap3A_1290 : i32 to index
      %swap3A_1292 = arith.index_cast %multiple_of3A_1289 : i32 to index
      %swap3A_1293 = tpu.vector_load %arg5[%swap3A_1291, %swap3A_1292] {strides = array<i32>} : memref<32x2048xf32, #tpu.memory_space<vmem>>, vector<1x16xf32>,
      %swap3A_1294 = vector.shape_cast %swap3A_1293 : vector<1x16xf32> to vector<16xf32>
      %swap3A_1295 = vector.shape_cast %select_n3A_1286 : vector<16xf32> to vector<1x16xf32>
      tpu.vector_store %arg5[%swap3A_1291, %swap3A_1292], %swap3A_1295 {strides = array<i32>} : memref<32x2048xf32, #tpu.memory_space<vmem>>, vector<1x16xf32>,
      %select_n3A_1296 = arith.select %eq3A_1146, %broadcast_in_dim3A_1279, %broadcast_in_dim3A_1282 : vector<16xi1>, vector<16xf32>
      %select_n3A_1297 = arith.select %eq3A_1142, %broadcast_in_dim3A_1276, %select_n3A_1296 : vector<16xi1>, vector<16xf32>
      %select_n3A_1298 = arith.select %eq3A_1140, %broadcast_in_dim3A_1273, %select_n3A_1297 : vector<16xi1>, vector<16xf32>
      %select_n3A_1299 = arith.select %le3A_1136, %broadcast_in_dim3A_1270, %select_n3A_1298 : vector<16xi1>, vector<16xf32>
      %add3A_1300 = arith.constant 16 : i32
      %add3A_1301 = arith.addi %min3A_1112, %add3A_1300 : i32
      %multiple_of3A_1302 = tpu.assume_multiple %add3A_1301, 16 : i32
      %swap3A_1303 = arith.constant 3 : i32
      %swap3A_1304 = arith.index_cast %swap3A_1303 : i32 to index
      %swap3A_1305 = arith.index_cast %multiple_of3A_1302 : i32 to index
      %swap3A_1306 = tpu.vector_load %arg5[%swap3A_1304, %swap3A_1305] {strides = array<i32>} : memref<32x2048xf32, #tpu.memory_space<vmem>>, vector<1x16xf32>,
      %swap3A_1307 = vector.shape_cast %swap3A_1306 : vector<1x16xf32> to vector<16xf32>
      %swap3A_1308 = vector.shape_cast %select_n3A_1299 : vector<16xf32> to vector<1x16xf32>
      tpu.vector_store %arg5[%swap3A_1304, %swap3A_1305], %swap3A_1308 {strides = array<i32>} : memref<32x2048xf32, #tpu.memory_space<vmem>>, vector<1x16xf32>,
      %slice3A_1309 = vector.extract_strided_slice %get3A_1044 {offsets = [4], sizes = [1], strides = [1]} : vector<16xf32> to vector<1xf32>
      %squeeze3A_1310 = vector.extract %slice3A_1309[0] : f32 from vector<1xf32>
      %broadcast_in_dim3A_1311 = vector.broadcast %squeeze3A_1310 : f32 to vector<16xf32>
      %slice3A_1312 = vector.extract_strided_slice %get3A_1050 {offsets = [4], sizes = [1], strides = [1]} : vector<16xf32> to vector<1xf32>
      %squeeze3A_1313 = vector.extract %slice3A_1312[0] : f32 from vector<1xf32>
      %broadcast_in_dim3A_1314 = vector.broadcast %squeeze3A_1313 : f32 to vector<16xf32>
      %slice3A_1315 = vector.extract_strided_slice %get3A_1056 {offsets = [4], sizes = [1], strides = [1]} : vector<16xf32> to vector<1xf32>
      %squeeze3A_1316 = vector.extract %slice3A_1315[0] : f32 from vector<1xf32>
      %broadcast_in_dim3A_1317 = vector.broadcast %squeeze3A_1316 : f32 to vector<16xf32>
      %slice3A_1318 = vector.extract_strided_slice %get3A_1062 {offsets = [4], sizes = [1], strides = [1]} : vector<16xf32> to vector<1xf32>
      %squeeze3A_1319 = vector.extract %slice3A_1318[0] : f32 from vector<1xf32>
      %broadcast_in_dim3A_1320 = vector.broadcast %squeeze3A_1319 : f32 to vector<16xf32>
      %slice3A_1321 = vector.extract_strided_slice %get3A_1068 {offsets = [4], sizes = [1], strides = [1]} : vector<16xf32> to vector<1xf32>
      %squeeze3A_1322 = vector.extract %slice3A_1321[0] : f32 from vector<1xf32>
      %broadcast_in_dim3A_1323 = vector.broadcast %squeeze3A_1322 : f32 to vector<16xf32>
      %select_n3A_1324 = arith.select %eq3A_1128, %broadcast_in_dim3A_1320, %broadcast_in_dim3A_1323 : vector<16xi1>, vector<16xf32>
      %select_n3A_1325 = arith.select %eq3A_1124, %broadcast_in_dim3A_1317, %select_n3A_1324 : vector<16xi1>, vector<16xf32>
      %select_n3A_1326 = arith.select %eq3A_1122, %broadcast_in_dim3A_1314, %select_n3A_1325 : vector<16xi1>, vector<16xf32>
      %select_n3A_1327 = arith.select %le3A_1119, %broadcast_in_dim3A_1311, %select_n3A_1326 : vector<16xi1>, vector<16xf32>
      %add3A_1328 = arith.constant 0 : i32
      %add3A_1329 = arith.addi %min3A_1112, %add3A_1328 : i32
      %multiple_of3A_1330 = tpu.assume_multiple %add3A_1329, 16 : i32
      %swap3A_1331 = arith.constant 4 : i32
      %swap3A_1332 = arith.index_cast %swap3A_1331 : i32 to index
      %swap3A_1333 = arith.index_cast %multiple_of3A_1330 : i32 to index
      %swap3A_1334 = tpu.vector_load %arg5[%swap3A_1332, %swap3A_1333] {strides = array<i32>} : memref<32x2048xf32, #tpu.memory_space<vmem>>, vector<1x16xf32>,
      %swap3A_1335 = vector.shape_cast %swap3A_1334 : vector<1x16xf32> to vector<16xf32>
      %swap3A_1336 = vector.shape_cast %select_n3A_1327 : vector<16xf32> to vector<1x16xf32>
      tpu.vector_store %arg5[%swap3A_1332, %swap3A_1333], %swap3A_1336 {strides = array<i32>} : memref<32x2048xf32, #tpu.memory_space<vmem>>, vector<1x16xf32>,
      %select_n3A_1337 = arith.select %eq3A_1146, %broadcast_in_dim3A_1320, %broadcast_in_dim3A_1323 : vector<16xi1>, vector<16xf32>
      %select_n3A_1338 = arith.select %eq3A_1142, %broadcast_in_dim3A_1317, %select_n3A_1337 : vector<16xi1>, vector<16xf32>
      %select_n3A_1339 = arith.select %eq3A_1140, %broadcast_in_dim3A_1314, %select_n3A_1338 : vector<16xi1>, vector<16xf32>
      %select_n3A_1340 = arith.select %le3A_1136, %broadcast_in_dim3A_1311, %select_n3A_1339 : vector<16xi1>, vector<16xf32>
      %add3A_1341 = arith.constant 16 : i32
      %add3A_1342 = arith.addi %min3A_1112, %add3A_1341 : i32
      %multiple_of3A_1343 = tpu.assume_multiple %add3A_1342, 16 : i32
      %swap3A_1344 = arith.constant 4 : i32
      %swap3A_1345 = arith.index_cast %swap3A_1344 : i32 to index
      %swap3A_1346 = arith.index_cast %multiple_of3A_1343 : i32 to index
      %swap3A_1347 = tpu.vector_load %arg5[%swap3A_1345, %swap3A_1346] {strides = array<i32>} : memref<32x2048xf32, #tpu.memory_space<vmem>>, vector<1x16xf32>,
      %swap3A_1348 = vector.shape_cast %swap3A_1347 : vector<1x16xf32> to vector<16xf32>
      %swap3A_1349 = vector.shape_cast %select_n3A_1340 : vector<16xf32> to vector<1x16xf32>
      tpu.vector_store %arg5[%swap3A_1345, %swap3A_1346], %swap3A_1349 {strides = array<i32>} : memref<32x2048xf32, #tpu.memory_space<vmem>>, vector<1x16xf32>,
      %slice3A_1350 = vector.extract_strided_slice %get3A_1044 {offsets = [5], sizes = [1], strides = [1]} : vector<16xf32> to vector<1xf32>
      %squeeze3A_1351 = vector.extract %slice3A_1350[0] : f32 from vector<1xf32>
      %broadcast_in_dim3A_1352 = vector.broadcast %squeeze3A_1351 : f32 to vector<16xf32>
      %slice3A_1353 = vector.extract_strided_slice %get3A_1050 {offsets = [5], sizes = [1], strides = [1]} : vector<16xf32> to vector<1xf32>
      %squeeze3A_1354 = vector.extract %slice3A_1353[0] : f32 from vector<1xf32>
      %broadcast_in_dim3A_1355 = vector.broadcast %squeeze3A_1354 : f32 to vector<16xf32>
      %slice3A_1356 = vector.extract_strided_slice %get3A_1056 {offsets = [5], sizes = [1], strides = [1]} : vector<16xf32> to vector<1xf32>
      %squeeze3A_1357 = vector.extract %slice3A_1356[0] : f32 from vector<1xf32>
      %broadcast_in_dim3A_1358 = vector.broadcast %squeeze3A_1357 : f32 to vector<16xf32>
      %slice3A_1359 = vector.extract_strided_slice %get3A_1062 {offsets = [5], sizes = [1], strides = [1]} : vector<16xf32> to vector<1xf32>
      %squeeze3A_1360 = vector.extract %slice3A_1359[0] : f32 from vector<1xf32>
      %broadcast_in_dim3A_1361 = vector.broadcast %squeeze3A_1360 : f32 to vector<16xf32>
      %slice3A_1362 = vector.extract_strided_slice %get3A_1068 {offsets = [5], sizes = [1], strides = [1]} : vector<16xf32> to vector<1xf32>
      %squeeze3A_1363 = vector.extract %slice3A_1362[0] : f32 from vector<1xf32>
      %broadcast_in_dim3A_1364 = vector.broadcast %squeeze3A_1363 : f32 to vector<16xf32>
      %select_n3A_1365 = arith.select %eq3A_1128, %broadcast_in_dim3A_1361, %broadcast_in_dim3A_1364 : vector<16xi1>, vector<16xf32>
      %select_n3A_1366 = arith.select %eq3A_1124, %broadcast_in_dim3A_1358, %select_n3A_1365 : vector<16xi1>, vector<16xf32>
      %select_n3A_1367 = arith.select %eq3A_1122, %broadcast_in_dim3A_1355, %select_n3A_1366 : vector<16xi1>, vector<16xf32>
      %select_n3A_1368 = arith.select %le3A_1119, %broadcast_in_dim3A_1352, %select_n3A_1367 : vector<16xi1>, vector<16xf32>
      %add3A_1369 = arith.constant 0 : i32
      %add3A_1370 = arith.addi %min3A_1112, %add3A_1369 : i32
      %multiple_of3A_1371 = tpu.assume_multiple %add3A_1370, 16 : i32
      %swap3A_1372 = arith.constant 5 : i32
      %swap3A_1373 = arith.index_cast %swap3A_1372 : i32 to index
      %swap3A_1374 = arith.index_cast %multiple_of3A_1371 : i32 to index
      %swap3A_1375 = tpu.vector_load %arg5[%swap3A_1373, %swap3A_1374] {strides = array<i32>} : memref<32x2048xf32, #tpu.memory_space<vmem>>, vector<1x16xf32>,
      %swap3A_1376 = vector.shape_cast %swap3A_1375 : vector<1x16xf32> to vector<16xf32>
      %swap3A_1377 = vector.shape_cast %select_n3A_1368 : vector<16xf32> to vector<1x16xf32>
      tpu.vector_store %arg5[%swap3A_1373, %swap3A_1374], %swap3A_1377 {strides = array<i32>} : memref<32x2048xf32, #tpu.memory_space<vmem>>, vector<1x16xf32>,
      %select_n3A_1378 = arith.select %eq3A_1146, %broadcast_in_dim3A_1361, %broadcast_in_dim3A_1364 : vector<16xi1>, vector<16xf32>
      %select_n3A_1379 = arith.select %eq3A_1142, %broadcast_in_dim3A_1358, %select_n3A_1378 : vector<16xi1>, vector<16xf32>
      %select_n3A_1380 = arith.select %eq3A_1140, %broadcast_in_dim3A_1355, %select_n3A_1379 : vector<16xi1>, vector<16xf32>
      %select_n3A_1381 = arith.select %le3A_1136, %broadcast_in_dim3A_1352, %select_n3A_1380 : vector<16xi1>, vector<16xf32>
      %add3A_1382 = arith.constant 16 : i32
      %add3A_1383 = arith.addi %min3A_1112, %add3A_1382 : i32
      %multiple_of3A_1384 = tpu.assume_multiple %add3A_1383, 16 : i32
      %swap3A_1385 = arith.constant 5 : i32
      %swap3A_1386 = arith.index_cast %swap3A_1385 : i32 to index
      %swap3A_1387 = arith.index_cast %multiple_of3A_1384 : i32 to index
      %swap3A_1388 = tpu.vector_load %arg5[%swap3A_1386, %swap3A_1387] {strides = array<i32>} : memref<32x2048xf32, #tpu.memory_space<vmem>>, vector<1x16xf32>,
      %swap3A_1389 = vector.shape_cast %swap3A_1388 : vector<1x16xf32> to vector<16xf32>
      %swap3A_1390 = vector.shape_cast %select_n3A_1381 : vector<16xf32> to vector<1x16xf32>
      tpu.vector_store %arg5[%swap3A_1386, %swap3A_1387], %swap3A_1390 {strides = array<i32>} : memref<32x2048xf32, #tpu.memory_space<vmem>>, vector<1x16xf32>,
      %slice3A_1391 = vector.extract_strided_slice %get3A_1044 {offsets = [6], sizes = [1], strides = [1]} : vector<16xf32> to vector<1xf32>
      %squeeze3A_1392 = vector.extract %slice3A_1391[0] : f32 from vector<1xf32>
      %broadcast_in_dim3A_1393 = vector.broadcast %squeeze3A_1392 : f32 to vector<16xf32>
      %slice3A_1394 = vector.extract_strided_slice %get3A_1050 {offsets = [6], sizes = [1], strides = [1]} : vector<16xf32> to vector<1xf32>
      %squeeze3A_1395 = vector.extract %slice3A_1394[0] : f32 from vector<1xf32>
      %broadcast_in_dim3A_1396 = vector.broadcast %squeeze3A_1395 : f32 to vector<16xf32>
      %slice3A_1397 = vector.extract_strided_slice %get3A_1056 {offsets = [6], sizes = [1], strides = [1]} : vector<16xf32> to vector<1xf32>
      %squeeze3A_1398 = vector.extract %slice3A_1397[0] : f32 from vector<1xf32>
      %broadcast_in_dim3A_1399 = vector.broadcast %squeeze3A_1398 : f32 to vector<16xf32>
      %slice3A_1400 = vector.extract_strided_slice %get3A_1062 {offsets = [6], sizes = [1], strides = [1]} : vector<16xf32> to vector<1xf32>
      %squeeze3A_1401 = vector.extract %slice3A_1400[0] : f32 from vector<1xf32>
      %broadcast_in_dim3A_1402 = vector.broadcast %squeeze3A_1401 : f32 to vector<16xf32>
      %slice3A_1403 = vector.extract_strided_slice %get3A_1068 {offsets = [6], sizes = [1], strides = [1]} : vector<16xf32> to vector<1xf32>
      %squeeze3A_1404 = vector.extract %slice3A_1403[0] : f32 from vector<1xf32>
      %broadcast_in_dim3A_1405 = vector.broadcast %squeeze3A_1404 : f32 to vector<16xf32>
      %select_n3A_1406 = arith.select %eq3A_1128, %broadcast_in_dim3A_1402, %broadcast_in_dim3A_1405 : vector<16xi1>, vector<16xf32>
      %select_n3A_1407 = arith.select %eq3A_1124, %broadcast_in_dim3A_1399, %select_n3A_1406 : vector<16xi1>, vector<16xf32>
      %select_n3A_1408 = arith.select %eq3A_1122, %broadcast_in_dim3A_1396, %select_n3A_1407 : vector<16xi1>, vector<16xf32>
      %select_n3A_1409 = arith.select %le3A_1119, %broadcast_in_dim3A_1393, %select_n3A_1408 : vector<16xi1>, vector<16xf32>
      %add3A_1410 = arith.constant 0 : i32
      %add3A_1411 = arith.addi %min3A_1112, %add3A_1410 : i32
      %multiple_of3A_1412 = tpu.assume_multiple %add3A_1411, 16 : i32
      %swap3A_1413 = arith.constant 6 : i32
      %swap3A_1414 = arith.index_cast %swap3A_1413 : i32 to index
      %swap3A_1415 = arith.index_cast %multiple_of3A_1412 : i32 to index
      %swap3A_1416 = tpu.vector_load %arg5[%swap3A_1414, %swap3A_1415] {strides = array<i32>} : memref<32x2048xf32, #tpu.memory_space<vmem>>, vector<1x16xf32>,
      %swap3A_1417 = vector.shape_cast %swap3A_1416 : vector<1x16xf32> to vector<16xf32>
      %swap3A_1418 = vector.shape_cast %select_n3A_1409 : vector<16xf32> to vector<1x16xf32>
      tpu.vector_store %arg5[%swap3A_1414, %swap3A_1415], %swap3A_1418 {strides = array<i32>} : memref<32x2048xf32, #tpu.memory_space<vmem>>, vector<1x16xf32>,
      %select_n3A_1419 = arith.select %eq3A_1146, %broadcast_in_dim3A_1402, %broadcast_in_dim3A_1405 : vector<16xi1>, vector<16xf32>
      %select_n3A_1420 = arith.select %eq3A_1142, %broadcast_in_dim3A_1399, %select_n3A_1419 : vector<16xi1>, vector<16xf32>
      %select_n3A_1421 = arith.select %eq3A_1140, %broadcast_in_dim3A_1396, %select_n3A_1420 : vector<16xi1>, vector<16xf32>
      %select_n3A_1422 = arith.select %le3A_1136, %broadcast_in_dim3A_1393, %select_n3A_1421 : vector<16xi1>, vector<16xf32>
      %add3A_1423 = arith.constant 16 : i32
      %add3A_1424 = arith.addi %min3A_1112, %add3A_1423 : i32
      %multiple_of3A_1425 = tpu.assume_multiple %add3A_1424, 16 : i32
      %swap3A_1426 = arith.constant 6 : i32
      %swap3A_1427 = arith.index_cast %swap3A_1426 : i32 to index
      %swap3A_1428 = arith.index_cast %multiple_of3A_1425 : i32 to index
      %swap3A_1429 = tpu.vector_load %arg5[%swap3A_1427, %swap3A_1428] {strides = array<i32>} : memref<32x2048xf32, #tpu.memory_space<vmem>>, vector<1x16xf32>,
      %swap3A_1430 = vector.shape_cast %swap3A_1429 : vector<1x16xf32> to vector<16xf32>
      %swap3A_1431 = vector.shape_cast %select_n3A_1422 : vector<16xf32> to vector<1x16xf32>
      tpu.vector_store %arg5[%swap3A_1427, %swap3A_1428], %swap3A_1431 {strides = array<i32>} : memref<32x2048xf32, #tpu.memory_space<vmem>>, vector<1x16xf32>,
      %slice3A_1432 = vector.extract_strided_slice %get3A_1044 {offsets = [7], sizes = [1], strides = [1]} : vector<16xf32> to vector<1xf32>
      %squeeze3A_1433 = vector.extract %slice3A_1432[0] : f32 from vector<1xf32>
      %broadcast_in_dim3A_1434 = vector.broadcast %squeeze3A_1433 : f32 to vector<16xf32>
      %slice3A_1435 = vector.extract_strided_slice %get3A_1050 {offsets = [7], sizes = [1], strides = [1]} : vector<16xf32> to vector<1xf32>
      %squeeze3A_1436 = vector.extract %slice3A_1435[0] : f32 from vector<1xf32>
      %broadcast_in_dim3A_1437 = vector.broadcast %squeeze3A_1436 : f32 to vector<16xf32>
      %slice3A_1438 = vector.extract_strided_slice %get3A_1056 {offsets = [7], sizes = [1], strides = [1]} : vector<16xf32> to vector<1xf32>
      %squeeze3A_1439 = vector.extract %slice3A_1438[0] : f32 from vector<1xf32>
      %broadcast_in_dim3A_1440 = vector.broadcast %squeeze3A_1439 : f32 to vector<16xf32>
      %slice3A_1441 = vector.extract_strided_slice %get3A_1062 {offsets = [7], sizes = [1], strides = [1]} : vector<16xf32> to vector<1xf32>
      %squeeze3A_1442 = vector.extract %slice3A_1441[0] : f32 from vector<1xf32>
      %broadcast_in_dim3A_1443 = vector.broadcast %squeeze3A_1442 : f32 to vector<16xf32>
      %slice3A_1444 = vector.extract_strided_slice %get3A_1068 {offsets = [7], sizes = [1], strides = [1]} : vector<16xf32> to vector<1xf32>
      %squeeze3A_1445 = vector.extract %slice3A_1444[0] : f32 from vector<1xf32>
      %broadcast_in_dim3A_1446 = vector.broadcast %squeeze3A_1445 : f32 to vector<16xf32>
      %select_n3A_1447 = arith.select %eq3A_1128, %broadcast_in_dim3A_1443, %broadcast_in_dim3A_1446 : vector<16xi1>, vector<16xf32>
      %select_n3A_1448 = arith.select %eq3A_1124, %broadcast_in_dim3A_1440, %select_n3A_1447 : vector<16xi1>, vector<16xf32>
      %select_n3A_1449 = arith.select %eq3A_1122, %broadcast_in_dim3A_1437, %select_n3A_1448 : vector<16xi1>, vector<16xf32>
      %select_n3A_1450 = arith.select %le3A_1119, %broadcast_in_dim3A_1434, %select_n3A_1449 : vector<16xi1>, vector<16xf32>
      %add3A_1451 = arith.constant 0 : i32
      %add3A_1452 = arith.addi %min3A_1112, %add3A_1451 : i32
      %multiple_of3A_1453 = tpu.assume_multiple %add3A_1452, 16 : i32
      %swap3A_1454 = arith.constant 7 : i32
      %swap3A_1455 = arith.index_cast %swap3A_1454 : i32 to index
      %swap3A_1456 = arith.index_cast %multiple_of3A_1453 : i32 to index
      %swap3A_1457 = tpu.vector_load %arg5[%swap3A_1455, %swap3A_1456] {strides = array<i32>} : memref<32x2048xf32, #tpu.memory_space<vmem>>, vector<1x16xf32>,
      %swap3A_1458 = vector.shape_cast %swap3A_1457 : vector<1x16xf32> to vector<16xf32>
      %swap3A_1459 = vector.shape_cast %select_n3A_1450 : vector<16xf32> to vector<1x16xf32>
      tpu.vector_store %arg5[%swap3A_1455, %swap3A_1456], %swap3A_1459 {strides = array<i32>} : memref<32x2048xf32, #tpu.memory_space<vmem>>, vector<1x16xf32>,
      %select_n3A_1460 = arith.select %eq3A_1146, %broadcast_in_dim3A_1443, %broadcast_in_dim3A_1446 : vector<16xi1>, vector<16xf32>
      %select_n3A_1461 = arith.select %eq3A_1142, %broadcast_in_dim3A_1440, %select_n3A_1460 : vector<16xi1>, vector<16xf32>
      %select_n3A_1462 = arith.select %eq3A_1140, %broadcast_in_dim3A_1437, %select_n3A_1461 : vector<16xi1>, vector<16xf32>
      %select_n3A_1463 = arith.select %le3A_1136, %broadcast_in_dim3A_1434, %select_n3A_1462 : vector<16xi1>, vector<16xf32>
      %add3A_1464 = arith.constant 16 : i32
      %add3A_1465 = arith.addi %min3A_1112, %add3A_1464 : i32
      %multiple_of3A_1466 = tpu.assume_multiple %add3A_1465, 16 : i32
      %swap3A_1467 = arith.constant 7 : i32
      %swap3A_1468 = arith.index_cast %swap3A_1467 : i32 to index
      %swap3A_1469 = arith.index_cast %multiple_of3A_1466 : i32 to index
      %swap3A_1470 = tpu.vector_load %arg5[%swap3A_1468, %swap3A_1469] {strides = array<i32>} : memref<32x2048xf32, #tpu.memory_space<vmem>>, vector<1x16xf32>,
      %swap3A_1471 = vector.shape_cast %swap3A_1470 : vector<1x16xf32> to vector<16xf32>
      %swap3A_1472 = vector.shape_cast %select_n3A_1463 : vector<16xf32> to vector<1x16xf32>
      tpu.vector_store %arg5[%swap3A_1468, %swap3A_1469], %swap3A_1472 {strides = array<i32>} : memref<32x2048xf32, #tpu.memory_space<vmem>>, vector<1x16xf32>,
      %slice3A_1473 = vector.extract_strided_slice %get3A_1044 {offsets = [8], sizes = [1], strides = [1]} : vector<16xf32> to vector<1xf32>
      %squeeze3A_1474 = vector.extract %slice3A_1473[0] : f32 from vector<1xf32>
      %broadcast_in_dim3A_1475 = vector.broadcast %squeeze3A_1474 : f32 to vector<16xf32>
      %slice3A_1476 = vector.extract_strided_slice %get3A_1050 {offsets = [8], sizes = [1], strides = [1]} : vector<16xf32> to vector<1xf32>
      %squeeze3A_1477 = vector.extract %slice3A_1476[0] : f32 from vector<1xf32>
      %broadcast_in_dim3A_1478 = vector.broadcast %squeeze3A_1477 : f32 to vector<16xf32>
      %slice3A_1479 = vector.extract_strided_slice %get3A_1056 {offsets = [8], sizes = [1], strides = [1]} : vector<16xf32> to vector<1xf32>
      %squeeze3A_1480 = vector.extract %slice3A_1479[0] : f32 from vector<1xf32>
      %broadcast_in_dim3A_1481 = vector.broadcast %squeeze3A_1480 : f32 to vector<16xf32>
      %slice3A_1482 = vector.extract_strided_slice %get3A_1062 {offsets = [8], sizes = [1], strides = [1]} : vector<16xf32> to vector<1xf32>
      %squeeze3A_1483 = vector.extract %slice3A_1482[0] : f32 from vector<1xf32>
      %broadcast_in_dim3A_1484 = vector.broadcast %squeeze3A_1483 : f32 to vector<16xf32>
      %slice3A_1485 = vector.extract_strided_slice %get3A_1068 {offsets = [8], sizes = [1], strides = [1]} : vector<16xf32> to vector<1xf32>
      %squeeze3A_1486 = vector.extract %slice3A_1485[0] : f32 from vector<1xf32>
      %broadcast_in_dim3A_1487 = vector.broadcast %squeeze3A_1486 : f32 to vector<16xf32>
      %select_n3A_1488 = arith.select %eq3A_1128, %broadcast_in_dim3A_1484, %broadcast_in_dim3A_1487 : vector<16xi1>, vector<16xf32>
      %select_n3A_1489 = arith.select %eq3A_1124, %broadcast_in_dim3A_1481, %select_n3A_1488 : vector<16xi1>, vector<16xf32>
      %select_n3A_1490 = arith.select %eq3A_1122, %broadcast_in_dim3A_1478, %select_n3A_1489 : vector<16xi1>, vector<16xf32>
      %select_n3A_1491 = arith.select %le3A_1119, %broadcast_in_dim3A_1475, %select_n3A_1490 : vector<16xi1>, vector<16xf32>
      %add3A_1492 = arith.constant 0 : i32
      %add3A_1493 = arith.addi %min3A_1112, %add3A_1492 : i32
      %multiple_of3A_1494 = tpu.assume_multiple %add3A_1493, 16 : i32
      %swap3A_1495 = arith.constant 8 : i32
      %swap3A_1496 = arith.index_cast %swap3A_1495 : i32 to index
      %swap3A_1497 = arith.index_cast %multiple_of3A_1494 : i32 to index
      %swap3A_1498 = tpu.vector_load %arg5[%swap3A_1496, %swap3A_1497] {strides = array<i32>} : memref<32x2048xf32, #tpu.memory_space<vmem>>, vector<1x16xf32>,
      %swap3A_1499 = vector.shape_cast %swap3A_1498 : vector<1x16xf32> to vector<16xf32>
      %swap3A_1500 = vector.shape_cast %select_n3A_1491 : vector<16xf32> to vector<1x16xf32>
      tpu.vector_store %arg5[%swap3A_1496, %swap3A_1497], %swap3A_1500 {strides = array<i32>} : memref<32x2048xf32, #tpu.memory_space<vmem>>, vector<1x16xf32>,
      %select_n3A_1501 = arith.select %eq3A_1146, %broadcast_in_dim3A_1484, %broadcast_in_dim3A_1487 : vector<16xi1>, vector<16xf32>
      %select_n3A_1502 = arith.select %eq3A_1142, %broadcast_in_dim3A_1481, %select_n3A_1501 : vector<16xi1>, vector<16xf32>
      %select_n3A_1503 = arith.select %eq3A_1140, %broadcast_in_dim3A_1478, %select_n3A_1502 : vector<16xi1>, vector<16xf32>
      %select_n3A_1504 = arith.select %le3A_1136, %broadcast_in_dim3A_1475, %select_n3A_1503 : vector<16xi1>, vector<16xf32>
      %add3A_1505 = arith.constant 16 : i32
      %add3A_1506 = arith.addi %min3A_1112, %add3A_1505 : i32
      %multiple_of3A_1507 = tpu.assume_multiple %add3A_1506, 16 : i32
      %swap3A_1508 = arith.constant 8 : i32
      %swap3A_1509 = arith.index_cast %swap3A_1508 : i32 to index
      %swap3A_1510 = arith.index_cast %multiple_of3A_1507 : i32 to index
      %swap3A_1511 = tpu.vector_load %arg5[%swap3A_1509, %swap3A_1510] {strides = array<i32>} : memref<32x2048xf32, #tpu.memory_space<vmem>>, vector<1x16xf32>,
      %swap3A_1512 = vector.shape_cast %swap3A_1511 : vector<1x16xf32> to vector<16xf32>
      %swap3A_1513 = vector.shape_cast %select_n3A_1504 : vector<16xf32> to vector<1x16xf32>
      tpu.vector_store %arg5[%swap3A_1509, %swap3A_1510], %swap3A_1513 {strides = array<i32>} : memref<32x2048xf32, #tpu.memory_space<vmem>>, vector<1x16xf32>,
      %slice3A_1514 = vector.extract_strided_slice %get3A_1044 {offsets = [9], sizes = [1], strides = [1]} : vector<16xf32> to vector<1xf32>
      %squeeze3A_1515 = vector.extract %slice3A_1514[0] : f32 from vector<1xf32>
      %broadcast_in_dim3A_1516 = vector.broadcast %squeeze3A_1515 : f32 to vector<16xf32>
      %slice3A_1517 = vector.extract_strided_slice %get3A_1050 {offsets = [9], sizes = [1], strides = [1]} : vector<16xf32> to vector<1xf32>
      %squeeze3A_1518 = vector.extract %slice3A_1517[0] : f32 from vector<1xf32>
      %broadcast_in_dim3A_1519 = vector.broadcast %squeeze3A_1518 : f32 to vector<16xf32>
      %slice3A_1520 = vector.extract_strided_slice %get3A_1056 {offsets = [9], sizes = [1], strides = [1]} : vector<16xf32> to vector<1xf32>
      %squeeze3A_1521 = vector.extract %slice3A_1520[0] : f32 from vector<1xf32>
      %broadcast_in_dim3A_1522 = vector.broadcast %squeeze3A_1521 : f32 to vector<16xf32>
      %slice3A_1523 = vector.extract_strided_slice %get3A_1062 {offsets = [9], sizes = [1], strides = [1]} : vector<16xf32> to vector<1xf32>
      %squeeze3A_1524 = vector.extract %slice3A_1523[0] : f32 from vector<1xf32>
      %broadcast_in_dim3A_1525 = vector.broadcast %squeeze3A_1524 : f32 to vector<16xf32>
      %slice3A_1526 = vector.extract_strided_slice %get3A_1068 {offsets = [9], sizes = [1], strides = [1]} : vector<16xf32> to vector<1xf32>
      %squeeze3A_1527 = vector.extract %slice3A_1526[0] : f32 from vector<1xf32>
      %broadcast_in_dim3A_1528 = vector.broadcast %squeeze3A_1527 : f32 to vector<16xf32>
      %select_n3A_1529 = arith.select %eq3A_1128, %broadcast_in_dim3A_1525, %broadcast_in_dim3A_1528 : vector<16xi1>, vector<16xf32>
      %select_n3A_1530 = arith.select %eq3A_1124, %broadcast_in_dim3A_1522, %select_n3A_1529 : vector<16xi1>, vector<16xf32>
      %select_n3A_1531 = arith.select %eq3A_1122, %broadcast_in_dim3A_1519, %select_n3A_1530 : vector<16xi1>, vector<16xf32>
      %select_n3A_1532 = arith.select %le3A_1119, %broadcast_in_dim3A_1516, %select_n3A_1531 : vector<16xi1>, vector<16xf32>
      %add3A_1533 = arith.constant 0 : i32
      %add3A_1534 = arith.addi %min3A_1112, %add3A_1533 : i32
      %multiple_of3A_1535 = tpu.assume_multiple %add3A_1534, 16 : i32
      %swap3A_1536 = arith.constant 9 : i32
      %swap3A_1537 = arith.index_cast %swap3A_1536 : i32 to index
      %swap3A_1538 = arith.index_cast %multiple_of3A_1535 : i32 to index
      %swap3A_1539 = tpu.vector_load %arg5[%swap3A_1537, %swap3A_1538] {strides = array<i32>} : memref<32x2048xf32, #tpu.memory_space<vmem>>, vector<1x16xf32>,
      %swap3A_1540 = vector.shape_cast %swap3A_1539 : vector<1x16xf32> to vector<16xf32>
      %swap3A_1541 = vector.shape_cast %select_n3A_1532 : vector<16xf32> to vector<1x16xf32>
      tpu.vector_store %arg5[%swap3A_1537, %swap3A_1538], %swap3A_1541 {strides = array<i32>} : memref<32x2048xf32, #tpu.memory_space<vmem>>, vector<1x16xf32>,
      %select_n3A_1542 = arith.select %eq3A_1146, %broadcast_in_dim3A_1525, %broadcast_in_dim3A_1528 : vector<16xi1>, vector<16xf32>
      %select_n3A_1543 = arith.select %eq3A_1142, %broadcast_in_dim3A_1522, %select_n3A_1542 : vector<16xi1>, vector<16xf32>
      %select_n3A_1544 = arith.select %eq3A_1140, %broadcast_in_dim3A_1519, %select_n3A_1543 : vector<16xi1>, vector<16xf32>
      %select_n3A_1545 = arith.select %le3A_1136, %broadcast_in_dim3A_1516, %select_n3A_1544 : vector<16xi1>, vector<16xf32>
      %add3A_1546 = arith.constant 16 : i32
      %add3A_1547 = arith.addi %min3A_1112, %add3A_1546 : i32
      %multiple_of3A_1548 = tpu.assume_multiple %add3A_1547, 16 : i32
      %swap3A_1549 = arith.constant 9 : i32
      %swap3A_1550 = arith.index_cast %swap3A_1549 : i32 to index
      %swap3A_1551 = arith.index_cast %multiple_of3A_1548 : i32 to index
      %swap3A_1552 = tpu.vector_load %arg5[%swap3A_1550, %swap3A_1551] {strides = array<i32>} : memref<32x2048xf32, #tpu.memory_space<vmem>>, vector<1x16xf32>,
      %swap3A_1553 = vector.shape_cast %swap3A_1552 : vector<1x16xf32> to vector<16xf32>
      %swap3A_1554 = vector.shape_cast %select_n3A_1545 : vector<16xf32> to vector<1x16xf32>
      tpu.vector_store %arg5[%swap3A_1550, %swap3A_1551], %swap3A_1554 {strides = array<i32>} : memref<32x2048xf32, #tpu.memory_space<vmem>>, vector<1x16xf32>,
      %slice3A_1555 = vector.extract_strided_slice %get3A_1044 {offsets = [10], sizes = [1], strides = [1]} : vector<16xf32> to vector<1xf32>
      %squeeze3A_1556 = vector.extract %slice3A_1555[0] : f32 from vector<1xf32>
      %broadcast_in_dim3A_1557 = vector.broadcast %squeeze3A_1556 : f32 to vector<16xf32>
      %slice3A_1558 = vector.extract_strided_slice %get3A_1050 {offsets = [10], sizes = [1], strides = [1]} : vector<16xf32> to vector<1xf32>
      %squeeze3A_1559 = vector.extract %slice3A_1558[0] : f32 from vector<1xf32>
      %broadcast_in_dim3A_1560 = vector.broadcast %squeeze3A_1559 : f32 to vector<16xf32>
      %slice3A_1561 = vector.extract_strided_slice %get3A_1056 {offsets = [10], sizes = [1], strides = [1]} : vector<16xf32> to vector<1xf32>
      %squeeze3A_1562 = vector.extract %slice3A_1561[0] : f32 from vector<1xf32>
      %broadcast_in_dim3A_1563 = vector.broadcast %squeeze3A_1562 : f32 to vector<16xf32>
      %slice3A_1564 = vector.extract_strided_slice %get3A_1062 {offsets = [10], sizes = [1], strides = [1]} : vector<16xf32> to vector<1xf32>
      %squeeze3A_1565 = vector.extract %slice3A_1564[0] : f32 from vector<1xf32>
      %broadcast_in_dim3A_1566 = vector.broadcast %squeeze3A_1565 : f32 to vector<16xf32>
      %slice3A_1567 = vector.extract_strided_slice %get3A_1068 {offsets = [10], sizes = [1], strides = [1]} : vector<16xf32> to vector<1xf32>
      %squeeze3A_1568 = vector.extract %slice3A_1567[0] : f32 from vector<1xf32>
      %broadcast_in_dim3A_1569 = vector.broadcast %squeeze3A_1568 : f32 to vector<16xf32>
      %select_n3A_1570 = arith.select %eq3A_1128, %broadcast_in_dim3A_1566, %broadcast_in_dim3A_1569 : vector<16xi1>, vector<16xf32>
      %select_n3A_1571 = arith.select %eq3A_1124, %broadcast_in_dim3A_1563, %select_n3A_1570 : vector<16xi1>, vector<16xf32>
      %select_n3A_1572 = arith.select %eq3A_1122, %broadcast_in_dim3A_1560, %select_n3A_1571 : vector<16xi1>, vector<16xf32>
      %select_n3A_1573 = arith.select %le3A_1119, %broadcast_in_dim3A_1557, %select_n3A_1572 : vector<16xi1>, vector<16xf32>
      %add3A_1574 = arith.constant 0 : i32
      %add3A_1575 = arith.addi %min3A_1112, %add3A_1574 : i32
      %multiple_of3A_1576 = tpu.assume_multiple %add3A_1575, 16 : i32
      %swap3A_1577 = arith.constant 10 : i32
      %swap3A_1578 = arith.index_cast %swap3A_1577 : i32 to index
      %swap3A_1579 = arith.index_cast %multiple_of3A_1576 : i32 to index
      %swap3A_1580 = tpu.vector_load %arg5[%swap3A_1578, %swap3A_1579] {strides = array<i32>} : memref<32x2048xf32, #tpu.memory_space<vmem>>, vector<1x16xf32>,
      %swap3A_1581 = vector.shape_cast %swap3A_1580 : vector<1x16xf32> to vector<16xf32>
      %swap3A_1582 = vector.shape_cast %select_n3A_1573 : vector<16xf32> to vector<1x16xf32>
      tpu.vector_store %arg5[%swap3A_1578, %swap3A_1579], %swap3A_1582 {strides = array<i32>} : memref<32x2048xf32, #tpu.memory_space<vmem>>, vector<1x16xf32>,
      %select_n3A_1583 = arith.select %eq3A_1146, %broadcast_in_dim3A_1566, %broadcast_in_dim3A_1569 : vector<16xi1>, vector<16xf32>
      %select_n3A_1584 = arith.select %eq3A_1142, %broadcast_in_dim3A_1563, %select_n3A_1583 : vector<16xi1>, vector<16xf32>
      %select_n3A_1585 = arith.select %eq3A_1140, %broadcast_in_dim3A_1560, %select_n3A_1584 : vector<16xi1>, vector<16xf32>
      %select_n3A_1586 = arith.select %le3A_1136, %broadcast_in_dim3A_1557, %select_n3A_1585 : vector<16xi1>, vector<16xf32>
      %add3A_1587 = arith.constant 16 : i32
      %add3A_1588 = arith.addi %min3A_1112, %add3A_1587 : i32
      %multiple_of3A_1589 = tpu.assume_multiple %add3A_1588, 16 : i32
      %swap3A_1590 = arith.constant 10 : i32
      %swap3A_1591 = arith.index_cast %swap3A_1590 : i32 to index
      %swap3A_1592 = arith.index_cast %multiple_of3A_1589 : i32 to index
      %swap3A_1593 = tpu.vector_load %arg5[%swap3A_1591, %swap3A_1592] {strides = array<i32>} : memref<32x2048xf32, #tpu.memory_space<vmem>>, vector<1x16xf32>,
      %swap3A_1594 = vector.shape_cast %swap3A_1593 : vector<1x16xf32> to vector<16xf32>
      %swap3A_1595 = vector.shape_cast %select_n3A_1586 : vector<16xf32> to vector<1x16xf32>
      tpu.vector_store %arg5[%swap3A_1591, %swap3A_1592], %swap3A_1595 {strides = array<i32>} : memref<32x2048xf32, #tpu.memory_space<vmem>>, vector<1x16xf32>,
      %slice3A_1596 = vector.extract_strided_slice %get3A_1044 {offsets = [11], sizes = [1], strides = [1]} : vector<16xf32> to vector<1xf32>
      %squeeze3A_1597 = vector.extract %slice3A_1596[0] : f32 from vector<1xf32>
      %broadcast_in_dim3A_1598 = vector.broadcast %squeeze3A_1597 : f32 to vector<16xf32>
      %slice3A_1599 = vector.extract_strided_slice %get3A_1050 {offsets = [11], sizes = [1], strides = [1]} : vector<16xf32> to vector<1xf32>
      %squeeze3A_1600 = vector.extract %slice3A_1599[0] : f32 from vector<1xf32>
      %broadcast_in_dim3A_1601 = vector.broadcast %squeeze3A_1600 : f32 to vector<16xf32>
      %slice3A_1602 = vector.extract_strided_slice %get3A_1056 {offsets = [11], sizes = [1], strides = [1]} : vector<16xf32> to vector<1xf32>
      %squeeze3A_1603 = vector.extract %slice3A_1602[0] : f32 from vector<1xf32>
      %broadcast_in_dim3A_1604 = vector.broadcast %squeeze3A_1603 : f32 to vector<16xf32>
      %slice3A_1605 = vector.extract_strided_slice %get3A_1062 {offsets = [11], sizes = [1], strides = [1]} : vector<16xf32> to vector<1xf32>
      %squeeze3A_1606 = vector.extract %slice3A_1605[0] : f32 from vector<1xf32>
      %broadcast_in_dim3A_1607 = vector.broadcast %squeeze3A_1606 : f32 to vector<16xf32>
      %slice3A_1608 = vector.extract_strided_slice %get3A_1068 {offsets = [11], sizes = [1], strides = [1]} : vector<16xf32> to vector<1xf32>
      %squeeze3A_1609 = vector.extract %slice3A_1608[0] : f32 from vector<1xf32>
      %broadcast_in_dim3A_1610 = vector.broadcast %squeeze3A_1609 : f32 to vector<16xf32>
      %select_n3A_1611 = arith.select %eq3A_1128, %broadcast_in_dim3A_1607, %broadcast_in_dim3A_1610 : vector<16xi1>, vector<16xf32>
      %select_n3A_1612 = arith.select %eq3A_1124, %broadcast_in_dim3A_1604, %select_n3A_1611 : vector<16xi1>, vector<16xf32>
      %select_n3A_1613 = arith.select %eq3A_1122, %broadcast_in_dim3A_1601, %select_n3A_1612 : vector<16xi1>, vector<16xf32>
      %select_n3A_1614 = arith.select %le3A_1119, %broadcast_in_dim3A_1598, %select_n3A_1613 : vector<16xi1>, vector<16xf32>
      %add3A_1615 = arith.constant 0 : i32
      %add3A_1616 = arith.addi %min3A_1112, %add3A_1615 : i32
      %multiple_of3A_1617 = tpu.assume_multiple %add3A_1616, 16 : i32
      %swap3A_1618 = arith.constant 11 : i32
      %swap3A_1619 = arith.index_cast %swap3A_1618 : i32 to index
      %swap3A_1620 = arith.index_cast %multiple_of3A_1617 : i32 to index
      %swap3A_1621 = tpu.vector_load %arg5[%swap3A_1619, %swap3A_1620] {strides = array<i32>} : memref<32x2048xf32, #tpu.memory_space<vmem>>, vector<1x16xf32>,
      %swap3A_1622 = vector.shape_cast %swap3A_1621 : vector<1x16xf32> to vector<16xf32>
      %swap3A_1623 = vector.shape_cast %select_n3A_1614 : vector<16xf32> to vector<1x16xf32>
      tpu.vector_store %arg5[%swap3A_1619, %swap3A_1620], %swap3A_1623 {strides = array<i32>} : memref<32x2048xf32, #tpu.memory_space<vmem>>, vector<1x16xf32>,
      %select_n3A_1624 = arith.select %eq3A_1146, %broadcast_in_dim3A_1607, %broadcast_in_dim3A_1610 : vector<16xi1>, vector<16xf32>
      %select_n3A_1625 = arith.select %eq3A_1142, %broadcast_in_dim3A_1604, %select_n3A_1624 : vector<16xi1>, vector<16xf32>
      %select_n3A_1626 = arith.select %eq3A_1140, %broadcast_in_dim3A_1601, %select_n3A_1625 : vector<16xi1>, vector<16xf32>
      %select_n3A_1627 = arith.select %le3A_1136, %broadcast_in_dim3A_1598, %select_n3A_1626 : vector<16xi1>, vector<16xf32>
      %add3A_1628 = arith.constant 16 : i32
      %add3A_1629 = arith.addi %min3A_1112, %add3A_1628 : i32
      %multiple_of3A_1630 = tpu.assume_multiple %add3A_1629, 16 : i32
      %swap3A_1631 = arith.constant 11 : i32
      %swap3A_1632 = arith.index_cast %swap3A_1631 : i32 to index
      %swap3A_1633 = arith.index_cast %multiple_of3A_1630 : i32 to index
      %swap3A_1634 = tpu.vector_load %arg5[%swap3A_1632, %swap3A_1633] {strides = array<i32>} : memref<32x2048xf32, #tpu.memory_space<vmem>>, vector<1x16xf32>,
      %swap3A_1635 = vector.shape_cast %swap3A_1634 : vector<1x16xf32> to vector<16xf32>
      %swap3A_1636 = vector.shape_cast %select_n3A_1627 : vector<16xf32> to vector<1x16xf32>
      tpu.vector_store %arg5[%swap3A_1632, %swap3A_1633], %swap3A_1636 {strides = array<i32>} : memref<32x2048xf32, #tpu.memory_space<vmem>>, vector<1x16xf32>,
      %slice3A_1637 = vector.extract_strided_slice %get3A_1044 {offsets = [12], sizes = [1], strides = [1]} : vector<16xf32> to vector<1xf32>
      %squeeze3A_1638 = vector.extract %slice3A_1637[0] : f32 from vector<1xf32>
      %broadcast_in_dim3A_1639 = vector.broadcast %squeeze3A_1638 : f32 to vector<16xf32>
      %slice3A_1640 = vector.extract_strided_slice %get3A_1050 {offsets = [12], sizes = [1], strides = [1]} : vector<16xf32> to vector<1xf32>
      %squeeze3A_1641 = vector.extract %slice3A_1640[0] : f32 from vector<1xf32>
      %broadcast_in_dim3A_1642 = vector.broadcast %squeeze3A_1641 : f32 to vector<16xf32>
      %slice3A_1643 = vector.extract_strided_slice %get3A_1056 {offsets = [12], sizes = [1], strides = [1]} : vector<16xf32> to vector<1xf32>
      %squeeze3A_1644 = vector.extract %slice3A_1643[0] : f32 from vector<1xf32>
      %broadcast_in_dim3A_1645 = vector.broadcast %squeeze3A_1644 : f32 to vector<16xf32>
      %slice3A_1646 = vector.extract_strided_slice %get3A_1062 {offsets = [12], sizes = [1], strides = [1]} : vector<16xf32> to vector<1xf32>
      %squeeze3A_1647 = vector.extract %slice3A_1646[0] : f32 from vector<1xf32>
      %broadcast_in_dim3A_1648 = vector.broadcast %squeeze3A_1647 : f32 to vector<16xf32>
      %slice3A_1649 = vector.extract_strided_slice %get3A_1068 {offsets = [12], sizes = [1], strides = [1]} : vector<16xf32> to vector<1xf32>
      %squeeze3A_1650 = vector.extract %slice3A_1649[0] : f32 from vector<1xf32>
      %broadcast_in_dim3A_1651 = vector.broadcast %squeeze3A_1650 : f32 to vector<16xf32>
      %select_n3A_1652 = arith.select %eq3A_1128, %broadcast_in_dim3A_1648, %broadcast_in_dim3A_1651 : vector<16xi1>, vector<16xf32>
      %select_n3A_1653 = arith.select %eq3A_1124, %broadcast_in_dim3A_1645, %select_n3A_1652 : vector<16xi1>, vector<16xf32>
      %select_n3A_1654 = arith.select %eq3A_1122, %broadcast_in_dim3A_1642, %select_n3A_1653 : vector<16xi1>, vector<16xf32>
      %select_n3A_1655 = arith.select %le3A_1119, %broadcast_in_dim3A_1639, %select_n3A_1654 : vector<16xi1>, vector<16xf32>
      %add3A_1656 = arith.constant 0 : i32
      %add3A_1657 = arith.addi %min3A_1112, %add3A_1656 : i32
      %multiple_of3A_1658 = tpu.assume_multiple %add3A_1657, 16 : i32
      %swap3A_1659 = arith.constant 12 : i32
      %swap3A_1660 = arith.index_cast %swap3A_1659 : i32 to index
      %swap3A_1661 = arith.index_cast %multiple_of3A_1658 : i32 to index
      %swap3A_1662 = tpu.vector_load %arg5[%swap3A_1660, %swap3A_1661] {strides = array<i32>} : memref<32x2048xf32, #tpu.memory_space<vmem>>, vector<1x16xf32>,
      %swap3A_1663 = vector.shape_cast %swap3A_1662 : vector<1x16xf32> to vector<16xf32>
      %swap3A_1664 = vector.shape_cast %select_n3A_1655 : vector<16xf32> to vector<1x16xf32>
      tpu.vector_store %arg5[%swap3A_1660, %swap3A_1661], %swap3A_1664 {strides = array<i32>} : memref<32x2048xf32, #tpu.memory_space<vmem>>, vector<1x16xf32>,
      %select_n3A_1665 = arith.select %eq3A_1146, %broadcast_in_dim3A_1648, %broadcast_in_dim3A_1651 : vector<16xi1>, vector<16xf32>
      %select_n3A_1666 = arith.select %eq3A_1142, %broadcast_in_dim3A_1645, %select_n3A_1665 : vector<16xi1>, vector<16xf32>
      %select_n3A_1667 = arith.select %eq3A_1140, %broadcast_in_dim3A_1642, %select_n3A_1666 : vector<16xi1>, vector<16xf32>
      %select_n3A_1668 = arith.select %le3A_1136, %broadcast_in_dim3A_1639, %select_n3A_1667 : vector<16xi1>, vector<16xf32>
      %add3A_1669 = arith.constant 16 : i32
      %add3A_1670 = arith.addi %min3A_1112, %add3A_1669 : i32
      %multiple_of3A_1671 = tpu.assume_multiple %add3A_1670, 16 : i32
      %swap3A_1672 = arith.constant 12 : i32
      %swap3A_1673 = arith.index_cast %swap3A_1672 : i32 to index
      %swap3A_1674 = arith.index_cast %multiple_of3A_1671 : i32 to index
      %swap3A_1675 = tpu.vector_load %arg5[%swap3A_1673, %swap3A_1674] {strides = array<i32>} : memref<32x2048xf32, #tpu.memory_space<vmem>>, vector<1x16xf32>,
      %swap3A_1676 = vector.shape_cast %swap3A_1675 : vector<1x16xf32> to vector<16xf32>
      %swap3A_1677 = vector.shape_cast %select_n3A_1668 : vector<16xf32> to vector<1x16xf32>
      tpu.vector_store %arg5[%swap3A_1673, %swap3A_1674], %swap3A_1677 {strides = array<i32>} : memref<32x2048xf32, #tpu.memory_space<vmem>>, vector<1x16xf32>,
      %slice3A_1678 = vector.extract_strided_slice %get3A_1044 {offsets = [13], sizes = [1], strides = [1]} : vector<16xf32> to vector<1xf32>
      %squeeze3A_1679 = vector.extract %slice3A_1678[0] : f32 from vector<1xf32>
      %broadcast_in_dim3A_1680 = vector.broadcast %squeeze3A_1679 : f32 to vector<16xf32>
      %slice3A_1681 = vector.extract_strided_slice %get3A_1050 {offsets = [13], sizes = [1], strides = [1]} : vector<16xf32> to vector<1xf32>
      %squeeze3A_1682 = vector.extract %slice3A_1681[0] : f32 from vector<1xf32>
      %broadcast_in_dim3A_1683 = vector.broadcast %squeeze3A_1682 : f32 to vector<16xf32>
      %slice3A_1684 = vector.extract_strided_slice %get3A_1056 {offsets = [13], sizes = [1], strides = [1]} : vector<16xf32> to vector<1xf32>
      %squeeze3A_1685 = vector.extract %slice3A_1684[0] : f32 from vector<1xf32>
      %broadcast_in_dim3A_1686 = vector.broadcast %squeeze3A_1685 : f32 to vector<16xf32>
      %slice3A_1687 = vector.extract_strided_slice %get3A_1062 {offsets = [13], sizes = [1], strides = [1]} : vector<16xf32> to vector<1xf32>
      %squeeze3A_1688 = vector.extract %slice3A_1687[0] : f32 from vector<1xf32>
      %broadcast_in_dim3A_1689 = vector.broadcast %squeeze3A_1688 : f32 to vector<16xf32>
      %slice3A_1690 = vector.extract_strided_slice %get3A_1068 {offsets = [13], sizes = [1], strides = [1]} : vector<16xf32> to vector<1xf32>
      %squeeze3A_1691 = vector.extract %slice3A_1690[0] : f32 from vector<1xf32>
      %broadcast_in_dim3A_1692 = vector.broadcast %squeeze3A_1691 : f32 to vector<16xf32>
      %select_n3A_1693 = arith.select %eq3A_1128, %broadcast_in_dim3A_1689, %broadcast_in_dim3A_1692 : vector<16xi1>, vector<16xf32>
      %select_n3A_1694 = arith.select %eq3A_1124, %broadcast_in_dim3A_1686, %select_n3A_1693 : vector<16xi1>, vector<16xf32>
      %select_n3A_1695 = arith.select %eq3A_1122, %broadcast_in_dim3A_1683, %select_n3A_1694 : vector<16xi1>, vector<16xf32>
      %select_n3A_1696 = arith.select %le3A_1119, %broadcast_in_dim3A_1680, %select_n3A_1695 : vector<16xi1>, vector<16xf32>
      %add3A_1697 = arith.constant 0 : i32
      %add3A_1698 = arith.addi %min3A_1112, %add3A_1697 : i32
      %multiple_of3A_1699 = tpu.assume_multiple %add3A_1698, 16 : i32
      %swap3A_1700 = arith.constant 13 : i32
      %swap3A_1701 = arith.index_cast %swap3A_1700 : i32 to index
      %swap3A_1702 = arith.index_cast %multiple_of3A_1699 : i32 to index
      %swap3A_1703 = tpu.vector_load %arg5[%swap3A_1701, %swap3A_1702] {strides = array<i32>} : memref<32x2048xf32, #tpu.memory_space<vmem>>, vector<1x16xf32>,
      %swap3A_1704 = vector.shape_cast %swap3A_1703 : vector<1x16xf32> to vector<16xf32>
      %swap3A_1705 = vector.shape_cast %select_n3A_1696 : vector<16xf32> to vector<1x16xf32>
      tpu.vector_store %arg5[%swap3A_1701, %swap3A_1702], %swap3A_1705 {strides = array<i32>} : memref<32x2048xf32, #tpu.memory_space<vmem>>, vector<1x16xf32>,
      %select_n3A_1706 = arith.select %eq3A_1146, %broadcast_in_dim3A_1689, %broadcast_in_dim3A_1692 : vector<16xi1>, vector<16xf32>
      %select_n3A_1707 = arith.select %eq3A_1142, %broadcast_in_dim3A_1686, %select_n3A_1706 : vector<16xi1>, vector<16xf32>
      %select_n3A_1708 = arith.select %eq3A_1140, %broadcast_in_dim3A_1683, %select_n3A_1707 : vector<16xi1>, vector<16xf32>
      %select_n3A_1709 = arith.select %le3A_1136, %broadcast_in_dim3A_1680, %select_n3A_1708 : vector<16xi1>, vector<16xf32>
      %add3A_1710 = arith.constant 16 : i32
      %add3A_1711 = arith.addi %min3A_1112, %add3A_1710 : i32
      %multiple_of3A_1712 = tpu.assume_multiple %add3A_1711, 16 : i32
      %swap3A_1713 = arith.constant 13 : i32
      %swap3A_1714 = arith.index_cast %swap3A_1713 : i32 to index
      %swap3A_1715 = arith.index_cast %multiple_of3A_1712 : i32 to index
      %swap3A_1716 = tpu.vector_load %arg5[%swap3A_1714, %swap3A_1715] {strides = array<i32>} : memref<32x2048xf32, #tpu.memory_space<vmem>>, vector<1x16xf32>,
      %swap3A_1717 = vector.shape_cast %swap3A_1716 : vector<1x16xf32> to vector<16xf32>
      %swap3A_1718 = vector.shape_cast %select_n3A_1709 : vector<16xf32> to vector<1x16xf32>
      tpu.vector_store %arg5[%swap3A_1714, %swap3A_1715], %swap3A_1718 {strides = array<i32>} : memref<32x2048xf32, #tpu.memory_space<vmem>>, vector<1x16xf32>,
      %slice3A_1719 = vector.extract_strided_slice %get3A_1044 {offsets = [14], sizes = [1], strides = [1]} : vector<16xf32> to vector<1xf32>
      %squeeze3A_1720 = vector.extract %slice3A_1719[0] : f32 from vector<1xf32>
      %broadcast_in_dim3A_1721 = vector.broadcast %squeeze3A_1720 : f32 to vector<16xf32>
      %slice3A_1722 = vector.extract_strided_slice %get3A_1050 {offsets = [14], sizes = [1], strides = [1]} : vector<16xf32> to vector<1xf32>
      %squeeze3A_1723 = vector.extract %slice3A_1722[0] : f32 from vector<1xf32>
      %broadcast_in_dim3A_1724 = vector.broadcast %squeeze3A_1723 : f32 to vector<16xf32>
      %slice3A_1725 = vector.extract_strided_slice %get3A_1056 {offsets = [14], sizes = [1], strides = [1]} : vector<16xf32> to vector<1xf32>
      %squeeze3A_1726 = vector.extract %slice3A_1725[0] : f32 from vector<1xf32>
      %broadcast_in_dim3A_1727 = vector.broadcast %squeeze3A_1726 : f32 to vector<16xf32>
      %slice3A_1728 = vector.extract_strided_slice %get3A_1062 {offsets = [14], sizes = [1], strides = [1]} : vector<16xf32> to vector<1xf32>
      %squeeze3A_1729 = vector.extract %slice3A_1728[0] : f32 from vector<1xf32>
      %broadcast_in_dim3A_1730 = vector.broadcast %squeeze3A_1729 : f32 to vector<16xf32>
      %slice3A_1731 = vector.extract_strided_slice %get3A_1068 {offsets = [14], sizes = [1], strides = [1]} : vector<16xf32> to vector<1xf32>
      %squeeze3A_1732 = vector.extract %slice3A_1731[0] : f32 from vector<1xf32>
      %broadcast_in_dim3A_1733 = vector.broadcast %squeeze3A_1732 : f32 to vector<16xf32>
      %select_n3A_1734 = arith.select %eq3A_1128, %broadcast_in_dim3A_1730, %broadcast_in_dim3A_1733 : vector<16xi1>, vector<16xf32>
      %select_n3A_1735 = arith.select %eq3A_1124, %broadcast_in_dim3A_1727, %select_n3A_1734 : vector<16xi1>, vector<16xf32>
      %select_n3A_1736 = arith.select %eq3A_1122, %broadcast_in_dim3A_1724, %select_n3A_1735 : vector<16xi1>, vector<16xf32>
      %select_n3A_1737 = arith.select %le3A_1119, %broadcast_in_dim3A_1721, %select_n3A_1736 : vector<16xi1>, vector<16xf32>
      %add3A_1738 = arith.constant 0 : i32
      %add3A_1739 = arith.addi %min3A_1112, %add3A_1738 : i32
      %multiple_of3A_1740 = tpu.assume_multiple %add3A_1739, 16 : i32
      %swap3A_1741 = arith.constant 14 : i32
      %swap3A_1742 = arith.index_cast %swap3A_1741 : i32 to index
      %swap3A_1743 = arith.index_cast %multiple_of3A_1740 : i32 to index
      %swap3A_1744 = tpu.vector_load %arg5[%swap3A_1742, %swap3A_1743] {strides = array<i32>} : memref<32x2048xf32, #tpu.memory_space<vmem>>, vector<1x16xf32>,
      %swap3A_1745 = vector.shape_cast %swap3A_1744 : vector<1x16xf32> to vector<16xf32>
      %swap3A_1746 = vector.shape_cast %select_n3A_1737 : vector<16xf32> to vector<1x16xf32>
      tpu.vector_store %arg5[%swap3A_1742, %swap3A_1743], %swap3A_1746 {strides = array<i32>} : memref<32x2048xf32, #tpu.memory_space<vmem>>, vector<1x16xf32>,
      %select_n3A_1747 = arith.select %eq3A_1146, %broadcast_in_dim3A_1730, %broadcast_in_dim3A_1733 : vector<16xi1>, vector<16xf32>
      %select_n3A_1748 = arith.select %eq3A_1142, %broadcast_in_dim3A_1727, %select_n3A_1747 : vector<16xi1>, vector<16xf32>
      %select_n3A_1749 = arith.select %eq3A_1140, %broadcast_in_dim3A_1724, %select_n3A_1748 : vector<16xi1>, vector<16xf32>
      %select_n3A_1750 = arith.select %le3A_1136, %broadcast_in_dim3A_1721, %select_n3A_1749 : vector<16xi1>, vector<16xf32>
      %add3A_1751 = arith.constant 16 : i32
      %add3A_1752 = arith.addi %min3A_1112, %add3A_1751 : i32
      %multiple_of3A_1753 = tpu.assume_multiple %add3A_1752, 16 : i32
      %swap3A_1754 = arith.constant 14 : i32
      %swap3A_1755 = arith.index_cast %swap3A_1754 : i32 to index
      %swap3A_1756 = arith.index_cast %multiple_of3A_1753 : i32 to index
      %swap3A_1757 = tpu.vector_load %arg5[%swap3A_1755, %swap3A_1756] {strides = array<i32>} : memref<32x2048xf32, #tpu.memory_space<vmem>>, vector<1x16xf32>,
      %swap3A_1758 = vector.shape_cast %swap3A_1757 : vector<1x16xf32> to vector<16xf32>
      %swap3A_1759 = vector.shape_cast %select_n3A_1750 : vector<16xf32> to vector<1x16xf32>
      tpu.vector_store %arg5[%swap3A_1755, %swap3A_1756], %swap3A_1759 {strides = array<i32>} : memref<32x2048xf32, #tpu.memory_space<vmem>>, vector<1x16xf32>,
      %slice3A_1760 = vector.extract_strided_slice %get3A_1044 {offsets = [15], sizes = [1], strides = [1]} : vector<16xf32> to vector<1xf32>
      %squeeze3A_1761 = vector.extract %slice3A_1760[0] : f32 from vector<1xf32>
      %broadcast_in_dim3A_1762 = vector.broadcast %squeeze3A_1761 : f32 to vector<16xf32>
      %slice3A_1763 = vector.extract_strided_slice %get3A_1050 {offsets = [15], sizes = [1], strides = [1]} : vector<16xf32> to vector<1xf32>
      %squeeze3A_1764 = vector.extract %slice3A_1763[0] : f32 from vector<1xf32>
      %broadcast_in_dim3A_1765 = vector.broadcast %squeeze3A_1764 : f32 to vector<16xf32>
      %slice3A_1766 = vector.extract_strided_slice %get3A_1056 {offsets = [15], sizes = [1], strides = [1]} : vector<16xf32> to vector<1xf32>
      %squeeze3A_1767 = vector.extract %slice3A_1766[0] : f32 from vector<1xf32>
      %broadcast_in_dim3A_1768 = vector.broadcast %squeeze3A_1767 : f32 to vector<16xf32>
      %slice3A_1769 = vector.extract_strided_slice %get3A_1062 {offsets = [15], sizes = [1], strides = [1]} : vector<16xf32> to vector<1xf32>
      %squeeze3A_1770 = vector.extract %slice3A_1769[0] : f32 from vector<1xf32>
      %broadcast_in_dim3A_1771 = vector.broadcast %squeeze3A_1770 : f32 to vector<16xf32>
      %slice3A_1772 = vector.extract_strided_slice %get3A_1068 {offsets = [15], sizes = [1], strides = [1]} : vector<16xf32> to vector<1xf32>
      %squeeze3A_1773 = vector.extract %slice3A_1772[0] : f32 from vector<1xf32>
      %broadcast_in_dim3A_1774 = vector.broadcast %squeeze3A_1773 : f32 to vector<16xf32>
      %select_n3A_1775 = arith.select %eq3A_1128, %broadcast_in_dim3A_1771, %broadcast_in_dim3A_1774 : vector<16xi1>, vector<16xf32>
      %select_n3A_1776 = arith.select %eq3A_1124, %broadcast_in_dim3A_1768, %select_n3A_1775 : vector<16xi1>, vector<16xf32>
      %select_n3A_1777 = arith.select %eq3A_1122, %broadcast_in_dim3A_1765, %select_n3A_1776 : vector<16xi1>, vector<16xf32>
      %select_n3A_1778 = arith.select %le3A_1119, %broadcast_in_dim3A_1762, %select_n3A_1777 : vector<16xi1>, vector<16xf32>
      %add3A_1779 = arith.constant 0 : i32
      %add3A_1780 = arith.addi %min3A_1112, %add3A_1779 : i32
      %multiple_of3A_1781 = tpu.assume_multiple %add3A_1780, 16 : i32
      %swap3A_1782 = arith.constant 15 : i32
      %swap3A_1783 = arith.index_cast %swap3A_1782 : i32 to index
      %swap3A_1784 = arith.index_cast %multiple_of3A_1781 : i32 to index
      %swap3A_1785 = tpu.vector_load %arg5[%swap3A_1783, %swap3A_1784] {strides = array<i32>} : memref<32x2048xf32, #tpu.memory_space<vmem>>, vector<1x16xf32>,
      %swap3A_1786 = vector.shape_cast %swap3A_1785 : vector<1x16xf32> to vector<16xf32>
      %swap3A_1787 = vector.shape_cast %select_n3A_1778 : vector<16xf32> to vector<1x16xf32>
      tpu.vector_store %arg5[%swap3A_1783, %swap3A_1784], %swap3A_1787 {strides = array<i32>} : memref<32x2048xf32, #tpu.memory_space<vmem>>, vector<1x16xf32>,
      %select_n3A_1788 = arith.select %eq3A_1146, %broadcast_in_dim3A_1771, %broadcast_in_dim3A_1774 : vector<16xi1>, vector<16xf32>
      %select_n3A_1789 = arith.select %eq3A_1142, %broadcast_in_dim3A_1768, %select_n3A_1788 : vector<16xi1>, vector<16xf32>
      %select_n3A_1790 = arith.select %eq3A_1140, %broadcast_in_dim3A_1765, %select_n3A_1789 : vector<16xi1>, vector<16xf32>
      %select_n3A_1791 = arith.select %le3A_1136, %broadcast_in_dim3A_1762, %select_n3A_1790 : vector<16xi1>, vector<16xf32>
      %add3A_1792 = arith.constant 16 : i32
      %add3A_1793 = arith.addi %min3A_1112, %add3A_1792 : i32
      %multiple_of3A_1794 = tpu.assume_multiple %add3A_1793, 16 : i32
      %swap3A_1795 = arith.constant 15 : i32
      %swap3A_1796 = arith.index_cast %swap3A_1795 : i32 to index
      %swap3A_1797 = arith.index_cast %multiple_of3A_1794 : i32 to index
      %swap3A_1798 = tpu.vector_load %arg5[%swap3A_1796, %swap3A_1797] {strides = array<i32>} : memref<32x2048xf32, #tpu.memory_space<vmem>>, vector<1x16xf32>,
      %swap3A_1799 = vector.shape_cast %swap3A_1798 : vector<1x16xf32> to vector<16xf32>
      %swap3A_1800 = vector.shape_cast %select_n3A_1791 : vector<16xf32> to vector<1x16xf32>
      tpu.vector_store %arg5[%swap3A_1796, %swap3A_1797], %swap3A_1800 {strides = array<i32>} : memref<32x2048xf32, #tpu.memory_space<vmem>>, vector<1x16xf32>,
      %slice3A_1801 = vector.extract_strided_slice %get3A_1047 {offsets = [0], sizes = [1], strides = [1]} : vector<16xf32> to vector<1xf32>
      %squeeze3A_1802 = vector.extract %slice3A_1801[0] : f32 from vector<1xf32>
      %broadcast_in_dim3A_1803 = vector.broadcast %squeeze3A_1802 : f32 to vector<16xf32>
      %slice3A_1804 = vector.extract_strided_slice %get3A_1053 {offsets = [0], sizes = [1], strides = [1]} : vector<16xf32> to vector<1xf32>
      %squeeze3A_1805 = vector.extract %slice3A_1804[0] : f32 from vector<1xf32>
      %broadcast_in_dim3A_1806 = vector.broadcast %squeeze3A_1805 : f32 to vector<16xf32>
      %slice3A_1807 = vector.extract_strided_slice %get3A_1059 {offsets = [0], sizes = [1], strides = [1]} : vector<16xf32> to vector<1xf32>
      %squeeze3A_1808 = vector.extract %slice3A_1807[0] : f32 from vector<1xf32>
      %broadcast_in_dim3A_1809 = vector.broadcast %squeeze3A_1808 : f32 to vector<16xf32>
      %slice3A_1810 = vector.extract_strided_slice %get3A_1065 {offsets = [0], sizes = [1], strides = [1]} : vector<16xf32> to vector<1xf32>
      %squeeze3A_1811 = vector.extract %slice3A_1810[0] : f32 from vector<1xf32>
      %broadcast_in_dim3A_1812 = vector.broadcast %squeeze3A_1811 : f32 to vector<16xf32>
      %slice3A_1813 = vector.extract_strided_slice %get3A_1071 {offsets = [0], sizes = [1], strides = [1]} : vector<16xf32> to vector<1xf32>
      %squeeze3A_1814 = vector.extract %slice3A_1813[0] : f32 from vector<1xf32>
      %broadcast_in_dim3A_1815 = vector.broadcast %squeeze3A_1814 : f32 to vector<16xf32>
      %select_n3A_1816 = arith.select %eq3A_1128, %broadcast_in_dim3A_1812, %broadcast_in_dim3A_1815 : vector<16xi1>, vector<16xf32>
      %select_n3A_1817 = arith.select %eq3A_1124, %broadcast_in_dim3A_1809, %select_n3A_1816 : vector<16xi1>, vector<16xf32>
      %select_n3A_1818 = arith.select %eq3A_1122, %broadcast_in_dim3A_1806, %select_n3A_1817 : vector<16xi1>, vector<16xf32>
      %select_n3A_1819 = arith.select %le3A_1119, %broadcast_in_dim3A_1803, %select_n3A_1818 : vector<16xi1>, vector<16xf32>
      %add3A_1820 = arith.constant 0 : i32
      %add3A_1821 = arith.addi %min3A_1112, %add3A_1820 : i32
      %multiple_of3A_1822 = tpu.assume_multiple %add3A_1821, 16 : i32
      %swap3A_1823 = arith.constant 16 : i32
      %swap3A_1824 = arith.index_cast %swap3A_1823 : i32 to index
      %swap3A_1825 = arith.index_cast %multiple_of3A_1822 : i32 to index
      %swap3A_1826 = tpu.vector_load %arg5[%swap3A_1824, %swap3A_1825] {strides = array<i32>} : memref<32x2048xf32, #tpu.memory_space<vmem>>, vector<1x16xf32>,
      %swap3A_1827 = vector.shape_cast %swap3A_1826 : vector<1x16xf32> to vector<16xf32>
      %swap3A_1828 = vector.shape_cast %select_n3A_1819 : vector<16xf32> to vector<1x16xf32>
      tpu.vector_store %arg5[%swap3A_1824, %swap3A_1825], %swap3A_1828 {strides = array<i32>} : memref<32x2048xf32, #tpu.memory_space<vmem>>, vector<1x16xf32>,
      %select_n3A_1829 = arith.select %eq3A_1146, %broadcast_in_dim3A_1812, %broadcast_in_dim3A_1815 : vector<16xi1>, vector<16xf32>
      %select_n3A_1830 = arith.select %eq3A_1142, %broadcast_in_dim3A_1809, %select_n3A_1829 : vector<16xi1>, vector<16xf32>
      %select_n3A_1831 = arith.select %eq3A_1140, %broadcast_in_dim3A_1806, %select_n3A_1830 : vector<16xi1>, vector<16xf32>
      %select_n3A_1832 = arith.select %le3A_1136, %broadcast_in_dim3A_1803, %select_n3A_1831 : vector<16xi1>, vector<16xf32>
      %add3A_1833 = arith.constant 16 : i32
      %add3A_1834 = arith.addi %min3A_1112, %add3A_1833 : i32
      %multiple_of3A_1835 = tpu.assume_multiple %add3A_1834, 16 : i32
      %swap3A_1836 = arith.constant 16 : i32
      %swap3A_1837 = arith.index_cast %swap3A_1836 : i32 to index
      %swap3A_1838 = arith.index_cast %multiple_of3A_1835 : i32 to index
      %swap3A_1839 = tpu.vector_load %arg5[%swap3A_1837, %swap3A_1838] {strides = array<i32>} : memref<32x2048xf32, #tpu.memory_space<vmem>>, vector<1x16xf32>,
      %swap3A_1840 = vector.shape_cast %swap3A_1839 : vector<1x16xf32> to vector<16xf32>
      %swap3A_1841 = vector.shape_cast %select_n3A_1832 : vector<16xf32> to vector<1x16xf32>
      tpu.vector_store %arg5[%swap3A_1837, %swap3A_1838], %swap3A_1841 {strides = array<i32>} : memref<32x2048xf32, #tpu.memory_space<vmem>>, vector<1x16xf32>,
      %slice3A_1842 = vector.extract_strided_slice %get3A_1047 {offsets = [1], sizes = [1], strides = [1]} : vector<16xf32> to vector<1xf32>
      %squeeze3A_1843 = vector.extract %slice3A_1842[0] : f32 from vector<1xf32>
      %broadcast_in_dim3A_1844 = vector.broadcast %squeeze3A_1843 : f32 to vector<16xf32>
      %slice3A_1845 = vector.extract_strided_slice %get3A_1053 {offsets = [1], sizes = [1], strides = [1]} : vector<16xf32> to vector<1xf32>
      %squeeze3A_1846 = vector.extract %slice3A_1845[0] : f32 from vector<1xf32>
      %broadcast_in_dim3A_1847 = vector.broadcast %squeeze3A_1846 : f32 to vector<16xf32>
      %slice3A_1848 = vector.extract_strided_slice %get3A_1059 {offsets = [1], sizes = [1], strides = [1]} : vector<16xf32> to vector<1xf32>
      %squeeze3A_1849 = vector.extract %slice3A_1848[0] : f32 from vector<1xf32>
      %broadcast_in_dim3A_1850 = vector.broadcast %squeeze3A_1849 : f32 to vector<16xf32>
      %slice3A_1851 = vector.extract_strided_slice %get3A_1065 {offsets = [1], sizes = [1], strides = [1]} : vector<16xf32> to vector<1xf32>
      %squeeze3A_1852 = vector.extract %slice3A_1851[0] : f32 from vector<1xf32>
      %broadcast_in_dim3A_1853 = vector.broadcast %squeeze3A_1852 : f32 to vector<16xf32>
      %slice3A_1854 = vector.extract_strided_slice %get3A_1071 {offsets = [1], sizes = [1], strides = [1]} : vector<16xf32> to vector<1xf32>
      %squeeze3A_1855 = vector.extract %slice3A_1854[0] : f32 from vector<1xf32>
      %broadcast_in_dim3A_1856 = vector.broadcast %squeeze3A_1855 : f32 to vector<16xf32>
      %select_n3A_1857 = arith.select %eq3A_1128, %broadcast_in_dim3A_1853, %broadcast_in_dim3A_1856 : vector<16xi1>, vector<16xf32>
      %select_n3A_1858 = arith.select %eq3A_1124, %broadcast_in_dim3A_1850, %select_n3A_1857 : vector<16xi1>, vector<16xf32>
      %select_n3A_1859 = arith.select %eq3A_1122, %broadcast_in_dim3A_1847, %select_n3A_1858 : vector<16xi1>, vector<16xf32>
      %select_n3A_1860 = arith.select %le3A_1119, %broadcast_in_dim3A_1844, %select_n3A_1859 : vector<16xi1>, vector<16xf32>
      %add3A_1861 = arith.constant 0 : i32
      %add3A_1862 = arith.addi %min3A_1112, %add3A_1861 : i32
      %multiple_of3A_1863 = tpu.assume_multiple %add3A_1862, 16 : i32
      %swap3A_1864 = arith.constant 17 : i32
      %swap3A_1865 = arith.index_cast %swap3A_1864 : i32 to index
      %swap3A_1866 = arith.index_cast %multiple_of3A_1863 : i32 to index
      %swap3A_1867 = tpu.vector_load %arg5[%swap3A_1865, %swap3A_1866] {strides = array<i32>} : memref<32x2048xf32, #tpu.memory_space<vmem>>, vector<1x16xf32>,
      %swap3A_1868 = vector.shape_cast %swap3A_1867 : vector<1x16xf32> to vector<16xf32>
      %swap3A_1869 = vector.shape_cast %select_n3A_1860 : vector<16xf32> to vector<1x16xf32>
      tpu.vector_store %arg5[%swap3A_1865, %swap3A_1866], %swap3A_1869 {strides = array<i32>} : memref<32x2048xf32, #tpu.memory_space<vmem>>, vector<1x16xf32>,
      %select_n3A_1870 = arith.select %eq3A_1146, %broadcast_in_dim3A_1853, %broadcast_in_dim3A_1856 : vector<16xi1>, vector<16xf32>
      %select_n3A_1871 = arith.select %eq3A_1142, %broadcast_in_dim3A_1850, %select_n3A_1870 : vector<16xi1>, vector<16xf32>
      %select_n3A_1872 = arith.select %eq3A_1140, %broadcast_in_dim3A_1847, %select_n3A_1871 : vector<16xi1>, vector<16xf32>
      %select_n3A_1873 = arith.select %le3A_1136, %broadcast_in_dim3A_1844, %select_n3A_1872 : vector<16xi1>, vector<16xf32>
      %add3A_1874 = arith.constant 16 : i32
      %add3A_1875 = arith.addi %min3A_1112, %add3A_1874 : i32
      %multiple_of3A_1876 = tpu.assume_multiple %add3A_1875, 16 : i32
      %swap3A_1877 = arith.constant 17 : i32
      %swap3A_1878 = arith.index_cast %swap3A_1877 : i32 to index
      %swap3A_1879 = arith.index_cast %multiple_of3A_1876 : i32 to index
      %swap3A_1880 = tpu.vector_load %arg5[%swap3A_1878, %swap3A_1879] {strides = array<i32>} : memref<32x2048xf32, #tpu.memory_space<vmem>>, vector<1x16xf32>,
      %swap3A_1881 = vector.shape_cast %swap3A_1880 : vector<1x16xf32> to vector<16xf32>
      %swap3A_1882 = vector.shape_cast %select_n3A_1873 : vector<16xf32> to vector<1x16xf32>
      tpu.vector_store %arg5[%swap3A_1878, %swap3A_1879], %swap3A_1882 {strides = array<i32>} : memref<32x2048xf32, #tpu.memory_space<vmem>>, vector<1x16xf32>,
      %slice3A_1883 = vector.extract_strided_slice %get3A_1047 {offsets = [2], sizes = [1], strides = [1]} : vector<16xf32> to vector<1xf32>
      %squeeze3A_1884 = vector.extract %slice3A_1883[0] : f32 from vector<1xf32>
      %broadcast_in_dim3A_1885 = vector.broadcast %squeeze3A_1884 : f32 to vector<16xf32>
      %slice3A_1886 = vector.extract_strided_slice %get3A_1053 {offsets = [2], sizes = [1], strides = [1]} : vector<16xf32> to vector<1xf32>
      %squeeze3A_1887 = vector.extract %slice3A_1886[0] : f32 from vector<1xf32>
      %broadcast_in_dim3A_1888 = vector.broadcast %squeeze3A_1887 : f32 to vector<16xf32>
      %slice3A_1889 = vector.extract_strided_slice %get3A_1059 {offsets = [2], sizes = [1], strides = [1]} : vector<16xf32> to vector<1xf32>
      %squeeze3A_1890 = vector.extract %slice3A_1889[0] : f32 from vector<1xf32>
      %broadcast_in_dim3A_1891 = vector.broadcast %squeeze3A_1890 : f32 to vector<16xf32>
      %slice3A_1892 = vector.extract_strided_slice %get3A_1065 {offsets = [2], sizes = [1], strides = [1]} : vector<16xf32> to vector<1xf32>
      %squeeze3A_1893 = vector.extract %slice3A_1892[0] : f32 from vector<1xf32>
      %broadcast_in_dim3A_1894 = vector.broadcast %squeeze3A_1893 : f32 to vector<16xf32>
      %slice3A_1895 = vector.extract_strided_slice %get3A_1071 {offsets = [2], sizes = [1], strides = [1]} : vector<16xf32> to vector<1xf32>
      %squeeze3A_1896 = vector.extract %slice3A_1895[0] : f32 from vector<1xf32>
      %broadcast_in_dim3A_1897 = vector.broadcast %squeeze3A_1896 : f32 to vector<16xf32>
      %select_n3A_1898 = arith.select %eq3A_1128, %broadcast_in_dim3A_1894, %broadcast_in_dim3A_1897 : vector<16xi1>, vector<16xf32>
      %select_n3A_1899 = arith.select %eq3A_1124, %broadcast_in_dim3A_1891, %select_n3A_1898 : vector<16xi1>, vector<16xf32>
      %select_n3A_1900 = arith.select %eq3A_1122, %broadcast_in_dim3A_1888, %select_n3A_1899 : vector<16xi1>, vector<16xf32>
      %select_n3A_1901 = arith.select %le3A_1119, %broadcast_in_dim3A_1885, %select_n3A_1900 : vector<16xi1>, vector<16xf32>
      %add3A_1902 = arith.constant 0 : i32
      %add3A_1903 = arith.addi %min3A_1112, %add3A_1902 : i32
      %multiple_of3A_1904 = tpu.assume_multiple %add3A_1903, 16 : i32
      %swap3A_1905 = arith.constant 18 : i32
      %swap3A_1906 = arith.index_cast %swap3A_1905 : i32 to index
      %swap3A_1907 = arith.index_cast %multiple_of3A_1904 : i32 to index
      %swap3A_1908 = tpu.vector_load %arg5[%swap3A_1906, %swap3A_1907] {strides = array<i32>} : memref<32x2048xf32, #tpu.memory_space<vmem>>, vector<1x16xf32>,
      %swap3A_1909 = vector.shape_cast %swap3A_1908 : vector<1x16xf32> to vector<16xf32>
      %swap3A_1910 = vector.shape_cast %select_n3A_1901 : vector<16xf32> to vector<1x16xf32>
      tpu.vector_store %arg5[%swap3A_1906, %swap3A_1907], %swap3A_1910 {strides = array<i32>} : memref<32x2048xf32, #tpu.memory_space<vmem>>, vector<1x16xf32>,
      %select_n3A_1911 = arith.select %eq3A_1146, %broadcast_in_dim3A_1894, %broadcast_in_dim3A_1897 : vector<16xi1>, vector<16xf32>
      %select_n3A_1912 = arith.select %eq3A_1142, %broadcast_in_dim3A_1891, %select_n3A_1911 : vector<16xi1>, vector<16xf32>
      %select_n3A_1913 = arith.select %eq3A_1140, %broadcast_in_dim3A_1888, %select_n3A_1912 : vector<16xi1>, vector<16xf32>
      %select_n3A_1914 = arith.select %le3A_1136, %broadcast_in_dim3A_1885, %select_n3A_1913 : vector<16xi1>, vector<16xf32>
      %add3A_1915 = arith.constant 16 : i32
      %add3A_1916 = arith.addi %min3A_1112, %add3A_1915 : i32
      %multiple_of3A_1917 = tpu.assume_multiple %add3A_1916, 16 : i32
      %swap3A_1918 = arith.constant 18 : i32
      %swap3A_1919 = arith.index_cast %swap3A_1918 : i32 to index
      %swap3A_1920 = arith.index_cast %multiple_of3A_1917 : i32 to index
      %swap3A_1921 = tpu.vector_load %arg5[%swap3A_1919, %swap3A_1920] {strides = array<i32>} : memref<32x2048xf32, #tpu.memory_space<vmem>>, vector<1x16xf32>,
      %swap3A_1922 = vector.shape_cast %swap3A_1921 : vector<1x16xf32> to vector<16xf32>
      %swap3A_1923 = vector.shape_cast %select_n3A_1914 : vector<16xf32> to vector<1x16xf32>
      tpu.vector_store %arg5[%swap3A_1919, %swap3A_1920], %swap3A_1923 {strides = array<i32>} : memref<32x2048xf32, #tpu.memory_space<vmem>>, vector<1x16xf32>,
      %slice3A_1924 = vector.extract_strided_slice %get3A_1047 {offsets = [3], sizes = [1], strides = [1]} : vector<16xf32> to vector<1xf32>
      %squeeze3A_1925 = vector.extract %slice3A_1924[0] : f32 from vector<1xf32>
      %broadcast_in_dim3A_1926 = vector.broadcast %squeeze3A_1925 : f32 to vector<16xf32>
      %slice3A_1927 = vector.extract_strided_slice %get3A_1053 {offsets = [3], sizes = [1], strides = [1]} : vector<16xf32> to vector<1xf32>
      %squeeze3A_1928 = vector.extract %slice3A_1927[0] : f32 from vector<1xf32>
      %broadcast_in_dim3A_1929 = vector.broadcast %squeeze3A_1928 : f32 to vector<16xf32>
      %slice3A_1930 = vector.extract_strided_slice %get3A_1059 {offsets = [3], sizes = [1], strides = [1]} : vector<16xf32> to vector<1xf32>
      %squeeze3A_1931 = vector.extract %slice3A_1930[0] : f32 from vector<1xf32>
      %broadcast_in_dim3A_1932 = vector.broadcast %squeeze3A_1931 : f32 to vector<16xf32>
      %slice3A_1933 = vector.extract_strided_slice %get3A_1065 {offsets = [3], sizes = [1], strides = [1]} : vector<16xf32> to vector<1xf32>
      %squeeze3A_1934 = vector.extract %slice3A_1933[0] : f32 from vector<1xf32>
      %broadcast_in_dim3A_1935 = vector.broadcast %squeeze3A_1934 : f32 to vector<16xf32>
      %slice3A_1936 = vector.extract_strided_slice %get3A_1071 {offsets = [3], sizes = [1], strides = [1]} : vector<16xf32> to vector<1xf32>
      %squeeze3A_1937 = vector.extract %slice3A_1936[0] : f32 from vector<1xf32>
      %broadcast_in_dim3A_1938 = vector.broadcast %squeeze3A_1937 : f32 to vector<16xf32>
      %select_n3A_1939 = arith.select %eq3A_1128, %broadcast_in_dim3A_1935, %broadcast_in_dim3A_1938 : vector<16xi1>, vector<16xf32>
      %select_n3A_1940 = arith.select %eq3A_1124, %broadcast_in_dim3A_1932, %select_n3A_1939 : vector<16xi1>, vector<16xf32>
      %select_n3A_1941 = arith.select %eq3A_1122, %broadcast_in_dim3A_1929, %select_n3A_1940 : vector<16xi1>, vector<16xf32>
      %select_n3A_1942 = arith.select %le3A_1119, %broadcast_in_dim3A_1926, %select_n3A_1941 : vector<16xi1>, vector<16xf32>
      %add3A_1943 = arith.constant 0 : i32
      %add3A_1944 = arith.addi %min3A_1112, %add3A_1943 : i32
      %multiple_of3A_1945 = tpu.assume_multiple %add3A_1944, 16 : i32
      %swap3A_1946 = arith.constant 19 : i32
      %swap3A_1947 = arith.index_cast %swap3A_1946 : i32 to index
      %swap3A_1948 = arith.index_cast %multiple_of3A_1945 : i32 to index
      %swap3A_1949 = tpu.vector_load %arg5[%swap3A_1947, %swap3A_1948] {strides = array<i32>} : memref<32x2048xf32, #tpu.memory_space<vmem>>, vector<1x16xf32>,
      %swap3A_1950 = vector.shape_cast %swap3A_1949 : vector<1x16xf32> to vector<16xf32>
      %swap3A_1951 = vector.shape_cast %select_n3A_1942 : vector<16xf32> to vector<1x16xf32>
      tpu.vector_store %arg5[%swap3A_1947, %swap3A_1948], %swap3A_1951 {strides = array<i32>} : memref<32x2048xf32, #tpu.memory_space<vmem>>, vector<1x16xf32>,
      %select_n3A_1952 = arith.select %eq3A_1146, %broadcast_in_dim3A_1935, %broadcast_in_dim3A_1938 : vector<16xi1>, vector<16xf32>
      %select_n3A_1953 = arith.select %eq3A_1142, %broadcast_in_dim3A_1932, %select_n3A_1952 : vector<16xi1>, vector<16xf32>
      %select_n3A_1954 = arith.select %eq3A_1140, %broadcast_in_dim3A_1929, %select_n3A_1953 : vector<16xi1>, vector<16xf32>
      %select_n3A_1955 = arith.select %le3A_1136, %broadcast_in_dim3A_1926, %select_n3A_1954 : vector<16xi1>, vector<16xf32>
      %add3A_1956 = arith.constant 16 : i32
      %add3A_1957 = arith.addi %min3A_1112, %add3A_1956 : i32
      %multiple_of3A_1958 = tpu.assume_multiple %add3A_1957, 16 : i32
      %swap3A_1959 = arith.constant 19 : i32
      %swap3A_1960 = arith.index_cast %swap3A_1959 : i32 to index
      %swap3A_1961 = arith.index_cast %multiple_of3A_1958 : i32 to index
      %swap3A_1962 = tpu.vector_load %arg5[%swap3A_1960, %swap3A_1961] {strides = array<i32>} : memref<32x2048xf32, #tpu.memory_space<vmem>>, vector<1x16xf32>,
      %swap3A_1963 = vector.shape_cast %swap3A_1962 : vector<1x16xf32> to vector<16xf32>
      %swap3A_1964 = vector.shape_cast %select_n3A_1955 : vector<16xf32> to vector<1x16xf32>
      tpu.vector_store %arg5[%swap3A_1960, %swap3A_1961], %swap3A_1964 {strides = array<i32>} : memref<32x2048xf32, #tpu.memory_space<vmem>>, vector<1x16xf32>,
      %slice3A_1965 = vector.extract_strided_slice %get3A_1047 {offsets = [4], sizes = [1], strides = [1]} : vector<16xf32> to vector<1xf32>
      %squeeze3A_1966 = vector.extract %slice3A_1965[0] : f32 from vector<1xf32>
      %broadcast_in_dim3A_1967 = vector.broadcast %squeeze3A_1966 : f32 to vector<16xf32>
      %slice3A_1968 = vector.extract_strided_slice %get3A_1053 {offsets = [4], sizes = [1], strides = [1]} : vector<16xf32> to vector<1xf32>
      %squeeze3A_1969 = vector.extract %slice3A_1968[0] : f32 from vector<1xf32>
      %broadcast_in_dim3A_1970 = vector.broadcast %squeeze3A_1969 : f32 to vector<16xf32>
      %slice3A_1971 = vector.extract_strided_slice %get3A_1059 {offsets = [4], sizes = [1], strides = [1]} : vector<16xf32> to vector<1xf32>
      %squeeze3A_1972 = vector.extract %slice3A_1971[0] : f32 from vector<1xf32>
      %broadcast_in_dim3A_1973 = vector.broadcast %squeeze3A_1972 : f32 to vector<16xf32>
      %slice3A_1974 = vector.extract_strided_slice %get3A_1065 {offsets = [4], sizes = [1], strides = [1]} : vector<16xf32> to vector<1xf32>
      %squeeze3A_1975 = vector.extract %slice3A_1974[0] : f32 from vector<1xf32>
      %broadcast_in_dim3A_1976 = vector.broadcast %squeeze3A_1975 : f32 to vector<16xf32>
      %slice3A_1977 = vector.extract_strided_slice %get3A_1071 {offsets = [4], sizes = [1], strides = [1]} : vector<16xf32> to vector<1xf32>
      %squeeze3A_1978 = vector.extract %slice3A_1977[0] : f32 from vector<1xf32>
      %broadcast_in_dim3A_1979 = vector.broadcast %squeeze3A_1978 : f32 to vector<16xf32>
      %select_n3A_1980 = arith.select %eq3A_1128, %broadcast_in_dim3A_1976, %broadcast_in_dim3A_1979 : vector<16xi1>, vector<16xf32>
      %select_n3A_1981 = arith.select %eq3A_1124, %broadcast_in_dim3A_1973, %select_n3A_1980 : vector<16xi1>, vector<16xf32>
      %select_n3A_1982 = arith.select %eq3A_1122, %broadcast_in_dim3A_1970, %select_n3A_1981 : vector<16xi1>, vector<16xf32>
      %select_n3A_1983 = arith.select %le3A_1119, %broadcast_in_dim3A_1967, %select_n3A_1982 : vector<16xi1>, vector<16xf32>
      %add3A_1984 = arith.constant 0 : i32
      %add3A_1985 = arith.addi %min3A_1112, %add3A_1984 : i32
      %multiple_of3A_1986 = tpu.assume_multiple %add3A_1985, 16 : i32
      %swap3A_1987 = arith.constant 20 : i32
      %swap3A_1988 = arith.index_cast %swap3A_1987 : i32 to index
      %swap3A_1989 = arith.index_cast %multiple_of3A_1986 : i32 to index
      %swap3A_1990 = tpu.vector_load %arg5[%swap3A_1988, %swap3A_1989] {strides = array<i32>} : memref<32x2048xf32, #tpu.memory_space<vmem>>, vector<1x16xf32>,
      %swap3A_1991 = vector.shape_cast %swap3A_1990 : vector<1x16xf32> to vector<16xf32>
      %swap3A_1992 = vector.shape_cast %select_n3A_1983 : vector<16xf32> to vector<1x16xf32>
      tpu.vector_store %arg5[%swap3A_1988, %swap3A_1989], %swap3A_1992 {strides = array<i32>} : memref<32x2048xf32, #tpu.memory_space<vmem>>, vector<1x16xf32>,
      %select_n3A_1993 = arith.select %eq3A_1146, %broadcast_in_dim3A_1976, %broadcast_in_dim3A_1979 : vector<16xi1>, vector<16xf32>
      %select_n3A_1994 = arith.select %eq3A_1142, %broadcast_in_dim3A_1973, %select_n3A_1993 : vector<16xi1>, vector<16xf32>
      %select_n3A_1995 = arith.select %eq3A_1140, %broadcast_in_dim3A_1970, %select_n3A_1994 : vector<16xi1>, vector<16xf32>
      %select_n3A_1996 = arith.select %le3A_1136, %broadcast_in_dim3A_1967, %select_n3A_1995 : vector<16xi1>, vector<16xf32>
      %add3A_1997 = arith.constant 16 : i32
      %add3A_1998 = arith.addi %min3A_1112, %add3A_1997 : i32
      %multiple_of3A_1999 = tpu.assume_multiple %add3A_1998, 16 : i32
      %swap3A_2000 = arith.constant 20 : i32
      %swap3A_2001 = arith.index_cast %swap3A_2000 : i32 to index
      %swap3A_2002 = arith.index_cast %multiple_of3A_1999 : i32 to index
      %swap3A_2003 = tpu.vector_load %arg5[%swap3A_2001, %swap3A_2002] {strides = array<i32>} : memref<32x2048xf32, #tpu.memory_space<vmem>>, vector<1x16xf32>,
      %swap3A_2004 = vector.shape_cast %swap3A_2003 : vector<1x16xf32> to vector<16xf32>
      %swap3A_2005 = vector.shape_cast %select_n3A_1996 : vector<16xf32> to vector<1x16xf32>
      tpu.vector_store %arg5[%swap3A_2001, %swap3A_2002], %swap3A_2005 {strides = array<i32>} : memref<32x2048xf32, #tpu.memory_space<vmem>>, vector<1x16xf32>,
      %slice3A_2006 = vector.extract_strided_slice %get3A_1047 {offsets = [5], sizes = [1], strides = [1]} : vector<16xf32> to vector<1xf32>
      %squeeze3A_2007 = vector.extract %slice3A_2006[0] : f32 from vector<1xf32>
      %broadcast_in_dim3A_2008 = vector.broadcast %squeeze3A_2007 : f32 to vector<16xf32>
      %slice3A_2009 = vector.extract_strided_slice %get3A_1053 {offsets = [5], sizes = [1], strides = [1]} : vector<16xf32> to vector<1xf32>
      %squeeze3A_2010 = vector.extract %slice3A_2009[0] : f32 from vector<1xf32>
      %broadcast_in_dim3A_2011 = vector.broadcast %squeeze3A_2010 : f32 to vector<16xf32>
      %slice3A_2012 = vector.extract_strided_slice %get3A_1059 {offsets = [5], sizes = [1], strides = [1]} : vector<16xf32> to vector<1xf32>
      %squeeze3A_2013 = vector.extract %slice3A_2012[0] : f32 from vector<1xf32>
      %broadcast_in_dim3A_2014 = vector.broadcast %squeeze3A_2013 : f32 to vector<16xf32>
      %slice3A_2015 = vector.extract_strided_slice %get3A_1065 {offsets = [5], sizes = [1], strides = [1]} : vector<16xf32> to vector<1xf32>
      %squeeze3A_2016 = vector.extract %slice3A_2015[0] : f32 from vector<1xf32>
      %broadcast_in_dim3A_2017 = vector.broadcast %squeeze3A_2016 : f32 to vector<16xf32>
      %slice3A_2018 = vector.extract_strided_slice %get3A_1071 {offsets = [5], sizes = [1], strides = [1]} : vector<16xf32> to vector<1xf32>
      %squeeze3A_2019 = vector.extract %slice3A_2018[0] : f32 from vector<1xf32>
      %broadcast_in_dim3A_2020 = vector.broadcast %squeeze3A_2019 : f32 to vector<16xf32>
      %select_n3A_2021 = arith.select %eq3A_1128, %broadcast_in_dim3A_2017, %broadcast_in_dim3A_2020 : vector<16xi1>, vector<16xf32>
      %select_n3A_2022 = arith.select %eq3A_1124, %broadcast_in_dim3A_2014, %select_n3A_2021 : vector<16xi1>, vector<16xf32>
      %select_n3A_2023 = arith.select %eq3A_1122, %broadcast_in_dim3A_2011, %select_n3A_2022 : vector<16xi1>, vector<16xf32>
      %select_n3A_2024 = arith.select %le3A_1119, %broadcast_in_dim3A_2008, %select_n3A_2023 : vector<16xi1>, vector<16xf32>
      %add3A_2025 = arith.constant 0 : i32
      %add3A_2026 = arith.addi %min3A_1112, %add3A_2025 : i32
      %multiple_of3A_2027 = tpu.assume_multiple %add3A_2026, 16 : i32
      %swap3A_2028 = arith.constant 21 : i32
      %swap3A_2029 = arith.index_cast %swap3A_2028 : i32 to index
      %swap3A_2030 = arith.index_cast %multiple_of3A_2027 : i32 to index
      %swap3A_2031 = tpu.vector_load %arg5[%swap3A_2029, %swap3A_2030] {strides = array<i32>} : memref<32x2048xf32, #tpu.memory_space<vmem>>, vector<1x16xf32>,
      %swap3A_2032 = vector.shape_cast %swap3A_2031 : vector<1x16xf32> to vector<16xf32>
      %swap3A_2033 = vector.shape_cast %select_n3A_2024 : vector<16xf32> to vector<1x16xf32>
      tpu.vector_store %arg5[%swap3A_2029, %swap3A_2030], %swap3A_2033 {strides = array<i32>} : memref<32x2048xf32, #tpu.memory_space<vmem>>, vector<1x16xf32>,
      %select_n3A_2034 = arith.select %eq3A_1146, %broadcast_in_dim3A_2017, %broadcast_in_dim3A_2020 : vector<16xi1>, vector<16xf32>
      %select_n3A_2035 = arith.select %eq3A_1142, %broadcast_in_dim3A_2014, %select_n3A_2034 : vector<16xi1>, vector<16xf32>
      %select_n3A_2036 = arith.select %eq3A_1140, %broadcast_in_dim3A_2011, %select_n3A_2035 : vector<16xi1>, vector<16xf32>
      %select_n3A_2037 = arith.select %le3A_1136, %broadcast_in_dim3A_2008, %select_n3A_2036 : vector<16xi1>, vector<16xf32>
      %add3A_2038 = arith.constant 16 : i32
      %add3A_2039 = arith.addi %min3A_1112, %add3A_2038 : i32
      %multiple_of3A_2040 = tpu.assume_multiple %add3A_2039, 16 : i32
      %swap3A_2041 = arith.constant 21 : i32
      %swap3A_2042 = arith.index_cast %swap3A_2041 : i32 to index
      %swap3A_2043 = arith.index_cast %multiple_of3A_2040 : i32 to index
      %swap3A_2044 = tpu.vector_load %arg5[%swap3A_2042, %swap3A_2043] {strides = array<i32>} : memref<32x2048xf32, #tpu.memory_space<vmem>>, vector<1x16xf32>,
      %swap3A_2045 = vector.shape_cast %swap3A_2044 : vector<1x16xf32> to vector<16xf32>
      %swap3A_2046 = vector.shape_cast %select_n3A_2037 : vector<16xf32> to vector<1x16xf32>
      tpu.vector_store %arg5[%swap3A_2042, %swap3A_2043], %swap3A_2046 {strides = array<i32>} : memref<32x2048xf32, #tpu.memory_space<vmem>>, vector<1x16xf32>,
      %slice3A_2047 = vector.extract_strided_slice %get3A_1047 {offsets = [6], sizes = [1], strides = [1]} : vector<16xf32> to vector<1xf32>
      %squeeze3A_2048 = vector.extract %slice3A_2047[0] : f32 from vector<1xf32>
      %broadcast_in_dim3A_2049 = vector.broadcast %squeeze3A_2048 : f32 to vector<16xf32>
      %slice3A_2050 = vector.extract_strided_slice %get3A_1053 {offsets = [6], sizes = [1], strides = [1]} : vector<16xf32> to vector<1xf32>
      %squeeze3A_2051 = vector.extract %slice3A_2050[0] : f32 from vector<1xf32>
      %broadcast_in_dim3A_2052 = vector.broadcast %squeeze3A_2051 : f32 to vector<16xf32>
      %slice3A_2053 = vector.extract_strided_slice %get3A_1059 {offsets = [6], sizes = [1], strides = [1]} : vector<16xf32> to vector<1xf32>
      %squeeze3A_2054 = vector.extract %slice3A_2053[0] : f32 from vector<1xf32>
      %broadcast_in_dim3A_2055 = vector.broadcast %squeeze3A_2054 : f32 to vector<16xf32>
      %slice3A_2056 = vector.extract_strided_slice %get3A_1065 {offsets = [6], sizes = [1], strides = [1]} : vector<16xf32> to vector<1xf32>
      %squeeze3A_2057 = vector.extract %slice3A_2056[0] : f32 from vector<1xf32>
      %broadcast_in_dim3A_2058 = vector.broadcast %squeeze3A_2057 : f32 to vector<16xf32>
      %slice3A_2059 = vector.extract_strided_slice %get3A_1071 {offsets = [6], sizes = [1], strides = [1]} : vector<16xf32> to vector<1xf32>
      %squeeze3A_2060 = vector.extract %slice3A_2059[0] : f32 from vector<1xf32>
      %broadcast_in_dim3A_2061 = vector.broadcast %squeeze3A_2060 : f32 to vector<16xf32>
      %select_n3A_2062 = arith.select %eq3A_1128, %broadcast_in_dim3A_2058, %broadcast_in_dim3A_2061 : vector<16xi1>, vector<16xf32>
      %select_n3A_2063 = arith.select %eq3A_1124, %broadcast_in_dim3A_2055, %select_n3A_2062 : vector<16xi1>, vector<16xf32>
      %select_n3A_2064 = arith.select %eq3A_1122, %broadcast_in_dim3A_2052, %select_n3A_2063 : vector<16xi1>, vector<16xf32>
      %select_n3A_2065 = arith.select %le3A_1119, %broadcast_in_dim3A_2049, %select_n3A_2064 : vector<16xi1>, vector<16xf32>
      %add3A_2066 = arith.constant 0 : i32
      %add3A_2067 = arith.addi %min3A_1112, %add3A_2066 : i32
      %multiple_of3A_2068 = tpu.assume_multiple %add3A_2067, 16 : i32
      %swap3A_2069 = arith.constant 22 : i32
      %swap3A_2070 = arith.index_cast %swap3A_2069 : i32 to index
      %swap3A_2071 = arith.index_cast %multiple_of3A_2068 : i32 to index
      %swap3A_2072 = tpu.vector_load %arg5[%swap3A_2070, %swap3A_2071] {strides = array<i32>} : memref<32x2048xf32, #tpu.memory_space<vmem>>, vector<1x16xf32>,
      %swap3A_2073 = vector.shape_cast %swap3A_2072 : vector<1x16xf32> to vector<16xf32>
      %swap3A_2074 = vector.shape_cast %select_n3A_2065 : vector<16xf32> to vector<1x16xf32>
      tpu.vector_store %arg5[%swap3A_2070, %swap3A_2071], %swap3A_2074 {strides = array<i32>} : memref<32x2048xf32, #tpu.memory_space<vmem>>, vector<1x16xf32>,
      %select_n3A_2075 = arith.select %eq3A_1146, %broadcast_in_dim3A_2058, %broadcast_in_dim3A_2061 : vector<16xi1>, vector<16xf32>
      %select_n3A_2076 = arith.select %eq3A_1142, %broadcast_in_dim3A_2055, %select_n3A_2075 : vector<16xi1>, vector<16xf32>
      %select_n3A_2077 = arith.select %eq3A_1140, %broadcast_in_dim3A_2052, %select_n3A_2076 : vector<16xi1>, vector<16xf32>
      %select_n3A_2078 = arith.select %le3A_1136, %broadcast_in_dim3A_2049, %select_n3A_2077 : vector<16xi1>, vector<16xf32>
      %add3A_2079 = arith.constant 16 : i32
      %add3A_2080 = arith.addi %min3A_1112, %add3A_2079 : i32
      %multiple_of3A_2081 = tpu.assume_multiple %add3A_2080, 16 : i32
      %swap3A_2082 = arith.constant 22 : i32
      %swap3A_2083 = arith.index_cast %swap3A_2082 : i32 to index
      %swap3A_2084 = arith.index_cast %multiple_of3A_2081 : i32 to index
      %swap3A_2085 = tpu.vector_load %arg5[%swap3A_2083, %swap3A_2084] {strides = array<i32>} : memref<32x2048xf32, #tpu.memory_space<vmem>>, vector<1x16xf32>,
      %swap3A_2086 = vector.shape_cast %swap3A_2085 : vector<1x16xf32> to vector<16xf32>
      %swap3A_2087 = vector.shape_cast %select_n3A_2078 : vector<16xf32> to vector<1x16xf32>
      tpu.vector_store %arg5[%swap3A_2083, %swap3A_2084], %swap3A_2087 {strides = array<i32>} : memref<32x2048xf32, #tpu.memory_space<vmem>>, vector<1x16xf32>,
      %slice3A_2088 = vector.extract_strided_slice %get3A_1047 {offsets = [7], sizes = [1], strides = [1]} : vector<16xf32> to vector<1xf32>
      %squeeze3A_2089 = vector.extract %slice3A_2088[0] : f32 from vector<1xf32>
      %broadcast_in_dim3A_2090 = vector.broadcast %squeeze3A_2089 : f32 to vector<16xf32>
      %slice3A_2091 = vector.extract_strided_slice %get3A_1053 {offsets = [7], sizes = [1], strides = [1]} : vector<16xf32> to vector<1xf32>
      %squeeze3A_2092 = vector.extract %slice3A_2091[0] : f32 from vector<1xf32>
      %broadcast_in_dim3A_2093 = vector.broadcast %squeeze3A_2092 : f32 to vector<16xf32>
      %slice3A_2094 = vector.extract_strided_slice %get3A_1059 {offsets = [7], sizes = [1], strides = [1]} : vector<16xf32> to vector<1xf32>
      %squeeze3A_2095 = vector.extract %slice3A_2094[0] : f32 from vector<1xf32>
      %broadcast_in_dim3A_2096 = vector.broadcast %squeeze3A_2095 : f32 to vector<16xf32>
      %slice3A_2097 = vector.extract_strided_slice %get3A_1065 {offsets = [7], sizes = [1], strides = [1]} : vector<16xf32> to vector<1xf32>
      %squeeze3A_2098 = vector.extract %slice3A_2097[0] : f32 from vector<1xf32>
      %broadcast_in_dim3A_2099 = vector.broadcast %squeeze3A_2098 : f32 to vector<16xf32>
      %slice3A_2100 = vector.extract_strided_slice %get3A_1071 {offsets = [7], sizes = [1], strides = [1]} : vector<16xf32> to vector<1xf32>
      %squeeze3A_2101 = vector.extract %slice3A_2100[0] : f32 from vector<1xf32>
      %broadcast_in_dim3A_2102 = vector.broadcast %squeeze3A_2101 : f32 to vector<16xf32>
      %select_n3A_2103 = arith.select %eq3A_1128, %broadcast_in_dim3A_2099, %broadcast_in_dim3A_2102 : vector<16xi1>, vector<16xf32>
      %select_n3A_2104 = arith.select %eq3A_1124, %broadcast_in_dim3A_2096, %select_n3A_2103 : vector<16xi1>, vector<16xf32>
      %select_n3A_2105 = arith.select %eq3A_1122, %broadcast_in_dim3A_2093, %select_n3A_2104 : vector<16xi1>, vector<16xf32>
      %select_n3A_2106 = arith.select %le3A_1119, %broadcast_in_dim3A_2090, %select_n3A_2105 : vector<16xi1>, vector<16xf32>
      %add3A_2107 = arith.constant 0 : i32
      %add3A_2108 = arith.addi %min3A_1112, %add3A_2107 : i32
      %multiple_of3A_2109 = tpu.assume_multiple %add3A_2108, 16 : i32
      %swap3A_2110 = arith.constant 23 : i32
      %swap3A_2111 = arith.index_cast %swap3A_2110 : i32 to index
      %swap3A_2112 = arith.index_cast %multiple_of3A_2109 : i32 to index
      %swap3A_2113 = tpu.vector_load %arg5[%swap3A_2111, %swap3A_2112] {strides = array<i32>} : memref<32x2048xf32, #tpu.memory_space<vmem>>, vector<1x16xf32>,
      %swap3A_2114 = vector.shape_cast %swap3A_2113 : vector<1x16xf32> to vector<16xf32>
      %swap3A_2115 = vector.shape_cast %select_n3A_2106 : vector<16xf32> to vector<1x16xf32>
      tpu.vector_store %arg5[%swap3A_2111, %swap3A_2112], %swap3A_2115 {strides = array<i32>} : memref<32x2048xf32, #tpu.memory_space<vmem>>, vector<1x16xf32>,
      %select_n3A_2116 = arith.select %eq3A_1146, %broadcast_in_dim3A_2099, %broadcast_in_dim3A_2102 : vector<16xi1>, vector<16xf32>
      %select_n3A_2117 = arith.select %eq3A_1142, %broadcast_in_dim3A_2096, %select_n3A_2116 : vector<16xi1>, vector<16xf32>
      %select_n3A_2118 = arith.select %eq3A_1140, %broadcast_in_dim3A_2093, %select_n3A_2117 : vector<16xi1>, vector<16xf32>
      %select_n3A_2119 = arith.select %le3A_1136, %broadcast_in_dim3A_2090, %select_n3A_2118 : vector<16xi1>, vector<16xf32>
      %add3A_2120 = arith.constant 16 : i32
      %add3A_2121 = arith.addi %min3A_1112, %add3A_2120 : i32
      %multiple_of3A_2122 = tpu.assume_multiple %add3A_2121, 16 : i32
      %swap3A_2123 = arith.constant 23 : i32
      %swap3A_2124 = arith.index_cast %swap3A_2123 : i32 to index
      %swap3A_2125 = arith.index_cast %multiple_of3A_2122 : i32 to index
      %swap3A_2126 = tpu.vector_load %arg5[%swap3A_2124, %swap3A_2125] {strides = array<i32>} : memref<32x2048xf32, #tpu.memory_space<vmem>>, vector<1x16xf32>,
      %swap3A_2127 = vector.shape_cast %swap3A_2126 : vector<1x16xf32> to vector<16xf32>
      %swap3A_2128 = vector.shape_cast %select_n3A_2119 : vector<16xf32> to vector<1x16xf32>
      tpu.vector_store %arg5[%swap3A_2124, %swap3A_2125], %swap3A_2128 {strides = array<i32>} : memref<32x2048xf32, #tpu.memory_space<vmem>>, vector<1x16xf32>,
      %slice3A_2129 = vector.extract_strided_slice %get3A_1047 {offsets = [8], sizes = [1], strides = [1]} : vector<16xf32> to vector<1xf32>
      %squeeze3A_2130 = vector.extract %slice3A_2129[0] : f32 from vector<1xf32>
      %broadcast_in_dim3A_2131 = vector.broadcast %squeeze3A_2130 : f32 to vector<16xf32>
      %slice3A_2132 = vector.extract_strided_slice %get3A_1053 {offsets = [8], sizes = [1], strides = [1]} : vector<16xf32> to vector<1xf32>
      %squeeze3A_2133 = vector.extract %slice3A_2132[0] : f32 from vector<1xf32>
      %broadcast_in_dim3A_2134 = vector.broadcast %squeeze3A_2133 : f32 to vector<16xf32>
      %slice3A_2135 = vector.extract_strided_slice %get3A_1059 {offsets = [8], sizes = [1], strides = [1]} : vector<16xf32> to vector<1xf32>
      %squeeze3A_2136 = vector.extract %slice3A_2135[0] : f32 from vector<1xf32>
      %broadcast_in_dim3A_2137 = vector.broadcast %squeeze3A_2136 : f32 to vector<16xf32>
      %slice3A_2138 = vector.extract_strided_slice %get3A_1065 {offsets = [8], sizes = [1], strides = [1]} : vector<16xf32> to vector<1xf32>
      %squeeze3A_2139 = vector.extract %slice3A_2138[0] : f32 from vector<1xf32>
      %broadcast_in_dim3A_2140 = vector.broadcast %squeeze3A_2139 : f32 to vector<16xf32>
      %slice3A_2141 = vector.extract_strided_slice %get3A_1071 {offsets = [8], sizes = [1], strides = [1]} : vector<16xf32> to vector<1xf32>
      %squeeze3A_2142 = vector.extract %slice3A_2141[0] : f32 from vector<1xf32>
      %broadcast_in_dim3A_2143 = vector.broadcast %squeeze3A_2142 : f32 to vector<16xf32>
      %select_n3A_2144 = arith.select %eq3A_1128, %broadcast_in_dim3A_2140, %broadcast_in_dim3A_2143 : vector<16xi1>, vector<16xf32>
      %select_n3A_2145 = arith.select %eq3A_1124, %broadcast_in_dim3A_2137, %select_n3A_2144 : vector<16xi1>, vector<16xf32>
      %select_n3A_2146 = arith.select %eq3A_1122, %broadcast_in_dim3A_2134, %select_n3A_2145 : vector<16xi1>, vector<16xf32>
      %select_n3A_2147 = arith.select %le3A_1119, %broadcast_in_dim3A_2131, %select_n3A_2146 : vector<16xi1>, vector<16xf32>
      %add3A_2148 = arith.constant 0 : i32
      %add3A_2149 = arith.addi %min3A_1112, %add3A_2148 : i32
      %multiple_of3A_2150 = tpu.assume_multiple %add3A_2149, 16 : i32
      %swap3A_2151 = arith.constant 24 : i32
      %swap3A_2152 = arith.index_cast %swap3A_2151 : i32 to index
      %swap3A_2153 = arith.index_cast %multiple_of3A_2150 : i32 to index
      %swap3A_2154 = tpu.vector_load %arg5[%swap3A_2152, %swap3A_2153] {strides = array<i32>} : memref<32x2048xf32, #tpu.memory_space<vmem>>, vector<1x16xf32>,
      %swap3A_2155 = vector.shape_cast %swap3A_2154 : vector<1x16xf32> to vector<16xf32>
      %swap3A_2156 = vector.shape_cast %select_n3A_2147 : vector<16xf32> to vector<1x16xf32>
      tpu.vector_store %arg5[%swap3A_2152, %swap3A_2153], %swap3A_2156 {strides = array<i32>} : memref<32x2048xf32, #tpu.memory_space<vmem>>, vector<1x16xf32>,
      %select_n3A_2157 = arith.select %eq3A_1146, %broadcast_in_dim3A_2140, %broadcast_in_dim3A_2143 : vector<16xi1>, vector<16xf32>
      %select_n3A_2158 = arith.select %eq3A_1142, %broadcast_in_dim3A_2137, %select_n3A_2157 : vector<16xi1>, vector<16xf32>
      %select_n3A_2159 = arith.select %eq3A_1140, %broadcast_in_dim3A_2134, %select_n3A_2158 : vector<16xi1>, vector<16xf32>
      %select_n3A_2160 = arith.select %le3A_1136, %broadcast_in_dim3A_2131, %select_n3A_2159 : vector<16xi1>, vector<16xf32>
      %add3A_2161 = arith.constant 16 : i32
      %add3A_2162 = arith.addi %min3A_1112, %add3A_2161 : i32
      %multiple_of3A_2163 = tpu.assume_multiple %add3A_2162, 16 : i32
      %swap3A_2164 = arith.constant 24 : i32
      %swap3A_2165 = arith.index_cast %swap3A_2164 : i32 to index
      %swap3A_2166 = arith.index_cast %multiple_of3A_2163 : i32 to index
      %swap3A_2167 = tpu.vector_load %arg5[%swap3A_2165, %swap3A_2166] {strides = array<i32>} : memref<32x2048xf32, #tpu.memory_space<vmem>>, vector<1x16xf32>,
      %swap3A_2168 = vector.shape_cast %swap3A_2167 : vector<1x16xf32> to vector<16xf32>
      %swap3A_2169 = vector.shape_cast %select_n3A_2160 : vector<16xf32> to vector<1x16xf32>
      tpu.vector_store %arg5[%swap3A_2165, %swap3A_2166], %swap3A_2169 {strides = array<i32>} : memref<32x2048xf32, #tpu.memory_space<vmem>>, vector<1x16xf32>,
      %slice3A_2170 = vector.extract_strided_slice %get3A_1047 {offsets = [9], sizes = [1], strides = [1]} : vector<16xf32> to vector<1xf32>
      %squeeze3A_2171 = vector.extract %slice3A_2170[0] : f32 from vector<1xf32>
      %broadcast_in_dim3A_2172 = vector.broadcast %squeeze3A_2171 : f32 to vector<16xf32>
      %slice3A_2173 = vector.extract_strided_slice %get3A_1053 {offsets = [9], sizes = [1], strides = [1]} : vector<16xf32> to vector<1xf32>
      %squeeze3A_2174 = vector.extract %slice3A_2173[0] : f32 from vector<1xf32>
      %broadcast_in_dim3A_2175 = vector.broadcast %squeeze3A_2174 : f32 to vector<16xf32>
      %slice3A_2176 = vector.extract_strided_slice %get3A_1059 {offsets = [9], sizes = [1], strides = [1]} : vector<16xf32> to vector<1xf32>
      %squeeze3A_2177 = vector.extract %slice3A_2176[0] : f32 from vector<1xf32>
      %broadcast_in_dim3A_2178 = vector.broadcast %squeeze3A_2177 : f32 to vector<16xf32>
      %slice3A_2179 = vector.extract_strided_slice %get3A_1065 {offsets = [9], sizes = [1], strides = [1]} : vector<16xf32> to vector<1xf32>
      %squeeze3A_2180 = vector.extract %slice3A_2179[0] : f32 from vector<1xf32>
      %broadcast_in_dim3A_2181 = vector.broadcast %squeeze3A_2180 : f32 to vector<16xf32>
      %slice3A_2182 = vector.extract_strided_slice %get3A_1071 {offsets = [9], sizes = [1], strides = [1]} : vector<16xf32> to vector<1xf32>
      %squeeze3A_2183 = vector.extract %slice3A_2182[0] : f32 from vector<1xf32>
      %broadcast_in_dim3A_2184 = vector.broadcast %squeeze3A_2183 : f32 to vector<16xf32>
      %select_n3A_2185 = arith.select %eq3A_1128, %broadcast_in_dim3A_2181, %broadcast_in_dim3A_2184 : vector<16xi1>, vector<16xf32>
      %select_n3A_2186 = arith.select %eq3A_1124, %broadcast_in_dim3A_2178, %select_n3A_2185 : vector<16xi1>, vector<16xf32>
      %select_n3A_2187 = arith.select %eq3A_1122, %broadcast_in_dim3A_2175, %select_n3A_2186 : vector<16xi1>, vector<16xf32>
      %select_n3A_2188 = arith.select %le3A_1119, %broadcast_in_dim3A_2172, %select_n3A_2187 : vector<16xi1>, vector<16xf32>
      %add3A_2189 = arith.constant 0 : i32
      %add3A_2190 = arith.addi %min3A_1112, %add3A_2189 : i32
      %multiple_of3A_2191 = tpu.assume_multiple %add3A_2190, 16 : i32
      %swap3A_2192 = arith.constant 25 : i32
      %swap3A_2193 = arith.index_cast %swap3A_2192 : i32 to index
      %swap3A_2194 = arith.index_cast %multiple_of3A_2191 : i32 to index
      %swap3A_2195 = tpu.vector_load %arg5[%swap3A_2193, %swap3A_2194] {strides = array<i32>} : memref<32x2048xf32, #tpu.memory_space<vmem>>, vector<1x16xf32>,
      %swap3A_2196 = vector.shape_cast %swap3A_2195 : vector<1x16xf32> to vector<16xf32>
      %swap3A_2197 = vector.shape_cast %select_n3A_2188 : vector<16xf32> to vector<1x16xf32>
      tpu.vector_store %arg5[%swap3A_2193, %swap3A_2194], %swap3A_2197 {strides = array<i32>} : memref<32x2048xf32, #tpu.memory_space<vmem>>, vector<1x16xf32>,
      %select_n3A_2198 = arith.select %eq3A_1146, %broadcast_in_dim3A_2181, %broadcast_in_dim3A_2184 : vector<16xi1>, vector<16xf32>
      %select_n3A_2199 = arith.select %eq3A_1142, %broadcast_in_dim3A_2178, %select_n3A_2198 : vector<16xi1>, vector<16xf32>
      %select_n3A_2200 = arith.select %eq3A_1140, %broadcast_in_dim3A_2175, %select_n3A_2199 : vector<16xi1>, vector<16xf32>
      %select_n3A_2201 = arith.select %le3A_1136, %broadcast_in_dim3A_2172, %select_n3A_2200 : vector<16xi1>, vector<16xf32>
      %add3A_2202 = arith.constant 16 : i32
      %add3A_2203 = arith.addi %min3A_1112, %add3A_2202 : i32
      %multiple_of3A_2204 = tpu.assume_multiple %add3A_2203, 16 : i32
      %swap3A_2205 = arith.constant 25 : i32
      %swap3A_2206 = arith.index_cast %swap3A_2205 : i32 to index
      %swap3A_2207 = arith.index_cast %multiple_of3A_2204 : i32 to index
      %swap3A_2208 = tpu.vector_load %arg5[%swap3A_2206, %swap3A_2207] {strides = array<i32>} : memref<32x2048xf32, #tpu.memory_space<vmem>>, vector<1x16xf32>,
      %swap3A_2209 = vector.shape_cast %swap3A_2208 : vector<1x16xf32> to vector<16xf32>
      %swap3A_2210 = vector.shape_cast %select_n3A_2201 : vector<16xf32> to vector<1x16xf32>
      tpu.vector_store %arg5[%swap3A_2206, %swap3A_2207], %swap3A_2210 {strides = array<i32>} : memref<32x2048xf32, #tpu.memory_space<vmem>>, vector<1x16xf32>,
      %slice3A_2211 = vector.extract_strided_slice %get3A_1047 {offsets = [10], sizes = [1], strides = [1]} : vector<16xf32> to vector<1xf32>
      %squeeze3A_2212 = vector.extract %slice3A_2211[0] : f32 from vector<1xf32>
      %broadcast_in_dim3A_2213 = vector.broadcast %squeeze3A_2212 : f32 to vector<16xf32>
      %slice3A_2214 = vector.extract_strided_slice %get3A_1053 {offsets = [10], sizes = [1], strides = [1]} : vector<16xf32> to vector<1xf32>
      %squeeze3A_2215 = vector.extract %slice3A_2214[0] : f32 from vector<1xf32>
      %broadcast_in_dim3A_2216 = vector.broadcast %squeeze3A_2215 : f32 to vector<16xf32>
      %slice3A_2217 = vector.extract_strided_slice %get3A_1059 {offsets = [10], sizes = [1], strides = [1]} : vector<16xf32> to vector<1xf32>
      %squeeze3A_2218 = vector.extract %slice3A_2217[0] : f32 from vector<1xf32>
      %broadcast_in_dim3A_2219 = vector.broadcast %squeeze3A_2218 : f32 to vector<16xf32>
      %slice3A_2220 = vector.extract_strided_slice %get3A_1065 {offsets = [10], sizes = [1], strides = [1]} : vector<16xf32> to vector<1xf32>
      %squeeze3A_2221 = vector.extract %slice3A_2220[0] : f32 from vector<1xf32>
      %broadcast_in_dim3A_2222 = vector.broadcast %squeeze3A_2221 : f32 to vector<16xf32>
      %slice3A_2223 = vector.extract_strided_slice %get3A_1071 {offsets = [10], sizes = [1], strides = [1]} : vector<16xf32> to vector<1xf32>
      %squeeze3A_2224 = vector.extract %slice3A_2223[0] : f32 from vector<1xf32>
      %broadcast_in_dim3A_2225 = vector.broadcast %squeeze3A_2224 : f32 to vector<16xf32>
      %select_n3A_2226 = arith.select %eq3A_1128, %broadcast_in_dim3A_2222, %broadcast_in_dim3A_2225 : vector<16xi1>, vector<16xf32>
      %select_n3A_2227 = arith.select %eq3A_1124, %broadcast_in_dim3A_2219, %select_n3A_2226 : vector<16xi1>, vector<16xf32>
      %select_n3A_2228 = arith.select %eq3A_1122, %broadcast_in_dim3A_2216, %select_n3A_2227 : vector<16xi1>, vector<16xf32>
      %select_n3A_2229 = arith.select %le3A_1119, %broadcast_in_dim3A_2213, %select_n3A_2228 : vector<16xi1>, vector<16xf32>
      %add3A_2230 = arith.constant 0 : i32
      %add3A_2231 = arith.addi %min3A_1112, %add3A_2230 : i32
      %multiple_of3A_2232 = tpu.assume_multiple %add3A_2231, 16 : i32
      %swap3A_2233 = arith.constant 26 : i32
      %swap3A_2234 = arith.index_cast %swap3A_2233 : i32 to index
      %swap3A_2235 = arith.index_cast %multiple_of3A_2232 : i32 to index
      %swap3A_2236 = tpu.vector_load %arg5[%swap3A_2234, %swap3A_2235] {strides = array<i32>} : memref<32x2048xf32, #tpu.memory_space<vmem>>, vector<1x16xf32>,
      %swap3A_2237 = vector.shape_cast %swap3A_2236 : vector<1x16xf32> to vector<16xf32>
      %swap3A_2238 = vector.shape_cast %select_n3A_2229 : vector<16xf32> to vector<1x16xf32>
      tpu.vector_store %arg5[%swap3A_2234, %swap3A_2235], %swap3A_2238 {strides = array<i32>} : memref<32x2048xf32, #tpu.memory_space<vmem>>, vector<1x16xf32>,
      %select_n3A_2239 = arith.select %eq3A_1146, %broadcast_in_dim3A_2222, %broadcast_in_dim3A_2225 : vector<16xi1>, vector<16xf32>
      %select_n3A_2240 = arith.select %eq3A_1142, %broadcast_in_dim3A_2219, %select_n3A_2239 : vector<16xi1>, vector<16xf32>
      %select_n3A_2241 = arith.select %eq3A_1140, %broadcast_in_dim3A_2216, %select_n3A_2240 : vector<16xi1>, vector<16xf32>
      %select_n3A_2242 = arith.select %le3A_1136, %broadcast_in_dim3A_2213, %select_n3A_2241 : vector<16xi1>, vector<16xf32>
      %add3A_2243 = arith.constant 16 : i32
      %add3A_2244 = arith.addi %min3A_1112, %add3A_2243 : i32
      %multiple_of3A_2245 = tpu.assume_multiple %add3A_2244, 16 : i32
      %swap3A_2246 = arith.constant 26 : i32
      %swap3A_2247 = arith.index_cast %swap3A_2246 : i32 to index
      %swap3A_2248 = arith.index_cast %multiple_of3A_2245 : i32 to index
      %swap3A_2249 = tpu.vector_load %arg5[%swap3A_2247, %swap3A_2248] {strides = array<i32>} : memref<32x2048xf32, #tpu.memory_space<vmem>>, vector<1x16xf32>,
      %swap3A_2250 = vector.shape_cast %swap3A_2249 : vector<1x16xf32> to vector<16xf32>
      %swap3A_2251 = vector.shape_cast %select_n3A_2242 : vector<16xf32> to vector<1x16xf32>
      tpu.vector_store %arg5[%swap3A_2247, %swap3A_2248], %swap3A_2251 {strides = array<i32>} : memref<32x2048xf32, #tpu.memory_space<vmem>>, vector<1x16xf32>,
      %slice3A_2252 = vector.extract_strided_slice %get3A_1047 {offsets = [11], sizes = [1], strides = [1]} : vector<16xf32> to vector<1xf32>
      %squeeze3A_2253 = vector.extract %slice3A_2252[0] : f32 from vector<1xf32>
      %broadcast_in_dim3A_2254 = vector.broadcast %squeeze3A_2253 : f32 to vector<16xf32>
      %slice3A_2255 = vector.extract_strided_slice %get3A_1053 {offsets = [11], sizes = [1], strides = [1]} : vector<16xf32> to vector<1xf32>
      %squeeze3A_2256 = vector.extract %slice3A_2255[0] : f32 from vector<1xf32>
      %broadcast_in_dim3A_2257 = vector.broadcast %squeeze3A_2256 : f32 to vector<16xf32>
      %slice3A_2258 = vector.extract_strided_slice %get3A_1059 {offsets = [11], sizes = [1], strides = [1]} : vector<16xf32> to vector<1xf32>
      %squeeze3A_2259 = vector.extract %slice3A_2258[0] : f32 from vector<1xf32>
      %broadcast_in_dim3A_2260 = vector.broadcast %squeeze3A_2259 : f32 to vector<16xf32>
      %slice3A_2261 = vector.extract_strided_slice %get3A_1065 {offsets = [11], sizes = [1], strides = [1]} : vector<16xf32> to vector<1xf32>
      %squeeze3A_2262 = vector.extract %slice3A_2261[0] : f32 from vector<1xf32>
      %broadcast_in_dim3A_2263 = vector.broadcast %squeeze3A_2262 : f32 to vector<16xf32>
      %slice3A_2264 = vector.extract_strided_slice %get3A_1071 {offsets = [11], sizes = [1], strides = [1]} : vector<16xf32> to vector<1xf32>
      %squeeze3A_2265 = vector.extract %slice3A_2264[0] : f32 from vector<1xf32>
      %broadcast_in_dim3A_2266 = vector.broadcast %squeeze3A_2265 : f32 to vector<16xf32>
      %select_n3A_2267 = arith.select %eq3A_1128, %broadcast_in_dim3A_2263, %broadcast_in_dim3A_2266 : vector<16xi1>, vector<16xf32>
      %select_n3A_2268 = arith.select %eq3A_1124, %broadcast_in_dim3A_2260, %select_n3A_2267 : vector<16xi1>, vector<16xf32>
      %select_n3A_2269 = arith.select %eq3A_1122, %broadcast_in_dim3A_2257, %select_n3A_2268 : vector<16xi1>, vector<16xf32>
      %select_n3A_2270 = arith.select %le3A_1119, %broadcast_in_dim3A_2254, %select_n3A_2269 : vector<16xi1>, vector<16xf32>
      %add3A_2271 = arith.constant 0 : i32
      %add3A_2272 = arith.addi %min3A_1112, %add3A_2271 : i32
      %multiple_of3A_2273 = tpu.assume_multiple %add3A_2272, 16 : i32
      %swap3A_2274 = arith.constant 27 : i32
      %swap3A_2275 = arith.index_cast %swap3A_2274 : i32 to index
      %swap3A_2276 = arith.index_cast %multiple_of3A_2273 : i32 to index
      %swap3A_2277 = tpu.vector_load %arg5[%swap3A_2275, %swap3A_2276] {strides = array<i32>} : memref<32x2048xf32, #tpu.memory_space<vmem>>, vector<1x16xf32>,
      %swap3A_2278 = vector.shape_cast %swap3A_2277 : vector<1x16xf32> to vector<16xf32>
      %swap3A_2279 = vector.shape_cast %select_n3A_2270 : vector<16xf32> to vector<1x16xf32>
      tpu.vector_store %arg5[%swap3A_2275, %swap3A_2276], %swap3A_2279 {strides = array<i32>} : memref<32x2048xf32, #tpu.memory_space<vmem>>, vector<1x16xf32>,
      %select_n3A_2280 = arith.select %eq3A_1146, %broadcast_in_dim3A_2263, %broadcast_in_dim3A_2266 : vector<16xi1>, vector<16xf32>
      %select_n3A_2281 = arith.select %eq3A_1142, %broadcast_in_dim3A_2260, %select_n3A_2280 : vector<16xi1>, vector<16xf32>
      %select_n3A_2282 = arith.select %eq3A_1140, %broadcast_in_dim3A_2257, %select_n3A_2281 : vector<16xi1>, vector<16xf32>
      %select_n3A_2283 = arith.select %le3A_1136, %broadcast_in_dim3A_2254, %select_n3A_2282 : vector<16xi1>, vector<16xf32>
      %add3A_2284 = arith.constant 16 : i32
      %add3A_2285 = arith.addi %min3A_1112, %add3A_2284 : i32
      %multiple_of3A_2286 = tpu.assume_multiple %add3A_2285, 16 : i32
      %swap3A_2287 = arith.constant 27 : i32
      %swap3A_2288 = arith.index_cast %swap3A_2287 : i32 to index
      %swap3A_2289 = arith.index_cast %multiple_of3A_2286 : i32 to index
      %swap3A_2290 = tpu.vector_load %arg5[%swap3A_2288, %swap3A_2289] {strides = array<i32>} : memref<32x2048xf32, #tpu.memory_space<vmem>>, vector<1x16xf32>,
      %swap3A_2291 = vector.shape_cast %swap3A_2290 : vector<1x16xf32> to vector<16xf32>
      %swap3A_2292 = vector.shape_cast %select_n3A_2283 : vector<16xf32> to vector<1x16xf32>
      tpu.vector_store %arg5[%swap3A_2288, %swap3A_2289], %swap3A_2292 {strides = array<i32>} : memref<32x2048xf32, #tpu.memory_space<vmem>>, vector<1x16xf32>,
      %slice3A_2293 = vector.extract_strided_slice %get3A_1047 {offsets = [12], sizes = [1], strides = [1]} : vector<16xf32> to vector<1xf32>
      %squeeze3A_2294 = vector.extract %slice3A_2293[0] : f32 from vector<1xf32>
      %broadcast_in_dim3A_2295 = vector.broadcast %squeeze3A_2294 : f32 to vector<16xf32>
      %slice3A_2296 = vector.extract_strided_slice %get3A_1053 {offsets = [12], sizes = [1], strides = [1]} : vector<16xf32> to vector<1xf32>
      %squeeze3A_2297 = vector.extract %slice3A_2296[0] : f32 from vector<1xf32>
      %broadcast_in_dim3A_2298 = vector.broadcast %squeeze3A_2297 : f32 to vector<16xf32>
      %slice3A_2299 = vector.extract_strided_slice %get3A_1059 {offsets = [12], sizes = [1], strides = [1]} : vector<16xf32> to vector<1xf32>
      %squeeze3A_2300 = vector.extract %slice3A_2299[0] : f32 from vector<1xf32>
      %broadcast_in_dim3A_2301 = vector.broadcast %squeeze3A_2300 : f32 to vector<16xf32>
      %slice3A_2302 = vector.extract_strided_slice %get3A_1065 {offsets = [12], sizes = [1], strides = [1]} : vector<16xf32> to vector<1xf32>
      %squeeze3A_2303 = vector.extract %slice3A_2302[0] : f32 from vector<1xf32>
      %broadcast_in_dim3A_2304 = vector.broadcast %squeeze3A_2303 : f32 to vector<16xf32>
      %slice3A_2305 = vector.extract_strided_slice %get3A_1071 {offsets = [12], sizes = [1], strides = [1]} : vector<16xf32> to vector<1xf32>
      %squeeze3A_2306 = vector.extract %slice3A_2305[0] : f32 from vector<1xf32>
      %broadcast_in_dim3A_2307 = vector.broadcast %squeeze3A_2306 : f32 to vector<16xf32>
      %select_n3A_2308 = arith.select %eq3A_1128, %broadcast_in_dim3A_2304, %broadcast_in_dim3A_2307 : vector<16xi1>, vector<16xf32>
      %select_n3A_2309 = arith.select %eq3A_1124, %broadcast_in_dim3A_2301, %select_n3A_2308 : vector<16xi1>, vector<16xf32>
      %select_n3A_2310 = arith.select %eq3A_1122, %broadcast_in_dim3A_2298, %select_n3A_2309 : vector<16xi1>, vector<16xf32>
      %select_n3A_2311 = arith.select %le3A_1119, %broadcast_in_dim3A_2295, %select_n3A_2310 : vector<16xi1>, vector<16xf32>
      %add3A_2312 = arith.constant 0 : i32
      %add3A_2313 = arith.addi %min3A_1112, %add3A_2312 : i32
      %multiple_of3A_2314 = tpu.assume_multiple %add3A_2313, 16 : i32
      %swap3A_2315 = arith.constant 28 : i32
      %swap3A_2316 = arith.index_cast %swap3A_2315 : i32 to index
      %swap3A_2317 = arith.index_cast %multiple_of3A_2314 : i32 to index
      %swap3A_2318 = tpu.vector_load %arg5[%swap3A_2316, %swap3A_2317] {strides = array<i32>} : memref<32x2048xf32, #tpu.memory_space<vmem>>, vector<1x16xf32>,
      %swap3A_2319 = vector.shape_cast %swap3A_2318 : vector<1x16xf32> to vector<16xf32>
      %swap3A_2320 = vector.shape_cast %select_n3A_2311 : vector<16xf32> to vector<1x16xf32>
      tpu.vector_store %arg5[%swap3A_2316, %swap3A_2317], %swap3A_2320 {strides = array<i32>} : memref<32x2048xf32, #tpu.memory_space<vmem>>, vector<1x16xf32>,
      %select_n3A_2321 = arith.select %eq3A_1146, %broadcast_in_dim3A_2304, %broadcast_in_dim3A_2307 : vector<16xi1>, vector<16xf32>
      %select_n3A_2322 = arith.select %eq3A_1142, %broadcast_in_dim3A_2301, %select_n3A_2321 : vector<16xi1>, vector<16xf32>
      %select_n3A_2323 = arith.select %eq3A_1140, %broadcast_in_dim3A_2298, %select_n3A_2322 : vector<16xi1>, vector<16xf32>
      %select_n3A_2324 = arith.select %le3A_1136, %broadcast_in_dim3A_2295, %select_n3A_2323 : vector<16xi1>, vector<16xf32>
      %add3A_2325 = arith.constant 16 : i32
      %add3A_2326 = arith.addi %min3A_1112, %add3A_2325 : i32
      %multiple_of3A_2327 = tpu.assume_multiple %add3A_2326, 16 : i32
      %swap3A_2328 = arith.constant 28 : i32
      %swap3A_2329 = arith.index_cast %swap3A_2328 : i32 to index
      %swap3A_2330 = arith.index_cast %multiple_of3A_2327 : i32 to index
      %swap3A_2331 = tpu.vector_load %arg5[%swap3A_2329, %swap3A_2330] {strides = array<i32>} : memref<32x2048xf32, #tpu.memory_space<vmem>>, vector<1x16xf32>,
      %swap3A_2332 = vector.shape_cast %swap3A_2331 : vector<1x16xf32> to vector<16xf32>
      %swap3A_2333 = vector.shape_cast %select_n3A_2324 : vector<16xf32> to vector<1x16xf32>
      tpu.vector_store %arg5[%swap3A_2329, %swap3A_2330], %swap3A_2333 {strides = array<i32>} : memref<32x2048xf32, #tpu.memory_space<vmem>>, vector<1x16xf32>,
      %slice3A_2334 = vector.extract_strided_slice %get3A_1047 {offsets = [13], sizes = [1], strides = [1]} : vector<16xf32> to vector<1xf32>
      %squeeze3A_2335 = vector.extract %slice3A_2334[0] : f32 from vector<1xf32>
      %broadcast_in_dim3A_2336 = vector.broadcast %squeeze3A_2335 : f32 to vector<16xf32>
      %slice3A_2337 = vector.extract_strided_slice %get3A_1053 {offsets = [13], sizes = [1], strides = [1]} : vector<16xf32> to vector<1xf32>
      %squeeze3A_2338 = vector.extract %slice3A_2337[0] : f32 from vector<1xf32>
      %broadcast_in_dim3A_2339 = vector.broadcast %squeeze3A_2338 : f32 to vector<16xf32>
      %slice3A_2340 = vector.extract_strided_slice %get3A_1059 {offsets = [13], sizes = [1], strides = [1]} : vector<16xf32> to vector<1xf32>
      %squeeze3A_2341 = vector.extract %slice3A_2340[0] : f32 from vector<1xf32>
      %broadcast_in_dim3A_2342 = vector.broadcast %squeeze3A_2341 : f32 to vector<16xf32>
      %slice3A_2343 = vector.extract_strided_slice %get3A_1065 {offsets = [13], sizes = [1], strides = [1]} : vector<16xf32> to vector<1xf32>
      %squeeze3A_2344 = vector.extract %slice3A_2343[0] : f32 from vector<1xf32>
      %broadcast_in_dim3A_2345 = vector.broadcast %squeeze3A_2344 : f32 to vector<16xf32>
      %slice3A_2346 = vector.extract_strided_slice %get3A_1071 {offsets = [13], sizes = [1], strides = [1]} : vector<16xf32> to vector<1xf32>
      %squeeze3A_2347 = vector.extract %slice3A_2346[0] : f32 from vector<1xf32>
      %broadcast_in_dim3A_2348 = vector.broadcast %squeeze3A_2347 : f32 to vector<16xf32>
      %select_n3A_2349 = arith.select %eq3A_1128, %broadcast_in_dim3A_2345, %broadcast_in_dim3A_2348 : vector<16xi1>, vector<16xf32>
      %select_n3A_2350 = arith.select %eq3A_1124, %broadcast_in_dim3A_2342, %select_n3A_2349 : vector<16xi1>, vector<16xf32>
      %select_n3A_2351 = arith.select %eq3A_1122, %broadcast_in_dim3A_2339, %select_n3A_2350 : vector<16xi1>, vector<16xf32>
      %select_n3A_2352 = arith.select %le3A_1119, %broadcast_in_dim3A_2336, %select_n3A_2351 : vector<16xi1>, vector<16xf32>
      %add3A_2353 = arith.constant 0 : i32
      %add3A_2354 = arith.addi %min3A_1112, %add3A_2353 : i32
      %multiple_of3A_2355 = tpu.assume_multiple %add3A_2354, 16 : i32
      %swap3A_2356 = arith.constant 29 : i32
      %swap3A_2357 = arith.index_cast %swap3A_2356 : i32 to index
      %swap3A_2358 = arith.index_cast %multiple_of3A_2355 : i32 to index
      %swap3A_2359 = tpu.vector_load %arg5[%swap3A_2357, %swap3A_2358] {strides = array<i32>} : memref<32x2048xf32, #tpu.memory_space<vmem>>, vector<1x16xf32>,
      %swap3A_2360 = vector.shape_cast %swap3A_2359 : vector<1x16xf32> to vector<16xf32>
      %swap3A_2361 = vector.shape_cast %select_n3A_2352 : vector<16xf32> to vector<1x16xf32>
      tpu.vector_store %arg5[%swap3A_2357, %swap3A_2358], %swap3A_2361 {strides = array<i32>} : memref<32x2048xf32, #tpu.memory_space<vmem>>, vector<1x16xf32>,
      %select_n3A_2362 = arith.select %eq3A_1146, %broadcast_in_dim3A_2345, %broadcast_in_dim3A_2348 : vector<16xi1>, vector<16xf32>
      %select_n3A_2363 = arith.select %eq3A_1142, %broadcast_in_dim3A_2342, %select_n3A_2362 : vector<16xi1>, vector<16xf32>
      %select_n3A_2364 = arith.select %eq3A_1140, %broadcast_in_dim3A_2339, %select_n3A_2363 : vector<16xi1>, vector<16xf32>
      %select_n3A_2365 = arith.select %le3A_1136, %broadcast_in_dim3A_2336, %select_n3A_2364 : vector<16xi1>, vector<16xf32>
      %add3A_2366 = arith.constant 16 : i32
      %add3A_2367 = arith.addi %min3A_1112, %add3A_2366 : i32
      %multiple_of3A_2368 = tpu.assume_multiple %add3A_2367, 16 : i32
      %swap3A_2369 = arith.constant 29 : i32
      %swap3A_2370 = arith.index_cast %swap3A_2369 : i32 to index
      %swap3A_2371 = arith.index_cast %multiple_of3A_2368 : i32 to index
      %swap3A_2372 = tpu.vector_load %arg5[%swap3A_2370, %swap3A_2371] {strides = array<i32>} : memref<32x2048xf32, #tpu.memory_space<vmem>>, vector<1x16xf32>,
      %swap3A_2373 = vector.shape_cast %swap3A_2372 : vector<1x16xf32> to vector<16xf32>
      %swap3A_2374 = vector.shape_cast %select_n3A_2365 : vector<16xf32> to vector<1x16xf32>
      tpu.vector_store %arg5[%swap3A_2370, %swap3A_2371], %swap3A_2374 {strides = array<i32>} : memref<32x2048xf32, #tpu.memory_space<vmem>>, vector<1x16xf32>,
      %slice3A_2375 = vector.extract_strided_slice %get3A_1047 {offsets = [14], sizes = [1], strides = [1]} : vector<16xf32> to vector<1xf32>
      %squeeze3A_2376 = vector.extract %slice3A_2375[0] : f32 from vector<1xf32>
      %broadcast_in_dim3A_2377 = vector.broadcast %squeeze3A_2376 : f32 to vector<16xf32>
      %slice3A_2378 = vector.extract_strided_slice %get3A_1053 {offsets = [14], sizes = [1], strides = [1]} : vector<16xf32> to vector<1xf32>
      %squeeze3A_2379 = vector.extract %slice3A_2378[0] : f32 from vector<1xf32>
      %broadcast_in_dim3A_2380 = vector.broadcast %squeeze3A_2379 : f32 to vector<16xf32>
      %slice3A_2381 = vector.extract_strided_slice %get3A_1059 {offsets = [14], sizes = [1], strides = [1]} : vector<16xf32> to vector<1xf32>
      %squeeze3A_2382 = vector.extract %slice3A_2381[0] : f32 from vector<1xf32>
      %broadcast_in_dim3A_2383 = vector.broadcast %squeeze3A_2382 : f32 to vector<16xf32>
      %slice3A_2384 = vector.extract_strided_slice %get3A_1065 {offsets = [14], sizes = [1], strides = [1]} : vector<16xf32> to vector<1xf32>
      %squeeze3A_2385 = vector.extract %slice3A_2384[0] : f32 from vector<1xf32>
      %broadcast_in_dim3A_2386 = vector.broadcast %squeeze3A_2385 : f32 to vector<16xf32>
      %slice3A_2387 = vector.extract_strided_slice %get3A_1071 {offsets = [14], sizes = [1], strides = [1]} : vector<16xf32> to vector<1xf32>
      %squeeze3A_2388 = vector.extract %slice3A_2387[0] : f32 from vector<1xf32>
      %broadcast_in_dim3A_2389 = vector.broadcast %squeeze3A_2388 : f32 to vector<16xf32>
      %select_n3A_2390 = arith.select %eq3A_1128, %broadcast_in_dim3A_2386, %broadcast_in_dim3A_2389 : vector<16xi1>, vector<16xf32>
      %select_n3A_2391 = arith.select %eq3A_1124, %broadcast_in_dim3A_2383, %select_n3A_2390 : vector<16xi1>, vector<16xf32>
      %select_n3A_2392 = arith.select %eq3A_1122, %broadcast_in_dim3A_2380, %select_n3A_2391 : vector<16xi1>, vector<16xf32>
      %select_n3A_2393 = arith.select %le3A_1119, %broadcast_in_dim3A_2377, %select_n3A_2392 : vector<16xi1>, vector<16xf32>
      %add3A_2394 = arith.constant 0 : i32
      %add3A_2395 = arith.addi %min3A_1112, %add3A_2394 : i32
      %multiple_of3A_2396 = tpu.assume_multiple %add3A_2395, 16 : i32
      %swap3A_2397 = arith.constant 30 : i32
      %swap3A_2398 = arith.index_cast %swap3A_2397 : i32 to index
      %swap3A_2399 = arith.index_cast %multiple_of3A_2396 : i32 to index
      %swap3A_2400 = tpu.vector_load %arg5[%swap3A_2398, %swap3A_2399] {strides = array<i32>} : memref<32x2048xf32, #tpu.memory_space<vmem>>, vector<1x16xf32>,
      %swap3A_2401 = vector.shape_cast %swap3A_2400 : vector<1x16xf32> to vector<16xf32>
      %swap3A_2402 = vector.shape_cast %select_n3A_2393 : vector<16xf32> to vector<1x16xf32>
      tpu.vector_store %arg5[%swap3A_2398, %swap3A_2399], %swap3A_2402 {strides = array<i32>} : memref<32x2048xf32, #tpu.memory_space<vmem>>, vector<1x16xf32>,
      %select_n3A_2403 = arith.select %eq3A_1146, %broadcast_in_dim3A_2386, %broadcast_in_dim3A_2389 : vector<16xi1>, vector<16xf32>
      %select_n3A_2404 = arith.select %eq3A_1142, %broadcast_in_dim3A_2383, %select_n3A_2403 : vector<16xi1>, vector<16xf32>
      %select_n3A_2405 = arith.select %eq3A_1140, %broadcast_in_dim3A_2380, %select_n3A_2404 : vector<16xi1>, vector<16xf32>
      %select_n3A_2406 = arith.select %le3A_1136, %broadcast_in_dim3A_2377, %select_n3A_2405 : vector<16xi1>, vector<16xf32>
      %add3A_2407 = arith.constant 16 : i32
      %add3A_2408 = arith.addi %min3A_1112, %add3A_2407 : i32
      %multiple_of3A_2409 = tpu.assume_multiple %add3A_2408, 16 : i32
      %swap3A_2410 = arith.constant 30 : i32
      %swap3A_2411 = arith.index_cast %swap3A_2410 : i32 to index
      %swap3A_2412 = arith.index_cast %multiple_of3A_2409 : i32 to index
      %swap3A_2413 = tpu.vector_load %arg5[%swap3A_2411, %swap3A_2412] {strides = array<i32>} : memref<32x2048xf32, #tpu.memory_space<vmem>>, vector<1x16xf32>,
      %swap3A_2414 = vector.shape_cast %swap3A_2413 : vector<1x16xf32> to vector<16xf32>
      %swap3A_2415 = vector.shape_cast %select_n3A_2406 : vector<16xf32> to vector<1x16xf32>
      tpu.vector_store %arg5[%swap3A_2411, %swap3A_2412], %swap3A_2415 {strides = array<i32>} : memref<32x2048xf32, #tpu.memory_space<vmem>>, vector<1x16xf32>,
      %slice3A_2416 = vector.extract_strided_slice %get3A_1047 {offsets = [15], sizes = [1], strides = [1]} : vector<16xf32> to vector<1xf32>
      %squeeze3A_2417 = vector.extract %slice3A_2416[0] : f32 from vector<1xf32>
      %broadcast_in_dim3A_2418 = vector.broadcast %squeeze3A_2417 : f32 to vector<16xf32>
      %slice3A_2419 = vector.extract_strided_slice %get3A_1053 {offsets = [15], sizes = [1], strides = [1]} : vector<16xf32> to vector<1xf32>
      %squeeze3A_2420 = vector.extract %slice3A_2419[0] : f32 from vector<1xf32>
      %broadcast_in_dim3A_2421 = vector.broadcast %squeeze3A_2420 : f32 to vector<16xf32>
      %slice3A_2422 = vector.extract_strided_slice %get3A_1059 {offsets = [15], sizes = [1], strides = [1]} : vector<16xf32> to vector<1xf32>
      %squeeze3A_2423 = vector.extract %slice3A_2422[0] : f32 from vector<1xf32>
      %broadcast_in_dim3A_2424 = vector.broadcast %squeeze3A_2423 : f32 to vector<16xf32>
      %slice3A_2425 = vector.extract_strided_slice %get3A_1065 {offsets = [15], sizes = [1], strides = [1]} : vector<16xf32> to vector<1xf32>
      %squeeze3A_2426 = vector.extract %slice3A_2425[0] : f32 from vector<1xf32>
      %broadcast_in_dim3A_2427 = vector.broadcast %squeeze3A_2426 : f32 to vector<16xf32>
      %slice3A_2428 = vector.extract_strided_slice %get3A_1071 {offsets = [15], sizes = [1], strides = [1]} : vector<16xf32> to vector<1xf32>
      %squeeze3A_2429 = vector.extract %slice3A_2428[0] : f32 from vector<1xf32>
      %broadcast_in_dim3A_2430 = vector.broadcast %squeeze3A_2429 : f32 to vector<16xf32>
      %select_n3A_2431 = arith.select %eq3A_1128, %broadcast_in_dim3A_2427, %broadcast_in_dim3A_2430 : vector<16xi1>, vector<16xf32>
      %select_n3A_2432 = arith.select %eq3A_1124, %broadcast_in_dim3A_2424, %select_n3A_2431 : vector<16xi1>, vector<16xf32>
      %select_n3A_2433 = arith.select %eq3A_1122, %broadcast_in_dim3A_2421, %select_n3A_2432 : vector<16xi1>, vector<16xf32>
      %select_n3A_2434 = arith.select %le3A_1119, %broadcast_in_dim3A_2418, %select_n3A_2433 : vector<16xi1>, vector<16xf32>
      %add3A_2435 = arith.constant 0 : i32
      %add3A_2436 = arith.addi %min3A_1112, %add3A_2435 : i32
      %multiple_of3A_2437 = tpu.assume_multiple %add3A_2436, 16 : i32
      %swap3A_2438 = arith.constant 31 : i32
      %swap3A_2439 = arith.index_cast %swap3A_2438 : i32 to index
      %swap3A_2440 = arith.index_cast %multiple_of3A_2437 : i32 to index
      %swap3A_2441 = tpu.vector_load %arg5[%swap3A_2439, %swap3A_2440] {strides = array<i32>} : memref<32x2048xf32, #tpu.memory_space<vmem>>, vector<1x16xf32>,
      %swap3A_2442 = vector.shape_cast %swap3A_2441 : vector<1x16xf32> to vector<16xf32>
      %swap3A_2443 = vector.shape_cast %select_n3A_2434 : vector<16xf32> to vector<1x16xf32>
      tpu.vector_store %arg5[%swap3A_2439, %swap3A_2440], %swap3A_2443 {strides = array<i32>} : memref<32x2048xf32, #tpu.memory_space<vmem>>, vector<1x16xf32>,
      %select_n3A_2444 = arith.select %eq3A_1146, %broadcast_in_dim3A_2427, %broadcast_in_dim3A_2430 : vector<16xi1>, vector<16xf32>
      %select_n3A_2445 = arith.select %eq3A_1142, %broadcast_in_dim3A_2424, %select_n3A_2444 : vector<16xi1>, vector<16xf32>
      %select_n3A_2446 = arith.select %eq3A_1140, %broadcast_in_dim3A_2421, %select_n3A_2445 : vector<16xi1>, vector<16xf32>
      %select_n3A_2447 = arith.select %le3A_1136, %broadcast_in_dim3A_2418, %select_n3A_2446 : vector<16xi1>, vector<16xf32>
      %add3A_2448 = arith.constant 16 : i32
      %add3A_2449 = arith.addi %min3A_1112, %add3A_2448 : i32
      %multiple_of3A_2450 = tpu.assume_multiple %add3A_2449, 16 : i32
      %swap3A_2451 = arith.constant 31 : i32
      %swap3A_2452 = arith.index_cast %swap3A_2451 : i32 to index
      %swap3A_2453 = arith.index_cast %multiple_of3A_2450 : i32 to index
      %swap3A_2454 = tpu.vector_load %arg5[%swap3A_2452, %swap3A_2453] {strides = array<i32>} : memref<32x2048xf32, #tpu.memory_space<vmem>>, vector<1x16xf32>,
      %swap3A_2455 = vector.shape_cast %swap3A_2454 : vector<1x16xf32> to vector<16xf32>
      %swap3A_2456 = vector.shape_cast %select_n3A_2447 : vector<16xf32> to vector<1x16xf32>
      tpu.vector_store %arg5[%swap3A_2452, %swap3A_2453], %swap3A_2456 {strides = array<i32>} : memref<32x2048xf32, #tpu.memory_space<vmem>>, vector<1x16xf32>,
      "tpu.region"() ({
        %run_scoped3A = tpu.sem_alloc : memref<!tpu.dma_semaphore, #tpu.memory_space<semaphore_mem>>
        %dma_start3A = arith.constant 0 : i32
        %dma_start3A_2458 = arith.constant 0 : i32
        %dma_start3A_2459 = tpu.memref_slice %arg3[%add3A_1080, %dma_start3A, %dma_start3A_2458] : memref<2048x32x2048xf32, #tpu.memory_space<hbm>> -> memref<1x32x2048xf32, #tpu.memory_space<hbm>>
        %dma_start3A_2460 = tpu.memref_squeeze %dma_start3A_2459 : memref<1x32x2048xf32, #tpu.memory_space<hbm>> -> memref<32x2048xf32, #tpu.memory_space<hbm>>
        %dma_start3A_2461 = arith.constant 0 : i32
        %dma_start3A_2462 = arith.constant 0 : i32
        %dma_start3A_2463 = tpu.memref_slice %arg3[%add3A_1080, %dma_start3A_2461, %dma_start3A_2462] : memref<2048x32x2048xf32, #tpu.memory_space<hbm>> -> memref<1x32x2048xf32, #tpu.memory_space<hbm>>
        %dma_start3A_2464 = tpu.memref_squeeze %dma_start3A_2463 : memref<1x32x2048xf32, #tpu.memory_space<hbm>> -> memref<32x2048xf32, #tpu.memory_space<hbm>>
        tpu.enqueue_dma source(%arg5 : memref<32x2048xf32, #tpu.memory_space<vmem>>) target(%dma_start3A_2464 : memref<32x2048xf32, #tpu.memory_space<hbm>>) target_semaphore(%run_scoped3A : memref<!tpu.dma_semaphore, #tpu.memory_space<semaphore_mem>>)
        %dma_wait3A = arith.constant 0 : i32
        %dma_wait3A_2465 = arith.constant 0 : i32
        %dma_wait3A_2466 = tpu.memref_slice %arg3[%add3A_1080, %dma_wait3A, %dma_wait3A_2465] : memref<2048x32x2048xf32, #tpu.memory_space<hbm>> -> memref<1x32x2048xf32, #tpu.memory_space<hbm>>
        %dma_wait3A_2467 = tpu.memref_squeeze %dma_wait3A_2466 : memref<1x32x2048xf32, #tpu.memory_space<hbm>> -> memref<32x2048xf32, #tpu.memory_space<hbm>>
        %dma_wait3A_2468 = arith.constant 0 : i32
        %dma_wait3A_2469 = arith.constant 0 : i32
        %dma_wait3A_2470 = tpu.memref_slice %arg3[%add3A_1080, %dma_wait3A_2468, %dma_wait3A_2469] : memref<2048x32x2048xf32, #tpu.memory_space<hbm>> -> memref<1x32x2048xf32, #tpu.memory_space<hbm>>
        %dma_wait3A_2471 = tpu.memref_squeeze %dma_wait3A_2470 : memref<1x32x2048xf32, #tpu.memory_space<hbm>> -> memref<32x2048xf32, #tpu.memory_space<hbm>>
        tpu.wait_dma2 semaphore(%run_scoped3A : memref<!tpu.dma_semaphore, #tpu.memory_space<semaphore_mem>>) src(%arg5 : memref<32x2048xf32, #tpu.memory_space<vmem>>) dst(%dma_wait3A_2471 : memref<32x2048xf32, #tpu.memory_space<hbm>>)
        tpu.yield
      }) : () -> ()
      %scan3A_2457 = arith.constant 0 : i32
      scf.yield %scan3A_2457 : i32
    }
    %scan3A_1077 = arith.constant 64 : i32
    return
  }
}

</mosaic_0001>

<sc_bundles>
// kernel: kernel.3.cloned.1.call-start
scs
__scs_entry_jumppad:
0x0: {  	(pc) =	sbr.rel $0x88, $3  }
0x1: {  	(tag) =	ssettag $0x0;
	lr =	simm.s32 $0x1  }
0x2: {  	[smem:$0x3FA0] =	sst lr;
	_ =	strace $0xD0000000  }
0x3: {  	_ = 	snop  }
0x4: {  	_ = 	snop  }
0x5: {  	_ = 	snop  }
0x6: {  	_ = 	snop  }
0x7: {  	_ = 	snop  }
__scs_overlays_trampoline_lowered:
0x8: {  	[smem:$0x3FAF] =	sst s0  }
0x9: {  	[smem:$0x3FB0] =	sst s1  }
0xa: {  	[smem:$0x3FB1] =	sst s2  }
0xb: {  	[smem:$0x3FB2] =	sst s3  }
0xc: {  	[smem:$0x3FB3] =	sst s4  }
0xd: {  	[smem:$0x3FB4] =	sst s5  }
0xe: {  	[smem:$0x3FB5] =	sst s6  }
0xf: {  	[smem:$0x3FB6] =	sst s7  }
0x10: {  	[smem:$0x3FB7] =	sst s8  }
0x11: {  	[smem:$0x3FB8] =	sst s9;
	s0 =	simm.s32 @!p0 $0x0  }
0x12: {  	s1 =	sld [smem:$0x3F9E];
	s0 =	simm.s32 @p0 $0x1  }
0x13: {  	[smem:$0x3FB9] =	sst s0;
	s0 =	simm.s32 @!p1 $0x0  }
0x14: {  	s2 =	sld [smem:$0x3F9D];
	s0 =	simm.s32 @p1 $0x1  }
0x15: {  	[smem:$0x3FBA] =	sst s0;
	s0 =	simm.s32 @!p2 $0x0  }
0x16: {  	s3 =	sld [smem:$0x3FDB];
	s0 =	simm.s32 @p2 $0x1  }
0x17: {  	s4 =	simm.s32 $0x1BF5;
	[smem:$0x3FBC] =	sst s0  }
0x18: {  	s0 =	sld [smem:$0x3F9F];
	_ =	swait.ge [sflag:s4], $0x0  }
0x19: {  	s7 =	sld [smem:$0x3FA0]  }
0x1a: {  	s8 =	sadd.s32 $0xFFFFE003, lr  }
0x1b: {  	s9 =	sadd.s32 $0xFFFFFEF7, lr;
	s5 =	simm.s32 $0xFFFFFFFF;
	p2 =	slt.u32 s8, $0xFFFFF086  }
0x1c: {  	p1 =	slt.u32 s9, $0xF7A;
	s5 =	simm.s32 @!p2 $0x0  }
0x1d: {  	s5 =	simm.s32 @p1 $0x1;
	p0 =	seq.s32 s7, s2  }
0x1e: {  	s7 =	smul.u32 @!p0 $0xF7A, s2;
	p2 =	seq.s32 @!p0 s5, $0x0  }
0x1f: {  	s9 =	smul.u32 $0xF7A, s1;
	s8 =	simm.s32 @!p0 $0x1BF5;
	p2 =	por !p2, p0  }
0x20: {  	[sflag:s8] =	ssyncset.s32 @!p0 $0xFFFFF086;
	s6 =	sadd.s32 @!p0 s3, s7;
	s7 =	simm.s32 @!p0 $0x108  }
0x21: {  	s3 =	sadd.s32 s3, s9;
	s6 =	sadd.s32 @!p0 $0x88, s6;
	s7 =	simm.s32 @p2 $0x1082  }
0x22: {  	[simem:s7], [sflag:s8] =	dma.local @!p0 [hbm:s6], $0xF7A  }
0x23: {  	s9 =	sor.u32 $0xD0000000, s2;
	s6 =	simm.s32 $0x108;
	_ =	swait.ge @!p0 [sflag:s8], $0x0  }
0x24: {  	s3 =	sadd.s32 $0x88, s3;
	s6 =	simm.s32 @!p1 $0x1082;
	[sflag:s4] =	ssyncset.s32 $0xFFFFF086  }
0x25: {  	[simem:s6], [sflag:s4] =	dma.local [hbm:s3], $0xF7A  }
0x26: {  	[smem:$0x3FA0] =	sst s1;
	(tag) =	ssettag s2;
	_ =	strace s9  }
0x27: {  	s1 =	sld [smem:$0x3FB0]  }
0x28: {  	s2 =	sld [smem:$0x3FB1]  }
0x29: {  	s4 =	sld [smem:$0x3FB3]  }
0x2a: {  	p0 =	seq.s32 s5, $0x0;
	s5 =	sld [smem:$0x3FB4]  }
0x2b: {  	s6 =	sld [smem:$0x3FB5]  }
0x2c: {  	s7 =	sld [smem:$0x3FB6]  }
0x2d: {  	s3 =	simm.s32 $0x108;
	s8 =	sld [smem:$0x3FB7]  }
0x2e: {  	s3 =	simm.s32 @!p0 $0x1082;
	s9 =	sld [smem:$0x3FB8]  }
0x2f: {  	lr =	sadd.s32 s0, s3;
	s0 =	sld [smem:$0x3FAF]  }
0x30: {  	s3 =	sld [smem:$0x3FB2]  }
0x31: {  	[smem:$0x3FBB] =	sst s10  }
0x32: {  	s10 =	sld [smem:$0x3FB9];
	_ =	sdelay $0x3  }
0x33: {  	p0 =	seq.s32 s10, $0x1;
	s10 =	sld [smem:$0x3FBB];
	_ =	sdelay $0x3  }
0x34: {  	[smem:$0x3FBB] =	sst s10  }
0x35: {  	s10 =	sld [smem:$0x3FBA];
	_ =	sdelay $0x3  }
0x36: {  	p1 =	seq.s32 s10, $0x1;
	s10 =	sld [smem:$0x3FBB];
	_ =	sdelay $0x3  }
0x37: {  	[smem:$0x3FBB] =	sst s10  }
0x38: {  	s10 =	sld [smem:$0x3FBC]  }
0x39: {  	_ = 	snop;
	(pc) =	sbr.ind lr, $3  }
0x3a: {  	_ = 	snop  }
0x3b: {  	_ = 	snop  }
0x3c: {  	p2 =	seq.s32 s10, $0x1;
	s10 =	sld [smem:$0x3FBB]  }
0x3d: {  	_ =	shalt  }
0x3e: {  	_ =	shalt  }
0x3f: {  	_ =	shalt  }
0x40: {  	_ =	shalt  }
0x41: {  	_ =	shalt  }
0x42: {  	_ =	shalt  }
0x43: {  	_ =	shalt  }
0x44: {  	_ =	shalt  }
0x45: {  	_ =	shalt  }
0x46: {  	_ =	shalt  }
0x47: {  	_ =	shalt  }
0x48: {  	_ =	shalt  }
0x49: {  	_ =	shalt  }
0x4a: {  	_ =	shalt  }
0x4b: {  	_ =	shalt  }
0x4c: {  	_ =	shalt  }
0x4d: {  	_ =	shalt  }
0x4e: {  	_ =	shalt  }
0x4f: {  	_ =	shalt  }
0x50: {  	_ =	shalt  }
0x51: {  	_ =	shalt  }
0x52: {  	_ =	shalt  }
0x53: {  	_ =	shalt  }
0x54: {  	_ =	shalt  }
0x55: {  	_ =	shalt  }
0x56: {  	_ =	shalt  }
0x57: {  	_ =	shalt  }
0x58: {  	_ =	shalt  }
0x59: {  	_ =	shalt  }
0x5a: {  	_ =	shalt  }
0x5b: {  	_ =	shalt  }
0x5c: {  	_ =	shalt  }
0x5d: {  	_ =	shalt  }
0x5e: {  	_ =	shalt  }
0x5f: {  	_ =	shalt  }
0x60: {  	_ =	shalt  }
0x61: {  	_ =	shalt  }
0x62: {  	_ =	shalt  }
0x63: {  	_ =	shalt  }
0x64: {  	_ =	shalt  }
0x65: {  	_ =	shalt  }
0x66: {  	_ =	shalt  }
0x67: {  	_ =	shalt  }
0x68: {  	_ =	shalt  }
0x69: {  	_ =	shalt  }
0x6a: {  	_ =	shalt  }
0x6b: {  	_ =	shalt  }
0x6c: {  	_ =	shalt  }
0x6d: {  	_ =	shalt  }
0x6e: {  	_ =	shalt  }
0x6f: {  	_ =	shalt  }
0x70: {  	_ =	shalt  }
0x71: {  	_ =	shalt  }
0x72: {  	_ =	shalt  }
0x73: {  	_ =	shalt  }
0x74: {  	_ =	shalt  }
0x75: {  	_ =	shalt  }
0x76: {  	_ =	shalt  }
0x77: {  	_ =	shalt  }
0x78: {  	_ =	shalt  }
0x79: {  	_ =	shalt  }
0x7a: {  	_ =	shalt  }
0x7b: {  	_ =	shalt  }
0x7c: {  	_ =	shalt  }
0x7d: {  	_ =	shalt  }
0x7e: {  	_ =	shalt  }
0x7f: {  	_ =	shalt  }
0x80: {  	_ =	shalt  }
0x81: {  	_ =	shalt  }
0x82: {  	_ =	shalt  }
0x83: {  	_ =	shalt  }
0x84: {  	_ =	shalt  }
0x85: {  	_ =	shalt  }
0x86: {  	_ =	shalt  }
0x87: {  	_ =	shalt  }
.Lfunc_end0:
.L_simem_size_0:
called_computation_lowered:
.L_overlay_start_0:
0x88: {  	s2 =	sld [smem:$0x3FD9]  }
0x89: {  	s3 =	sld [smem:$0x3FFE];
	_ =	sdelay $0x1  }
0x8a: {  	s1 =	srdreg.scid  }
0x8b: {  	s0 =	sand.u32 $0x1, s1  }
0x8c: {  	s17 =	sshll.u32 s0, $0xA;
	s2 =	sadd.s32 s3, s2  }
0x8d: {  	s2 =	sadd.s32 s2, s17  }
0x8e: {  	[smem:$0x3FC7] =	sst s2  }
0x8f: {  	_ = 	snop  }
0x90: {  	s2 =	sld [smem:$0x3FD0];
	(tm) =	ssettm $0x1  }
0x91: {  	s18 =	sld [smem:$0x3FFB];
	_ =	sdelay $0x3  }
0x92: {  	_ =	strace s18  }
0x93: {  	s3 =	sld [smem:$0x3FFC];
	_ =	sdelay $0x3  }
0x94: {  	_ =	strace s3  }
0x95: {  	s3 =	sld [smem:$0x3FFD];
	_ =	sdelay $0x3  }
0x96: {  	_ =	strace s3  }
0x97: {  	_ =	strace $0x8FFFFFFF  }
0x98: {  	s19 =	sld [smem:$0x3FDB];
	_ =	sdelay $0x1  }
0x99: {  	s4 =	simm.s32 $_scs_section_size  }
0x9a: {  	s5 =	simm.s32 $_size__tile_overlayer_lowered;
	s6 =	simm.s32 $_tile_overlayer_lowered  }
0x9b: {  	s22 =	simm.s32 $0x1BFF;
	s21 =	sshll.u32 s6, $0x1;
	s3 =	sadd.s32 s4, s19  }
0x9c: {  	s7 =	simm.s32 $0x0;
	s20 =	sshll.u32 s5, $0x1;
	s5 =	sadd.s32 s21, s3  }
0x9d: {  	[timem:s7], [sflag:s22] =	dma.local [hbm:s5], s20  }
0x9e: {  	_ =	swait.ge [sflag:s22], s20  }
0x9f: {  	s4 =	ssub.s32 $0x0, s20;
	[sflag:s22] =	ssyncset.done $0x0  }
0xa0: {  	[sflag:s22] =	ssyncadd.s32 s4;
	_ =	sdelay $0x1  }
0xa1: {  	s23 =	simm.s32 $0x1B8B  }
0xa2: {  	_ =	swait.ge [sflag:s23], $0x1  }
0xa3: {  	[sflag:s23] =	ssyncset.done $0x0  }
0xa4: {  	s25 =	simm.s32 $0x1B8E;
	s24 =	sld [smem:$0x3FFE];
	[sflag:s23] =	ssyncadd.s32 $0xFFFFFFFF  }
0xa5: {  	s26 =	simm.s32 $execute0_lowered;
	[smem:$0x3FD2] =	sst s25  }
0xa6: {  	s5 =	sshll.u32 s26, $0x1;
	_ =	strace $0x80000046;
	[dreg:$0x1] =	wrdreg $0xFFFFFFFF  }
0xa7: {  	s28 =	simm.s32 $_size_execute0_lowered;
	s3 =	sadd.s32 s3, s5;
	[dreg:$0x0] =	wrdreg $0x0  }
0xa8: {  	s5 =	sshll.u32 s28, $0x1;
	[dreg:$0x2] =	wrdreg s3  }
0xa9: {  	[dreg:$0x3] =	wrdreg s5  }
0xaa: {  	[dreg:$0x4] =	wrdreg $0xC0  }
0xab: {  	_ =	task [dreg:s7], $0x5FFFF  }
0xac: {  	[dreg:$0x1] =	wrdreg $0xFFFFFFFF  }
0xad: {  	[dreg:$0x0] =	wrdreg $0x60  }
0xae: {  	[dreg:$0x2] =	wrdreg s24  }
0xaf: {  	[dreg:$0x3] =	wrdreg s2  }
0xb0: {  	[dreg:$0x4] =	wrdreg $0x9  }
0xb1: {  	_ =	task.clear_ibuf [dreg:s7], $0x5FFFF;
	_ =	strace $0x90000046  }
0xb2: {  	s29 =	simm.s32 $0x9;
	_ =	strace $0x80000048  }
0xb3: {  	_ =	swait.ge [sflag:s29], $0x1  }
0xb4: {  	[sflag:s29] =	ssyncadd.s32 $0xFFFFFFFF  }
0xb5: {  	_ =	strace $0x90000048  }
0xb6: {  	_ =	sfence  }
0xb7: {  	s30 =	sld [smem:$0x0];
	_ =	sdelay $0x2  }
0xb8: {  	s31 =	sshll.u32 s1, $0xD;
	s1 =	sshrl.u32 s1, $0x2  }
0xb9: {  	s3 =	sand.u32 $0x4000, s31;
	s1 =	sadd.s32 s1, s30  }
0xba: {  	s0 =	sor.u32 s3, s0;
	s1 =	sshll.u32 s1, $0x11  }
0xbb: {  	s0 =	sor.u32 s1, s0  }
0xbc: {  	s0 =	sadd.s32 $0x8F2B, s0  }
0xbd: {  	[sflag:s0] =	ssyncadd.remote.s32 $0x1  }
0xbe: {  	_ =	sfence.sel $0xFFFF  }
0xbf: {  	[dreg:$0x0] =	wrdreg $0xFFFFFFFF;
	(pc) =	sbr.abs _section_cstart, $3  }
0xc0: {  	[dreg:$0x1] =	wrdreg $0xFFFFFFFF  }
0xc1: {  	_ =	task.clear_ibuf [dreg:s7], $0x2FFFF;
	_ =	strace $0x9FFFFFFF  }
0xc2: {  	(tm) =	ssettm $0x7FFFFFFF  }
0xc3: {  	_ =	shalt  }
tec
execute0_lowered:
.L_overlay_start_1:
0x0: {  	(tag) =	ssettag $0x1  }
0x1: {  	s1 =	srdreg.scid  }
0x2: {  	s0 =	stileid.u32;
	s11 =	sand.u32 $0x1, s1  }
0x3: {  	s29 =	sshll.u32 s0, $0x7;
	s2 =	sshll.u32 s11, $0x6  }
0x4: {  	s4 =	rddreg [dreg:$0x0];
	s1 =	sor.u32 s2, s29  }
0x5: {  	s12 =	rddreg [dreg:$0x1];
	s2 =	sadd.s32 $0xFFFFFFFE, s1  }
0x6: {  	s4 =	sadd.s32 $0x400, s4;
	s13 =	sshll.u32 s0, $0x14;
	s3 =	sand.u32 $0xF000, s2  }
0x7: {  	s6 =	ssub.s32 $0x2, s11;
	s12 =	sadd.s32 s13, s12;
	s3 =	sshrl.u32 s3, $0xC  }
0x8: {  	s11 =	sshll.u32 s11, $0x13;
	s13 =	simm.s32 $0x100;
	s3 =	sadd.s32 s3, s2  }
0x9: {  	s7 =	sshrl.u32 s6, $0x1;
	s2 =	sshra.s32 s2, $0x1F;
	s3 =	sshra.s32 s3, $0x4  }
0xa: {  	s11 =	sadd.s32 s11, s12;
	s12 =	simm.s32 $0x1;
	s14 =	sadd.s32 s3, s2  }
0xb: {  	s2 =	rddreg [dreg:$0x2];
	s3 =	simm.s32 $0x0;
	s5 =	sshll.u32 s14, $0x4  }
0xc: {  	s30 =	ssub.s32 s6, s7;
	[smem:$0x7FF] =	sst s3;
	p0 =	sgt.s32 s5, $0x0  }
0xd: {  	p1 =	sgt.s32 s14, $0x7D;
	_ =	strace $0x80000047;
	s5 =	simm.s32 @!p0 $0x0  }
0xe: {  	p0 =	slt.s32 s14, $0x1;
	s14 =	simm.s32 $0x0;
	s9 =	smin.u32 s5, $0x7E0  }
0xf: {  	s5 =	smax.u32 s30, $0x1;
	s8 =	sshrl.u32 s9, $0x4;
	s9 =	sadd.s32 $0x20, s9  }
0x10: {  	s31 =	smax.u32 s8, $0x1;
	s7 =	sadd.s32 $0x1, s8;
	s8 =	sshll.u32 s8, $0x7  }
0x11: {  	v34 =	vlaneseq.u32;
	s10 =	sshrl.u32 s9, $0x4;
	s6 =	sshll.u32 s31, $0x4;
	s8 =	sadd.s32 $0x100, s8  }
.LBB2_1:
0x12: {  	[tilespmem:s3], [sflag:$0x1] =	stream.linear.gather [hbm4b:s4+s3], $0x100, $0x38;
	[tilespmem:$0x10100] =	vst v63  }
0x13: {  	_ =	swait.ge [sflag:s12], $0x100  }
0x14: {  	[sflag:s12] =	ssyncset.done $0x0  }
.Ltmp0:
0x15: {  	[sflag:s12] =	ssyncadd.s32 $0xFFFFFF00;
	(pc) =	sbr.rel @p0 .LBB2_5-.Ltmp0, $4  }
0x16: {  	v4 =	vld [tilespmem:$0x0]  }
0x17: {  	v2 =	vld [tilespmem:$0x10]  }
0x18: {  	v3 =	vld [tilespmem:$0x80]  }
0x19: {  	v1 =	vld [tilespmem:$0x90]  }
0x1a: {  	p2 =	seq.s32 s6, $0x10  }
.Ltmp1:
0x1b: {  	_ = 	snop;
	(pc) =	sbr.rel @p2 .LBB2_4-.Ltmp1, $4  }
0x1c: {  	_ = 	snop  }
0x1d: {  	s15 =	simm.s32 $0x0  }
0x1e: {  	v0 =	vbroadcast v4, $0x0;
	s17 =	sand.u32 $0x70, s15;
	s18 =	sand.u32 $0xFFFFFC00, s15  }
0x1f: {  	s16 =	simm.s32 $0x10;
	s17 =	sor.u32 s17, s18  }
.LBB2_3:
0x20: {  	[tilespmem:s17+$0x100] =	vst v0;
	s17 =	smov.u32 s16;
	s16 =	sadd.s32 $0x10, s16  }
0x21: {  	s15 =	sadd.s32 $0x80, s15;
	p2 =	seq.s32 s6, s16  }
.Ltmp2:
0x22: {  	(pc) =	sbr.rel @!p2 .LBB2_3-.Ltmp2, $3  }
0x23: {  	_ =	sdelay $0x1  }
0x24: {  	s17 =	sand.u32 $0x70, s17;
	s18 =	sand.u32 $0xFFFFFC00, s15  }
0x25: {  	s17 =	sor.u32 s17, s18  }
.LBB2_4:
.Ltmp3:
0x26: {  	(pc) =	sbr.rel @p1 .LBB2_8-.Ltmp3, $2  }
0x27: {  	_ =	sdelay $0x2  }
0x28: {  	[tilespmem:s17+$0x100] =	vst v0  }
.LBB2_5:
0x29: {  	s15 =	sadd.s32 $0x1, s7  }
0x2a: {  	p2 =	slt.u32 s15, $0x7F  }
.Ltmp4:
0x2b: {  	_ = 	snop;
	(pc) =	sbr.rel @!p2 .LBB2_7-.Ltmp4, $3  }
0x2c: {  	_ =	sdelay $0x1  }
0x2d: {  	s16 =	sand.u32 $0x70, s9;
	s17 =	sand.u32 $0x3C00, s8  }
0x2e: {  	s18 =	sor.u32 s16, s17;
	s16 =	smov.u32 s8;
	s17 =	smov.u32 s9;
	v0 =	vbroadcast v3, $0x0  }
.LBB2_6:
0x2f: {  	s15 =	sadd.s32 $0x1, s15  }
0x30: {  	[tilespmem:s18+$0x100] =	vst v0;
	s16 =	sadd.s32 $0x80, s16;
	s17 =	sadd.s32 $0x10, s17;
	p2 =	slt.u32 s15, $0x7F  }
.Ltmp5:
0x31: {  	(pc) =	sbr.rel @p2 .LBB2_6-.Ltmp5, $3  }
0x32: {  	_ =	sdelay $0x1  }
0x33: {  	s18 =	sand.u32 $0x70, s17;
	s19 =	sand.u32 $0x3C00, s16  }
0x34: {  	s18 =	sor.u32 s18, s19  }
.LBB2_7:
.Ltmp6:
0x35: {  	(pc) =	sbr.rel @p0 .LBB2_11-.Ltmp6, $2  }
0x36: {  	_ =	sdelay $0x2  }
0x37: {  	[tilespmem:s18+$0x100] =	vst v0  }
.LBB2_8:
0x38: {  	p2 =	seq.s32 s6, $0x10  }
.Ltmp7:
0x39: {  	_ = 	snop;
	(pc) =	sbr.rel @p2 .LBB2_10-.Ltmp7, $4  }
0x3a: {  	_ = 	snop  }
0x3b: {  	s15 =	simm.s32 $0x0  }
0x3c: {  	v0 =	vbroadcast v4, $0x1;
	s17 =	sand.u32 $0x70, s15;
	s18 =	sand.u32 $0xFFFFFC00, s15  }
0x3d: {  	s16 =	simm.s32 $0x10;
	s17 =	sor.u32 s17, s18  }
.LBB2_9:
0x3e: {  	[tilespmem:s17+$0x180] =	vst v0;
	s17 =	smov.u32 s16;
	s16 =	sadd.s32 $0x10, s16  }
0x3f: {  	s15 =	sadd.s32 $0x80, s15;
	p2 =	seq.s32 s6, s16  }
.Ltmp8:
0x40: {  	(pc) =	sbr.rel @!p2 .LBB2_9-.Ltmp8, $3  }
0x41: {  	_ =	sdelay $0x1  }
0x42: {  	s17 =	sand.u32 $0x70, s17;
	s18 =	sand.u32 $0xFFFFFC00, s15  }
0x43: {  	s17 =	sor.u32 s17, s18  }
.LBB2_10:
.Ltmp9:
0x44: {  	(pc) =	sbr.rel @p1 .LBB2_14-.Ltmp9, $2  }
0x45: {  	_ =	sdelay $0x2  }
0x46: {  	[tilespmem:s17+$0x180] =	vst v0  }
.LBB2_11:
0x47: {  	s15 =	sadd.s32 $0x1, s7  }
0x48: {  	p2 =	slt.u32 s15, $0x7F  }
.Ltmp10:
0x49: {  	_ = 	snop;
	(pc) =	sbr.rel @!p2 .LBB2_13-.Ltmp10, $3  }
0x4a: {  	_ =	sdelay $0x1  }
0x4b: {  	s16 =	sand.u32 $0x70, s9;
	s17 =	sand.u32 $0x3C00, s8  }
0x4c: {  	v0 =	vbroadcast v3, $0x1;
	s18 =	sor.u32 s16, s17;
	s16 =	smov.u32 s8;
	s17 =	smov.u32 s9  }
.LBB2_12:
0x4d: {  	s15 =	sadd.s32 $0x1, s15  }
0x4e: {  	[tilespmem:s18+$0x180] =	vst v0;
	s16 =	sadd.s32 $0x80, s16;
	s17 =	sadd.s32 $0x10, s17;
	p2 =	slt.u32 s15, $0x7F  }
.Ltmp11:
0x4f: {  	(pc) =	sbr.rel @p2 .LBB2_12-.Ltmp11, $3  }
0x50: {  	_ =	sdelay $0x1  }
0x51: {  	s18 =	sand.u32 $0x70, s17;
	s19 =	sand.u32 $0x3C00, s16  }
0x52: {  	s18 =	sor.u32 s18, s19  }
.LBB2_13:
.Ltmp12:
0x53: {  	(pc) =	sbr.rel @p0 .LBB2_17-.Ltmp12, $2  }
0x54: {  	_ =	sdelay $0x2  }
0x55: {  	[tilespmem:s18+$0x180] =	vst v0  }
.LBB2_14:
0x56: {  	p2 =	seq.s32 s6, $0x10  }
.Ltmp13:
0x57: {  	_ = 	snop;
	(pc) =	sbr.rel @p2 .LBB2_16-.Ltmp13, $4  }
0x58: {  	_ = 	snop  }
0x59: {  	s15 =	simm.s32 $0x0  }
0x5a: {  	v0 =	vbroadcast v4, $0x2;
	s17 =	sand.u32 $0x70, s15;
	s18 =	sand.u32 $0xFFFFFC00, s15  }
0x5b: {  	s16 =	simm.s32 $0x10;
	s17 =	sor.u32 s17, s18  }
.LBB2_15:
0x5c: {  	[tilespmem:s17+$0x200] =	vst v0;
	s17 =	smov.u32 s16;
	s16 =	sadd.s32 $0x10, s16  }
0x5d: {  	s15 =	sadd.s32 $0x80, s15;
	p2 =	seq.s32 s6, s16  }
.Ltmp14:
0x5e: {  	(pc) =	sbr.rel @!p2 .LBB2_15-.Ltmp14, $3  }
0x5f: {  	_ =	sdelay $0x1  }
0x60: {  	s17 =	sand.u32 $0x70, s17;
	s18 =	sand.u32 $0xFFFFFC00, s15  }
0x61: {  	s17 =	sor.u32 s17, s18  }
.LBB2_16:
.Ltmp15:
0x62: {  	(pc) =	sbr.rel @p1 .LBB2_20-.Ltmp15, $2  }
0x63: {  	_ =	sdelay $0x2  }
0x64: {  	[tilespmem:s17+$0x200] =	vst v0  }
.LBB2_17:
0x65: {  	s15 =	sadd.s32 $0x1, s7  }
0x66: {  	p2 =	slt.u32 s15, $0x7F  }
.Ltmp16:
0x67: {  	_ = 	snop;
	(pc) =	sbr.rel @!p2 .LBB2_19-.Ltmp16, $3  }
0x68: {  	_ =	sdelay $0x1  }
0x69: {  	s16 =	sand.u32 $0x70, s9;
	s17 =	sand.u32 $0x3C00, s8  }
0x6a: {  	v0 =	vbroadcast v3, $0x2;
	s18 =	sor.u32 s16, s17;
	s16 =	smov.u32 s8;
	s17 =	smov.u32 s9  }
.LBB2_18:
0x6b: {  	s15 =	sadd.s32 $0x1, s15  }
0x6c: {  	[tilespmem:s18+$0x200] =	vst v0;
	s16 =	sadd.s32 $0x80, s16;
	s17 =	sadd.s32 $0x10, s17;
	p2 =	slt.u32 s15, $0x7F  }
.Ltmp17:
0x6d: {  	(pc) =	sbr.rel @p2 .LBB2_18-.Ltmp17, $3  }
0x6e: {  	_ =	sdelay $0x1  }
0x6f: {  	s18 =	sand.u32 $0x70, s17;
	s19 =	sand.u32 $0x3C00, s16  }
0x70: {  	s18 =	sor.u32 s18, s19  }
.LBB2_19:
.Ltmp18:
0x71: {  	(pc) =	sbr.rel @p0 .LBB2_23-.Ltmp18, $2  }
0x72: {  	_ =	sdelay $0x2  }
0x73: {  	[tilespmem:s18+$0x200] =	vst v0  }
.LBB2_20:
0x74: {  	p2 =	seq.s32 s6, $0x10  }
.Ltmp19:
0x75: {  	_ = 	snop;
	(pc) =	sbr.rel @p2 .LBB2_22-.Ltmp19, $4  }
0x76: {  	_ = 	snop  }
0x77: {  	s15 =	simm.s32 $0x0  }
0x78: {  	v0 =	vbroadcast v4, $0x3;
	s17 =	sand.u32 $0x70, s15;
	s18 =	sand.u32 $0xFFFFFC00, s15  }
0x79: {  	s16 =	simm.s32 $0x10;
	s17 =	sor.u32 s17, s18  }
.LBB2_21:
0x7a: {  	[tilespmem:s17+$0x280] =	vst v0;
	s17 =	smov.u32 s16;
	s16 =	sadd.s32 $0x10, s16  }
0x7b: {  	s15 =	sadd.s32 $0x80, s15;
	p2 =	seq.s32 s6, s16  }
.Ltmp20:
0x7c: {  	(pc) =	sbr.rel @!p2 .LBB2_21-.Ltmp20, $3  }
0x7d: {  	_ =	sdelay $0x1  }
0x7e: {  	s17 =	sand.u32 $0x70, s17;
	s18 =	sand.u32 $0xFFFFFC00, s15  }
0x7f: {  	s17 =	sor.u32 s17, s18  }
.LBB2_22:
.Ltmp21:
0x80: {  	(pc) =	sbr.rel @p1 .LBB2_26-.Ltmp21, $2  }
0x81: {  	_ =	sdelay $0x2  }
0x82: {  	[tilespmem:s17+$0x280] =	vst v0  }
.LBB2_23:
0x83: {  	s15 =	sadd.s32 $0x1, s7  }
0x84: {  	p2 =	slt.u32 s15, $0x7F  }
.Ltmp22:
0x85: {  	_ = 	snop;
	(pc) =	sbr.rel @!p2 .LBB2_25-.Ltmp22, $3  }
0x86: {  	_ =	sdelay $0x1  }
0x87: {  	s16 =	sand.u32 $0x70, s9;
	s17 =	sand.u32 $0x3C00, s8  }
0x88: {  	v0 =	vbroadcast v3, $0x3;
	s18 =	sor.u32 s16, s17;
	s16 =	smov.u32 s8;
	s17 =	smov.u32 s9  }
.LBB2_24:
0x89: {  	s15 =	sadd.s32 $0x1, s15  }
0x8a: {  	[tilespmem:s18+$0x280] =	vst v0;
	s16 =	sadd.s32 $0x80, s16;
	s17 =	sadd.s32 $0x10, s17;
	p2 =	slt.u32 s15, $0x7F  }
.Ltmp23:
0x8b: {  	(pc) =	sbr.rel @p2 .LBB2_24-.Ltmp23, $3  }
0x8c: {  	_ =	sdelay $0x1  }
0x8d: {  	s18 =	sand.u32 $0x70, s17;
	s19 =	sand.u32 $0x3C00, s16  }
0x8e: {  	s18 =	sor.u32 s18, s19  }
.LBB2_25:
.Ltmp24:
0x8f: {  	(pc) =	sbr.rel @p0 .LBB2_29-.Ltmp24, $2  }
0x90: {  	_ =	sdelay $0x2  }
0x91: {  	[tilespmem:s18+$0x280] =	vst v0  }
.LBB2_26:
0x92: {  	p2 =	seq.s32 s6, $0x10  }
.Ltmp25:
0x93: {  	_ = 	snop;
	(pc) =	sbr.rel @p2 .LBB2_28-.Ltmp25, $4  }
0x94: {  	_ = 	snop  }
0x95: {  	s15 =	simm.s32 $0x0  }
0x96: {  	v0 =	vbroadcast v4, $0x4;
	s17 =	sand.u32 $0x70, s15;
	s18 =	sand.u32 $0xFFFFFC00, s15  }
0x97: {  	s16 =	simm.s32 $0x10;
	s17 =	sor.u32 s17, s18  }
.LBB2_27:
0x98: {  	[tilespmem:s17+$0x300] =	vst v0;
	s17 =	smov.u32 s16;
	s16 =	sadd.s32 $0x10, s16  }
0x99: {  	s15 =	sadd.s32 $0x80, s15;
	p2 =	seq.s32 s6, s16  }
.Ltmp26:
0x9a: {  	(pc) =	sbr.rel @!p2 .LBB2_27-.Ltmp26, $3  }
0x9b: {  	_ =	sdelay $0x1  }
0x9c: {  	s17 =	sand.u32 $0x70, s17;
	s18 =	sand.u32 $0xFFFFFC00, s15  }
0x9d: {  	s17 =	sor.u32 s17, s18  }
.LBB2_28:
.Ltmp27:
0x9e: {  	(pc) =	sbr.rel @p1 .LBB2_32-.Ltmp27, $2  }
0x9f: {  	_ =	sdelay $0x2  }
0xa0: {  	[tilespmem:s17+$0x300] =	vst v0  }
.LBB2_29:
0xa1: {  	s15 =	sadd.s32 $0x1, s7  }
0xa2: {  	p2 =	slt.u32 s15, $0x7F  }
.Ltmp28:
0xa3: {  	_ = 	snop;
	(pc) =	sbr.rel @!p2 .LBB2_31-.Ltmp28, $3  }
0xa4: {  	_ =	sdelay $0x1  }
0xa5: {  	s16 =	sand.u32 $0x70, s9;
	s17 =	sand.u32 $0x3C00, s8  }
0xa6: {  	v0 =	vbroadcast v3, $0x4;
	s18 =	sor.u32 s16, s17;
	s16 =	smov.u32 s8;
	s17 =	smov.u32 s9  }
.LBB2_30:
0xa7: {  	s15 =	sadd.s32 $0x1, s15  }
0xa8: {  	[tilespmem:s18+$0x300] =	vst v0;
	s16 =	sadd.s32 $0x80, s16;
	s17 =	sadd.s32 $0x10, s17;
	p2 =	slt.u32 s15, $0x7F  }
.Ltmp29:
0xa9: {  	(pc) =	sbr.rel @p2 .LBB2_30-.Ltmp29, $3  }
0xaa: {  	_ =	sdelay $0x1  }
0xab: {  	s18 =	sand.u32 $0x70, s17;
	s19 =	sand.u32 $0x3C00, s16  }
0xac: {  	s18 =	sor.u32 s18, s19  }
.LBB2_31:
.Ltmp30:
0xad: {  	(pc) =	sbr.rel @p0 .LBB2_35-.Ltmp30, $2  }
0xae: {  	_ =	sdelay $0x2  }
0xaf: {  	[tilespmem:s18+$0x300] =	vst v0  }
.LBB2_32:
0xb0: {  	p2 =	seq.s32 s6, $0x10  }
.Ltmp31:
0xb1: {  	_ = 	snop;
	(pc) =	sbr.rel @p2 .LBB2_34-.Ltmp31, $4  }
0xb2: {  	_ = 	snop  }
0xb3: {  	s15 =	simm.s32 $0x0  }
0xb4: {  	v0 =	vbroadcast v4, $0x5;
	s17 =	sand.u32 $0x70, s15;
	s18 =	sand.u32 $0xFFFFFC00, s15  }
0xb5: {  	s16 =	simm.s32 $0x10;
	s17 =	sor.u32 s17, s18  }
.LBB2_33:
0xb6: {  	[tilespmem:s17+$0x380] =	vst v0;
	s17 =	smov.u32 s16;
	s16 =	sadd.s32 $0x10, s16  }
0xb7: {  	s15 =	sadd.s32 $0x80, s15;
	p2 =	seq.s32 s6, s16  }
.Ltmp32:
0xb8: {  	(pc) =	sbr.rel @!p2 .LBB2_33-.Ltmp32, $3  }
0xb9: {  	_ =	sdelay $0x1  }
0xba: {  	s17 =	sand.u32 $0x70, s17;
	s18 =	sand.u32 $0xFFFFFC00, s15  }
0xbb: {  	s17 =	sor.u32 s17, s18  }
.LBB2_34:
.Ltmp33:
0xbc: {  	(pc) =	sbr.rel @p1 .LBB2_38-.Ltmp33, $2  }
0xbd: {  	_ =	sdelay $0x2  }
0xbe: {  	[tilespmem:s17+$0x380] =	vst v0  }
.LBB2_35:
0xbf: {  	s15 =	sadd.s32 $0x1, s7  }
0xc0: {  	p2 =	slt.u32 s15, $0x7F  }
.Ltmp34:
0xc1: {  	_ = 	snop;
	(pc) =	sbr.rel @!p2 .LBB2_37-.Ltmp34, $3  }
0xc2: {  	_ =	sdelay $0x1  }
0xc3: {  	s16 =	sand.u32 $0x70, s9;
	s17 =	sand.u32 $0x3C00, s8  }
0xc4: {  	v0 =	vbroadcast v3, $0x5;
	s18 =	sor.u32 s16, s17;
	s16 =	smov.u32 s8;
	s17 =	smov.u32 s9  }
.LBB2_36:
0xc5: {  	s15 =	sadd.s32 $0x1, s15  }
0xc6: {  	[tilespmem:s18+$0x380] =	vst v0;
	s16 =	sadd.s32 $0x80, s16;
	s17 =	sadd.s32 $0x10, s17;
	p2 =	slt.u32 s15, $0x7F  }
.Ltmp35:
0xc7: {  	(pc) =	sbr.rel @p2 .LBB2_36-.Ltmp35, $3  }
0xc8: {  	_ =	sdelay $0x1  }
0xc9: {  	s18 =	sand.u32 $0x70, s17;
	s19 =	sand.u32 $0x3C00, s16  }
0xca: {  	s18 =	sor.u32 s18, s19  }
.LBB2_37:
.Ltmp36:
0xcb: {  	(pc) =	sbr.rel @p0 .LBB2_41-.Ltmp36, $2  }
0xcc: {  	_ =	sdelay $0x2  }
0xcd: {  	[tilespmem:s18+$0x380] =	vst v0  }
.LBB2_38:
0xce: {  	p2 =	seq.s32 s6, $0x10  }
.Ltmp37:
0xcf: {  	_ = 	snop;
	(pc) =	sbr.rel @p2 .LBB2_40-.Ltmp37, $4  }
0xd0: {  	_ = 	snop  }
0xd1: {  	s15 =	simm.s32 $0x0  }
0xd2: {  	v0 =	vbroadcast v4, $0x6;
	s17 =	sand.u32 $0x70, s15;
	s18 =	sand.u32 $0xFFFFFC00, s15  }
0xd3: {  	s16 =	simm.s32 $0x10;
	s17 =	sor.u32 s17, s18  }
.LBB2_39:
0xd4: {  	[tilespmem:s17+$0x400] =	vst v0;
	s17 =	smov.u32 s16;
	s16 =	sadd.s32 $0x10, s16  }
0xd5: {  	s15 =	sadd.s32 $0x80, s15;
	p2 =	seq.s32 s6, s16  }
.Ltmp38:
0xd6: {  	(pc) =	sbr.rel @!p2 .LBB2_39-.Ltmp38, $3  }
0xd7: {  	_ =	sdelay $0x1  }
0xd8: {  	s17 =	sand.u32 $0x70, s17;
	s18 =	sand.u32 $0xFFFFFC00, s15  }
0xd9: {  	s17 =	sor.u32 s17, s18  }
.LBB2_40:
.Ltmp39:
0xda: {  	(pc) =	sbr.rel @p1 .LBB2_44-.Ltmp39, $2  }
0xdb: {  	_ =	sdelay $0x2  }
0xdc: {  	[tilespmem:s17+$0x400] =	vst v0  }
.LBB2_41:
0xdd: {  	s15 =	sadd.s32 $0x1, s7  }
0xde: {  	p2 =	slt.u32 s15, $0x7F  }
.Ltmp40:
0xdf: {  	_ = 	snop;
	(pc) =	sbr.rel @!p2 .LBB2_43-.Ltmp40, $3  }
0xe0: {  	_ =	sdelay $0x1  }
0xe1: {  	s16 =	sand.u32 $0x70, s9;
	s17 =	sand.u32 $0x3C00, s8  }
0xe2: {  	v0 =	vbroadcast v3, $0x6;
	s18 =	sor.u32 s16, s17;
	s16 =	smov.u32 s8;
	s17 =	smov.u32 s9  }
.LBB2_42:
0xe3: {  	s15 =	sadd.s32 $0x1, s15  }
0xe4: {  	[tilespmem:s18+$0x400] =	vst v0;
	s16 =	sadd.s32 $0x80, s16;
	s17 =	sadd.s32 $0x10, s17;
	p2 =	slt.u32 s15, $0x7F  }
.Ltmp41:
0xe5: {  	(pc) =	sbr.rel @p2 .LBB2_42-.Ltmp41, $3  }
0xe6: {  	_ =	sdelay $0x1  }
0xe7: {  	s18 =	sand.u32 $0x70, s17;
	s19 =	sand.u32 $0x3C00, s16  }
0xe8: {  	s18 =	sor.u32 s18, s19  }
.LBB2_43:
.Ltmp42:
0xe9: {  	(pc) =	sbr.rel @p0 .LBB2_47-.Ltmp42, $2  }
0xea: {  	_ =	sdelay $0x2  }
0xeb: {  	[tilespmem:s18+$0x400] =	vst v0  }
.LBB2_44:
0xec: {  	p2 =	seq.s32 s6, $0x10  }
.Ltmp43:
0xed: {  	s15 =	simm.s32 $0x0;
	(pc) =	sbr.rel @p2 .LBB2_46-.Ltmp43, $4  }
0xee: {  	s16 =	sand.u32 $0x7, s15  }
0xef: {  	s16 =	sshll.u32 s16, $0x4  }
0xf0: {  	s17 =	sadd.s32 $0x0, s16  }
0xf1: {  	v0 =	vbroadcast v4, $0x7;
	s16 =	simm.s32 $0x10;
	s18 =	sor.u32 $0x380, s17;
	s17 =	simm.s32 $0x0  }
.LBB2_45:
0xf2: {  	s16 =	sadd.s32 $0x10, s16  }
0xf3: {  	[tilespmem:s18+$0x100] =	vst v0;
	s15 =	sadd.s32 $0x80, s15;
	s17 =	sadd.s32 $0x1, s17;
	p2 =	seq.s32 s6, s16  }
.Ltmp44:
0xf4: {  	(pc) =	sbr.rel @!p2 .LBB2_45-.Ltmp44, $4  }
0xf5: {  	s18 =	sand.u32 $0x7, s17  }
0xf6: {  	s18 =	sshll.u32 s18, $0x4  }
0xf7: {  	s18 =	sadd.s32 s18, s15  }
0xf8: {  	s18 =	sor.u32 $0x380, s18  }
.LBB2_46:
.Ltmp45:
0xf9: {  	(pc) =	sbr.rel @p1 .LBB2_50-.Ltmp45, $2  }
0xfa: {  	_ =	sdelay $0x2  }
0xfb: {  	[tilespmem:s18+$0x100] =	vst v0  }
.LBB2_47:
0xfc: {  	s15 =	sadd.s32 $0x1, s7  }
0xfd: {  	p2 =	slt.u32 s15, $0x7F  }
.Ltmp46:
0xfe: {  	_ = 	snop;
	(pc) =	sbr.rel @!p2 .LBB2_49-.Ltmp46, $4  }
0xff: {  	s16 =	sand.u32 $0x7, s10  }
0x100: {  	s16 =	sshll.u32 s16, $0x4  }
0x101: {  	s16 =	sadd.s32 s16, s8  }
0x102: {  	v0 =	vbroadcast v3, $0x7;
	s17 =	smov.u32 s10;
	s18 =	sor.u32 $0x380, s16;
	s16 =	smov.u32 s8  }
.LBB2_48:
0x103: {  	s15 =	sadd.s32 $0x1, s15  }
0x104: {  	[tilespmem:s18+$0x100] =	vst v0;
	s16 =	sadd.s32 $0x80, s16;
	s17 =	sadd.s32 $0x1, s17;
	p2 =	slt.u32 s15, $0x7F  }
.Ltmp47:
0x105: {  	(pc) =	sbr.rel @p2 .LBB2_48-.Ltmp47, $4  }
0x106: {  	s18 =	sand.u32 $0x7, s17  }
0x107: {  	s18 =	sshll.u32 s18, $0x4  }
0x108: {  	s18 =	sadd.s32 s18, s16  }
0x109: {  	s18 =	sor.u32 $0x380, s18  }
.LBB2_49:
.Ltmp48:
0x10a: {  	(pc) =	sbr.rel @p0 .LBB2_53-.Ltmp48, $2  }
0x10b: {  	_ =	sdelay $0x2  }
0x10c: {  	[tilespmem:s18+$0x100] =	vst v0  }
.LBB2_50:
0x10d: {  	p2 =	seq.s32 s6, $0x10  }
.Ltmp49:
0x10e: {  	_ = 	snop;
	(pc) =	sbr.rel @p2 .LBB2_52-.Ltmp49, $4  }
0x10f: {  	_ = 	snop  }
0x110: {  	s15 =	simm.s32 $0x0  }
0x111: {  	v0 =	vbroadcast v4, $0x8;
	s17 =	sand.u32 $0x70, s15;
	s18 =	sand.u32 $0xFFFFFC00, s15  }
0x112: {  	s16 =	simm.s32 $0x10;
	s17 =	sor.u32 s17, s18  }
.LBB2_51:
0x113: {  	[tilespmem:s17+$0x4100] =	vst v0;
	s17 =	smov.u32 s16;
	s16 =	sadd.s32 $0x10, s16  }
0x114: {  	s15 =	sadd.s32 $0x80, s15;
	p2 =	seq.s32 s6, s16  }
.Ltmp50:
0x115: {  	(pc) =	sbr.rel @!p2 .LBB2_51-.Ltmp50, $3  }
0x116: {  	_ =	sdelay $0x1  }
0x117: {  	s17 =	sand.u32 $0x70, s17;
	s18 =	sand.u32 $0xFFFFFC00, s15  }
0x118: {  	s17 =	sor.u32 s17, s18  }
.LBB2_52:
.Ltmp51:
0x119: {  	(pc) =	sbr.rel @p1 .LBB2_56-.Ltmp51, $2  }
0x11a: {  	_ =	sdelay $0x2  }
0x11b: {  	[tilespmem:s17+$0x4100] =	vst v0  }
.LBB2_53:
0x11c: {  	s15 =	sadd.s32 $0x1, s7  }
0x11d: {  	p2 =	slt.u32 s15, $0x7F  }
.Ltmp52:
0x11e: {  	_ = 	snop;
	(pc) =	sbr.rel @!p2 .LBB2_55-.Ltmp52, $3  }
0x11f: {  	_ =	sdelay $0x1  }
0x120: {  	s16 =	sand.u32 $0x70, s9;
	s17 =	sand.u32 $0x3C00, s8  }
0x121: {  	v0 =	vbroadcast v3, $0x8;
	s18 =	sor.u32 s16, s17;
	s16 =	smov.u32 s8;
	s17 =	smov.u32 s9  }
.LBB2_54:
0x122: {  	s15 =	sadd.s32 $0x1, s15  }
0x123: {  	[tilespmem:s18+$0x4100] =	vst v0;
	s16 =	sadd.s32 $0x80, s16;
	s17 =	sadd.s32 $0x10, s17;
	p2 =	slt.u32 s15, $0x7F  }
.Ltmp53:
0x124: {  	(pc) =	sbr.rel @p2 .LBB2_54-.Ltmp53, $3  }
0x125: {  	_ =	sdelay $0x1  }
0x126: {  	s18 =	sand.u32 $0x70, s17;
	s19 =	sand.u32 $0x3C00, s16  }
0x127: {  	s18 =	sor.u32 s18, s19  }
.LBB2_55:
.Ltmp54:
0x128: {  	(pc) =	sbr.rel @p0 .LBB2_59-.Ltmp54, $2  }
0x129: {  	_ =	sdelay $0x2  }
0x12a: {  	[tilespmem:s18+$0x4100] =	vst v0  }
.LBB2_56:
0x12b: {  	p2 =	seq.s32 s6, $0x10  }
.Ltmp55:
0x12c: {  	_ = 	snop;
	(pc) =	sbr.rel @p2 .LBB2_58-.Ltmp55, $4  }
0x12d: {  	_ = 	snop  }
0x12e: {  	s15 =	simm.s32 $0x0  }
0x12f: {  	v0 =	vbroadcast v4, $0x9;
	s17 =	sand.u32 $0x70, s15;
	s18 =	sand.u32 $0xFFFFFC00, s15  }
0x130: {  	s16 =	simm.s32 $0x10;
	s17 =	sor.u32 s17, s18  }
.LBB2_57:
0x131: {  	[tilespmem:s17+$0x4180] =	vst v0;
	s17 =	smov.u32 s16;
	s16 =	sadd.s32 $0x10, s16  }
0x132: {  	s15 =	sadd.s32 $0x80, s15;
	p2 =	seq.s32 s6, s16  }
.Ltmp56:
0x133: {  	(pc) =	sbr.rel @!p2 .LBB2_57-.Ltmp56, $3  }
0x134: {  	_ =	sdelay $0x1  }
0x135: {  	s17 =	sand.u32 $0x70, s17;
	s18 =	sand.u32 $0xFFFFFC00, s15  }
0x136: {  	s17 =	sor.u32 s17, s18  }
.LBB2_58:
.Ltmp57:
0x137: {  	(pc) =	sbr.rel @p1 .LBB2_62-.Ltmp57, $2  }
0x138: {  	_ =	sdelay $0x2  }
0x139: {  	[tilespmem:s17+$0x4180] =	vst v0  }
.LBB2_59:
0x13a: {  	s15 =	sadd.s32 $0x1, s7  }
0x13b: {  	p2 =	slt.u32 s15, $0x7F  }
.Ltmp58:
0x13c: {  	_ = 	snop;
	(pc) =	sbr.rel @!p2 .LBB2_61-.Ltmp58, $3  }
0x13d: {  	_ =	sdelay $0x1  }
0x13e: {  	s16 =	sand.u32 $0x70, s9;
	s17 =	sand.u32 $0x3C00, s8  }
0x13f: {  	v0 =	vbroadcast v3, $0x9;
	s18 =	sor.u32 s16, s17;
	s16 =	smov.u32 s8;
	s17 =	smov.u32 s9  }
.LBB2_60:
0x140: {  	s15 =	sadd.s32 $0x1, s15  }
0x141: {  	[tilespmem:s18+$0x4180] =	vst v0;
	s16 =	sadd.s32 $0x80, s16;
	s17 =	sadd.s32 $0x10, s17;
	p2 =	slt.u32 s15, $0x7F  }
.Ltmp59:
0x142: {  	(pc) =	sbr.rel @p2 .LBB2_60-.Ltmp59, $3  }
0x143: {  	_ =	sdelay $0x1  }
0x144: {  	s18 =	sand.u32 $0x70, s17;
	s19 =	sand.u32 $0x3C00, s16  }
0x145: {  	s18 =	sor.u32 s18, s19  }
.LBB2_61:
.Ltmp60:
0x146: {  	(pc) =	sbr.rel @p0 .LBB2_65-.Ltmp60, $2  }
0x147: {  	_ =	sdelay $0x2  }
0x148: {  	[tilespmem:s18+$0x4180] =	vst v0  }
.LBB2_62:
0x149: {  	p2 =	seq.s32 s6, $0x10  }
.Ltmp61:
0x14a: {  	_ = 	snop;
	(pc) =	sbr.rel @p2 .LBB2_64-.Ltmp61, $4  }
0x14b: {  	_ = 	snop  }
0x14c: {  	s15 =	simm.s32 $0x0  }
0x14d: {  	v0 =	vbroadcast v4, $0xA;
	s17 =	sand.u32 $0x70, s15;
	s18 =	sand.u32 $0xFFFFFC00, s15  }
0x14e: {  	s16 =	simm.s32 $0x10;
	s17 =	sor.u32 s17, s18  }
.LBB2_63:
0x14f: {  	[tilespmem:s17+$0x4200] =	vst v0;
	s17 =	smov.u32 s16;
	s16 =	sadd.s32 $0x10, s16  }
0x150: {  	s15 =	sadd.s32 $0x80, s15;
	p2 =	seq.s32 s6, s16  }
.Ltmp62:
0x151: {  	(pc) =	sbr.rel @!p2 .LBB2_63-.Ltmp62, $3  }
0x152: {  	_ =	sdelay $0x1  }
0x153: {  	s17 =	sand.u32 $0x70, s17;
	s18 =	sand.u32 $0xFFFFFC00, s15  }
0x154: {  	s17 =	sor.u32 s17, s18  }
.LBB2_64:
.Ltmp63:
0x155: {  	(pc) =	sbr.rel @p1 .LBB2_68-.Ltmp63, $2  }
0x156: {  	_ =	sdelay $0x2  }
0x157: {  	[tilespmem:s17+$0x4200] =	vst v0  }
.LBB2_65:
0x158: {  	s15 =	sadd.s32 $0x1, s7  }
0x159: {  	p2 =	slt.u32 s15, $0x7F  }
.Ltmp64:
0x15a: {  	_ = 	snop;
	(pc) =	sbr.rel @!p2 .LBB2_67-.Ltmp64, $3  }
0x15b: {  	_ =	sdelay $0x1  }
0x15c: {  	s16 =	sand.u32 $0x70, s9;
	s17 =	sand.u32 $0x3C00, s8  }
0x15d: {  	v0 =	vbroadcast v3, $0xA;
	s18 =	sor.u32 s16, s17;
	s16 =	smov.u32 s8;
	s17 =	smov.u32 s9  }
.LBB2_66:
0x15e: {  	s15 =	sadd.s32 $0x1, s15  }
0x15f: {  	[tilespmem:s18+$0x4200] =	vst v0;
	s16 =	sadd.s32 $0x80, s16;
	s17 =	sadd.s32 $0x10, s17;
	p2 =	slt.u32 s15, $0x7F  }
.Ltmp65:
0x160: {  	(pc) =	sbr.rel @p2 .LBB2_66-.Ltmp65, $3  }
0x161: {  	_ =	sdelay $0x1  }
0x162: {  	s18 =	sand.u32 $0x70, s17;
	s19 =	sand.u32 $0x3C00, s16  }
0x163: {  	s18 =	sor.u32 s18, s19  }
.LBB2_67:
.Ltmp66:
0x164: {  	(pc) =	sbr.rel @p0 .LBB2_71-.Ltmp66, $2  }
0x165: {  	_ =	sdelay $0x2  }
0x166: {  	[tilespmem:s18+$0x4200] =	vst v0  }
.LBB2_68:
0x167: {  	p2 =	seq.s32 s6, $0x10  }
.Ltmp67:
0x168: {  	_ = 	snop;
	(pc) =	sbr.rel @p2 .LBB2_70-.Ltmp67, $4  }
0x169: {  	_ = 	snop  }
0x16a: {  	s15 =	simm.s32 $0x0  }
0x16b: {  	v0 =	vbroadcast v4, $0xB;
	s17 =	sand.u32 $0x70, s15;
	s18 =	sand.u32 $0xFFFFFC00, s15  }
0x16c: {  	s16 =	simm.s32 $0x10;
	s17 =	sor.u32 s17, s18  }
.LBB2_69:
0x16d: {  	[tilespmem:s17+$0x4280] =	vst v0;
	s17 =	smov.u32 s16;
	s16 =	sadd.s32 $0x10, s16  }
0x16e: {  	s15 =	sadd.s32 $0x80, s15;
	p2 =	seq.s32 s6, s16  }
.Ltmp68:
0x16f: {  	(pc) =	sbr.rel @!p2 .LBB2_69-.Ltmp68, $3  }
0x170: {  	_ =	sdelay $0x1  }
0x171: {  	s17 =	sand.u32 $0x70, s17;
	s18 =	sand.u32 $0xFFFFFC00, s15  }
0x172: {  	s17 =	sor.u32 s17, s18  }
.LBB2_70:
.Ltmp69:
0x173: {  	(pc) =	sbr.rel @p1 .LBB2_74-.Ltmp69, $2  }
0x174: {  	_ =	sdelay $0x2  }
0x175: {  	[tilespmem:s17+$0x4280] =	vst v0  }
.LBB2_71:
0x176: {  	s15 =	sadd.s32 $0x1, s7  }
0x177: {  	p2 =	slt.u32 s15, $0x7F  }
.Ltmp70:
0x178: {  	_ = 	snop;
	(pc) =	sbr.rel @!p2 .LBB2_73-.Ltmp70, $3  }
0x179: {  	_ =	sdelay $0x1  }
0x17a: {  	s16 =	sand.u32 $0x70, s9;
	s17 =	sand.u32 $0x3C00, s8  }
0x17b: {  	v0 =	vbroadcast v3, $0xB;
	s18 =	sor.u32 s16, s17;
	s16 =	smov.u32 s8;
	s17 =	smov.u32 s9  }
.LBB2_72:
0x17c: {  	s15 =	sadd.s32 $0x1, s15  }
0x17d: {  	[tilespmem:s18+$0x4280] =	vst v0;
	s16 =	sadd.s32 $0x80, s16;
	s17 =	sadd.s32 $0x10, s17;
	p2 =	slt.u32 s15, $0x7F  }
.Ltmp71:
0x17e: {  	(pc) =	sbr.rel @p2 .LBB2_72-.Ltmp71, $3  }
0x17f: {  	_ =	sdelay $0x1  }
0x180: {  	s18 =	sand.u32 $0x70, s17;
	s19 =	sand.u32 $0x3C00, s16  }
0x181: {  	s18 =	sor.u32 s18, s19  }
.LBB2_73:
.Ltmp72:
0x182: {  	(pc) =	sbr.rel @p0 .LBB2_77-.Ltmp72, $2  }
0x183: {  	_ =	sdelay $0x2  }
0x184: {  	[tilespmem:s18+$0x4280] =	vst v0  }
.LBB2_74:
0x185: {  	p2 =	seq.s32 s6, $0x10  }
.Ltmp73:
0x186: {  	_ = 	snop;
	(pc) =	sbr.rel @p2 .LBB2_76-.Ltmp73, $4  }
0x187: {  	_ = 	snop  }
0x188: {  	s15 =	simm.s32 $0x0  }
0x189: {  	v0 =	vbroadcast v4, $0xC;
	s17 =	sand.u32 $0x70, s15;
	s18 =	sand.u32 $0xFFFFFC00, s15  }
0x18a: {  	s16 =	simm.s32 $0x10;
	s17 =	sor.u32 s17, s18  }
.LBB2_75:
0x18b: {  	[tilespmem:s17+$0x4300] =	vst v0;
	s17 =	smov.u32 s16;
	s16 =	sadd.s32 $0x10, s16  }
0x18c: {  	s15 =	sadd.s32 $0x80, s15;
	p2 =	seq.s32 s6, s16  }
.Ltmp74:
0x18d: {  	(pc) =	sbr.rel @!p2 .LBB2_75-.Ltmp74, $3  }
0x18e: {  	_ =	sdelay $0x1  }
0x18f: {  	s17 =	sand.u32 $0x70, s17;
	s18 =	sand.u32 $0xFFFFFC00, s15  }
0x190: {  	s17 =	sor.u32 s17, s18  }
.LBB2_76:
.Ltmp75:
0x191: {  	(pc) =	sbr.rel @p1 .LBB2_80-.Ltmp75, $2  }
0x192: {  	_ =	sdelay $0x2  }
0x193: {  	[tilespmem:s17+$0x4300] =	vst v0  }
.LBB2_77:
0x194: {  	s15 =	sadd.s32 $0x1, s7  }
0x195: {  	p2 =	slt.u32 s15, $0x7F  }
.Ltmp76:
0x196: {  	_ = 	snop;
	(pc) =	sbr.rel @!p2 .LBB2_79-.Ltmp76, $3  }
0x197: {  	_ =	sdelay $0x1  }
0x198: {  	s16 =	sand.u32 $0x70, s9;
	s17 =	sand.u32 $0x3C00, s8  }
0x199: {  	v0 =	vbroadcast v3, $0xC;
	s18 =	sor.u32 s16, s17;
	s16 =	smov.u32 s8;
	s17 =	smov.u32 s9  }
.LBB2_78:
0x19a: {  	s15 =	sadd.s32 $0x1, s15  }
0x19b: {  	[tilespmem:s18+$0x4300] =	vst v0;
	s16 =	sadd.s32 $0x80, s16;
	s17 =	sadd.s32 $0x10, s17;
	p2 =	slt.u32 s15, $0x7F  }
.Ltmp77:
0x19c: {  	(pc) =	sbr.rel @p2 .LBB2_78-.Ltmp77, $3  }
0x19d: {  	_ =	sdelay $0x1  }
0x19e: {  	s18 =	sand.u32 $0x70, s17;
	s19 =	sand.u32 $0x3C00, s16  }
0x19f: {  	s18 =	sor.u32 s18, s19  }
.LBB2_79:
.Ltmp78:
0x1a0: {  	(pc) =	sbr.rel @p0 .LBB2_83-.Ltmp78, $2  }
0x1a1: {  	_ =	sdelay $0x2  }
0x1a2: {  	[tilespmem:s18+$0x4300] =	vst v0  }
.LBB2_80:
0x1a3: {  	p2 =	seq.s32 s6, $0x10  }
.Ltmp79:
0x1a4: {  	_ = 	snop;
	(pc) =	sbr.rel @p2 .LBB2_82-.Ltmp79, $4  }
0x1a5: {  	_ = 	snop  }
0x1a6: {  	s15 =	simm.s32 $0x0  }
0x1a7: {  	v0 =	vbroadcast v4, $0xD;
	s17 =	sand.u32 $0x70, s15;
	s18 =	sand.u32 $0xFFFFFC00, s15  }
0x1a8: {  	s16 =	simm.s32 $0x10;
	s17 =	sor.u32 s17, s18  }
.LBB2_81:
0x1a9: {  	[tilespmem:s17+$0x4380] =	vst v0;
	s17 =	smov.u32 s16;
	s16 =	sadd.s32 $0x10, s16  }
0x1aa: {  	s15 =	sadd.s32 $0x80, s15;
	p2 =	seq.s32 s6, s16  }
.Ltmp80:
0x1ab: {  	(pc) =	sbr.rel @!p2 .LBB2_81-.Ltmp80, $3  }
0x1ac: {  	_ =	sdelay $0x1  }
0x1ad: {  	s17 =	sand.u32 $0x70, s17;
	s18 =	sand.u32 $0xFFFFFC00, s15  }
0x1ae: {  	s17 =	sor.u32 s17, s18  }
.LBB2_82:
.Ltmp81:
0x1af: {  	(pc) =	sbr.rel @p1 .LBB2_86-.Ltmp81, $2  }
0x1b0: {  	_ =	sdelay $0x2  }
0x1b1: {  	[tilespmem:s17+$0x4380] =	vst v0  }
.LBB2_83:
0x1b2: {  	s15 =	sadd.s32 $0x1, s7  }
0x1b3: {  	p2 =	slt.u32 s15, $0x7F  }
.Ltmp82:
0x1b4: {  	_ = 	snop;
	(pc) =	sbr.rel @!p2 .LBB2_85-.Ltmp82, $3  }
0x1b5: {  	_ =	sdelay $0x1  }
0x1b6: {  	s16 =	sand.u32 $0x70, s9;
	s17 =	sand.u32 $0x3C00, s8  }
0x1b7: {  	v0 =	vbroadcast v3, $0xD;
	s18 =	sor.u32 s16, s17;
	s16 =	smov.u32 s8;
	s17 =	smov.u32 s9  }
.LBB2_84:
0x1b8: {  	s15 =	sadd.s32 $0x1, s15  }
0x1b9: {  	[tilespmem:s18+$0x4380] =	vst v0;
	s16 =	sadd.s32 $0x80, s16;
	s17 =	sadd.s32 $0x10, s17;
	p2 =	slt.u32 s15, $0x7F  }
.Ltmp83:
0x1ba: {  	(pc) =	sbr.rel @p2 .LBB2_84-.Ltmp83, $3  }
0x1bb: {  	_ =	sdelay $0x1  }
0x1bc: {  	s18 =	sand.u32 $0x70, s17;
	s19 =	sand.u32 $0x3C00, s16  }
0x1bd: {  	s18 =	sor.u32 s18, s19  }
.LBB2_85:
.Ltmp84:
0x1be: {  	(pc) =	sbr.rel @p0 .LBB2_89-.Ltmp84, $2  }
0x1bf: {  	_ =	sdelay $0x2  }
0x1c0: {  	[tilespmem:s18+$0x4380] =	vst v0  }
.LBB2_86:
0x1c1: {  	p2 =	seq.s32 s6, $0x10  }
.Ltmp85:
0x1c2: {  	_ = 	snop;
	(pc) =	sbr.rel @p2 .LBB2_88-.Ltmp85, $4  }
0x1c3: {  	_ = 	snop  }
0x1c4: {  	s15 =	simm.s32 $0x0  }
0x1c5: {  	v0 =	vbroadcast v4, $0xE;
	s17 =	sand.u32 $0x70, s15;
	s18 =	sand.u32 $0xFFFFFC00, s15  }
0x1c6: {  	s16 =	simm.s32 $0x10;
	s17 =	sor.u32 s17, s18  }
.LBB2_87:
0x1c7: {  	[tilespmem:s17+$0x4400] =	vst v0;
	s17 =	smov.u32 s16;
	s16 =	sadd.s32 $0x10, s16  }
0x1c8: {  	s15 =	sadd.s32 $0x80, s15;
	p2 =	seq.s32 s6, s16  }
.Ltmp86:
0x1c9: {  	(pc) =	sbr.rel @!p2 .LBB2_87-.Ltmp86, $3  }
0x1ca: {  	_ =	sdelay $0x1  }
0x1cb: {  	s17 =	sand.u32 $0x70, s17;
	s18 =	sand.u32 $0xFFFFFC00, s15  }
0x1cc: {  	s17 =	sor.u32 s17, s18  }
.LBB2_88:
.Ltmp87:
0x1cd: {  	(pc) =	sbr.rel @p1 .LBB2_92-.Ltmp87, $2  }
0x1ce: {  	_ =	sdelay $0x2  }
0x1cf: {  	[tilespmem:s17+$0x4400] =	vst v0  }
.LBB2_89:
0x1d0: {  	s15 =	sadd.s32 $0x1, s7  }
0x1d1: {  	p2 =	slt.u32 s15, $0x7F  }
.Ltmp88:
0x1d2: {  	_ = 	snop;
	(pc) =	sbr.rel @!p2 .LBB2_91-.Ltmp88, $3  }
0x1d3: {  	_ =	sdelay $0x1  }
0x1d4: {  	s16 =	sand.u32 $0x70, s9;
	s17 =	sand.u32 $0x3C00, s8  }
0x1d5: {  	v0 =	vbroadcast v3, $0xE;
	s18 =	sor.u32 s16, s17;
	s16 =	smov.u32 s8;
	s17 =	smov.u32 s9  }
.LBB2_90:
0x1d6: {  	s15 =	sadd.s32 $0x1, s15  }
0x1d7: {  	[tilespmem:s18+$0x4400] =	vst v0;
	s16 =	sadd.s32 $0x80, s16;
	s17 =	sadd.s32 $0x10, s17;
	p2 =	slt.u32 s15, $0x7F  }
.Ltmp89:
0x1d8: {  	(pc) =	sbr.rel @p2 .LBB2_90-.Ltmp89, $3  }
0x1d9: {  	_ =	sdelay $0x1  }
0x1da: {  	s18 =	sand.u32 $0x70, s17;
	s19 =	sand.u32 $0x3C00, s16  }
0x1db: {  	s18 =	sor.u32 s18, s19  }
.LBB2_91:
.Ltmp90:
0x1dc: {  	(pc) =	sbr.rel @p0 .LBB2_95-.Ltmp90, $2  }
0x1dd: {  	_ =	sdelay $0x2  }
0x1de: {  	[tilespmem:s18+$0x4400] =	vst v0  }
.LBB2_92:
0x1df: {  	p2 =	seq.s32 s6, $0x10  }
.Ltmp91:
0x1e0: {  	_ = 	snop;
	(pc) =	sbr.rel @p2 .LBB2_94-.Ltmp91, $4  }
0x1e1: {  	_ = 	snop  }
0x1e2: {  	s15 =	simm.s32 $0x0  }
0x1e3: {  	v0 =	vbroadcast v4, $0xF;
	s17 =	sand.u32 $0x70, s15;
	s18 =	sand.u32 $0xFFFFFC00, s15  }
0x1e4: {  	s16 =	simm.s32 $0x10;
	s17 =	sor.u32 s17, s18  }
.LBB2_93:
0x1e5: {  	[tilespmem:s17+$0x4480] =	vst v0;
	s17 =	smov.u32 s16;
	s16 =	sadd.s32 $0x10, s16  }
0x1e6: {  	s15 =	sadd.s32 $0x80, s15;
	p2 =	seq.s32 s6, s16  }
.Ltmp92:
0x1e7: {  	(pc) =	sbr.rel @!p2 .LBB2_93-.Ltmp92, $3  }
0x1e8: {  	_ =	sdelay $0x1  }
0x1e9: {  	s17 =	sand.u32 $0x70, s17;
	s18 =	sand.u32 $0xFFFFFC00, s15  }
0x1ea: {  	s17 =	sor.u32 s17, s18  }
.LBB2_94:
.Ltmp93:
0x1eb: {  	(pc) =	sbr.rel @p1 .LBB2_98-.Ltmp93, $2  }
0x1ec: {  	_ =	sdelay $0x2  }
0x1ed: {  	[tilespmem:s17+$0x4480] =	vst v0  }
.LBB2_95:
0x1ee: {  	s15 =	sadd.s32 $0x1, s7  }
0x1ef: {  	p2 =	slt.u32 s15, $0x7F  }
.Ltmp94:
0x1f0: {  	_ = 	snop;
	(pc) =	sbr.rel @!p2 .LBB2_97-.Ltmp94, $3  }
0x1f1: {  	_ =	sdelay $0x1  }
0x1f2: {  	s16 =	sand.u32 $0x70, s9;
	s17 =	sand.u32 $0x3C00, s8  }
0x1f3: {  	v0 =	vbroadcast v3, $0xF;
	s18 =	sor.u32 s16, s17;
	s16 =	smov.u32 s8;
	s17 =	smov.u32 s9  }
.LBB2_96:
0x1f4: {  	s15 =	sadd.s32 $0x1, s15  }
0x1f5: {  	[tilespmem:s18+$0x4480] =	vst v0;
	s16 =	sadd.s32 $0x80, s16;
	s17 =	sadd.s32 $0x10, s17;
	p2 =	slt.u32 s15, $0x7F  }
.Ltmp95:
0x1f6: {  	(pc) =	sbr.rel @p2 .LBB2_96-.Ltmp95, $3  }
0x1f7: {  	_ =	sdelay $0x1  }
0x1f8: {  	s18 =	sand.u32 $0x70, s17;
	s19 =	sand.u32 $0x3C00, s16  }
0x1f9: {  	s18 =	sor.u32 s18, s19  }
.LBB2_97:
.Ltmp96:
0x1fa: {  	(pc) =	sbr.rel @p0 .LBB2_101-.Ltmp96, $2  }
0x1fb: {  	_ =	sdelay $0x2  }
0x1fc: {  	[tilespmem:s18+$0x4480] =	vst v0  }
.LBB2_98:
0x1fd: {  	p2 =	seq.s32 s6, $0x10  }
.Ltmp97:
0x1fe: {  	_ = 	snop;
	(pc) =	sbr.rel @p2 .LBB2_100-.Ltmp97, $4  }
0x1ff: {  	_ = 	snop  }
0x200: {  	s15 =	simm.s32 $0x0  }
0x201: {  	v0 =	vbroadcast v2, $0x0;
	s17 =	sand.u32 $0x70, s15;
	s18 =	sand.u32 $0xFFFFFC00, s15  }
0x202: {  	s16 =	simm.s32 $0x10;
	s17 =	sor.u32 s17, s18  }
.LBB2_99:
0x203: {  	[tilespmem:s17+$0x8100] =	vst v0;
	s17 =	smov.u32 s16;
	s16 =	sadd.s32 $0x10, s16  }
0x204: {  	s15 =	sadd.s32 $0x80, s15;
	p2 =	seq.s32 s6, s16  }
.Ltmp98:
0x205: {  	(pc) =	sbr.rel @!p2 .LBB2_99-.Ltmp98, $3  }
0x206: {  	_ =	sdelay $0x1  }
0x207: {  	s17 =	sand.u32 $0x70, s17;
	s18 =	sand.u32 $0xFFFFFC00, s15  }
0x208: {  	s17 =	sor.u32 s17, s18  }
.LBB2_100:
.Ltmp99:
0x209: {  	(pc) =	sbr.rel @p1 .LBB2_104-.Ltmp99, $2  }
0x20a: {  	_ =	sdelay $0x2  }
0x20b: {  	[tilespmem:s17+$0x8100] =	vst v0  }
.LBB2_101:
0x20c: {  	s15 =	sadd.s32 $0x1, s7  }
0x20d: {  	p2 =	slt.u32 s15, $0x7F  }
.Ltmp100:
0x20e: {  	_ = 	snop;
	(pc) =	sbr.rel @!p2 .LBB2_103-.Ltmp100, $3  }
0x20f: {  	_ =	sdelay $0x1  }
0x210: {  	s16 =	sand.u32 $0x70, s9;
	s17 =	sand.u32 $0x3C00, s8  }
0x211: {  	v0 =	vbroadcast v1, $0x0;
	s18 =	sor.u32 s16, s17;
	s16 =	smov.u32 s8;
	s17 =	smov.u32 s9  }
.LBB2_102:
0x212: {  	s15 =	sadd.s32 $0x1, s15  }
0x213: {  	[tilespmem:s18+$0x8100] =	vst v0;
	s16 =	sadd.s32 $0x80, s16;
	s17 =	sadd.s32 $0x10, s17;
	p2 =	slt.u32 s15, $0x7F  }
.Ltmp101:
0x214: {  	(pc) =	sbr.rel @p2 .LBB2_102-.Ltmp101, $3  }
0x215: {  	_ =	sdelay $0x1  }
0x216: {  	s18 =	sand.u32 $0x70, s17;
	s19 =	sand.u32 $0x3C00, s16  }
0x217: {  	s18 =	sor.u32 s18, s19  }
.LBB2_103:
.Ltmp102:
0x218: {  	(pc) =	sbr.rel @p0 .LBB2_107-.Ltmp102, $2  }
0x219: {  	_ =	sdelay $0x2  }
0x21a: {  	[tilespmem:s18+$0x8100] =	vst v0  }
.LBB2_104:
0x21b: {  	p2 =	seq.s32 s6, $0x10  }
.Ltmp103:
0x21c: {  	_ = 	snop;
	(pc) =	sbr.rel @p2 .LBB2_106-.Ltmp103, $4  }
0x21d: {  	_ = 	snop  }
0x21e: {  	s15 =	simm.s32 $0x0  }
0x21f: {  	v0 =	vbroadcast v2, $0x1;
	s17 =	sand.u32 $0x70, s15;
	s18 =	sand.u32 $0xFFFFFC00, s15  }
0x220: {  	s16 =	simm.s32 $0x10;
	s17 =	sor.u32 s17, s18  }
.LBB2_105:
0x221: {  	[tilespmem:s17+$0x8180] =	vst v0;
	s17 =	smov.u32 s16;
	s16 =	sadd.s32 $0x10, s16  }
0x222: {  	s15 =	sadd.s32 $0x80, s15;
	p2 =	seq.s32 s6, s16  }
.Ltmp104:
0x223: {  	(pc) =	sbr.rel @!p2 .LBB2_105-.Ltmp104, $3  }
0x224: {  	_ =	sdelay $0x1  }
0x225: {  	s17 =	sand.u32 $0x70, s17;
	s18 =	sand.u32 $0xFFFFFC00, s15  }
0x226: {  	s17 =	sor.u32 s17, s18  }
.LBB2_106:
.Ltmp105:
0x227: {  	(pc) =	sbr.rel @p1 .LBB2_110-.Ltmp105, $2  }
0x228: {  	_ =	sdelay $0x2  }
0x229: {  	[tilespmem:s17+$0x8180] =	vst v0  }
.LBB2_107:
0x22a: {  	s15 =	sadd.s32 $0x1, s7  }
0x22b: {  	p2 =	slt.u32 s15, $0x7F  }
.Ltmp106:
0x22c: {  	_ = 	snop;
	(pc) =	sbr.rel @!p2 .LBB2_109-.Ltmp106, $3  }
0x22d: {  	_ =	sdelay $0x1  }
0x22e: {  	s16 =	sand.u32 $0x70, s9;
	s17 =	sand.u32 $0x3C00, s8  }
0x22f: {  	v0 =	vbroadcast v1, $0x1;
	s18 =	sor.u32 s16, s17;
	s16 =	smov.u32 s8;
	s17 =	smov.u32 s9  }
.LBB2_108:
0x230: {  	s15 =	sadd.s32 $0x1, s15  }
0x231: {  	[tilespmem:s18+$0x8180] =	vst v0;
	s16 =	sadd.s32 $0x80, s16;
	s17 =	sadd.s32 $0x10, s17;
	p2 =	slt.u32 s15, $0x7F  }
.Ltmp107:
0x232: {  	(pc) =	sbr.rel @p2 .LBB2_108-.Ltmp107, $3  }
0x233: {  	_ =	sdelay $0x1  }
0x234: {  	s18 =	sand.u32 $0x70, s17;
	s19 =	sand.u32 $0x3C00, s16  }
0x235: {  	s18 =	sor.u32 s18, s19  }
.LBB2_109:
.Ltmp108:
0x236: {  	(pc) =	sbr.rel @p0 .LBB2_113-.Ltmp108, $2  }
0x237: {  	_ =	sdelay $0x2  }
0x238: {  	[tilespmem:s18+$0x8180] =	vst v0  }
.LBB2_110:
0x239: {  	p2 =	seq.s32 s6, $0x10  }
.Ltmp109:
0x23a: {  	_ = 	snop;
	(pc) =	sbr.rel @p2 .LBB2_112-.Ltmp109, $4  }
0x23b: {  	_ = 	snop  }
0x23c: {  	s15 =	simm.s32 $0x0  }
0x23d: {  	v0 =	vbroadcast v2, $0x2;
	s17 =	sand.u32 $0x70, s15;
	s18 =	sand.u32 $0xFFFFFC00, s15  }
0x23e: {  	s16 =	simm.s32 $0x10;
	s17 =	sor.u32 s17, s18  }
.LBB2_111:
0x23f: {  	[tilespmem:s17+$0x8200] =	vst v0;
	s17 =	smov.u32 s16;
	s16 =	sadd.s32 $0x10, s16  }
0x240: {  	s15 =	sadd.s32 $0x80, s15;
	p2 =	seq.s32 s6, s16  }
.Ltmp110:
0x241: {  	(pc) =	sbr.rel @!p2 .LBB2_111-.Ltmp110, $3  }
0x242: {  	_ =	sdelay $0x1  }
0x243: {  	s17 =	sand.u32 $0x70, s17;
	s18 =	sand.u32 $0xFFFFFC00, s15  }
0x244: {  	s17 =	sor.u32 s17, s18  }
.LBB2_112:
.Ltmp111:
0x245: {  	(pc) =	sbr.rel @p1 .LBB2_116-.Ltmp111, $2  }
0x246: {  	_ =	sdelay $0x2  }
0x247: {  	[tilespmem:s17+$0x8200] =	vst v0  }
.LBB2_113:
0x248: {  	s15 =	sadd.s32 $0x1, s7  }
0x249: {  	p2 =	slt.u32 s15, $0x7F  }
.Ltmp112:
0x24a: {  	_ = 	snop;
	(pc) =	sbr.rel @!p2 .LBB2_115-.Ltmp112, $3  }
0x24b: {  	_ =	sdelay $0x1  }
0x24c: {  	s16 =	sand.u32 $0x70, s9;
	s17 =	sand.u32 $0x3C00, s8  }
0x24d: {  	v0 =	vbroadcast v1, $0x2;
	s18 =	sor.u32 s16, s17;
	s16 =	smov.u32 s8;
	s17 =	smov.u32 s9  }
.LBB2_114:
0x24e: {  	s15 =	sadd.s32 $0x1, s15  }
0x24f: {  	[tilespmem:s18+$0x8200] =	vst v0;
	s16 =	sadd.s32 $0x80, s16;
	s17 =	sadd.s32 $0x10, s17;
	p2 =	slt.u32 s15, $0x7F  }
.Ltmp113:
0x250: {  	(pc) =	sbr.rel @p2 .LBB2_114-.Ltmp113, $3  }
0x251: {  	_ =	sdelay $0x1  }
0x252: {  	s18 =	sand.u32 $0x70, s17;
	s19 =	sand.u32 $0x3C00, s16  }
0x253: {  	s18 =	sor.u32 s18, s19  }
.LBB2_115:
.Ltmp114:
0x254: {  	(pc) =	sbr.rel @p0 .LBB2_119-.Ltmp114, $2  }
0x255: {  	_ =	sdelay $0x2  }
0x256: {  	[tilespmem:s18+$0x8200] =	vst v0  }
.LBB2_116:
0x257: {  	p2 =	seq.s32 s6, $0x10  }
.Ltmp115:
0x258: {  	_ = 	snop;
	(pc) =	sbr.rel @p2 .LBB2_118-.Ltmp115, $4  }
0x259: {  	_ = 	snop  }
0x25a: {  	s15 =	simm.s32 $0x0  }
0x25b: {  	v0 =	vbroadcast v2, $0x3;
	s17 =	sand.u32 $0x70, s15;
	s18 =	sand.u32 $0xFFFFFC00, s15  }
0x25c: {  	s16 =	simm.s32 $0x10;
	s17 =	sor.u32 s17, s18  }
.LBB2_117:
0x25d: {  	[tilespmem:s17+$0x8280] =	vst v0;
	s17 =	smov.u32 s16;
	s16 =	sadd.s32 $0x10, s16  }
0x25e: {  	s15 =	sadd.s32 $0x80, s15;
	p2 =	seq.s32 s6, s16  }
.Ltmp116:
0x25f: {  	(pc) =	sbr.rel @!p2 .LBB2_117-.Ltmp116, $3  }
0x260: {  	_ =	sdelay $0x1  }
0x261: {  	s17 =	sand.u32 $0x70, s17;
	s18 =	sand.u32 $0xFFFFFC00, s15  }
0x262: {  	s17 =	sor.u32 s17, s18  }
.LBB2_118:
.Ltmp117:
0x263: {  	(pc) =	sbr.rel @p1 .LBB2_122-.Ltmp117, $2  }
0x264: {  	_ =	sdelay $0x2  }
0x265: {  	[tilespmem:s17+$0x8280] =	vst v0  }
.LBB2_119:
0x266: {  	s15 =	sadd.s32 $0x1, s7  }
0x267: {  	p2 =	slt.u32 s15, $0x7F  }
.Ltmp118:
0x268: {  	_ = 	snop;
	(pc) =	sbr.rel @!p2 .LBB2_121-.Ltmp118, $3  }
0x269: {  	_ =	sdelay $0x1  }
0x26a: {  	s16 =	sand.u32 $0x70, s9;
	s17 =	sand.u32 $0x3C00, s8  }
0x26b: {  	v0 =	vbroadcast v1, $0x3;
	s18 =	sor.u32 s16, s17;
	s16 =	smov.u32 s8;
	s17 =	smov.u32 s9  }
.LBB2_120:
0x26c: {  	s15 =	sadd.s32 $0x1, s15  }
0x26d: {  	[tilespmem:s18+$0x8280] =	vst v0;
	s16 =	sadd.s32 $0x80, s16;
	s17 =	sadd.s32 $0x10, s17;
	p2 =	slt.u32 s15, $0x7F  }
.Ltmp119:
0x26e: {  	(pc) =	sbr.rel @p2 .LBB2_120-.Ltmp119, $3  }
0x26f: {  	_ =	sdelay $0x1  }
0x270: {  	s18 =	sand.u32 $0x70, s17;
	s19 =	sand.u32 $0x3C00, s16  }
0x271: {  	s18 =	sor.u32 s18, s19  }
.LBB2_121:
.Ltmp120:
0x272: {  	(pc) =	sbr.rel @p0 .LBB2_125-.Ltmp120, $2  }
0x273: {  	_ =	sdelay $0x2  }
0x274: {  	[tilespmem:s18+$0x8280] =	vst v0  }
.LBB2_122:
0x275: {  	p2 =	seq.s32 s6, $0x10  }
.Ltmp121:
0x276: {  	_ = 	snop;
	(pc) =	sbr.rel @p2 .LBB2_124-.Ltmp121, $4  }
0x277: {  	_ = 	snop  }
0x278: {  	s15 =	simm.s32 $0x0  }
0x279: {  	v0 =	vbroadcast v2, $0x4;
	s17 =	sand.u32 $0x70, s15;
	s18 =	sand.u32 $0xFFFFFC00, s15  }
0x27a: {  	s16 =	simm.s32 $0x10;
	s17 =	sor.u32 s17, s18  }
.LBB2_123:
0x27b: {  	[tilespmem:s17+$0x8300] =	vst v0;
	s17 =	smov.u32 s16;
	s16 =	sadd.s32 $0x10, s16  }
0x27c: {  	s15 =	sadd.s32 $0x80, s15;
	p2 =	seq.s32 s6, s16  }
.Ltmp122:
0x27d: {  	(pc) =	sbr.rel @!p2 .LBB2_123-.Ltmp122, $3  }
0x27e: {  	_ =	sdelay $0x1  }
0x27f: {  	s17 =	sand.u32 $0x70, s17;
	s18 =	sand.u32 $0xFFFFFC00, s15  }
0x280: {  	s17 =	sor.u32 s17, s18  }
.LBB2_124:
.Ltmp123:
0x281: {  	(pc) =	sbr.rel @p1 .LBB2_128-.Ltmp123, $2  }
0x282: {  	_ =	sdelay $0x2  }
0x283: {  	[tilespmem:s17+$0x8300] =	vst v0  }
.LBB2_125:
0x284: {  	s15 =	sadd.s32 $0x1, s7  }
0x285: {  	p2 =	slt.u32 s15, $0x7F  }
.Ltmp124:
0x286: {  	_ = 	snop;
	(pc) =	sbr.rel @!p2 .LBB2_127-.Ltmp124, $3  }
0x287: {  	_ =	sdelay $0x1  }
0x288: {  	s16 =	sand.u32 $0x70, s9;
	s17 =	sand.u32 $0x3C00, s8  }
0x289: {  	v0 =	vbroadcast v1, $0x4;
	s18 =	sor.u32 s16, s17;
	s16 =	smov.u32 s8;
	s17 =	smov.u32 s9  }
.LBB2_126:
0x28a: {  	s15 =	sadd.s32 $0x1, s15  }
0x28b: {  	[tilespmem:s18+$0x8300] =	vst v0;
	s16 =	sadd.s32 $0x80, s16;
	s17 =	sadd.s32 $0x10, s17;
	p2 =	slt.u32 s15, $0x7F  }
.Ltmp125:
0x28c: {  	(pc) =	sbr.rel @p2 .LBB2_126-.Ltmp125, $3  }
0x28d: {  	_ =	sdelay $0x1  }
0x28e: {  	s18 =	sand.u32 $0x70, s17;
	s19 =	sand.u32 $0x3C00, s16  }
0x28f: {  	s18 =	sor.u32 s18, s19  }
.LBB2_127:
.Ltmp126:
0x290: {  	(pc) =	sbr.rel @p0 .LBB2_131-.Ltmp126, $2  }
0x291: {  	_ =	sdelay $0x2  }
0x292: {  	[tilespmem:s18+$0x8300] =	vst v0  }
.LBB2_128:
0x293: {  	p2 =	seq.s32 s6, $0x10  }
.Ltmp127:
0x294: {  	_ = 	snop;
	(pc) =	sbr.rel @p2 .LBB2_130-.Ltmp127, $4  }
0x295: {  	_ = 	snop  }
0x296: {  	s15 =	simm.s32 $0x0  }
0x297: {  	v0 =	vbroadcast v2, $0x5;
	s17 =	sand.u32 $0x70, s15;
	s18 =	sand.u32 $0xFFFFFC00, s15  }
0x298: {  	s16 =	simm.s32 $0x10;
	s17 =	sor.u32 s17, s18  }
.LBB2_129:
0x299: {  	[tilespmem:s17+$0x8380] =	vst v0;
	s17 =	smov.u32 s16;
	s16 =	sadd.s32 $0x10, s16  }
0x29a: {  	s15 =	sadd.s32 $0x80, s15;
	p2 =	seq.s32 s6, s16  }
.Ltmp128:
0x29b: {  	(pc) =	sbr.rel @!p2 .LBB2_129-.Ltmp128, $3  }
0x29c: {  	_ =	sdelay $0x1  }
0x29d: {  	s17 =	sand.u32 $0x70, s17;
	s18 =	sand.u32 $0xFFFFFC00, s15  }
0x29e: {  	s17 =	sor.u32 s17, s18  }
.LBB2_130:
.Ltmp129:
0x29f: {  	(pc) =	sbr.rel @p1 .LBB2_134-.Ltmp129, $2  }
0x2a0: {  	_ =	sdelay $0x2  }
0x2a1: {  	[tilespmem:s17+$0x8380] =	vst v0  }
.LBB2_131:
0x2a2: {  	s15 =	sadd.s32 $0x1, s7  }
0x2a3: {  	p2 =	slt.u32 s15, $0x7F  }
.Ltmp130:
0x2a4: {  	_ = 	snop;
	(pc) =	sbr.rel @!p2 .LBB2_133-.Ltmp130, $3  }
0x2a5: {  	_ =	sdelay $0x1  }
0x2a6: {  	s16 =	sand.u32 $0x70, s9;
	s17 =	sand.u32 $0x3C00, s8  }
0x2a7: {  	v0 =	vbroadcast v1, $0x5;
	s18 =	sor.u32 s16, s17;
	s16 =	smov.u32 s8;
	s17 =	smov.u32 s9  }
.LBB2_132:
0x2a8: {  	s15 =	sadd.s32 $0x1, s15  }
0x2a9: {  	[tilespmem:s18+$0x8380] =	vst v0;
	s16 =	sadd.s32 $0x80, s16;
	s17 =	sadd.s32 $0x10, s17;
	p2 =	slt.u32 s15, $0x7F  }
.Ltmp131:
0x2aa: {  	(pc) =	sbr.rel @p2 .LBB2_132-.Ltmp131, $3  }
0x2ab: {  	_ =	sdelay $0x1  }
0x2ac: {  	s18 =	sand.u32 $0x70, s17;
	s19 =	sand.u32 $0x3C00, s16  }
0x2ad: {  	s18 =	sor.u32 s18, s19  }
.LBB2_133:
.Ltmp132:
0x2ae: {  	(pc) =	sbr.rel @p0 .LBB2_137-.Ltmp132, $2  }
0x2af: {  	_ =	sdelay $0x2  }
0x2b0: {  	[tilespmem:s18+$0x8380] =	vst v0  }
.LBB2_134:
0x2b1: {  	p2 =	seq.s32 s6, $0x10  }
.Ltmp133:
0x2b2: {  	_ = 	snop;
	(pc) =	sbr.rel @p2 .LBB2_136-.Ltmp133, $4  }
0x2b3: {  	_ = 	snop  }
0x2b4: {  	s15 =	simm.s32 $0x0  }
0x2b5: {  	v0 =	vbroadcast v2, $0x6;
	s17 =	sand.u32 $0x70, s15;
	s18 =	sand.u32 $0xFFFFFC00, s15  }
0x2b6: {  	s16 =	simm.s32 $0x10;
	s17 =	sor.u32 s17, s18  }
.LBB2_135:
0x2b7: {  	[tilespmem:s17+$0x8400] =	vst v0;
	s17 =	smov.u32 s16;
	s16 =	sadd.s32 $0x10, s16  }
0x2b8: {  	s15 =	sadd.s32 $0x80, s15;
	p2 =	seq.s32 s6, s16  }
.Ltmp134:
0x2b9: {  	(pc) =	sbr.rel @!p2 .LBB2_135-.Ltmp134, $3  }
0x2ba: {  	_ =	sdelay $0x1  }
0x2bb: {  	s17 =	sand.u32 $0x70, s17;
	s18 =	sand.u32 $0xFFFFFC00, s15  }
0x2bc: {  	s17 =	sor.u32 s17, s18  }
.LBB2_136:
.Ltmp135:
0x2bd: {  	(pc) =	sbr.rel @p1 .LBB2_140-.Ltmp135, $2  }
0x2be: {  	_ =	sdelay $0x2  }
0x2bf: {  	[tilespmem:s17+$0x8400] =	vst v0  }
.LBB2_137:
0x2c0: {  	s15 =	sadd.s32 $0x1, s7  }
0x2c1: {  	p2 =	slt.u32 s15, $0x7F  }
.Ltmp136:
0x2c2: {  	_ = 	snop;
	(pc) =	sbr.rel @!p2 .LBB2_139-.Ltmp136, $3  }
0x2c3: {  	_ =	sdelay $0x1  }
0x2c4: {  	s16 =	sand.u32 $0x70, s9;
	s17 =	sand.u32 $0x3C00, s8  }
0x2c5: {  	v0 =	vbroadcast v1, $0x6;
	s18 =	sor.u32 s16, s17;
	s16 =	smov.u32 s8;
	s17 =	smov.u32 s9  }
.LBB2_138:
0x2c6: {  	s15 =	sadd.s32 $0x1, s15  }
0x2c7: {  	[tilespmem:s18+$0x8400] =	vst v0;
	s16 =	sadd.s32 $0x80, s16;
	s17 =	sadd.s32 $0x10, s17;
	p2 =	slt.u32 s15, $0x7F  }
.Ltmp137:
0x2c8: {  	(pc) =	sbr.rel @p2 .LBB2_138-.Ltmp137, $3  }
0x2c9: {  	_ =	sdelay $0x1  }
0x2ca: {  	s18 =	sand.u32 $0x70, s17;
	s19 =	sand.u32 $0x3C00, s16  }
0x2cb: {  	s18 =	sor.u32 s18, s19  }
.LBB2_139:
.Ltmp138:
0x2cc: {  	(pc) =	sbr.rel @p0 .LBB2_143-.Ltmp138, $2  }
0x2cd: {  	_ =	sdelay $0x2  }
0x2ce: {  	[tilespmem:s18+$0x8400] =	vst v0  }
.LBB2_140:
0x2cf: {  	p2 =	seq.s32 s6, $0x10  }
.Ltmp139:
0x2d0: {  	_ = 	snop;
	(pc) =	sbr.rel @p2 .LBB2_142-.Ltmp139, $4  }
0x2d1: {  	_ = 	snop  }
0x2d2: {  	s15 =	simm.s32 $0x0  }
0x2d3: {  	v0 =	vbroadcast v2, $0x7;
	s17 =	sand.u32 $0x70, s15;
	s18 =	sand.u32 $0xFFFFFC00, s15  }
0x2d4: {  	s16 =	simm.s32 $0x10;
	s17 =	sor.u32 s17, s18  }
.LBB2_141:
0x2d5: {  	[tilespmem:s17+$0x8480] =	vst v0;
	s17 =	smov.u32 s16;
	s16 =	sadd.s32 $0x10, s16  }
0x2d6: {  	s15 =	sadd.s32 $0x80, s15;
	p2 =	seq.s32 s6, s16  }
.Ltmp140:
0x2d7: {  	(pc) =	sbr.rel @!p2 .LBB2_141-.Ltmp140, $3  }
0x2d8: {  	_ =	sdelay $0x1  }
0x2d9: {  	s17 =	sand.u32 $0x70, s17;
	s18 =	sand.u32 $0xFFFFFC00, s15  }
0x2da: {  	s17 =	sor.u32 s17, s18  }
.LBB2_142:
.Ltmp141:
0x2db: {  	(pc) =	sbr.rel @p1 .LBB2_146-.Ltmp141, $2  }
0x2dc: {  	_ =	sdelay $0x2  }
0x2dd: {  	[tilespmem:s17+$0x8480] =	vst v0  }
.LBB2_143:
0x2de: {  	s15 =	sadd.s32 $0x1, s7  }
0x2df: {  	p2 =	slt.u32 s15, $0x7F  }
.Ltmp142:
0x2e0: {  	_ = 	snop;
	(pc) =	sbr.rel @!p2 .LBB2_145-.Ltmp142, $3  }
0x2e1: {  	_ =	sdelay $0x1  }
0x2e2: {  	s16 =	sand.u32 $0x70, s9;
	s17 =	sand.u32 $0x3C00, s8  }
0x2e3: {  	v0 =	vbroadcast v1, $0x7;
	s18 =	sor.u32 s16, s17;
	s16 =	smov.u32 s8;
	s17 =	smov.u32 s9  }
.LBB2_144:
0x2e4: {  	s15 =	sadd.s32 $0x1, s15  }
0x2e5: {  	[tilespmem:s18+$0x8480] =	vst v0;
	s16 =	sadd.s32 $0x80, s16;
	s17 =	sadd.s32 $0x10, s17;
	p2 =	slt.u32 s15, $0x7F  }
.Ltmp143:
0x2e6: {  	(pc) =	sbr.rel @p2 .LBB2_144-.Ltmp143, $3  }
0x2e7: {  	_ =	sdelay $0x1  }
0x2e8: {  	s18 =	sand.u32 $0x70, s17;
	s19 =	sand.u32 $0x3C00, s16  }
0x2e9: {  	s18 =	sor.u32 s18, s19  }
.LBB2_145:
.Ltmp144:
0x2ea: {  	(pc) =	sbr.rel @p0 .LBB2_149-.Ltmp144, $2  }
0x2eb: {  	_ =	sdelay $0x2  }
0x2ec: {  	[tilespmem:s18+$0x8480] =	vst v0  }
.LBB2_146:
0x2ed: {  	p2 =	seq.s32 s6, $0x10  }
.Ltmp145:
0x2ee: {  	_ = 	snop;
	(pc) =	sbr.rel @p2 .LBB2_148-.Ltmp145, $4  }
0x2ef: {  	_ = 	snop  }
0x2f0: {  	s15 =	simm.s32 $0x0  }
0x2f1: {  	v0 =	vbroadcast v2, $0x8;
	s17 =	sand.u32 $0x70, s15;
	s18 =	sand.u32 $0xFFFFFC00, s15  }
0x2f2: {  	s16 =	simm.s32 $0x10;
	s17 =	sor.u32 s17, s18  }
.LBB2_147:
0x2f3: {  	[tilespmem:s17+$0xC100] =	vst v0;
	s17 =	smov.u32 s16;
	s16 =	sadd.s32 $0x10, s16  }
0x2f4: {  	s15 =	sadd.s32 $0x80, s15;
	p2 =	seq.s32 s6, s16  }
.Ltmp146:
0x2f5: {  	(pc) =	sbr.rel @!p2 .LBB2_147-.Ltmp146, $3  }
0x2f6: {  	_ =	sdelay $0x1  }
0x2f7: {  	s17 =	sand.u32 $0x70, s17;
	s18 =	sand.u32 $0xFFFFFC00, s15  }
0x2f8: {  	s17 =	sor.u32 s17, s18  }
.LBB2_148:
.Ltmp147:
0x2f9: {  	(pc) =	sbr.rel @p1 .LBB2_152-.Ltmp147, $2  }
0x2fa: {  	_ =	sdelay $0x2  }
0x2fb: {  	[tilespmem:s17+$0xC100] =	vst v0  }
.LBB2_149:
0x2fc: {  	s15 =	sadd.s32 $0x1, s7  }
0x2fd: {  	p2 =	slt.u32 s15, $0x7F  }
.Ltmp148:
0x2fe: {  	_ = 	snop;
	(pc) =	sbr.rel @!p2 .LBB2_151-.Ltmp148, $3  }
0x2ff: {  	_ =	sdelay $0x1  }
0x300: {  	s16 =	sand.u32 $0x70, s9;
	s17 =	sand.u32 $0x3C00, s8  }
0x301: {  	v0 =	vbroadcast v1, $0x8;
	s18 =	sor.u32 s16, s17;
	s16 =	smov.u32 s8;
	s17 =	smov.u32 s9  }
.LBB2_150:
0x302: {  	s15 =	sadd.s32 $0x1, s15  }
0x303: {  	[tilespmem:s18+$0xC100] =	vst v0;
	s16 =	sadd.s32 $0x80, s16;
	s17 =	sadd.s32 $0x10, s17;
	p2 =	slt.u32 s15, $0x7F  }
.Ltmp149:
0x304: {  	(pc) =	sbr.rel @p2 .LBB2_150-.Ltmp149, $3  }
0x305: {  	_ =	sdelay $0x1  }
0x306: {  	s18 =	sand.u32 $0x70, s17;
	s19 =	sand.u32 $0x3C00, s16  }
0x307: {  	s18 =	sor.u32 s18, s19  }
.LBB2_151:
.Ltmp150:
0x308: {  	(pc) =	sbr.rel @p0 .LBB2_155-.Ltmp150, $2  }
0x309: {  	_ =	sdelay $0x2  }
0x30a: {  	[tilespmem:s18+$0xC100] =	vst v0  }
.LBB2_152:
0x30b: {  	p2 =	seq.s32 s6, $0x10  }
.Ltmp151:
0x30c: {  	_ = 	snop;
	(pc) =	sbr.rel @p2 .LBB2_154-.Ltmp151, $4  }
0x30d: {  	_ = 	snop  }
0x30e: {  	s15 =	simm.s32 $0x0  }
0x30f: {  	v0 =	vbroadcast v2, $0x9;
	s17 =	sand.u32 $0x70, s15;
	s18 =	sand.u32 $0xFFFFFC00, s15  }
0x310: {  	s16 =	simm.s32 $0x10;
	s17 =	sor.u32 s17, s18  }
.LBB2_153:
0x311: {  	[tilespmem:s17+$0xC180] =	vst v0;
	s17 =	smov.u32 s16;
	s16 =	sadd.s32 $0x10, s16  }
0x312: {  	s15 =	sadd.s32 $0x80, s15;
	p2 =	seq.s32 s6, s16  }
.Ltmp152:
0x313: {  	(pc) =	sbr.rel @!p2 .LBB2_153-.Ltmp152, $3  }
0x314: {  	_ =	sdelay $0x1  }
0x315: {  	s17 =	sand.u32 $0x70, s17;
	s18 =	sand.u32 $0xFFFFFC00, s15  }
0x316: {  	s17 =	sor.u32 s17, s18  }
.LBB2_154:
.Ltmp153:
0x317: {  	(pc) =	sbr.rel @p1 .LBB2_158-.Ltmp153, $2  }
0x318: {  	_ =	sdelay $0x2  }
0x319: {  	[tilespmem:s17+$0xC180] =	vst v0  }
.LBB2_155:
0x31a: {  	s15 =	sadd.s32 $0x1, s7  }
0x31b: {  	p2 =	slt.u32 s15, $0x7F  }
.Ltmp154:
0x31c: {  	_ = 	snop;
	(pc) =	sbr.rel @!p2 .LBB2_157-.Ltmp154, $3  }
0x31d: {  	_ =	sdelay $0x1  }
0x31e: {  	s16 =	sand.u32 $0x70, s9;
	s17 =	sand.u32 $0x3C00, s8  }
0x31f: {  	v0 =	vbroadcast v1, $0x9;
	s18 =	sor.u32 s16, s17;
	s16 =	smov.u32 s8;
	s17 =	smov.u32 s9  }
.LBB2_156:
0x320: {  	s15 =	sadd.s32 $0x1, s15  }
0x321: {  	[tilespmem:s18+$0xC180] =	vst v0;
	s16 =	sadd.s32 $0x80, s16;
	s17 =	sadd.s32 $0x10, s17;
	p2 =	slt.u32 s15, $0x7F  }
.Ltmp155:
0x322: {  	(pc) =	sbr.rel @p2 .LBB2_156-.Ltmp155, $3  }
0x323: {  	_ =	sdelay $0x1  }
0x324: {  	s18 =	sand.u32 $0x70, s17;
	s19 =	sand.u32 $0x3C00, s16  }
0x325: {  	s18 =	sor.u32 s18, s19  }
.LBB2_157:
.Ltmp156:
0x326: {  	(pc) =	sbr.rel @p0 .LBB2_161-.Ltmp156, $2  }
0x327: {  	_ =	sdelay $0x2  }
0x328: {  	[tilespmem:s18+$0xC180] =	vst v0  }
.LBB2_158:
0x329: {  	p2 =	seq.s32 s6, $0x10  }
.Ltmp157:
0x32a: {  	_ = 	snop;
	(pc) =	sbr.rel @p2 .LBB2_160-.Ltmp157, $4  }
0x32b: {  	_ = 	snop  }
0x32c: {  	s15 =	simm.s32 $0x0  }
0x32d: {  	v0 =	vbroadcast v2, $0xA;
	s17 =	sand.u32 $0x70, s15;
	s18 =	sand.u32 $0xFFFFFC00, s15  }
0x32e: {  	s16 =	simm.s32 $0x10;
	s17 =	sor.u32 s17, s18  }
.LBB2_159:
0x32f: {  	[tilespmem:s17+$0xC200] =	vst v0;
	s17 =	smov.u32 s16;
	s16 =	sadd.s32 $0x10, s16  }
0x330: {  	s15 =	sadd.s32 $0x80, s15;
	p2 =	seq.s32 s6, s16  }
.Ltmp158:
0x331: {  	(pc) =	sbr.rel @!p2 .LBB2_159-.Ltmp158, $3  }
0x332: {  	_ =	sdelay $0x1  }
0x333: {  	s17 =	sand.u32 $0x70, s17;
	s18 =	sand.u32 $0xFFFFFC00, s15  }
0x334: {  	s17 =	sor.u32 s17, s18  }
.LBB2_160:
.Ltmp159:
0x335: {  	(pc) =	sbr.rel @p1 .LBB2_164-.Ltmp159, $2  }
0x336: {  	_ =	sdelay $0x2  }
0x337: {  	[tilespmem:s17+$0xC200] =	vst v0  }
.LBB2_161:
0x338: {  	s15 =	sadd.s32 $0x1, s7  }
0x339: {  	p2 =	slt.u32 s15, $0x7F  }
.Ltmp160:
0x33a: {  	_ = 	snop;
	(pc) =	sbr.rel @!p2 .LBB2_163-.Ltmp160, $3  }
0x33b: {  	_ =	sdelay $0x1  }
0x33c: {  	s16 =	sand.u32 $0x70, s9;
	s17 =	sand.u32 $0x3C00, s8  }
0x33d: {  	v0 =	vbroadcast v1, $0xA;
	s18 =	sor.u32 s16, s17;
	s16 =	smov.u32 s8;
	s17 =	smov.u32 s9  }
.LBB2_162:
0x33e: {  	s15 =	sadd.s32 $0x1, s15  }
0x33f: {  	[tilespmem:s18+$0xC200] =	vst v0;
	s16 =	sadd.s32 $0x80, s16;
	s17 =	sadd.s32 $0x10, s17;
	p2 =	slt.u32 s15, $0x7F  }
.Ltmp161:
0x340: {  	(pc) =	sbr.rel @p2 .LBB2_162-.Ltmp161, $3  }
0x341: {  	_ =	sdelay $0x1  }
0x342: {  	s18 =	sand.u32 $0x70, s17;
	s19 =	sand.u32 $0x3C00, s16  }
0x343: {  	s18 =	sor.u32 s18, s19  }
.LBB2_163:
.Ltmp162:
0x344: {  	(pc) =	sbr.rel @p0 .LBB2_167-.Ltmp162, $2  }
0x345: {  	_ =	sdelay $0x2  }
0x346: {  	[tilespmem:s18+$0xC200] =	vst v0  }
.LBB2_164:
0x347: {  	p2 =	seq.s32 s6, $0x10  }
.Ltmp163:
0x348: {  	_ = 	snop;
	(pc) =	sbr.rel @p2 .LBB2_166-.Ltmp163, $4  }
0x349: {  	_ = 	snop  }
0x34a: {  	s15 =	simm.s32 $0x0  }
0x34b: {  	v0 =	vbroadcast v2, $0xB;
	s17 =	sand.u32 $0x70, s15;
	s18 =	sand.u32 $0xFFFFFC00, s15  }
0x34c: {  	s16 =	simm.s32 $0x10;
	s17 =	sor.u32 s17, s18  }
.LBB2_165:
0x34d: {  	[tilespmem:s17+$0xC280] =	vst v0;
	s17 =	smov.u32 s16;
	s16 =	sadd.s32 $0x10, s16  }
0x34e: {  	s15 =	sadd.s32 $0x80, s15;
	p2 =	seq.s32 s6, s16  }
.Ltmp164:
0x34f: {  	(pc) =	sbr.rel @!p2 .LBB2_165-.Ltmp164, $3  }
0x350: {  	_ =	sdelay $0x1  }
0x351: {  	s17 =	sand.u32 $0x70, s17;
	s18 =	sand.u32 $0xFFFFFC00, s15  }
0x352: {  	s17 =	sor.u32 s17, s18  }
.LBB2_166:
.Ltmp165:
0x353: {  	(pc) =	sbr.rel @p1 .LBB2_170-.Ltmp165, $2  }
0x354: {  	_ =	sdelay $0x2  }
0x355: {  	[tilespmem:s17+$0xC280] =	vst v0  }
.LBB2_167:
0x356: {  	s15 =	sadd.s32 $0x1, s7  }
0x357: {  	p2 =	slt.u32 s15, $0x7F  }
.Ltmp166:
0x358: {  	_ = 	snop;
	(pc) =	sbr.rel @!p2 .LBB2_169-.Ltmp166, $3  }
0x359: {  	_ =	sdelay $0x1  }
0x35a: {  	s16 =	sand.u32 $0x70, s9;
	s17 =	sand.u32 $0x3C00, s8  }
0x35b: {  	v0 =	vbroadcast v1, $0xB;
	s18 =	sor.u32 s16, s17;
	s16 =	smov.u32 s8;
	s17 =	smov.u32 s9  }
.LBB2_168:
0x35c: {  	s15 =	sadd.s32 $0x1, s15  }
0x35d: {  	[tilespmem:s18+$0xC280] =	vst v0;
	s16 =	sadd.s32 $0x80, s16;
	s17 =	sadd.s32 $0x10, s17;
	p2 =	slt.u32 s15, $0x7F  }
.Ltmp167:
0x35e: {  	(pc) =	sbr.rel @p2 .LBB2_168-.Ltmp167, $3  }
0x35f: {  	_ =	sdelay $0x1  }
0x360: {  	s18 =	sand.u32 $0x70, s17;
	s19 =	sand.u32 $0x3C00, s16  }
0x361: {  	s18 =	sor.u32 s18, s19  }
.LBB2_169:
.Ltmp168:
0x362: {  	(pc) =	sbr.rel @p0 .LBB2_173-.Ltmp168, $2  }
0x363: {  	_ =	sdelay $0x2  }
0x364: {  	[tilespmem:s18+$0xC280] =	vst v0  }
.LBB2_170:
0x365: {  	p2 =	seq.s32 s6, $0x10  }
.Ltmp169:
0x366: {  	_ = 	snop;
	(pc) =	sbr.rel @p2 .LBB2_172-.Ltmp169, $4  }
0x367: {  	_ = 	snop  }
0x368: {  	s15 =	simm.s32 $0x0  }
0x369: {  	v0 =	vbroadcast v2, $0xC;
	s17 =	sand.u32 $0x70, s15;
	s18 =	sand.u32 $0xFFFFFC00, s15  }
0x36a: {  	s16 =	simm.s32 $0x10;
	s17 =	sor.u32 s17, s18  }
.LBB2_171:
0x36b: {  	[tilespmem:s17+$0xC300] =	vst v0;
	s17 =	smov.u32 s16;
	s16 =	sadd.s32 $0x10, s16  }
0x36c: {  	s15 =	sadd.s32 $0x80, s15;
	p2 =	seq.s32 s6, s16  }
.Ltmp170:
0x36d: {  	(pc) =	sbr.rel @!p2 .LBB2_171-.Ltmp170, $3  }
0x36e: {  	_ =	sdelay $0x1  }
0x36f: {  	s17 =	sand.u32 $0x70, s17;
	s18 =	sand.u32 $0xFFFFFC00, s15  }
0x370: {  	s17 =	sor.u32 s17, s18  }
.LBB2_172:
.Ltmp171:
0x371: {  	(pc) =	sbr.rel @p1 .LBB2_176-.Ltmp171, $2  }
0x372: {  	_ =	sdelay $0x2  }
0x373: {  	[tilespmem:s17+$0xC300] =	vst v0  }
.LBB2_173:
0x374: {  	s15 =	sadd.s32 $0x1, s7  }
0x375: {  	p2 =	slt.u32 s15, $0x7F  }
.Ltmp172:
0x376: {  	_ = 	snop;
	(pc) =	sbr.rel @!p2 .LBB2_175-.Ltmp172, $3  }
0x377: {  	_ =	sdelay $0x1  }
0x378: {  	s16 =	sand.u32 $0x70, s9;
	s17 =	sand.u32 $0x3C00, s8  }
0x379: {  	v0 =	vbroadcast v1, $0xC;
	s18 =	sor.u32 s16, s17;
	s16 =	smov.u32 s8;
	s17 =	smov.u32 s9  }
.LBB2_174:
0x37a: {  	s15 =	sadd.s32 $0x1, s15  }
0x37b: {  	[tilespmem:s18+$0xC300] =	vst v0;
	s16 =	sadd.s32 $0x80, s16;
	s17 =	sadd.s32 $0x10, s17;
	p2 =	slt.u32 s15, $0x7F  }
.Ltmp173:
0x37c: {  	(pc) =	sbr.rel @p2 .LBB2_174-.Ltmp173, $3  }
0x37d: {  	_ =	sdelay $0x1  }
0x37e: {  	s18 =	sand.u32 $0x70, s17;
	s19 =	sand.u32 $0x3C00, s16  }
0x37f: {  	s18 =	sor.u32 s18, s19  }
.LBB2_175:
.Ltmp174:
0x380: {  	(pc) =	sbr.rel @p0 .LBB2_179-.Ltmp174, $2  }
0x381: {  	_ =	sdelay $0x2  }
0x382: {  	[tilespmem:s18+$0xC300] =	vst v0  }
.LBB2_176:
0x383: {  	p2 =	seq.s32 s6, $0x10  }
.Ltmp175:
0x384: {  	_ = 	snop;
	(pc) =	sbr.rel @p2 .LBB2_178-.Ltmp175, $4  }
0x385: {  	_ = 	snop  }
0x386: {  	s15 =	simm.s32 $0x0  }
0x387: {  	v0 =	vbroadcast v2, $0xD;
	s17 =	sand.u32 $0x70, s15;
	s18 =	sand.u32 $0xFFFFFC00, s15  }
0x388: {  	s16 =	simm.s32 $0x10;
	s17 =	sor.u32 s17, s18  }
.LBB2_177:
0x389: {  	[tilespmem:s17+$0xC380] =	vst v0;
	s17 =	smov.u32 s16;
	s16 =	sadd.s32 $0x10, s16  }
0x38a: {  	s15 =	sadd.s32 $0x80, s15;
	p2 =	seq.s32 s6, s16  }
.Ltmp176:
0x38b: {  	(pc) =	sbr.rel @!p2 .LBB2_177-.Ltmp176, $3  }
0x38c: {  	_ =	sdelay $0x1  }
0x38d: {  	s17 =	sand.u32 $0x70, s17;
	s18 =	sand.u32 $0xFFFFFC00, s15  }
0x38e: {  	s17 =	sor.u32 s17, s18  }
.LBB2_178:
.Ltmp177:
0x38f: {  	(pc) =	sbr.rel @p1 .LBB2_182-.Ltmp177, $2  }
0x390: {  	_ =	sdelay $0x2  }
0x391: {  	[tilespmem:s17+$0xC380] =	vst v0  }
.LBB2_179:
0x392: {  	s15 =	sadd.s32 $0x1, s7  }
0x393: {  	p2 =	slt.u32 s15, $0x7F  }
.Ltmp178:
0x394: {  	_ = 	snop;
	(pc) =	sbr.rel @!p2 .LBB2_181-.Ltmp178, $3  }
0x395: {  	_ =	sdelay $0x1  }
0x396: {  	s16 =	sand.u32 $0x70, s9;
	s17 =	sand.u32 $0x3C00, s8  }
0x397: {  	v0 =	vbroadcast v1, $0xD;
	s18 =	sor.u32 s16, s17;
	s16 =	smov.u32 s8;
	s17 =	smov.u32 s9  }
.LBB2_180:
0x398: {  	s15 =	sadd.s32 $0x1, s15  }
0x399: {  	[tilespmem:s18+$0xC380] =	vst v0;
	s16 =	sadd.s32 $0x80, s16;
	s17 =	sadd.s32 $0x10, s17;
	p2 =	slt.u32 s15, $0x7F  }
.Ltmp179:
0x39a: {  	(pc) =	sbr.rel @p2 .LBB2_180-.Ltmp179, $3  }
0x39b: {  	_ =	sdelay $0x1  }
0x39c: {  	s18 =	sand.u32 $0x70, s17;
	s19 =	sand.u32 $0x3C00, s16  }
0x39d: {  	s18 =	sor.u32 s18, s19  }
.LBB2_181:
.Ltmp180:
0x39e: {  	(pc) =	sbr.rel @p0 .LBB2_185-.Ltmp180, $2  }
0x39f: {  	_ =	sdelay $0x2  }
0x3a0: {  	[tilespmem:s18+$0xC380] =	vst v0  }
.LBB2_182:
0x3a1: {  	p2 =	seq.s32 s6, $0x10  }
.Ltmp181:
0x3a2: {  	_ = 	snop;
	(pc) =	sbr.rel @p2 .LBB2_184-.Ltmp181, $4  }
0x3a3: {  	_ = 	snop  }
0x3a4: {  	s15 =	simm.s32 $0x0  }
0x3a5: {  	v0 =	vbroadcast v2, $0xE;
	s17 =	sand.u32 $0x70, s15;
	s18 =	sand.u32 $0xFFFFFC00, s15  }
0x3a6: {  	s16 =	simm.s32 $0x10;
	s17 =	sor.u32 s17, s18  }
.LBB2_183:
0x3a7: {  	[tilespmem:s17+$0xC400] =	vst v0;
	s17 =	smov.u32 s16;
	s16 =	sadd.s32 $0x10, s16  }
0x3a8: {  	s15 =	sadd.s32 $0x80, s15;
	p2 =	seq.s32 s6, s16  }
.Ltmp182:
0x3a9: {  	(pc) =	sbr.rel @!p2 .LBB2_183-.Ltmp182, $3  }
0x3aa: {  	_ =	sdelay $0x1  }
0x3ab: {  	s17 =	sand.u32 $0x70, s17;
	s18 =	sand.u32 $0xFFFFFC00, s15  }
0x3ac: {  	s17 =	sor.u32 s17, s18  }
.LBB2_184:
.Ltmp183:
0x3ad: {  	(pc) =	sbr.rel @p1 .LBB2_188-.Ltmp183, $2  }
0x3ae: {  	_ =	sdelay $0x2  }
0x3af: {  	[tilespmem:s17+$0xC400] =	vst v0  }
.LBB2_185:
0x3b0: {  	s15 =	sadd.s32 $0x1, s7  }
0x3b1: {  	p2 =	slt.u32 s15, $0x7F  }
.Ltmp184:
0x3b2: {  	_ = 	snop;
	(pc) =	sbr.rel @!p2 .LBB2_187-.Ltmp184, $3  }
0x3b3: {  	_ =	sdelay $0x1  }
0x3b4: {  	s16 =	sand.u32 $0x70, s9;
	s17 =	sand.u32 $0x3C00, s8  }
0x3b5: {  	v0 =	vbroadcast v1, $0xE;
	s18 =	sor.u32 s16, s17;
	s16 =	smov.u32 s8;
	s17 =	smov.u32 s9  }
.LBB2_186:
0x3b6: {  	s15 =	sadd.s32 $0x1, s15  }
0x3b7: {  	[tilespmem:s18+$0xC400] =	vst v0;
	s16 =	sadd.s32 $0x80, s16;
	s17 =	sadd.s32 $0x10, s17;
	p2 =	slt.u32 s15, $0x7F  }
.Ltmp185:
0x3b8: {  	(pc) =	sbr.rel @p2 .LBB2_186-.Ltmp185, $3  }
0x3b9: {  	_ =	sdelay $0x1  }
0x3ba: {  	s18 =	sand.u32 $0x70, s17;
	s19 =	sand.u32 $0x3C00, s16  }
0x3bb: {  	s18 =	sor.u32 s18, s19  }
.LBB2_187:
.Ltmp186:
0x3bc: {  	(pc) =	sbr.rel @p0 .LBB2_191-.Ltmp186, $2  }
0x3bd: {  	_ =	sdelay $0x2  }
0x3be: {  	[tilespmem:s18+$0xC400] =	vst v0  }
.LBB2_188:
0x3bf: {  	p2 =	seq.s32 s6, $0x10  }
.Ltmp187:
0x3c0: {  	_ = 	snop;
	(pc) =	sbr.rel @p2 .LBB2_190-.Ltmp187, $4  }
0x3c1: {  	_ = 	snop  }
0x3c2: {  	s15 =	simm.s32 $0x0  }
0x3c3: {  	v0 =	vbroadcast v2, $0xF;
	s17 =	sand.u32 $0x70, s15;
	s18 =	sand.u32 $0xFFFFFC00, s15  }
0x3c4: {  	s16 =	simm.s32 $0x10;
	s17 =	sor.u32 s17, s18  }
.LBB2_189:
0x3c5: {  	[tilespmem:s17+$0xC480] =	vst v0;
	s17 =	smov.u32 s16;
	s16 =	sadd.s32 $0x10, s16  }
0x3c6: {  	s15 =	sadd.s32 $0x80, s15;
	p2 =	seq.s32 s6, s16  }
.Ltmp188:
0x3c7: {  	(pc) =	sbr.rel @!p2 .LBB2_189-.Ltmp188, $3  }
0x3c8: {  	_ =	sdelay $0x1  }
0x3c9: {  	s17 =	sand.u32 $0x70, s17;
	s18 =	sand.u32 $0xFFFFFC00, s15  }
0x3ca: {  	s17 =	sor.u32 s17, s18  }
.LBB2_190:
.Ltmp189:
0x3cb: {  	(pc) =	sbr.rel @p1 .LBB2_194-.Ltmp189, $2  }
0x3cc: {  	_ =	sdelay $0x2  }
0x3cd: {  	[tilespmem:s17+$0xC480] =	vst v0  }
.LBB2_191:
0x3ce: {  	s15 =	sadd.s32 $0x1, s7  }
0x3cf: {  	p2 =	slt.u32 s15, $0x7F  }
.Ltmp190:
0x3d0: {  	_ = 	snop;
	(pc) =	sbr.rel @!p2 .LBB2_193-.Ltmp190, $3  }
0x3d1: {  	_ =	sdelay $0x1  }
0x3d2: {  	s16 =	sand.u32 $0x70, s9;
	s17 =	sand.u32 $0x3C00, s8  }
0x3d3: {  	v0 =	vbroadcast v1, $0xF;
	s18 =	sor.u32 s16, s17;
	s16 =	smov.u32 s8;
	s17 =	smov.u32 s9  }
.LBB2_192:
0x3d4: {  	s15 =	sadd.s32 $0x1, s15  }
0x3d5: {  	[tilespmem:s18+$0xC480] =	vst v0;
	s16 =	sadd.s32 $0x80, s16;
	s17 =	sadd.s32 $0x10, s17;
	p2 =	slt.u32 s15, $0x7F  }
.Ltmp191:
0x3d6: {  	(pc) =	sbr.rel @p2 .LBB2_192-.Ltmp191, $3  }
0x3d7: {  	_ =	sdelay $0x1  }
0x3d8: {  	s18 =	sand.u32 $0x70, s17;
	s19 =	sand.u32 $0x3C00, s16  }
0x3d9: {  	s18 =	sor.u32 s18, s19  }
.LBB2_193:
0x3da: {  	_ = 	snop  }
0x3db: {  	[tilespmem:s18+$0xC480] =	vst v0  }
.LBB2_194:
0x3dc: {  	v0 =	vld [tilespmem:$0x0];
	_ =	sdelay $0x1  }
0x3dd: {  	v1 =	vld [tilespmem:$0x20];
	_ =	sdelay $0x1  }
0x3de: {  	v2 =	vld [tilespmem:$0x40]  }
0x3df: {  	v4 =	vbroadcast v0, $0x0  }
0x3e0: {  	v3 =	vld [tilespmem:$0x60]  }
0x3e1: {  	[tilespmem:$0x1F880] =	vst v4;
	v4 =	vbroadcast v1, $0x0;
	_ =	sdelay $0x1  }
0x3e2: {  	[tilespmem:$0x1F890] =	vst v4;
	v4 =	vbroadcast v2, $0x0;
	_ =	sdelay $0x1  }
0x3e3: {  	[tilespmem:$0x1F8A0] =	vst v4;
	v4 =	vbroadcast v3, $0x0;
	_ =	sdelay $0x1  }
0x3e4: {  	[tilespmem:$0x1F8B0] =	vst v4;
	v4 =	vbroadcast v0, $0x1;
	_ =	sdelay $0x1  }
0x3e5: {  	[tilespmem:$0x1F8C0] =	vst v4;
	v4 =	vbroadcast v1, $0x1;
	_ =	sdelay $0x1  }
0x3e6: {  	[tilespmem:$0x1F8D0] =	vst v4;
	v4 =	vbroadcast v2, $0x1;
	_ =	sdelay $0x1  }
0x3e7: {  	[tilespmem:$0x1F8E0] =	vst v4;
	v4 =	vbroadcast v3, $0x1;
	_ =	sdelay $0x1  }
0x3e8: {  	[tilespmem:$0x1F8F0] =	vst v4;
	v4 =	vbroadcast v0, $0x2;
	_ =	sdelay $0x1  }
0x3e9: {  	[tilespmem:$0x1F900] =	vst v4;
	v4 =	vbroadcast v1, $0x2;
	_ =	sdelay $0x1  }
0x3ea: {  	[tilespmem:$0x1F910] =	vst v4;
	v4 =	vbroadcast v2, $0x2;
	_ =	sdelay $0x1  }
0x3eb: {  	[tilespmem:$0x1F920] =	vst v4;
	v4 =	vbroadcast v3, $0x2;
	_ =	sdelay $0x1  }
0x3ec: {  	[tilespmem:$0x1F930] =	vst v4;
	v4 =	vbroadcast v0, $0x3;
	_ =	sdelay $0x1  }
0x3ed: {  	[tilespmem:$0x1F940] =	vst v4;
	v4 =	vbroadcast v1, $0x3;
	_ =	sdelay $0x1  }
0x3ee: {  	[tilespmem:$0x1F950] =	vst v4;
	v4 =	vbroadcast v2, $0x3;
	_ =	sdelay $0x1  }
0x3ef: {  	[tilespmem:$0x1F960] =	vst v4;
	v4 =	vbroadcast v3, $0x3;
	_ =	sdelay $0x1  }
0x3f0: {  	[tilespmem:$0x1F970] =	vst v4;
	v4 =	vbroadcast v0, $0x4;
	_ =	sdelay $0x1  }
0x3f1: {  	[tilespmem:$0x1F980] =	vst v4;
	v4 =	vbroadcast v1, $0x4;
	_ =	sdelay $0x1  }
0x3f2: {  	[tilespmem:$0x1F990] =	vst v4;
	v4 =	vbroadcast v2, $0x4;
	_ =	sdelay $0x1  }
0x3f3: {  	[tilespmem:$0x1F9A0] =	vst v4;
	v4 =	vbroadcast v3, $0x4;
	_ =	sdelay $0x1  }
0x3f4: {  	[tilespmem:$0x1F9B0] =	vst v4;
	v4 =	vbroadcast v0, $0x5;
	_ =	sdelay $0x1  }
0x3f5: {  	[tilespmem:$0x1F9C0] =	vst v4;
	v4 =	vbroadcast v1, $0x5;
	_ =	sdelay $0x1  }
0x3f6: {  	[tilespmem:$0x1F9D0] =	vst v4;
	v4 =	vbroadcast v2, $0x5;
	_ =	sdelay $0x1  }
0x3f7: {  	[tilespmem:$0x1F9E0] =	vst v4;
	v4 =	vbroadcast v3, $0x5;
	_ =	sdelay $0x1  }
0x3f8: {  	[tilespmem:$0x1F9F0] =	vst v4;
	v4 =	vbroadcast v0, $0x6;
	_ =	sdelay $0x1  }
0x3f9: {  	[tilespmem:$0x1FA00] =	vst v4;
	v4 =	vbroadcast v1, $0x6;
	_ =	sdelay $0x1  }
0x3fa: {  	[tilespmem:$0x1FA10] =	vst v4;
	v4 =	vbroadcast v2, $0x6;
	_ =	sdelay $0x1  }
0x3fb: {  	[tilespmem:$0x1FA20] =	vst v4;
	v4 =	vbroadcast v3, $0x6;
	_ =	sdelay $0x1  }
0x3fc: {  	[tilespmem:$0x1FA30] =	vst v4;
	v4 =	vbroadcast v0, $0x7;
	_ =	sdelay $0x1  }
0x3fd: {  	[tilespmem:$0x1FA40] =	vst v4;
	v4 =	vbroadcast v1, $0x7;
	_ =	sdelay $0x1  }
0x3fe: {  	[tilespmem:$0x1FA50] =	vst v4;
	v4 =	vbroadcast v2, $0x7;
	_ =	sdelay $0x1  }
0x3ff: {  	[tilespmem:$0x1FA60] =	vst v4;
	v4 =	vbroadcast v3, $0x7;
	_ =	sdelay $0x1  }
0x400: {  	[tilespmem:$0x1FA70] =	vst v4;
	v4 =	vbroadcast v0, $0x8;
	_ =	sdelay $0x1  }
0x401: {  	[tilespmem:$0x1FA80] =	vst v4;
	v4 =	vbroadcast v1, $0x8;
	_ =	sdelay $0x1  }
0x402: {  	[tilespmem:$0x1FA90] =	vst v4;
	v4 =	vbroadcast v2, $0x8;
	_ =	sdelay $0x1  }
0x403: {  	[tilespmem:$0x1FAA0] =	vst v4;
	v4 =	vbroadcast v3, $0x8;
	_ =	sdelay $0x1  }
0x404: {  	[tilespmem:$0x1FAB0] =	vst v4;
	v4 =	vbroadcast v0, $0x9;
	_ =	sdelay $0x1  }
0x405: {  	[tilespmem:$0x1FAC0] =	vst v4;
	v4 =	vbroadcast v1, $0x9;
	_ =	sdelay $0x1  }
0x406: {  	[tilespmem:$0x1FAD0] =	vst v4;
	v4 =	vbroadcast v2, $0x9;
	_ =	sdelay $0x1  }
0x407: {  	[tilespmem:$0x1FAE0] =	vst v4;
	v4 =	vbroadcast v3, $0x9;
	_ =	sdelay $0x1  }
0x408: {  	[tilespmem:$0x1FAF0] =	vst v4;
	v4 =	vbroadcast v0, $0xA;
	_ =	sdelay $0x1  }
0x409: {  	[tilespmem:$0x1FB00] =	vst v4;
	v4 =	vbroadcast v1, $0xA;
	_ =	sdelay $0x1  }
0x40a: {  	[tilespmem:$0x1FB10] =	vst v4;
	v4 =	vbroadcast v2, $0xA;
	_ =	sdelay $0x1  }
0x40b: {  	[tilespmem:$0x1FB20] =	vst v4;
	v4 =	vbroadcast v3, $0xA;
	_ =	sdelay $0x1  }
0x40c: {  	[tilespmem:$0x1FB30] =	vst v4;
	v4 =	vbroadcast v0, $0xB;
	_ =	sdelay $0x1  }
0x40d: {  	[tilespmem:$0x1FB40] =	vst v4;
	v4 =	vbroadcast v1, $0xB;
	_ =	sdelay $0x1  }
0x40e: {  	[tilespmem:$0x1FB50] =	vst v4;
	v4 =	vbroadcast v2, $0xB;
	_ =	sdelay $0x1  }
0x40f: {  	[tilespmem:$0x1FB60] =	vst v4;
	v4 =	vbroadcast v3, $0xB;
	_ =	sdelay $0x1  }
0x410: {  	[tilespmem:$0x1FB70] =	vst v4;
	v4 =	vbroadcast v0, $0xC;
	_ =	sdelay $0x1  }
0x411: {  	[tilespmem:$0x1FB80] =	vst v4;
	v4 =	vbroadcast v1, $0xC;
	_ =	sdelay $0x1  }
0x412: {  	[tilespmem:$0x1FB90] =	vst v4;
	v4 =	vbroadcast v2, $0xC  }
0x413: {  	v5 =	vbroadcast v2, $0xD  }
0x414: {  	[tilespmem:$0x1FBA0] =	vst v4;
	v4 =	vbroadcast v3, $0xC  }
0x415: {  	[tilespmem:$0x1FBE0] =	vst v5;
	v5 =	vbroadcast v3, $0xD  }
0x416: {  	[tilespmem:$0x1FBB0] =	vst v4;
	v4 =	vbroadcast v0, $0xD  }
0x417: {  	[tilespmem:$0x1FBF0] =	vst v5;
	v5 =	vbroadcast v0, $0xE;
	v0 =	vbroadcast v0, $0xF  }
0x418: {  	[tilespmem:$0x1FBC0] =	vst v4;
	v4 =	vbroadcast v1, $0xD  }
0x419: {  	[tilespmem:$0x1FC30] =	vst v0;
	v0 =	vbroadcast v1, $0xF  }
0x41a: {  	[tilespmem:$0x1FBD0] =	vst v4  }
0x41b: {  	v4 =	vld [tilespmem:$0x80];
	[tilespmem:$0x1FC40] =	vst v0;
	v0 =	vbroadcast v2, $0xF;
	_ =	sdelay $0x1  }
0x41c: {  	[tilespmem:$0x1FC50] =	vst v0;
	v0 =	vbroadcast v3, $0xE;
	_ =	sdelay $0x1  }
0x41d: {  	[tilespmem:$0x1FC60] =	vst v0;
	v0 =	vbroadcast v3, $0xF  }
0x41e: {  	[tilespmem:$0x1FC00] =	vst v5;
	v5 =	vbroadcast v1, $0xE;
	v1 =	vbroadcast v4, $0x6  }
0x41f: {  	[tilespmem:$0x1FC70] =	vst v0;
	v0 =	vbroadcast v4, $0x0  }
0x420: {  	[tilespmem:$0x1FCE0] =	vst v1;
	v1 =	vbroadcast v4, $0x7  }
0x421: {  	[tilespmem:$0x1FC80] =	vst v0;
	v0 =	vbroadcast v4, $0x1  }
0x422: {  	[tilespmem:$0x1FCF0] =	vst v1;
	v1 =	vbroadcast v4, $0x8  }
0x423: {  	[tilespmem:$0x1FC90] =	vst v0;
	v0 =	vbroadcast v4, $0x2  }
0x424: {  	[tilespmem:$0x1FD00] =	vst v1;
	v1 =	vbroadcast v4, $0x9  }
0x425: {  	[tilespmem:$0x1FCA0] =	vst v0;
	v0 =	vbroadcast v4, $0x3  }
0x426: {  	[tilespmem:$0x1FD10] =	vst v1;
	v1 =	vbroadcast v4, $0xA  }
0x427: {  	[tilespmem:$0x1FCB0] =	vst v0;
	v0 =	vbroadcast v4, $0x4  }
0x428: {  	[tilespmem:$0x1FD20] =	vst v1;
	v1 =	vbroadcast v4, $0xB  }
0x429: {  	[tilespmem:$0x1FCC0] =	vst v0;
	v0 =	vbroadcast v4, $0x5  }
0x42a: {  	[tilespmem:$0x1FD30] =	vst v1;
	v1 =	vbroadcast v4, $0xC  }
0x42b: {  	[tilespmem:$0x1FCD0] =	vst v0  }
0x42c: {  	v0 =	vld [tilespmem:$0x10];
	[tilespmem:$0x1FD40] =	vst v1;
	v1 =	vbroadcast v4, $0xD;
	_ =	sdelay $0x1  }
0x42d: {  	[tilespmem:$0x1FD50] =	vst v1;
	v1 =	vbroadcast v4, $0xE;
	_ =	sdelay $0x1  }
0x42e: {  	[tilespmem:$0x1FD60] =	vst v1;
	v1 =	vbroadcast v4, $0xF  }
0x42f: {  	[tilespmem:$0x1FC10] =	vst v5;
	v5 =	vbroadcast v2, $0xE;
	v2 =	vbroadcast v0, $0x6  }
0x430: {  	[tilespmem:$0x1FD70] =	vst v1;
	v1 =	vbroadcast v0, $0x0  }
0x431: {  	[tilespmem:$0x1FDE0] =	vst v2;
	v2 =	vbroadcast v0, $0x7  }
0x432: {  	[tilespmem:$0x1FD80] =	vst v1;
	v1 =	vbroadcast v0, $0x1  }
0x433: {  	[tilespmem:$0x1FDF0] =	vst v2;
	v2 =	vbroadcast v0, $0x8  }
0x434: {  	[tilespmem:$0x1FD90] =	vst v1;
	v1 =	vbroadcast v0, $0x2  }
0x435: {  	[tilespmem:$0x1FE00] =	vst v2;
	v2 =	vbroadcast v0, $0x9  }
0x436: {  	[tilespmem:$0x1FDA0] =	vst v1;
	v1 =	vbroadcast v0, $0x3  }
0x437: {  	[tilespmem:$0x1FE10] =	vst v2;
	v2 =	vbroadcast v0, $0xA  }
0x438: {  	[tilespmem:$0x1FDB0] =	vst v1;
	v1 =	vbroadcast v0, $0x4  }
0x439: {  	[tilespmem:$0x1FE20] =	vst v2;
	v2 =	vbroadcast v0, $0xB  }
0x43a: {  	[tilespmem:$0x1FDC0] =	vst v1;
	v1 =	vbroadcast v0, $0x5  }
0x43b: {  	[tilespmem:$0x1FE30] =	vst v2;
	v2 =	vbroadcast v0, $0xC  }
0x43c: {  	[tilespmem:$0x1FDD0] =	vst v1;
	v1 =	vld [tilespmem:$0x30]  }
0x43d: {  	[tilespmem:$0x1FE40] =	vst v2;
	v2 =	vbroadcast v0, $0xD;
	_ =	sdelay $0x1  }
0x43e: {  	[tilespmem:$0x1FE50] =	vst v2;
	v2 =	vbroadcast v0, $0xE  }
0x43f: {  	v0 =	vbroadcast v0, $0xF  }
0x440: {  	[tilespmem:$0x1FE60] =	vst v2;
	v2 =	vbroadcast v1, $0x6  }
0x441: {  	v16 =	vld [tilespmem:$0x70];
	[tilespmem:$0x1FE70] =	vst v0;
	v0 =	vbroadcast v1, $0x0  }
0x442: {  	[tilespmem:$0x1FEE0] =	vst v2;
	v2 =	vbroadcast v1, $0x7  }
0x443: {  	[tilespmem:$0x1FE80] =	vst v0;
	v0 =	vbroadcast v1, $0x1  }
0x444: {  	[tilespmem:$0x1FEF0] =	vst v2;
	v2 =	vbroadcast v1, $0x8  }
0x445: {  	[tilespmem:$0x1FE90] =	vst v0;
	v0 =	vbroadcast v1, $0x2  }
0x446: {  	v6 =	vbroadcast v16, $0x5;
	[tilespmem:$0x1FF00] =	vst v2;
	v2 =	vbroadcast v1, $0x9  }
0x447: {  	v7 =	vbroadcast v16, $0x6;
	[tilespmem:$0x1FEA0] =	vst v0;
	v0 =	vbroadcast v1, $0x3  }
0x448: {  	v8 =	vbroadcast v16, $0x7;
	[tilespmem:$0x1FF10] =	vst v2;
	v2 =	vbroadcast v1, $0xA  }
0x449: {  	v9 =	vbroadcast v16, $0x8;
	[tilespmem:$0x1FEB0] =	vst v0;
	v0 =	vbroadcast v1, $0x4  }
0x44a: {  	v32 =	vld [tilespmem:$0x90];
	v10 =	vbroadcast v16, $0x9;
	[tilespmem:$0x1FF20] =	vst v2;
	v2 =	vbroadcast v1, $0xB  }
0x44b: {  	v11 =	vbroadcast v16, $0xA;
	[tilespmem:$0x1FEC0] =	vst v0;
	v0 =	vbroadcast v1, $0x5  }
0x44c: {  	v12 =	vbroadcast v16, $0xB;
	[tilespmem:$0x1FF30] =	vst v2;
	v2 =	vbroadcast v1, $0xC  }
0x44d: {  	v13 =	vbroadcast v16, $0xC;
	v14 =	vbroadcast v16, $0xD;
	[tilespmem:$0x1FED0] =	vst v0;
	v0 =	vld [tilespmem:$0x50]  }
0x44e: {  	v15 =	vbroadcast v16, $0xE;
	[tilespmem:$0x1FF40] =	vst v2;
	v2 =	vbroadcast v1, $0xD  }
0x44f: {  	v17 =	vbroadcast v32, $0x0;
	v18 =	vbroadcast v32, $0x1  }
0x450: {  	[tilespmem:$0x1FF50] =	vst v2;
	v2 =	vbroadcast v1, $0xE;
	v1 =	vbroadcast v1, $0xF  }
0x451: {  	v19 =	vbroadcast v32, $0x2;
	v20 =	vbroadcast v32, $0x3  }
0x452: {  	v21 =	vbroadcast v32, $0x4;
	[tilespmem:$0x1FF70] =	vst v1;
	v1 =	vbroadcast v0, $0x0  }
0x453: {  	v22 =	vbroadcast v32, $0x5;
	v23 =	vbroadcast v32, $0x6  }
0x454: {  	v24 =	vbroadcast v32, $0x7;
	[tilespmem:$0x1FF80] =	vst v1;
	v1 =	vbroadcast v0, $0x1  }
0x455: {  	v25 =	vbroadcast v32, $0x8;
	v26 =	vbroadcast v32, $0x9  }
0x456: {  	v27 =	vbroadcast v32, $0xA;
	[tilespmem:$0x1FF90] =	vst v1;
	v1 =	vbroadcast v0, $0x2  }
0x457: {  	v28 =	vbroadcast v32, $0xB;
	v29 =	vbroadcast v32, $0xC  }
0x458: {  	v30 =	vbroadcast v32, $0xD;
	[tilespmem:$0x1FFA0] =	vst v1;
	v1 =	vbroadcast v0, $0x3  }
0x459: {  	v31 =	vbroadcast v32, $0xE;
	v32 =	vbroadcast v32, $0xF;
	[tilespmem:$0x1FC20] =	vst v5  }
0x45a: {  	v5 =	vbroadcast v16, $0x4;
	[tilespmem:$0x1FFB0] =	vst v1;
	v1 =	vbroadcast v0, $0x4  }
0x45b: {  	v3 =	vbroadcast v16, $0x2;
	v4 =	vbroadcast v16, $0x3  }
0x45c: {  	v57 =	vbroadcast v0, $0x8;
	[tilespmem:$0x1FFC0] =	vst v1;
	v1 =	vbroadcast v0, $0x5  }
0x45d: {  	v58 =	vbroadcast v0, $0x9;
	v59 =	vbroadcast v0, $0xA  }
0x45e: {  	v60 =	vbroadcast v0, $0xB;
	[tilespmem:$0x1FFD0] =	vst v1;
	v1 =	vbroadcast v0, $0x6  }
0x45f: {  	v61 =	vbroadcast v0, $0xC;
	v62 =	vbroadcast v0, $0xD  }
0x460: {  	v63 =	vbroadcast v0, $0xE;
	[tilespmem:$0x1FFE0] =	vst v1;
	v1 =	vbroadcast v0, $0x7  }
0x461: {  	[tilespmem:$0x1FF60] =	vst v2;
	v2 =	vbroadcast v16, $0x1;
	v0 =	vbroadcast v0, $0xF  }
0x462: {  	s15 =	simm.s32 $0x0;
	s16 =	smov.u32 s11;
	[tilespmem:$0x1FFF0] =	vst v1;
	v1 =	vbroadcast v16, $0x0;
	v16 =	vbroadcast v16, $0xF  }
.LBB2_195:
0x463: {  	s19 =	sadd.s32 s15, s1;
	v35 =	vld [tilespmem:$0x1F8B0]  }
0x464: {  	v36 =	vld [tilespmem:$0x1FC80];
	s20 =	sadd.s32 $0xFFFFFFFE, s19  }
0x465: {  	v50 =	vld [tilespmem:$0x1F8A0];
	s17 =	sand.u32 $0xF, s20  }
0x466: {  	v51 =	vld [tilespmem:$0x1F890];
	p2 =	slt.u32 s19, $0x3;
	s18 =	sshra.s32 s20, $0x1F;
	p3 =	sne.s32 s17, $0x0  }
0x467: {  	v37 =	vld [tilespmem:$0x1F8F0];
	s22 =	sshrl.u32 s18, $0x1C;
	p2 =	por !p2, !p3  }
0x468: {  	v39 =	vld [tilespmem:$0x1FC90];
	s18 =	simm.s32 $0x1;
	s17 =	sadd.s32 s22, s20;
	p2 =	por !p2, !p2  }
0x469: {  	v53 =	vld [tilespmem:$0x1F880];
	s17 =	sshrl.u32 s17, $0x4;
	s18 =	simm.s32 @!p2 $0x0  }
0x46a: {  	v40 =	vld [tilespmem:$0x1F8E0];
	s17 =	ssub.s32 s17, s18  }
0x46b: {  	v38 =	vld [tilespmem:$0x1F8D0];
	s17 =	sshll.u32 s17, $0x4  }
0x46c: {  	v41 =	vld [tilespmem:$0x1F930];
	p2 =	sgt.s32 s17, $0x0  }
0x46d: {  	v43 =	vld [tilespmem:$0x1FCA0];
	s17 =	simm.s32 @!p2 $0x0  }
0x46e: {  	v56 =	vld [tilespmem:$0x1F8C0];
	s23 =	smin.u32 s17, $0x7E0  }
0x46f: {  	v49 =	vlaneseq.u32;
	v47 =	vld [tilespmem:$0x1F970];
	s21 =	sadd.s32 $0xFFFFFFFF, s19;
	v33 =	vor.u32 s23, v34;
	s17 =	sadd.s32 $0x10, s23  }
0x470: {  	v48 =	vld [tilespmem:$0x1FCB0];
	s22 =	sadd.s32 $0x1, s19;
	vm0 =	vgt.s32 v33, s20;
	vm2 =	veq.s32 v33, s21;
	v34 =	vor.u32 s17, v49  }
0x471: {  	v42 =	vld [tilespmem:$0x1F920];
	vm6 =	veq.s32 v33, s19;
	vm7 =	veq.s32 v33, s22;
	vm1 =	vgt.s32 v34, s20  }
0x472: {  	v44 =	vld [tilespmem:$0x1F910];
	vm5 =	veq.s32 v34, s22;
	vm4 =	veq.s32 v34, s19;
	v33 =	vsel vm7, v35, v36  }
0x473: {  	v46 =	vld [tilespmem:$0x1F900];
	vm3 =	veq.s32 v34, s21;
	v52 =	vsel vm7, v37, v39;
	v35 =	vsel vm5, v35, v36  }
0x474: {  	v55 =	vsel vm7, v41, v43;
	v33 =	vsel vm6, v50, v33;
	v34 =	vsel vm4, v50, v35;
	v50 =	vld [tilespmem:$0x1F960]  }
0x475: {  	v49 =	vsel vm7, v47, v48;
	v54 =	vsel vm5, v37, v39;
	v35 =	vsel vm6, v40, v52;
	v52 =	vld [tilespmem:$0x1F9B0]  }
0x476: {  	v37 =	vsel vm6, v42, v55;
	v45 =	vsel vm5, v41, v43;
	v36 =	vsel vm4, v40, v54;
	v54 =	vld [tilespmem:$0x1F940]  }
0x477: {  	v33 =	vsel vm2, v51, v33;
	v40 =	vsel vm5, v47, v48;
	v47 =	vld [tilespmem:$0x1F9F0];
	v34 =	vsel vm3, v51, v34  }
0x478: {  	v35 =	vsel vm2, v38, v35;
	v36 =	vsel vm3, v38, v36;
	v38 =	vsel vm4, v42, v45;
	v51 =	vld [tilespmem:$0x1F950]  }
0x479: {  	v37 =	vsel vm2, v44, v37;
	v45 =	vld [tilespmem:$0x1FCC0];
	v38 =	vsel vm3, v44, v38  }
0x47a: {  	v37 =	vsel vm0, v37, v46;
	v38 =	vsel vm1, v38, v46;
	v46 =	vld [tilespmem:$0x1F9A0]  }
0x47b: {  	v44 =	vld [tilespmem:$0x1F990]  }
0x47c: {  	v39 =	vsel vm6, v50, v49;
	v49 =	vld [tilespmem:$0x1FCD0]  }
0x47d: {  	v48 =	vld [tilespmem:$0x1F9E0];
	v33 =	vsel vm0, v33, v53;
	v34 =	vsel vm1, v34, v53;
	v35 =	vsel vm0, v35, v56  }
0x47e: {  	v36 =	vsel vm1, v36, v56;
	v53 =	vsel vm7, v52, v45;
	v55 =	vsel vm5, v52, v45;
	v52 =	vld [tilespmem:$0x1F980]  }
0x47f: {  	v40 =	vsel vm4, v50, v40;
	v39 =	vsel vm2, v51, v39;
	v41 =	vsel vm6, v46, v53;
	v53 =	vld [tilespmem:$0x1F9D0]  }
0x480: {  	v40 =	vsel vm3, v51, v40;
	v39 =	vsel vm0, v39, v54;
	v42 =	vsel vm4, v46, v55;
	v55 =	vld [tilespmem:$0x1F9C0]  }
0x481: {  	v40 =	vsel vm1, v40, v54;
	v41 =	vsel vm2, v44, v41;
	v56 =	vsel vm7, v47, v49  }
0x482: {  	v42 =	vsel vm3, v44, v42;
	v54 =	vsel vm5, v47, v49;
	v43 =	vsel vm6, v48, v56;
	v56 =	vld [tilespmem:$0x1FA30]  }
0x483: {  	v41 =	vsel vm0, v41, v52;
	v42 =	vsel vm1, v42, v52;
	v44 =	vsel vm4, v48, v54;
	v52 =	vld [tilespmem:$0x1FCE0]  }
0x484: {  	v54 =	vld [tilespmem:$0x1FA20];
	v43 =	vsel vm2, v53, v43;
	v44 =	vsel vm3, v53, v44  }
0x485: {  	v43 =	vsel vm0, v43, v55;
	v44 =	vsel vm1, v44, v55;
	v55 =	vld [tilespmem:$0x1FA10];
	_ =	sdelay $0x1  }
0x486: {  	v51 =	vld [tilespmem:$0x1FCF0]  }
0x487: {  	v49 =	vld [tilespmem:$0x1FA70];
	v53 =	vsel vm7, v56, v52;
	v46 =	vsel vm5, v56, v52  }
0x488: {  	v52 =	vld [tilespmem:$0x1FA60];
	v45 =	vsel vm6, v54, v53;
	v46 =	vsel vm4, v54, v46  }
0x489: {  	v45 =	vsel vm2, v55, v45;
	v46 =	vsel vm3, v55, v46;
	v55 =	vld [tilespmem:$0x1FA00];
	_ =	sdelay $0x1  }
0x48a: {  	v50 =	vld [tilespmem:$0x1FA50]  }
0x48b: {  	v48 =	vsel vm5, v49, v51;
	v56 =	vsel vm7, v49, v51;
	v51 =	vld [tilespmem:$0x1FA40]  }
0x48c: {  	v47 =	vsel vm6, v52, v56;
	v56 =	vld [tilespmem:$0x1FD00]  }
0x48d: {  	v45 =	vsel vm0, v45, v55;
	v46 =	vsel vm1, v46, v55;
	v55 =	vld [tilespmem:$0x1FAB0]  }
0x48e: {  	v54 =	vld [tilespmem:$0x1FAA0];
	_ =	sdelay $0x1  }
0x48f: {  	v48 =	vsel vm4, v52, v48;
	v47 =	vsel vm2, v50, v47  }
0x490: {  	v53 =	vld [tilespmem:$0x1FA90];
	v48 =	vsel vm3, v50, v48;
	v47 =	vsel vm0, v47, v51  }
0x491: {  	v48 =	vsel vm1, v48, v51;
	v51 =	vld [tilespmem:$0x1FAF0];
	v49 =	vsel vm7, v55, v56;
	v56 =	vsel vm5, v55, v56  }
0x492: {  	v50 =	vsel vm4, v54, v56;
	v56 =	vld [tilespmem:$0x1FD10];
	_ =	sdelay $0x1  }
0x493: {  	s24 =	sshll.u32 s23, $0x3  }
0x494: {  	s25 =	sand.u32 $0x70, s23;
	s26 =	sand.u32 $0x3C00, s24  }
0x495: {  	s18 =	sor.u32 s25, s26  }
0x496: {  	[tilespmem:s18+$0x100] =	vst v33;
	v33 =	vsel vm3, v53, v50;
	v50 =	vsel vm7, v51, v56;
	v51 =	vsel vm5, v51, v56;
	v56 =	vld [tilespmem:$0x1FAE0]  }
0x497: {  	v55 =	vld [tilespmem:$0x1FAD0]  }
0x498: {  	s28 =	sshll.u32 s17, $0x3  }
0x499: {  	s17 =	sand.u32 $0x70, s17;
	s21 =	sand.u32 $0x7C00, s28;
	v52 =	vld [tilespmem:$0x1FA80]  }
0x49a: {  	s17 =	sor.u32 s17, s21  }
0x49b: {  	[tilespmem:s17+$0x100] =	vst v34;
	v49 =	vsel vm6, v54, v49;
	v54 =	vsel vm4, v56, v51;
	v51 =	vld [tilespmem:$0x1FB30]  }
0x49c: {  	[tilespmem:s18+$0x180] =	vst v35;
	v49 =	vsel vm2, v53, v49;
	v53 =	vsel vm6, v56, v50;
	v35 =	vsel vm3, v55, v54;
	v54 =	vld [tilespmem:$0x1FD20]  }
0x49d: {  	v34 =	vsel vm2, v55, v53;
	v53 =	vld [tilespmem:$0x1FB20]  }
0x49e: {  	v49 =	vsel vm0, v49, v52;
	v33 =	vsel vm1, v33, v52;
	v52 =	vld [tilespmem:$0x1FB10]  }
0x49f: {  	v56 =	vld [tilespmem:$0x1FAC0]  }
0x4a0: {  	[tilespmem:s17+$0x180] =	vst v36;
	v55 =	vld [tilespmem:$0x1FD30]  }
0x4a1: {  	[tilespmem:s18+$0x200] =	vst v37;
	v50 =	vsel vm7, v51, v54;
	v37 =	vsel vm5, v51, v54;
	v54 =	vld [tilespmem:$0x1FB70]  }
0x4a2: {  	v50 =	vsel vm6, v53, v50;
	v37 =	vsel vm4, v53, v37;
	v53 =	vld [tilespmem:$0x1FB60];
	_ =	sdelay $0x1  }
0x4a3: {  	[tilespmem:s17+$0x200] =	vst v38  }
0x4a4: {  	[tilespmem:s18+$0x280] =	vst v39;
	v34 =	vsel vm0, v34, v56;
	v35 =	vsel vm1, v35, v56;
	v51 =	vld [tilespmem:$0x1FB00]  }
0x4a5: {  	[tilespmem:s17+$0x280] =	vst v40;
	v36 =	vsel vm2, v52, v50;
	v37 =	vsel vm3, v52, v37;
	v52 =	vld [tilespmem:$0x1FB50];
	v56 =	vsel vm7, v54, v55  }
0x4a6: {  	[tilespmem:s18+$0x300] =	vst v41;
	v50 =	vsel vm6, v53, v56;
	v56 =	vsel vm5, v54, v55;
	v54 =	vld [tilespmem:$0x1FB40]  }
0x4a7: {  	[tilespmem:s17+$0x300] =	vst v42;
	v55 =	vld [tilespmem:$0x1FBB0]  }
0x4a8: {  	[tilespmem:s18+$0x380] =	vst v43;
	v39 =	vsel vm4, v53, v56;
	v56 =	vld [tilespmem:$0x1FD40]  }
0x4a9: {  	[tilespmem:s17+$0x380] =	vst v44  }
0x4aa: {  	[tilespmem:s18+$0x400] =	vst v45;
	v45 =	vld [tilespmem:$0x1FBD0];
	v36 =	vsel vm0, v36, v51  }
0x4ab: {  	v37 =	vsel vm1, v37, v51;
	v51 =	vld [tilespmem:$0x1FBF0];
	v38 =	vsel vm2, v52, v50;
	v39 =	vsel vm3, v52, v39  }
0x4ac: {  	v38 =	vsel vm0, v38, v54;
	v39 =	vsel vm1, v39, v54;
	v54 =	vld [tilespmem:$0x1FBA0]  }
0x4ad: {  	v53 =	vsel vm7, v55, v56;
	v41 =	vsel vm5, v55, v56;
	v56 =	vld [tilespmem:$0x1FD50]  }
0x4ae: {  	v50 =	vld [tilespmem:$0x1FBE0]  }
0x4af: {  	v52 =	vld [tilespmem:$0x1FD60]  }
0x4b0: {  	v55 =	vld [tilespmem:$0x1FB90]  }
0x4b1: {  	v40 =	vsel vm6, v54, v53;
	v41 =	vsel vm4, v54, v41;
	v54 =	vld [tilespmem:$0x1FB80]  }
0x4b2: {  	v53 =	vsel vm7, v51, v56;
	v43 =	vsel vm5, v51, v56;
	v51 =	vld [tilespmem:$0x1FC60]  }
0x4b3: {  	v56 =	vld [tilespmem:$0x1FBC0]  }
0x4b4: {  	v42 =	vsel vm6, v50, v53;
	v53 =	vld [tilespmem:$0x1FC20]  }
0x4b5: {  	v40 =	vsel vm2, v55, v40  }
0x4b6: {  	v41 =	vsel vm3, v55, v41;
	v43 =	vsel vm4, v50, v43;
	v42 =	vsel vm2, v45, v42  }
0x4b7: {  	v43 =	vsel vm3, v45, v43;
	v40 =	vsel vm0, v40, v54;
	v41 =	vsel vm1, v41, v54;
	v54 =	vld [tilespmem:$0x1FC10]  }
0x4b8: {  	v55 =	vsel vm7, v51, v52;
	v42 =	vsel vm0, v42, v56;
	v43 =	vsel vm1, v43, v56;
	v56 =	vld [tilespmem:$0x1FC00]  }
0x4b9: {  	s19 =	sor.u32 s25, s24;
	v44 =	vsel vm6, v53, v55;
	v55 =	vsel vm5, v51, v52;
	v52 =	vld [tilespmem:$0x1FC70]  }
0x4ba: {  	s20 =	sor.u32 $0x380, s19;
	[tilespmem:s17+$0x400] =	vst v46;
	v45 =	vsel vm4, v53, v55;
	v53 =	vld [tilespmem:$0x1FD70]  }
0x4bb: {  	[tilespmem:s20+$0x100] =	vst v47;
	v55 =	vld [tilespmem:$0x1FC50]  }
0x4bc: {  	[tilespmem:s17+$0x480] =	vst v48  }
0x4bd: {  	[tilespmem:s18+$0x4100] =	vst v49;
	v49 =	vld [tilespmem:$0x1FC40];
	_ =	sdelay $0x1  }
0x4be: {  	v44 =	vsel vm2, v54, v44;
	v45 =	vsel vm3, v54, v45;
	v54 =	vsel vm7, v52, v53  }
0x4bf: {  	[tilespmem:s17+$0x4100] =	vst v33;
	v44 =	vsel vm0, v44, v56;
	v33 =	vsel vm1, v45, v56;
	v56 =	vsel vm6, v55, v54;
	v54 =	vld [tilespmem:$0x1FF80]  }
0x4c0: {  	v47 =	vsel vm5, v52, v53;
	v53 =	vld [tilespmem:$0x1FC30]  }
0x4c1: {  	v50 =	vsel vm2, v49, v56;
	v56 =	vld [tilespmem:$0x1FE80];
	_ =	sdelay $0x1  }
0x4c2: {  	[tilespmem:s18+$0x4180] =	vst v34;
	v52 =	vsel vm7, v1, v17  }
0x4c3: {  	[tilespmem:s17+$0x4180] =	vst v35;
	v48 =	vsel vm4, v55, v47;
	v55 =	vsel vm6, v54, v52;
	v52 =	vsel vm5, v1, v17  }
0x4c4: {  	[tilespmem:s18+$0x4200] =	vst v36;
	v51 =	vsel vm3, v49, v48;
	v49 =	vld [tilespmem:$0x1FF90];
	v54 =	vsel vm4, v54, v52  }
0x4c5: {  	[tilespmem:s17+$0x4200] =	vst v37;
	v35 =	vsel vm1, v51, v53;
	v51 =	vsel vm2, v56, v55;
	v37 =	vsel vm3, v56, v54;
	v56 =	vld [tilespmem:$0x1FE90];
	_ =	sdelay $0x2  }
0x4c6: {  	v47 =	vld [tilespmem:$0x1FD80];
	v34 =	vsel vm0, v50, v53;
	v53 =	vsel vm7, v2, v18  }
0x4c7: {  	v55 =	vsel vm6, v49, v53;
	v53 =	vsel vm5, v2, v18;
	v54 =	vld [tilespmem:$0x1FD90]  }
0x4c8: {  	v52 =	vsel vm2, v56, v55;
	v55 =	vsel vm4, v49, v53;
	v49 =	vld [tilespmem:$0x1FFA0]  }
0x4c9: {  	v50 =	vld [tilespmem:$0x1FEA0]  }
0x4ca: {  	[tilespmem:s18+$0x4280] =	vst v38  }
0x4cb: {  	[tilespmem:s17+$0x4280] =	vst v39;
	v53 =	vld [tilespmem:$0x1FFB0]  }
0x4cc: {  	[tilespmem:s18+$0x4300] =	vst v40;
	v48 =	vsel vm5, v3, v19;
	v39 =	vsel vm3, v56, v55;
	v56 =	vsel vm7, v3, v19  }
0x4cd: {  	[tilespmem:s17+$0x4300] =	vst v41;
	v38 =	vsel vm0, v52, v54;
	v52 =	vld [tilespmem:$0x1FDA0];
	v40 =	vsel vm6, v49, v56;
	v41 =	vsel vm4, v49, v48  }
0x4ce: {  	v36 =	vsel vm0, v51, v47;
	v40 =	vsel vm2, v50, v40;
	v41 =	vsel vm3, v50, v41;
	v50 =	vld [tilespmem:$0x1FFC0]  }
0x4cf: {  	v51 =	vsel vm7, v4, v20;
	v55 =	vsel vm5, v4, v20;
	v39 =	vsel vm1, v39, v54;
	v54 =	vld [tilespmem:$0x1FEB0]  }
0x4d0: {  	[tilespmem:s18+$0x4380] =	vst v42;
	v42 =	vsel vm6, v53, v51;
	v49 =	vsel vm4, v53, v55;
	v53 =	vld [tilespmem:$0x1FEC0];
	_ =	sdelay $0x1  }
0x4d1: {  	v37 =	vsel vm1, v37, v47;
	v56 =	vsel vm7, v5, v21;
	v48 =	vld [tilespmem:$0x1FDB0]  }
0x4d2: {  	[tilespmem:s17+$0x4380] =	vst v43;
	v55 =	vsel vm5, v5, v21;
	v40 =	vsel vm0, v40, v52;
	v51 =	vsel vm6, v50, v56;
	v56 =	vld [tilespmem:$0x1FDC0]  }
0x4d3: {  	[tilespmem:s18+$0x4400] =	vst v44;
	v41 =	vsel vm1, v41, v52;
	v42 =	vsel vm2, v54, v42;
	v45 =	vsel vm4, v50, v55;
	v50 =	vld [tilespmem:$0x1FFD0]  }
0x4d4: {  	s29 =	sor.u32 $0x4380, s19;
	[tilespmem:s17+$0x4400] =	vst v33;
	v52 =	vsel vm3, v54, v49;
	v54 =	vsel vm2, v53, v51;
	v47 =	vsel vm3, v53, v45;
	v53 =	vld [tilespmem:$0x1FED0]  }
0x4d5: {  	[tilespmem:s29+$0x100] =	vst v34  }
0x4d6: {  	[tilespmem:s17+$0x4480] =	vst v35;
	v55 =	vld [tilespmem:$0x1FDD0]  }
0x4d7: {  	[tilespmem:s18+$0x8100] =	vst v36;
	v49 =	vsel vm5, v6, v22;
	v35 =	vsel vm0, v54, v56;
	v36 =	vsel vm1, v47, v56;
	v56 =	vld [tilespmem:$0x1FFE0]  }
0x4d8: {  	[tilespmem:s17+$0x8100] =	vst v37;
	v34 =	vsel vm1, v52, v48;
	v52 =	vsel vm4, v50, v49;
	v49 =	vld [tilespmem:$0x1FEE0]  }
0x4d9: {  	[tilespmem:s18+$0x8180] =	vst v38;
	v33 =	vsel vm0, v42, v48;
	v48 =	vsel vm7, v6, v22;
	v38 =	vsel vm3, v53, v52;
	v52 =	vld [tilespmem:$0x1FDE0]  }
0x4da: {  	v51 =	vsel vm6, v50, v48  }
0x4db: {  	[tilespmem:s17+$0x8180] =	vst v39;
	v54 =	vsel vm7, v7, v23;
	v50 =	vsel vm5, v7, v23;
	v37 =	vsel vm2, v53, v51;
	v53 =	vld [tilespmem:$0x1FFF0]  }
0x4dc: {  	[tilespmem:s18+$0x8200] =	vst v40;
	v37 =	vsel vm0, v37, v55;
	v48 =	vsel vm6, v56, v54;
	v40 =	vsel vm4, v56, v50;
	v56 =	vld [tilespmem:$0x1FEF0]  }
0x4dd: {  	[tilespmem:s17+$0x8200] =	vst v41;
	v38 =	vsel vm1, v38, v55;
	v39 =	vsel vm2, v49, v48;
	v55 =	vsel vm3, v49, v40;
	v48 =	vld [tilespmem:$0x1FDF0]  }
0x4de: {  	[tilespmem:s18+$0x8280] =	vst v33;
	v33 =	vsel vm1, v55, v52;
	v55 =	vld [tilespmem:$0x1FF00]  }
0x4df: {  	v51 =	vsel vm7, v8, v24  }
0x4e0: {  	v54 =	vsel vm6, v53, v51  }
0x4e1: {  	[tilespmem:s17+$0x8280] =	vst v34;
	v47 =	vsel vm5, v8, v24;
	v51 =	vsel vm7, v9, v25;
	v46 =	vsel vm2, v56, v54  }
0x4e2: {  	[tilespmem:s18+$0x8300] =	vst v35;
	v49 =	vsel vm4, v53, v47;
	v53 =	vsel vm6, v57, v51;
	v34 =	vsel vm0, v46, v48;
	v46 =	vld [tilespmem:$0x1FF10]  }
0x4e3: {  	[tilespmem:s17+$0x8300] =	vst v36;
	v50 =	vsel vm3, v56, v49;
	v56 =	vsel vm7, v10, v26;
	v36 =	vsel vm2, v55, v53;
	v53 =	vld [tilespmem:$0x1FF20]  }
0x4e4: {  	v45 =	vsel vm6, v58, v56;
	v56 =	vld [tilespmem:$0x1FE20]  }
0x4e5: {  	v44 =	vld [tilespmem:$0x1FE00];
	v47 =	vsel vm5, v10, v26;
	v39 =	vsel vm0, v39, v52  }
0x4e6: {  	[tilespmem:s18+$0x8380] =	vst v37;
	v52 =	vsel vm5, v9, v25;
	v35 =	vsel vm1, v50, v48;
	v48 =	vsel vm7, v11, v27  }
0x4e7: {  	[tilespmem:s17+$0x8380] =	vst v38;
	v54 =	vsel vm4, v57, v52;
	v49 =	vld [tilespmem:$0x1FE10];
	v50 =	vsel vm4, v58, v47;
	v51 =	vsel vm6, v59, v48  }
0x4e8: {  	[tilespmem:s18+$0x8400] =	vst v39;
	v37 =	vsel vm3, v55, v54;
	v52 =	vsel vm3, v46, v50;
	v50 =	vld [tilespmem:$0x1FF30];
	v54 =	vsel vm2, v53, v51  }
0x4e9: {  	s30 =	sor.u32 $0x8380, s19;
	[tilespmem:s17+$0x8400] =	vst v33;
	v47 =	vsel vm5, v12, v28;
	v55 =	vsel vm5, v11, v27;
	v43 =	vsel vm0, v54, v56;
	v54 =	vld [tilespmem:$0x1FE30]  }
0x4ea: {  	[tilespmem:s30+$0x100] =	vst v34;
	v36 =	vsel vm0, v36, v44;
	v37 =	vsel vm1, v37, v44;
	v44 =	vsel vm4, v59, v55  }
0x4eb: {  	[tilespmem:s17+$0x8480] =	vst v35;
	v38 =	vsel vm2, v46, v45;
	v46 =	vsel vm7, v12, v28;
	v45 =	vsel vm3, v53, v44  }
0x4ec: {  	[tilespmem:s18+$0xC100] =	vst v36;
	v33 =	vsel vm0, v38, v49;
	v48 =	vsel vm6, v60, v46;
	v36 =	vsel vm1, v45, v56;
	v56 =	vld [tilespmem:$0x1FF40]  }
0x4ed: {  	[tilespmem:s17+$0xC100] =	vst v37;
	v34 =	vsel vm1, v52, v49;
	v49 =	vsel vm4, v60, v47;
	v47 =	vld [tilespmem:$0x1FE40];
	v51 =	vsel vm2, v50, v48  }
0x4ee: {  	[tilespmem:s18+$0xC180] =	vst v33;
	v52 =	vsel vm3, v50, v49;
	v33 =	vsel vm0, v51, v54;
	v51 =	vld [tilespmem:$0x1FF50]  }
0x4ef: {  	v53 =	vsel vm7, v13, v29;
	v45 =	vsel vm5, v13, v29;
	[tilespmem:s17+$0xC180] =	vst v34;
	v34 =	vsel vm1, v52, v54;
	v54 =	vld [tilespmem:$0x1FE50]  }
0x4f0: {  	v46 =	vsel vm7, v14, v30;
	v55 =	vsel vm6, v61, v53;
	[tilespmem:s18+$0xC200] =	vst v43;
	v48 =	vsel vm4, v61, v45  }
0x4f1: {  	v53 =	vsel vm5, v14, v30;
	[tilespmem:s17+$0xC200] =	vst v36;
	v44 =	vsel vm2, v56, v55;
	v50 =	vsel vm3, v56, v48  }
0x4f2: {  	v49 =	vsel vm6, v62, v46;
	v35 =	vsel vm0, v44, v47;
	[tilespmem:s18+$0xC280] =	vst v33;
	v33 =	vsel vm1, v50, v47;
	v47 =	vld [tilespmem:$0x1FF60]  }
0x4f3: {  	v56 =	vsel vm4, v62, v53;
	v52 =	vsel vm2, v51, v49;
	v49 =	vld [tilespmem:$0x1FE60]  }
0x4f4: {  	[tilespmem:s17+$0xC280] =	vst v34;
	v40 =	vsel vm3, v51, v56;
	v55 =	vsel vm0, v52, v54;
	v52 =	vld [tilespmem:$0x1FF70]  }
0x4f5: {  	v41 =	vsel vm7, v15, v31;
	[tilespmem:s18+$0xC300] =	vst v35;
	v46 =	vsel vm1, v40, v54;
	v54 =	vld [tilespmem:$0x1FE70]  }
0x4f6: {  	v42 =	vsel vm7, v16, v32;
	v43 =	vsel vm6, v63, v41;
	v45 =	vsel vm5, v15, v31;
	[tilespmem:s17+$0xC300] =	vst v33  }
0x4f7: {  	v48 =	vsel vm4, v63, v45;
	v44 =	vsel vm6, v0, v42;
	v33 =	vsel vm2, v47, v43;
	[tilespmem:s18+$0xC380] =	vst v55  }
0x4f8: {  	v51 =	vsel vm5, v16, v32;
	v50 =	vsel vm3, v47, v48;
	[tilespmem:s17+$0xC380] =	vst v46;
	v33 =	vsel vm0, v33, v49  }
0x4f9: {  	v35 =	vsel vm4, v0, v51;
	v34 =	vsel vm1, v50, v49;
	[tilespmem:s18+$0xC400] =	vst v33;
	v53 =	vsel vm2, v52, v44  }
0x4fa: {  	s31 =	sor.u32 $0xC380, s19;
	v55 =	vsel vm3, v52, v35;
	[tilespmem:s17+$0xC400] =	vst v34;
	v33 =	vsel vm0, v53, v54  }
0x4fb: {  	p2 =	sne.s32 s15, $0x3F;
	v56 =	vsel vm1, v55, v54;
	[tilespmem:s31+$0x100] =	vst v33  }
.Ltmp192:
0x4fc: {  	[tilespmem:s17+$0xC480] =	vst v56;
	(pc) =	sbr.rel @p2 .LBB2_195-.Ltmp192, $4  }
0x4fd: {  	[hbm4b:s16+s3] =	stream.linear.scatter [tilespmem:s13], [sflag:$0x1], $0x10000, $0x38;
	[tilespmem:$0x10100] =	vst v63  }
0x4fe: {  	_ =	swait.ge [sflag:s12], $0x10000  }
0x4ff: {  	[sflag:s12] =	ssyncset.done $0x0  }
0x500: {  	s15 =	sadd.s32 $0x1, s15;
	v34 =	vlaneseq.u32;
	s16 =	sadd.s32 $0x2000, s16;
	[sflag:s12] =	ssyncadd.s32 $0xFFFF0000  }
0x501: {  	s14 =	sadd.s32 $0x1, s14  }
0x502: {  	p2 =	sne.s32 s14, s5  }
.Ltmp193:
0x503: {  	_ = 	snop;
	(pc) =	sbr.rel @p2 .LBB2_1-.Ltmp193, $1  }
0x504: {  	_ =	sdelay $0x3  }
0x505: {  	_ =	sfence.sel $0x180000  }
0x506: {  	[bflag:$0x0] =	sbarrier.arrive $0xFFFF  }
0x507: {  	p0 =	sne.s32 s0, $0x0;
	_ =	strace $0x90000047  }
0x508: {  	s0 =	sadd.s32 @!p0 $0x100000, s2;
	[bflag:$0x2] =	sbarrier.arrive $0xFFFF  }
0x509: {  	[sflag:s0] =	ssyncadd.tile.s32 @!p0 $0x1;
	_ =	shalt  }
.Lfunc_end2:
_tile_overlayer_lowered:
.L_overlay_start_2:
0x50a: {  	(tag) =	ssettag $0x2  }
0x50b: {  	s0 =	rddreg [dreg:$0x0];
	s2 =	stileid.u32  }
0x50c: {  	s1 =	rddreg [dreg:$0x1];
	p0 =	sne.s32 s2, $0x0  }
0x50d: {  	s3 =	rddreg [dreg:$0x2];
	[bflag:$0x3] =	sbarrier.arrive $0xFFFF;
	s2 =	simm.s32 @!p0 $0x1C01  }
0x50e: {  	[timem:s3], [sflag:s2] =	dma.local @!p0 [hbm:s0], s1  }
0x50f: {  	s0 =	simm.s32 @!p0 $0x1  }
0x510: {  	_ =	swait.ge @!p0 [sflag:s0], s1  }
0x511: {  	s1 =	ssub.s32 @!p0 $0x0, s1;
	[sflag:s0] =	ssyncset.done @!p0 $0x0  }
0x512: {  	[sflag:s0] =	ssyncadd.s32 @!p0 s1  }
0x513: {  	[bflag:$0x3] =	sbarrier.arrive $0xFFFF  }
0x514: {  	_ =	shalt  }

</sc_bundles>
